<compile_context>
chip_gen: v7x
topology: tpu7x:2x2x1
jax: 0.10.2.dev20260603
libtpu: 0.0.44.dev20260713+nightly
codegen_flags: <defaults>
</compile_context>

<pallas_src>
import functools

import jax
import jax.numpy as jnp
from jax import lax
from jax.experimental import pallas as pl
from jax.experimental.pallas import tpu as pltpu
from jax.experimental.pallas import tpu_sc as plsc

N_NODES = 100000
N_EDGES = 6400000

NPAD = 102400
EPAD = 6553600
EROWS = EPAD // 128
NWORK = 32
ROWS_W = EROWS // NWORK
WIN = 16
NWIN = ROWS_W // WIN
SLICE = NPAD // 16


def _mesh():
    return plsc.VectorSubcoreMesh(core_axis_name="c", subcore_axis_name="s")




def _deg_body(dst_hbm, ones_hbm, zeros_hbm, out_hbm, dwin, ones_v, acc,
              semi, sems):
    cid = lax.axis_index("c")
    sid = lax.axis_index("s")
    wid = cid * 16 + sid
    pltpu.sync_copy(ones_hbm, ones_v)
    pltpu.sync_copy(zeros_hbm.at[pl.ds(sid * SLICE, SLICE)],
                    acc.at[pl.ds(sid * SLICE, SLICE)])
    plsc.subcore_barrier()

    def idx_load(w, slot):
        row0 = wid * ROWS_W + w * WIN
        pltpu.async_copy(dst_hbm.at[pl.ds(row0, WIN)], dwin.at[slot],
                         semi.at[slot])

    def idx_wait(slot):
        pltpu.make_async_copy(dst_hbm.at[pl.ds(0, WIN)], dwin.at[slot],
                              semi.at[slot]).wait()

    def drain_scat(par):
        for j in range(WIN):
            pltpu.make_async_copy(zeros_hbm.at[pl.ds(0, 128)],
                                  ones_v, sems.at[par]).wait()

    def scatters(slot, par):
        for j in range(WIN):
            pltpu.async_copy(ones_v, acc.at[dwin.at[slot, j]], sems.at[par],
                             add=True)

    def win(w, slot, par, drain, load):
        if drain:
            drain_scat(par)
        if load:
            idx_load(w + 2, (slot + 2) % 4)
        idx_wait(slot)
        scatters(slot, par)

    idx_load(0, 0)
    idx_load(1, 1)
    win(0, 0, 0, drain=False, load=True)
    win(1, 1, 1, drain=False, load=True)

    def body(g, carry):
        w0 = 2 + 4 * g
        for b in range(4):
            win(w0 + b, (2 + b) % 4, b % 2, drain=True, load=True)
        return carry

    lax.fori_loop(0, (NWIN - 4) // 4, body, 0)
    win(NWIN - 2, (NWIN - 2) % 4, 0, drain=True, load=False)
    win(NWIN - 1, (NWIN - 1) % 4, 1, drain=True, load=False)
    drain_scat(0)
    drain_scat(1)

    plsc.subcore_barrier()
    pltpu.sync_copy(acc.at[pl.ds(sid * SLICE, SLICE)],
                    out_hbm.at[pl.ds(cid * NPAD + sid * SLICE, SLICE)])


@jax.jit
def _deg_call(dst_p, ones128, zeros1):
    k = functools.partial(
        pl.kernel,
        out_type=jax.ShapeDtypeStruct((2 * NPAD,), jnp.float32),
        mesh=_mesh(),
        scratch_types=[
            pltpu.VMEM((4, WIN, 128), jnp.int32),
            pltpu.VMEM((128,), jnp.float32),
            pltpu.VMEM_SHARED((NPAD,), jnp.float32),
            pltpu.SemaphoreType.DMA((4,)),
            pltpu.SemaphoreType.DMA((2,)),
        ],
    )(_deg_body)
    return k(dst_p, ones128, zeros1).reshape(2, NPAD)


def _agg_body(src_hbm, dst_hbm, tab0_hbm, tab1_hbm, zeros_hbm, out_hbm,
              swin, dwin, msg0, msg1, tab0, tab1, acc0, acc1,
              semi, semg, sems):
    cid = lax.axis_index("c")
    sid = lax.axis_index("s")
    wid = cid * 16 + sid
    sl = pl.ds(sid * SLICE, SLICE)
    pltpu.sync_copy(tab0_hbm.at[sl], tab0.at[sl])
    pltpu.sync_copy(tab1_hbm.at[sl], tab1.at[sl])
    pltpu.sync_copy(zeros_hbm.at[sl], acc0.at[sl])
    pltpu.sync_copy(zeros_hbm.at[sl], acc1.at[sl])
    plsc.subcore_barrier()

    def idx_load(w, slot):
        row0 = wid * ROWS_W + w * WIN
        pltpu.async_copy(src_hbm.at[pl.ds(row0, WIN)], swin.at[slot],
                         semi.at[slot])
        pltpu.async_copy(dst_hbm.at[pl.ds(row0, WIN)], dwin.at[slot],
                         semi.at[slot])

    def idx_wait(slot):
        pltpu.make_async_copy(src_hbm.at[pl.ds(0, WIN)], swin.at[slot],
                              semi.at[slot]).wait()
        pltpu.make_async_copy(dst_hbm.at[pl.ds(0, WIN)], dwin.at[slot],
                              semi.at[slot]).wait()

    def drain_scat(par):
        for j in range(WIN):
            pltpu.make_async_copy(zeros_hbm.at[pl.ds(0, 128)],
                                  msg0.at[par, j], sems.at[par]).wait()
            pltpu.make_async_copy(zeros_hbm.at[pl.ds(0, 128)],
                                  msg1.at[par, j], sems.at[par]).wait()

    def win(w, slot, par, drain, load):
        if drain:
            drain_scat(par)
        if load:
            idx_load(w + 2, (slot + 2) % 4)
        idx_wait(slot)
        cps = []
        for j in range(WIN):
            cps.append(pltpu.async_copy(tab0.at[swin.at[slot, j]],
                                        msg0.at[par, j], semg))
            cps.append(pltpu.async_copy(tab1.at[swin.at[slot, j]],
                                        msg1.at[par, j], semg))
        for c in cps:
            c.wait()
        for j in range(WIN):
            pltpu.async_copy(msg0.at[par, j], acc0.at[dwin.at[slot, j]],
                             sems.at[par], add=True)
            pltpu.async_copy(msg1.at[par, j], acc1.at[dwin.at[slot, j]],
                             sems.at[par], add=True)

    idx_load(0, 0)
    idx_load(1, 1)
    win(0, 0, 0, drain=False, load=True)
    win(1, 1, 1, drain=False, load=True)

    def body(g, carry):
        w0 = 2 + 4 * g
        for b in range(4):
            win(w0 + b, (2 + b) % 4, b % 2, drain=True, load=True)
        return carry

    lax.fori_loop(0, (NWIN - 4) // 4, body, 0)
    win(NWIN - 2, (NWIN - 2) % 4, 0, drain=True, load=False)
    win(NWIN - 1, (NWIN - 1) % 4, 1, drain=True, load=False)
    drain_scat(0)
    drain_scat(1)

    plsc.subcore_barrier()
    base = cid * 2 * NPAD + sid * SLICE
    pltpu.sync_copy(acc0.at[sl], out_hbm.at[pl.ds(base, SLICE)])
    pltpu.sync_copy(acc1.at[sl], out_hbm.at[pl.ds(base + NPAD, SLICE)])


@jax.jit
def _agg_call(src_p, dst_p, tabc0, tabc1, zeros1):
    k = functools.partial(
        pl.kernel,
        out_type=jax.ShapeDtypeStruct((4 * NPAD,), jnp.float32),
        mesh=_mesh(),
        scratch_types=[
            pltpu.VMEM((4, WIN, 128), jnp.int32),
            pltpu.VMEM((4, WIN, 128), jnp.int32),
            pltpu.VMEM((2, WIN, 128), jnp.float32),
            pltpu.VMEM((2, WIN, 128), jnp.float32),
            pltpu.VMEM_SHARED((NPAD,), jnp.float32),
            pltpu.VMEM_SHARED((NPAD,), jnp.float32),
            pltpu.VMEM_SHARED((NPAD,), jnp.float32),
            pltpu.VMEM_SHARED((NPAD,), jnp.float32),
            pltpu.SemaphoreType.DMA((4,)),
            pltpu.SemaphoreType.DMA,
            pltpu.SemaphoreType.DMA((2,)),
        ],
    )(_agg_body)
    return k(src_p, dst_p, tabc0, tabc1, zeros1).reshape(2, 2, NPAD)


def _dense1_body(degp_ref, xt_ref, dis_ref, s1_ref):
    deg = degp_ref[0:1, :] + degp_ref[1:2, :] + 1.0
    dis = lax.rsqrt(deg)
    dis_ref[...] = dis
    s1_ref[...] = xt_ref[...] * dis


@jax.jit
def _dense1(degp, xt):
    return pl.pallas_call(
        _dense1_body,
        out_shape=(jax.ShapeDtypeStruct((1, NPAD), jnp.float32),
                   jax.ShapeDtypeStruct((2, NPAD), jnp.float32)),
    )(degp, xt)


def _dense2_body(ap_ref, s1_ref, dis_ref, w1_ref, b1_ref, w2_ref, out_ref):
    dis = dis_ref[...]
    a = (ap_ref[0] + ap_ref[1] + s1_ref[...]) * dis
    a0 = a[0:1, :]
    a1 = a[1:2, :]
    t0 = jnp.zeros_like(a0)
    t1 = jnp.zeros_like(a0)
    for j in range(16):
        hj = jnp.maximum(a0 * w1_ref[0, j] + a1 * w1_ref[1, j] + b1_ref[j],
                         0.0)
        t0 = t0 + hj * w2_ref[j, 0]
        t1 = t1 + hj * w2_ref[j, 1]
    out_ref[0:1, :] = t0 * dis
    out_ref[1:2, :] = t1 * dis


@jax.jit
def _dense2(ap, s1t, dis, W1, b1, W2):
    return pl.pallas_call(
        _dense2_body,
        in_specs=[
            pl.BlockSpec(memory_space=pltpu.VMEM),
            pl.BlockSpec(memory_space=pltpu.VMEM),
            pl.BlockSpec(memory_space=pltpu.VMEM),
            pl.BlockSpec(memory_space=pltpu.SMEM),
            pl.BlockSpec(memory_space=pltpu.SMEM),
            pl.BlockSpec(memory_space=pltpu.SMEM),
        ],
        out_shape=jax.ShapeDtypeStruct((2, NPAD), jnp.float32),
    )(ap, s1t, dis, W1, b1, W2)


def _dense3_body(ap_ref, s2_ref, dis_ref, b2_ref, out_ref):
    z = (ap_ref[0] + ap_ref[1] + s2_ref[...]) * dis_ref[...]
    z0 = z[0:1, :] + b2_ref[0]
    z1 = z[1:2, :] + b2_ref[1]
    m = jnp.maximum(z0, z1)
    e0 = jnp.exp(z0 - m)
    e1 = jnp.exp(z1 - m)
    s = e0 + e1
    out_ref[0:1, :] = e0 / s
    out_ref[1:2, :] = e1 / s


@jax.jit
def _dense3(ap, s2t, dis, b2):
    return pl.pallas_call(
        _dense3_body,
        in_specs=[
            pl.BlockSpec(memory_space=pltpu.VMEM),
            pl.BlockSpec(memory_space=pltpu.VMEM),
            pl.BlockSpec(memory_space=pltpu.VMEM),
            pl.BlockSpec(memory_space=pltpu.SMEM),
        ],
        out_shape=jax.ShapeDtypeStruct((2, NPAD), jnp.float32),
    )(ap, s2t, dis, b2)


def kernel(x, edge_index, W1, b1, W2, b2):
    src = edge_index[0].astype(jnp.int32)
    dst = edge_index[1].astype(jnp.int32)
    pad_ids = (N_NODES
               + jnp.arange(EPAD - N_EDGES, dtype=jnp.int32)
               % (NPAD - N_NODES))
    src_p = jnp.concatenate([src, pad_ids]).reshape(EROWS, 128)
    dst_p = jnp.concatenate([dst, pad_ids]).reshape(EROWS, 128)
    xt = jnp.pad(x, ((0, NPAD - N_NODES), (0, 0))).T
    zeros1 = jnp.zeros((NPAD,), jnp.float32)
    ones128 = jnp.ones((128,), jnp.float32)

    degp = _deg_call(dst_p, ones128, zeros1)
    dis, s1t = _dense1(degp, xt)
    agg1 = _agg_call(src_p, dst_p, s1t[0], s1t[1], zeros1)
    s2t = _dense2(agg1, s1t, dis, W1, b1, W2)
    agg2 = _agg_call(src_p, dst_p, s2t[0], s2t[1], zeros1)
    outt = _dense3(agg2, s2t, dis, b2)
    return outt.T[:N_NODES]

# --- scband reference (transcript-rebuilt; emitter-appended) ---
"""Pipeline reference for scband-fraud-gnn-60833916780558 (READ-ONLY COPY).

The authoritative reference and input builder live on the scoring server;
editing this copy changes nothing except your own understanding.
"""

import jax, jax.numpy as jnp
import numpy as np

N_NODES = 100000
N_EDGES = 6400000


def gcn_conv(x, edge_index, W, b, num_nodes):
    # PyG GCNConv defaults: add_self_loops=True, normalize=True, bias=True
    src = edge_index[0]
    dst = edge_index[1]
    loop = jnp.arange(num_nodes, dtype=edge_index.dtype)
    src = jnp.concatenate([src, loop])
    dst = jnp.concatenate([dst, loop])
    # symmetric normalization D^-1/2 (A+I) D^-1/2
    deg = jnp.zeros((num_nodes,), dtype=x.dtype).at[dst].add(1.0)
    deg_inv_sqrt = jnp.where(deg > 0, 1.0 / jnp.sqrt(deg), 0.0)
    norm = deg_inv_sqrt[src] * deg_inv_sqrt[dst]
    xw = x @ W
    msg = xw[src] * norm[:, None]
    out = jnp.zeros((num_nodes, W.shape[1]), dtype=x.dtype).at[dst].add(msg)
    return out + b


def setup_inputs(seed: int = 0) -> dict:
    key = jax.random.key(seed)
    k1, k2, k3, k4, k5, k6 = jax.random.split(key, 6)
    x = jax.random.normal(k1, (N_NODES, 2), dtype=jnp.float32)
    edge_index = jax.random.randint(k2, (2, N_EDGES), 0, N_NODES, dtype=jnp.int64)
    # GCNConv(2, 16) and GCNConv(16, 2) params (glorot-style init)
    W1 = jax.random.normal(k3, (2, 16), dtype=jnp.float32) * (1.0 / np.sqrt(2))
    b1 = jnp.zeros((16,), dtype=jnp.float32)
    W2 = jax.random.normal(k4, (16, 2), dtype=jnp.float32) * (1.0 / np.sqrt(16))
    b2 = jnp.zeros((2,), dtype=jnp.float32)
    return {"x": x, "edge_index": edge_index, "W1": W1, "b1": b1, "W2": W2, "b2": b2}


def reference(x, edge_index, W1, b1, W2, b2):
    num_nodes = x.shape[0]
    h = gcn_conv(x, edge_index, W1, b1, num_nodes)
    h = jax.nn.relu(h)
    h = gcn_conv(h, edge_index, W2, b2, num_nodes)
    return jax.nn.softmax(h, axis=1)

if __name__ == "__main__":
    import jax
    _d = setup_inputs()
    print(jax.jit(kernel)(*tuple(_d.values())))

</pallas_src>

<mosaic_0001>
#map = affine_map<(d0, d1) -> (0, 0)>
#map1 = affine_map<(d0, d1) -> (0)>
module attributes {stable_mosaic.version = 14 : i64} {
  func.func @_deg_body(%arg0: i32, %arg1: i32, %arg2: memref<51200x128xi32, #tpu.memory_space<hbm>>, %arg3: memref<128xf32, #tpu.memory_space<hbm>>, %arg4: memref<102400xf32, #tpu.memory_space<hbm>>, %arg5: memref<204800xf32, #tpu.memory_space<hbm>>, %arg6: memref<4x16x128xi32, #tpu.memory_space<vmem>>, %arg7: memref<128xf32, #tpu.memory_space<vmem>>, %arg8: memref<102400xf32, #tpu.memory_space<vmem_shared>>, %arg9: memref<4x!tpu.dma_semaphore, #tpu.memory_space<semaphore_mem>>, %arg10: memref<2x!tpu.dma_semaphore, #tpu.memory_space<semaphore_mem>>) attributes {dimension_semantics = [#tpu.dimension_semantics<core_parallel>, #tpu.dimension_semantics<subcore_parallel>], iteration_bounds = array<i64: 2, 16>, scalar_prefetch = 0 : i64, scratch_operands = 5 : i64, tpu.core_type = #tpu.core_type<sc_vector_subcore>, window_params = [{transform_indices = #map}, {transform_indices = #map1}, {transform_indices = #map1}, {transform_indices = #map1}]} {
    %mul3A = arith.constant 16 : i32
    %mul3A_0 = arith.muli %arg0, %mul3A : i32
    %add3A = arith.addi %mul3A_0, %arg1 : i32
    "tpu.region"() ({
      %run_scoped3A = tpu.sem_alloc : memref<!tpu.dma_semaphore, #tpu.memory_space<semaphore_mem>>
      tpu.enqueue_dma source(%arg3 : memref<128xf32, #tpu.memory_space<hbm>>) target(%arg7 : memref<128xf32, #tpu.memory_space<vmem>>) target_semaphore(%run_scoped3A : memref<!tpu.dma_semaphore, #tpu.memory_space<semaphore_mem>>)
      tpu.wait_dma2 semaphore(%run_scoped3A : memref<!tpu.dma_semaphore, #tpu.memory_space<semaphore_mem>>) src(%arg3 : memref<128xf32, #tpu.memory_space<hbm>>) dst(%arg7 : memref<128xf32, #tpu.memory_space<vmem>>)
      tpu.yield
    }) : () -> ()
    %mul3A_1 = arith.constant 6400 : i32
    %mul3A_2 = arith.muli %arg1, %mul3A_1 : i32
    %mul3A_3 = arith.constant 6400 : i32
    %mul3A_4 = arith.muli %arg1, %mul3A_3 : i32
    "tpu.region"() ({
      %run_scoped3A = tpu.sem_alloc : memref<!tpu.dma_semaphore, #tpu.memory_space<semaphore_mem>>
      %dma_start3A_1256 = tpu.memref_slice %arg8[%mul3A_4] : memref<102400xf32, #tpu.memory_space<vmem_shared>> -> memref<6400xf32, #tpu.memory_space<vmem_shared>>
      %dma_start3A_1257 = tpu.memref_slice %arg4[%mul3A_2] : memref<102400xf32, #tpu.memory_space<hbm>> -> memref<6400xf32, #tpu.memory_space<hbm>>
      tpu.enqueue_dma source(%dma_start3A_1257 : memref<6400xf32, #tpu.memory_space<hbm>>) target(%dma_start3A_1256 : memref<6400xf32, #tpu.memory_space<vmem_shared>>) target_semaphore(%run_scoped3A : memref<!tpu.dma_semaphore, #tpu.memory_space<semaphore_mem>>)
      %dma_wait3A_1258 = tpu.memref_slice %arg8[%mul3A_4] : memref<102400xf32, #tpu.memory_space<vmem_shared>> -> memref<6400xf32, #tpu.memory_space<vmem_shared>>
      %dma_wait3A_1259 = tpu.memref_slice %arg4[%mul3A_2] : memref<102400xf32, #tpu.memory_space<hbm>> -> memref<6400xf32, #tpu.memory_space<hbm>>
      tpu.wait_dma2 semaphore(%run_scoped3A : memref<!tpu.dma_semaphore, #tpu.memory_space<semaphore_mem>>) src(%dma_wait3A_1259 : memref<6400xf32, #tpu.memory_space<hbm>>) dst(%dma_wait3A_1258 : memref<6400xf32, #tpu.memory_space<vmem_shared>>)
      tpu.yield
    }) : () -> ()
    %barrier3A = arith.constant 0 : index
    tpu.barrier barrier_id(%barrier3A)
    %mul3A_5 = arith.constant 1600 : i32
    %mul3A_6 = arith.muli %add3A, %mul3A_5 : i32
    %add3A_7 = arith.constant 0 : i32
    %add3A_8 = arith.addi %mul3A_6, %add3A_7 : i32
    %dma_start3A = arith.constant 0 : i32
    %dma_start3A_9 = arith.constant 0 : i32
    %dma_start3A_10 = arith.constant 0 : i32
    %dma_start3A_11 = arith.constant 0 : i32
    %dma_start3A_12 = tpu.memref_slice %arg6[%dma_start3A, %dma_start3A_10, %dma_start3A_11] : memref<4x16x128xi32, #tpu.memory_space<vmem>> -> memref<1x16x128xi32, #tpu.memory_space<vmem>>
    %dma_start3A_13 = tpu.memref_squeeze %dma_start3A_12 : memref<1x16x128xi32, #tpu.memory_space<vmem>> -> memref<16x128xi32, #tpu.memory_space<vmem>>
    %dma_start3A_14 = arith.constant 0 : i32
    %dma_start3A_15 = tpu.memref_slice %arg2[%add3A_8, %dma_start3A_14] : memref<51200x128xi32, #tpu.memory_space<hbm>> -> memref<16x128xi32, #tpu.memory_space<hbm>>
    %dma_start3A_16 = tpu.memref_slice %arg9[%dma_start3A_9] : memref<4x!tpu.dma_semaphore, #tpu.memory_space<semaphore_mem>> -> memref<1x!tpu.dma_semaphore, #tpu.memory_space<semaphore_mem>>
    %dma_start3A_17 = tpu.memref_squeeze %dma_start3A_16 : memref<1x!tpu.dma_semaphore, #tpu.memory_space<semaphore_mem>> -> memref<!tpu.dma_semaphore, #tpu.memory_space<semaphore_mem>>
    %dma_start3A_18 = arith.constant 0 : i32
    %dma_start3A_19 = arith.constant 0 : i32
    %dma_start3A_20 = tpu.memref_slice %arg6[%dma_start3A, %dma_start3A_18, %dma_start3A_19] : memref<4x16x128xi32, #tpu.memory_space<vmem>> -> memref<1x16x128xi32, #tpu.memory_space<vmem>>
    %dma_start3A_21 = tpu.memref_squeeze %dma_start3A_20 : memref<1x16x128xi32, #tpu.memory_space<vmem>> -> memref<16x128xi32, #tpu.memory_space<vmem>>
    %dma_start3A_22 = arith.constant 0 : i32
    %dma_start3A_23 = tpu.memref_slice %arg2[%add3A_8, %dma_start3A_22] : memref<51200x128xi32, #tpu.memory_space<hbm>> -> memref<16x128xi32, #tpu.memory_space<hbm>>
    tpu.enqueue_dma source(%dma_start3A_23 : memref<16x128xi32, #tpu.memory_space<hbm>>) target(%dma_start3A_21 : memref<16x128xi32, #tpu.memory_space<vmem>>) target_semaphore(%dma_start3A_17 : memref<!tpu.dma_semaphore, #tpu.memory_space<semaphore_mem>>)
    %mul3A_24 = arith.constant 1600 : i32
    %mul3A_25 = arith.muli %add3A, %mul3A_24 : i32
    %add3A_26 = arith.constant 16 : i32
    %add3A_27 = arith.addi %mul3A_25, %add3A_26 : i32
    %dma_start3A_28 = arith.constant 1 : i32
    %dma_start3A_29 = arith.constant 1 : i32
    %dma_start3A_30 = arith.constant 0 : i32
    %dma_start3A_31 = arith.constant 0 : i32
    %dma_start3A_32 = tpu.memref_slice %arg6[%dma_start3A_28, %dma_start3A_30, %dma_start3A_31] : memref<4x16x128xi32, #tpu.memory_space<vmem>> -> memref<1x16x128xi32, #tpu.memory_space<vmem>>
    %dma_start3A_33 = tpu.memref_squeeze %dma_start3A_32 : memref<1x16x128xi32, #tpu.memory_space<vmem>> -> memref<16x128xi32, #tpu.memory_space<vmem>>
    %dma_start3A_34 = arith.constant 0 : i32
    %dma_start3A_35 = tpu.memref_slice %arg2[%add3A_27, %dma_start3A_34] : memref<51200x128xi32, #tpu.memory_space<hbm>> -> memref<16x128xi32, #tpu.memory_space<hbm>>
    %dma_start3A_36 = tpu.memref_slice %arg9[%dma_start3A_29] : memref<4x!tpu.dma_semaphore, #tpu.memory_space<semaphore_mem>> -> memref<1x!tpu.dma_semaphore, #tpu.memory_space<semaphore_mem>>
    %dma_start3A_37 = tpu.memref_squeeze %dma_start3A_36 : memref<1x!tpu.dma_semaphore, #tpu.memory_space<semaphore_mem>> -> memref<!tpu.dma_semaphore, #tpu.memory_space<semaphore_mem>>
    %dma_start3A_38 = arith.constant 0 : i32
    %dma_start3A_39 = arith.constant 0 : i32
    %dma_start3A_40 = tpu.memref_slice %arg6[%dma_start3A_28, %dma_start3A_38, %dma_start3A_39] : memref<4x16x128xi32, #tpu.memory_space<vmem>> -> memref<1x16x128xi32, #tpu.memory_space<vmem>>
    %dma_start3A_41 = tpu.memref_squeeze %dma_start3A_40 : memref<1x16x128xi32, #tpu.memory_space<vmem>> -> memref<16x128xi32, #tpu.memory_space<vmem>>
    %dma_start3A_42 = arith.constant 0 : i32
    %dma_start3A_43 = tpu.memref_slice %arg2[%add3A_27, %dma_start3A_42] : memref<51200x128xi32, #tpu.memory_space<hbm>> -> memref<16x128xi32, #tpu.memory_space<hbm>>
    tpu.enqueue_dma source(%dma_start3A_43 : memref<16x128xi32, #tpu.memory_space<hbm>>) target(%dma_start3A_41 : memref<16x128xi32, #tpu.memory_space<vmem>>) target_semaphore(%dma_start3A_37 : memref<!tpu.dma_semaphore, #tpu.memory_space<semaphore_mem>>)
    %mul3A_44 = arith.constant 1600 : i32
    %mul3A_45 = arith.muli %add3A, %mul3A_44 : i32
    %add3A_46 = arith.constant 32 : i32
    %add3A_47 = arith.addi %mul3A_45, %add3A_46 : i32
    %dma_start3A_48 = arith.constant 2 : i32
    %dma_start3A_49 = arith.constant 2 : i32
    %dma_start3A_50 = arith.constant 0 : i32
    %dma_start3A_51 = arith.constant 0 : i32
    %dma_start3A_52 = tpu.memref_slice %arg6[%dma_start3A_48, %dma_start3A_50, %dma_start3A_51] : memref<4x16x128xi32, #tpu.memory_space<vmem>> -> memref<1x16x128xi32, #tpu.memory_space<vmem>>
    %dma_start3A_53 = tpu.memref_squeeze %dma_start3A_52 : memref<1x16x128xi32, #tpu.memory_space<vmem>> -> memref<16x128xi32, #tpu.memory_space<vmem>>
    %dma_start3A_54 = arith.constant 0 : i32
    %dma_start3A_55 = tpu.memref_slice %arg2[%add3A_47, %dma_start3A_54] : memref<51200x128xi32, #tpu.memory_space<hbm>> -> memref<16x128xi32, #tpu.memory_space<hbm>>
    %dma_start3A_56 = tpu.memref_slice %arg9[%dma_start3A_49] : memref<4x!tpu.dma_semaphore, #tpu.memory_space<semaphore_mem>> -> memref<1x!tpu.dma_semaphore, #tpu.memory_space<semaphore_mem>>
    %dma_start3A_57 = tpu.memref_squeeze %dma_start3A_56 : memref<1x!tpu.dma_semaphore, #tpu.memory_space<semaphore_mem>> -> memref<!tpu.dma_semaphore, #tpu.memory_space<semaphore_mem>>
    %dma_start3A_58 = arith.constant 0 : i32
    %dma_start3A_59 = arith.constant 0 : i32
    %dma_start3A_60 = tpu.memref_slice %arg6[%dma_start3A_48, %dma_start3A_58, %dma_start3A_59] : memref<4x16x128xi32, #tpu.memory_space<vmem>> -> memref<1x16x128xi32, #tpu.memory_space<vmem>>
    %dma_start3A_61 = tpu.memref_squeeze %dma_start3A_60 : memref<1x16x128xi32, #tpu.memory_space<vmem>> -> memref<16x128xi32, #tpu.memory_space<vmem>>
    %dma_start3A_62 = arith.constant 0 : i32
    %dma_start3A_63 = tpu.memref_slice %arg2[%add3A_47, %dma_start3A_62] : memref<51200x128xi32, #tpu.memory_space<hbm>> -> memref<16x128xi32, #tpu.memory_space<hbm>>
    tpu.enqueue_dma source(%dma_start3A_63 : memref<16x128xi32, #tpu.memory_space<hbm>>) target(%dma_start3A_61 : memref<16x128xi32, #tpu.memory_space<vmem>>) target_semaphore(%dma_start3A_57 : memref<!tpu.dma_semaphore, #tpu.memory_space<semaphore_mem>>)
    %dma_wait3A = arith.constant 0 : i32
    %dma_wait3A_64 = arith.constant 0 : i32
    %dma_wait3A_65 = arith.constant 0 : i32
    %dma_wait3A_66 = arith.constant 0 : i32
    %dma_wait3A_67 = tpu.memref_slice %arg6[%dma_wait3A, %dma_wait3A_65, %dma_wait3A_66] : memref<4x16x128xi32, #tpu.memory_space<vmem>> -> memref<1x16x128xi32, #tpu.memory_space<vmem>>
    %dma_wait3A_68 = tpu.memref_squeeze %dma_wait3A_67 : memref<1x16x128xi32, #tpu.memory_space<vmem>> -> memref<16x128xi32, #tpu.memory_space<vmem>>
    %dma_wait3A_69 = arith.constant 0 : i32
    %dma_wait3A_70 = arith.constant 0 : i32
    %dma_wait3A_71 = tpu.memref_slice %arg2[%dma_wait3A_69, %dma_wait3A_70] : memref<51200x128xi32, #tpu.memory_space<hbm>> -> memref<16x128xi32, #tpu.memory_space<hbm>>
    %dma_wait3A_72 = tpu.memref_slice %arg9[%dma_wait3A_64] : memref<4x!tpu.dma_semaphore, #tpu.memory_space<semaphore_mem>> -> memref<1x!tpu.dma_semaphore, #tpu.memory_space<semaphore_mem>>
    %dma_wait3A_73 = tpu.memref_squeeze %dma_wait3A_72 : memref<1x!tpu.dma_semaphore, #tpu.memory_space<semaphore_mem>> -> memref<!tpu.dma_semaphore, #tpu.memory_space<semaphore_mem>>
    %dma_wait3A_74 = arith.constant 0 : i32
    %dma_wait3A_75 = arith.constant 0 : i32
    %dma_wait3A_76 = tpu.memref_slice %arg6[%dma_wait3A, %dma_wait3A_74, %dma_wait3A_75] : memref<4x16x128xi32, #tpu.memory_space<vmem>> -> memref<1x16x128xi32, #tpu.memory_space<vmem>>
    %dma_wait3A_77 = tpu.memref_squeeze %dma_wait3A_76 : memref<1x16x128xi32, #tpu.memory_space<vmem>> -> memref<16x128xi32, #tpu.memory_space<vmem>>
    %dma_wait3A_78 = arith.constant 0 : i32
    %dma_wait3A_79 = arith.constant 0 : i32
    %dma_wait3A_80 = tpu.memref_slice %arg2[%dma_wait3A_78, %dma_wait3A_79] : memref<51200x128xi32, #tpu.memory_space<hbm>> -> memref<16x128xi32, #tpu.memory_space<hbm>>
    tpu.wait_dma2 semaphore(%dma_wait3A_73 : memref<!tpu.dma_semaphore, #tpu.memory_space<semaphore_mem>>) src(%dma_wait3A_80 : memref<16x128xi32, #tpu.memory_space<hbm>>) dst(%dma_wait3A_77 : memref<16x128xi32, #tpu.memory_space<vmem>>)
    %dma_start3A_81 = arith.constant 0 : i32
    %dma_start3A_82 = arith.constant 0 : i32
    %dma_start3A_83 = arith.constant 0 : i32
    %dma_start3A_84 = arith.constant 0 : i32
    %dma_start3A_85 = tpu.memref_slice %arg6[%dma_start3A_81, %dma_start3A_82, %dma_start3A_84] : memref<4x16x128xi32, #tpu.memory_space<vmem>> -> memref<1x1x128xi32, #tpu.memory_space<vmem>>
    %dma_start3A_86 = tpu.memref_squeeze %dma_start3A_85 : memref<1x1x128xi32, #tpu.memory_space<vmem>> -> memref<128xi32, #tpu.memory_space<vmem>>
    %dma_start3A_87 = arith.constant 0 : i32
    %dma_start3A_88 = tpu.memref_slice %arg8[%dma_start3A_87] : memref<102400xf32, #tpu.memory_space<vmem_shared>> -> memref<102400xf32, #tpu.memory_space<vmem_shared>>
    %dma_start3A_89 = tpu.memref_slice %arg10[%dma_start3A_83] : memref<2x!tpu.dma_semaphore, #tpu.memory_space<semaphore_mem>> -> memref<1x!tpu.dma_semaphore, #tpu.memory_space<semaphore_mem>>
    %dma_start3A_90 = tpu.memref_squeeze %dma_start3A_89 : memref<1x!tpu.dma_semaphore, #tpu.memory_space<semaphore_mem>> -> memref<!tpu.dma_semaphore, #tpu.memory_space<semaphore_mem>>
    tpu.enqueue_indirect_dma source(%arg7 : memref<128xf32, #tpu.memory_space<vmem>>) target(%dma_start3A_88 : memref<102400xf32, #tpu.memory_space<vmem_shared>>) offsets(%dma_start3A_86 : memref<128xi32, #tpu.memory_space<vmem>>) semaphore(%dma_start3A_90 : memref<!tpu.dma_semaphore, #tpu.memory_space<semaphore_mem>>) {add = true}
    %dma_start3A_91 = arith.constant 0 : i32
    %dma_start3A_92 = arith.constant 1 : i32
    %dma_start3A_93 = arith.constant 0 : i32
    %dma_start3A_94 = arith.constant 0 : i32
    %dma_start3A_95 = tpu.memref_slice %arg6[%dma_start3A_91, %dma_start3A_92, %dma_start3A_94] : memref<4x16x128xi32, #tpu.memory_space<vmem>> -> memref<1x1x128xi32, #tpu.memory_space<vmem>>
    %dma_start3A_96 = tpu.memref_squeeze %dma_start3A_95 : memref<1x1x128xi32, #tpu.memory_space<vmem>> -> memref<128xi32, #tpu.memory_space<vmem>>
    %dma_start3A_97 = arith.constant 0 : i32
    %dma_start3A_98 = tpu.memref_slice %arg8[%dma_start3A_97] : memref<102400xf32, #tpu.memory_space<vmem_shared>> -> memref<102400xf32, #tpu.memory_space<vmem_shared>>
    %dma_start3A_99 = tpu.memref_slice %arg10[%dma_start3A_93] : memref<2x!tpu.dma_semaphore, #tpu.memory_space<semaphore_mem>> -> memref<1x!tpu.dma_semaphore, #tpu.memory_space<semaphore_mem>>
    %dma_start3A_100 = tpu.memref_squeeze %dma_start3A_99 : memref<1x!tpu.dma_semaphore, #tpu.memory_space<semaphore_mem>> -> memref<!tpu.dma_semaphore, #tpu.memory_space<semaphore_mem>>
    tpu.enqueue_indirect_dma source(%arg7 : memref<128xf32, #tpu.memory_space<vmem>>) target(%dma_start3A_98 : memref<102400xf32, #tpu.memory_space<vmem_shared>>) offsets(%dma_start3A_96 : memref<128xi32, #tpu.memory_space<vmem>>) semaphore(%dma_start3A_100 : memref<!tpu.dma_semaphore, #tpu.memory_space<semaphore_mem>>) {add = true}
    %dma_start3A_101 = arith.constant 0 : i32
    %dma_start3A_102 = arith.constant 2 : i32
    %dma_start3A_103 = arith.constant 0 : i32
    %dma_start3A_104 = arith.constant 0 : i32
    %dma_start3A_105 = tpu.memref_slice %arg6[%dma_start3A_101, %dma_start3A_102, %dma_start3A_104] : memref<4x16x128xi32, #tpu.memory_space<vmem>> -> memref<1x1x128xi32, #tpu.memory_space<vmem>>
    %dma_start3A_106 = tpu.memref_squeeze %dma_start3A_105 : memref<1x1x128xi32, #tpu.memory_space<vmem>> -> memref<128xi32, #tpu.memory_space<vmem>>
    %dma_start3A_107 = arith.constant 0 : i32
    %dma_start3A_108 = tpu.memref_slice %arg8[%dma_start3A_107] : memref<102400xf32, #tpu.memory_space<vmem_shared>> -> memref<102400xf32, #tpu.memory_space<vmem_shared>>
    %dma_start3A_109 = tpu.memref_slice %arg10[%dma_start3A_103] : memref<2x!tpu.dma_semaphore, #tpu.memory_space<semaphore_mem>> -> memref<1x!tpu.dma_semaphore, #tpu.memory_space<semaphore_mem>>
    %dma_start3A_110 = tpu.memref_squeeze %dma_start3A_109 : memref<1x!tpu.dma_semaphore, #tpu.memory_space<semaphore_mem>> -> memref<!tpu.dma_semaphore, #tpu.memory_space<semaphore_mem>>
    tpu.enqueue_indirect_dma source(%arg7 : memref<128xf32, #tpu.memory_space<vmem>>) target(%dma_start3A_108 : memref<102400xf32, #tpu.memory_space<vmem_shared>>) offsets(%dma_start3A_106 : memref<128xi32, #tpu.memory_space<vmem>>) semaphore(%dma_start3A_110 : memref<!tpu.dma_semaphore, #tpu.memory_space<semaphore_mem>>) {add = true}
    %dma_start3A_111 = arith.constant 0 : i32
    %dma_start3A_112 = arith.constant 3 : i32
    %dma_start3A_113 = arith.constant 0 : i32
    %dma_start3A_114 = arith.constant 0 : i32
    %dma_start3A_115 = tpu.memref_slice %arg6[%dma_start3A_111, %dma_start3A_112, %dma_start3A_114] : memref<4x16x128xi32, #tpu.memory_space<vmem>> -> memref<1x1x128xi32, #tpu.memory_space<vmem>>
    %dma_start3A_116 = tpu.memref_squeeze %dma_start3A_115 : memref<1x1x128xi32, #tpu.memory_space<vmem>> -> memref<128xi32, #tpu.memory_space<vmem>>
    %dma_start3A_117 = arith.constant 0 : i32
    %dma_start3A_118 = tpu.memref_slice %arg8[%dma_start3A_117] : memref<102400xf32, #tpu.memory_space<vmem_shared>> -> memref<102400xf32, #tpu.memory_space<vmem_shared>>
    %dma_start3A_119 = tpu.memref_slice %arg10[%dma_start3A_113] : memref<2x!tpu.dma_semaphore, #tpu.memory_space<semaphore_mem>> -> memref<1x!tpu.dma_semaphore, #tpu.memory_space<semaphore_mem>>
    %dma_start3A_120 = tpu.memref_squeeze %dma_start3A_119 : memref<1x!tpu.dma_semaphore, #tpu.memory_space<semaphore_mem>> -> memref<!tpu.dma_semaphore, #tpu.memory_space<semaphore_mem>>
    tpu.enqueue_indirect_dma source(%arg7 : memref<128xf32, #tpu.memory_space<vmem>>) target(%dma_start3A_118 : memref<102400xf32, #tpu.memory_space<vmem_shared>>) offsets(%dma_start3A_116 : memref<128xi32, #tpu.memory_space<vmem>>) semaphore(%dma_start3A_120 : memref<!tpu.dma_semaphore, #tpu.memory_space<semaphore_mem>>) {add = true}
    %dma_start3A_121 = arith.constant 0 : i32
    %dma_start3A_122 = arith.constant 4 : i32
    %dma_start3A_123 = arith.constant 0 : i32
    %dma_start3A_124 = arith.constant 0 : i32
    %dma_start3A_125 = tpu.memref_slice %arg6[%dma_start3A_121, %dma_start3A_122, %dma_start3A_124] : memref<4x16x128xi32, #tpu.memory_space<vmem>> -> memref<1x1x128xi32, #tpu.memory_space<vmem>>
    %dma_start3A_126 = tpu.memref_squeeze %dma_start3A_125 : memref<1x1x128xi32, #tpu.memory_space<vmem>> -> memref<128xi32, #tpu.memory_space<vmem>>
    %dma_start3A_127 = arith.constant 0 : i32
    %dma_start3A_128 = tpu.memref_slice %arg8[%dma_start3A_127] : memref<102400xf32, #tpu.memory_space<vmem_shared>> -> memref<102400xf32, #tpu.memory_space<vmem_shared>>
    %dma_start3A_129 = tpu.memref_slice %arg10[%dma_start3A_123] : memref<2x!tpu.dma_semaphore, #tpu.memory_space<semaphore_mem>> -> memref<1x!tpu.dma_semaphore, #tpu.memory_space<semaphore_mem>>
    %dma_start3A_130 = tpu.memref_squeeze %dma_start3A_129 : memref<1x!tpu.dma_semaphore, #tpu.memory_space<semaphore_mem>> -> memref<!tpu.dma_semaphore, #tpu.memory_space<semaphore_mem>>
    tpu.enqueue_indirect_dma source(%arg7 : memref<128xf32, #tpu.memory_space<vmem>>) target(%dma_start3A_128 : memref<102400xf32, #tpu.memory_space<vmem_shared>>) offsets(%dma_start3A_126 : memref<128xi32, #tpu.memory_space<vmem>>) semaphore(%dma_start3A_130 : memref<!tpu.dma_semaphore, #tpu.memory_space<semaphore_mem>>) {add = true}
    %dma_start3A_131 = arith.constant 0 : i32
    %dma_start3A_132 = arith.constant 5 : i32
    %dma_start3A_133 = arith.constant 0 : i32
    %dma_start3A_134 = arith.constant 0 : i32
    %dma_start3A_135 = tpu.memref_slice %arg6[%dma_start3A_131, %dma_start3A_132, %dma_start3A_134] : memref<4x16x128xi32, #tpu.memory_space<vmem>> -> memref<1x1x128xi32, #tpu.memory_space<vmem>>
    %dma_start3A_136 = tpu.memref_squeeze %dma_start3A_135 : memref<1x1x128xi32, #tpu.memory_space<vmem>> -> memref<128xi32, #tpu.memory_space<vmem>>
    %dma_start3A_137 = arith.constant 0 : i32
    %dma_start3A_138 = tpu.memref_slice %arg8[%dma_start3A_137] : memref<102400xf32, #tpu.memory_space<vmem_shared>> -> memref<102400xf32, #tpu.memory_space<vmem_shared>>
    %dma_start3A_139 = tpu.memref_slice %arg10[%dma_start3A_133] : memref<2x!tpu.dma_semaphore, #tpu.memory_space<semaphore_mem>> -> memref<1x!tpu.dma_semaphore, #tpu.memory_space<semaphore_mem>>
    %dma_start3A_140 = tpu.memref_squeeze %dma_start3A_139 : memref<1x!tpu.dma_semaphore, #tpu.memory_space<semaphore_mem>> -> memref<!tpu.dma_semaphore, #tpu.memory_space<semaphore_mem>>
    tpu.enqueue_indirect_dma source(%arg7 : memref<128xf32, #tpu.memory_space<vmem>>) target(%dma_start3A_138 : memref<102400xf32, #tpu.memory_space<vmem_shared>>) offsets(%dma_start3A_136 : memref<128xi32, #tpu.memory_space<vmem>>) semaphore(%dma_start3A_140 : memref<!tpu.dma_semaphore, #tpu.memory_space<semaphore_mem>>) {add = true}
    %dma_start3A_141 = arith.constant 0 : i32
    %dma_start3A_142 = arith.constant 6 : i32
    %dma_start3A_143 = arith.constant 0 : i32
    %dma_start3A_144 = arith.constant 0 : i32
    %dma_start3A_145 = tpu.memref_slice %arg6[%dma_start3A_141, %dma_start3A_142, %dma_start3A_144] : memref<4x16x128xi32, #tpu.memory_space<vmem>> -> memref<1x1x128xi32, #tpu.memory_space<vmem>>
    %dma_start3A_146 = tpu.memref_squeeze %dma_start3A_145 : memref<1x1x128xi32, #tpu.memory_space<vmem>> -> memref<128xi32, #tpu.memory_space<vmem>>
    %dma_start3A_147 = arith.constant 0 : i32
    %dma_start3A_148 = tpu.memref_slice %arg8[%dma_start3A_147] : memref<102400xf32, #tpu.memory_space<vmem_shared>> -> memref<102400xf32, #tpu.memory_space<vmem_shared>>
    %dma_start3A_149 = tpu.memref_slice %arg10[%dma_start3A_143] : memref<2x!tpu.dma_semaphore, #tpu.memory_space<semaphore_mem>> -> memref<1x!tpu.dma_semaphore, #tpu.memory_space<semaphore_mem>>
    %dma_start3A_150 = tpu.memref_squeeze %dma_start3A_149 : memref<1x!tpu.dma_semaphore, #tpu.memory_space<semaphore_mem>> -> memref<!tpu.dma_semaphore, #tpu.memory_space<semaphore_mem>>
    tpu.enqueue_indirect_dma source(%arg7 : memref<128xf32, #tpu.memory_space<vmem>>) target(%dma_start3A_148 : memref<102400xf32, #tpu.memory_space<vmem_shared>>) offsets(%dma_start3A_146 : memref<128xi32, #tpu.memory_space<vmem>>) semaphore(%dma_start3A_150 : memref<!tpu.dma_semaphore, #tpu.memory_space<semaphore_mem>>) {add = true}
    %dma_start3A_151 = arith.constant 0 : i32
    %dma_start3A_152 = arith.constant 7 : i32
    %dma_start3A_153 = arith.constant 0 : i32
    %dma_start3A_154 = arith.constant 0 : i32
    %dma_start3A_155 = tpu.memref_slice %arg6[%dma_start3A_151, %dma_start3A_152, %dma_start3A_154] : memref<4x16x128xi32, #tpu.memory_space<vmem>> -> memref<1x1x128xi32, #tpu.memory_space<vmem>>
    %dma_start3A_156 = tpu.memref_squeeze %dma_start3A_155 : memref<1x1x128xi32, #tpu.memory_space<vmem>> -> memref<128xi32, #tpu.memory_space<vmem>>
    %dma_start3A_157 = arith.constant 0 : i32
    %dma_start3A_158 = tpu.memref_slice %arg8[%dma_start3A_157] : memref<102400xf32, #tpu.memory_space<vmem_shared>> -> memref<102400xf32, #tpu.memory_space<vmem_shared>>
    %dma_start3A_159 = tpu.memref_slice %arg10[%dma_start3A_153] : memref<2x!tpu.dma_semaphore, #tpu.memory_space<semaphore_mem>> -> memref<1x!tpu.dma_semaphore, #tpu.memory_space<semaphore_mem>>
    %dma_start3A_160 = tpu.memref_squeeze %dma_start3A_159 : memref<1x!tpu.dma_semaphore, #tpu.memory_space<semaphore_mem>> -> memref<!tpu.dma_semaphore, #tpu.memory_space<semaphore_mem>>
    tpu.enqueue_indirect_dma source(%arg7 : memref<128xf32, #tpu.memory_space<vmem>>) target(%dma_start3A_158 : memref<102400xf32, #tpu.memory_space<vmem_shared>>) offsets(%dma_start3A_156 : memref<128xi32, #tpu.memory_space<vmem>>) semaphore(%dma_start3A_160 : memref<!tpu.dma_semaphore, #tpu.memory_space<semaphore_mem>>) {add = true}
    %dma_start3A_161 = arith.constant 0 : i32
    %dma_start3A_162 = arith.constant 8 : i32
    %dma_start3A_163 = arith.constant 0 : i32
    %dma_start3A_164 = arith.constant 0 : i32
    %dma_start3A_165 = tpu.memref_slice %arg6[%dma_start3A_161, %dma_start3A_162, %dma_start3A_164] : memref<4x16x128xi32, #tpu.memory_space<vmem>> -> memref<1x1x128xi32, #tpu.memory_space<vmem>>
    %dma_start3A_166 = tpu.memref_squeeze %dma_start3A_165 : memref<1x1x128xi32, #tpu.memory_space<vmem>> -> memref<128xi32, #tpu.memory_space<vmem>>
    %dma_start3A_167 = arith.constant 0 : i32
    %dma_start3A_168 = tpu.memref_slice %arg8[%dma_start3A_167] : memref<102400xf32, #tpu.memory_space<vmem_shared>> -> memref<102400xf32, #tpu.memory_space<vmem_shared>>
    %dma_start3A_169 = tpu.memref_slice %arg10[%dma_start3A_163] : memref<2x!tpu.dma_semaphore, #tpu.memory_space<semaphore_mem>> -> memref<1x!tpu.dma_semaphore, #tpu.memory_space<semaphore_mem>>
    %dma_start3A_170 = tpu.memref_squeeze %dma_start3A_169 : memref<1x!tpu.dma_semaphore, #tpu.memory_space<semaphore_mem>> -> memref<!tpu.dma_semaphore, #tpu.memory_space<semaphore_mem>>
    tpu.enqueue_indirect_dma source(%arg7 : memref<128xf32, #tpu.memory_space<vmem>>) target(%dma_start3A_168 : memref<102400xf32, #tpu.memory_space<vmem_shared>>) offsets(%dma_start3A_166 : memref<128xi32, #tpu.memory_space<vmem>>) semaphore(%dma_start3A_170 : memref<!tpu.dma_semaphore, #tpu.memory_space<semaphore_mem>>) {add = true}
    %dma_start3A_171 = arith.constant 0 : i32
    %dma_start3A_172 = arith.constant 9 : i32
    %dma_start3A_173 = arith.constant 0 : i32
    %dma_start3A_174 = arith.constant 0 : i32
    %dma_start3A_175 = tpu.memref_slice %arg6[%dma_start3A_171, %dma_start3A_172, %dma_start3A_174] : memref<4x16x128xi32, #tpu.memory_space<vmem>> -> memref<1x1x128xi32, #tpu.memory_space<vmem>>
    %dma_start3A_176 = tpu.memref_squeeze %dma_start3A_175 : memref<1x1x128xi32, #tpu.memory_space<vmem>> -> memref<128xi32, #tpu.memory_space<vmem>>
    %dma_start3A_177 = arith.constant 0 : i32
    %dma_start3A_178 = tpu.memref_slice %arg8[%dma_start3A_177] : memref<102400xf32, #tpu.memory_space<vmem_shared>> -> memref<102400xf32, #tpu.memory_space<vmem_shared>>
    %dma_start3A_179 = tpu.memref_slice %arg10[%dma_start3A_173] : memref<2x!tpu.dma_semaphore, #tpu.memory_space<semaphore_mem>> -> memref<1x!tpu.dma_semaphore, #tpu.memory_space<semaphore_mem>>
    %dma_start3A_180 = tpu.memref_squeeze %dma_start3A_179 : memref<1x!tpu.dma_semaphore, #tpu.memory_space<semaphore_mem>> -> memref<!tpu.dma_semaphore, #tpu.memory_space<semaphore_mem>>
    tpu.enqueue_indirect_dma source(%arg7 : memref<128xf32, #tpu.memory_space<vmem>>) target(%dma_start3A_178 : memref<102400xf32, #tpu.memory_space<vmem_shared>>) offsets(%dma_start3A_176 : memref<128xi32, #tpu.memory_space<vmem>>) semaphore(%dma_start3A_180 : memref<!tpu.dma_semaphore, #tpu.memory_space<semaphore_mem>>) {add = true}
    %dma_start3A_181 = arith.constant 0 : i32
    %dma_start3A_182 = arith.constant 10 : i32
    %dma_start3A_183 = arith.constant 0 : i32
    %dma_start3A_184 = arith.constant 0 : i32
    %dma_start3A_185 = tpu.memref_slice %arg6[%dma_start3A_181, %dma_start3A_182, %dma_start3A_184] : memref<4x16x128xi32, #tpu.memory_space<vmem>> -> memref<1x1x128xi32, #tpu.memory_space<vmem>>
    %dma_start3A_186 = tpu.memref_squeeze %dma_start3A_185 : memref<1x1x128xi32, #tpu.memory_space<vmem>> -> memref<128xi32, #tpu.memory_space<vmem>>
    %dma_start3A_187 = arith.constant 0 : i32
    %dma_start3A_188 = tpu.memref_slice %arg8[%dma_start3A_187] : memref<102400xf32, #tpu.memory_space<vmem_shared>> -> memref<102400xf32, #tpu.memory_space<vmem_shared>>
    %dma_start3A_189 = tpu.memref_slice %arg10[%dma_start3A_183] : memref<2x!tpu.dma_semaphore, #tpu.memory_space<semaphore_mem>> -> memref<1x!tpu.dma_semaphore, #tpu.memory_space<semaphore_mem>>
    %dma_start3A_190 = tpu.memref_squeeze %dma_start3A_189 : memref<1x!tpu.dma_semaphore, #tpu.memory_space<semaphore_mem>> -> memref<!tpu.dma_semaphore, #tpu.memory_space<semaphore_mem>>
    tpu.enqueue_indirect_dma source(%arg7 : memref<128xf32, #tpu.memory_space<vmem>>) target(%dma_start3A_188 : memref<102400xf32, #tpu.memory_space<vmem_shared>>) offsets(%dma_start3A_186 : memref<128xi32, #tpu.memory_space<vmem>>) semaphore(%dma_start3A_190 : memref<!tpu.dma_semaphore, #tpu.memory_space<semaphore_mem>>) {add = true}
    %dma_start3A_191 = arith.constant 0 : i32
    %dma_start3A_192 = arith.constant 11 : i32
    %dma_start3A_193 = arith.constant 0 : i32
    %dma_start3A_194 = arith.constant 0 : i32
    %dma_start3A_195 = tpu.memref_slice %arg6[%dma_start3A_191, %dma_start3A_192, %dma_start3A_194] : memref<4x16x128xi32, #tpu.memory_space<vmem>> -> memref<1x1x128xi32, #tpu.memory_space<vmem>>
    %dma_start3A_196 = tpu.memref_squeeze %dma_start3A_195 : memref<1x1x128xi32, #tpu.memory_space<vmem>> -> memref<128xi32, #tpu.memory_space<vmem>>
    %dma_start3A_197 = arith.constant 0 : i32
    %dma_start3A_198 = tpu.memref_slice %arg8[%dma_start3A_197] : memref<102400xf32, #tpu.memory_space<vmem_shared>> -> memref<102400xf32, #tpu.memory_space<vmem_shared>>
    %dma_start3A_199 = tpu.memref_slice %arg10[%dma_start3A_193] : memref<2x!tpu.dma_semaphore, #tpu.memory_space<semaphore_mem>> -> memref<1x!tpu.dma_semaphore, #tpu.memory_space<semaphore_mem>>
    %dma_start3A_200 = tpu.memref_squeeze %dma_start3A_199 : memref<1x!tpu.dma_semaphore, #tpu.memory_space<semaphore_mem>> -> memref<!tpu.dma_semaphore, #tpu.memory_space<semaphore_mem>>
    tpu.enqueue_indirect_dma source(%arg7 : memref<128xf32, #tpu.memory_space<vmem>>) target(%dma_start3A_198 : memref<102400xf32, #tpu.memory_space<vmem_shared>>) offsets(%dma_start3A_196 : memref<128xi32, #tpu.memory_space<vmem>>) semaphore(%dma_start3A_200 : memref<!tpu.dma_semaphore, #tpu.memory_space<semaphore_mem>>) {add = true}
    %dma_start3A_201 = arith.constant 0 : i32
    %dma_start3A_202 = arith.constant 12 : i32
    %dma_start3A_203 = arith.constant 0 : i32
    %dma_start3A_204 = arith.constant 0 : i32
    %dma_start3A_205 = tpu.memref_slice %arg6[%dma_start3A_201, %dma_start3A_202, %dma_start3A_204] : memref<4x16x128xi32, #tpu.memory_space<vmem>> -> memref<1x1x128xi32, #tpu.memory_space<vmem>>
    %dma_start3A_206 = tpu.memref_squeeze %dma_start3A_205 : memref<1x1x128xi32, #tpu.memory_space<vmem>> -> memref<128xi32, #tpu.memory_space<vmem>>
    %dma_start3A_207 = arith.constant 0 : i32
    %dma_start3A_208 = tpu.memref_slice %arg8[%dma_start3A_207] : memref<102400xf32, #tpu.memory_space<vmem_shared>> -> memref<102400xf32, #tpu.memory_space<vmem_shared>>
    %dma_start3A_209 = tpu.memref_slice %arg10[%dma_start3A_203] : memref<2x!tpu.dma_semaphore, #tpu.memory_space<semaphore_mem>> -> memref<1x!tpu.dma_semaphore, #tpu.memory_space<semaphore_mem>>
    %dma_start3A_210 = tpu.memref_squeeze %dma_start3A_209 : memref<1x!tpu.dma_semaphore, #tpu.memory_space<semaphore_mem>> -> memref<!tpu.dma_semaphore, #tpu.memory_space<semaphore_mem>>
    tpu.enqueue_indirect_dma source(%arg7 : memref<128xf32, #tpu.memory_space<vmem>>) target(%dma_start3A_208 : memref<102400xf32, #tpu.memory_space<vmem_shared>>) offsets(%dma_start3A_206 : memref<128xi32, #tpu.memory_space<vmem>>) semaphore(%dma_start3A_210 : memref<!tpu.dma_semaphore, #tpu.memory_space<semaphore_mem>>) {add = true}
    %dma_start3A_211 = arith.constant 0 : i32
    %dma_start3A_212 = arith.constant 13 : i32
    %dma_start3A_213 = arith.constant 0 : i32
    %dma_start3A_214 = arith.constant 0 : i32
    %dma_start3A_215 = tpu.memref_slice %arg6[%dma_start3A_211, %dma_start3A_212, %dma_start3A_214] : memref<4x16x128xi32, #tpu.memory_space<vmem>> -> memref<1x1x128xi32, #tpu.memory_space<vmem>>
    %dma_start3A_216 = tpu.memref_squeeze %dma_start3A_215 : memref<1x1x128xi32, #tpu.memory_space<vmem>> -> memref<128xi32, #tpu.memory_space<vmem>>
    %dma_start3A_217 = arith.constant 0 : i32
    %dma_start3A_218 = tpu.memref_slice %arg8[%dma_start3A_217] : memref<102400xf32, #tpu.memory_space<vmem_shared>> -> memref<102400xf32, #tpu.memory_space<vmem_shared>>
    %dma_start3A_219 = tpu.memref_slice %arg10[%dma_start3A_213] : memref<2x!tpu.dma_semaphore, #tpu.memory_space<semaphore_mem>> -> memref<1x!tpu.dma_semaphore, #tpu.memory_space<semaphore_mem>>
    %dma_start3A_220 = tpu.memref_squeeze %dma_start3A_219 : memref<1x!tpu.dma_semaphore, #tpu.memory_space<semaphore_mem>> -> memref<!tpu.dma_semaphore, #tpu.memory_space<semaphore_mem>>
    tpu.enqueue_indirect_dma source(%arg7 : memref<128xf32, #tpu.memory_space<vmem>>) target(%dma_start3A_218 : memref<102400xf32, #tpu.memory_space<vmem_shared>>) offsets(%dma_start3A_216 : memref<128xi32, #tpu.memory_space<vmem>>) semaphore(%dma_start3A_220 : memref<!tpu.dma_semaphore, #tpu.memory_space<semaphore_mem>>) {add = true}
    %dma_start3A_221 = arith.constant 0 : i32
    %dma_start3A_222 = arith.constant 14 : i32
    %dma_start3A_223 = arith.constant 0 : i32
    %dma_start3A_224 = arith.constant 0 : i32
    %dma_start3A_225 = tpu.memref_slice %arg6[%dma_start3A_221, %dma_start3A_222, %dma_start3A_224] : memref<4x16x128xi32, #tpu.memory_space<vmem>> -> memref<1x1x128xi32, #tpu.memory_space<vmem>>
    %dma_start3A_226 = tpu.memref_squeeze %dma_start3A_225 : memref<1x1x128xi32, #tpu.memory_space<vmem>> -> memref<128xi32, #tpu.memory_space<vmem>>
    %dma_start3A_227 = arith.constant 0 : i32
    %dma_start3A_228 = tpu.memref_slice %arg8[%dma_start3A_227] : memref<102400xf32, #tpu.memory_space<vmem_shared>> -> memref<102400xf32, #tpu.memory_space<vmem_shared>>
    %dma_start3A_229 = tpu.memref_slice %arg10[%dma_start3A_223] : memref<2x!tpu.dma_semaphore, #tpu.memory_space<semaphore_mem>> -> memref<1x!tpu.dma_semaphore, #tpu.memory_space<semaphore_mem>>
    %dma_start3A_230 = tpu.memref_squeeze %dma_start3A_229 : memref<1x!tpu.dma_semaphore, #tpu.memory_space<semaphore_mem>> -> memref<!tpu.dma_semaphore, #tpu.memory_space<semaphore_mem>>
    tpu.enqueue_indirect_dma source(%arg7 : memref<128xf32, #tpu.memory_space<vmem>>) target(%dma_start3A_228 : memref<102400xf32, #tpu.memory_space<vmem_shared>>) offsets(%dma_start3A_226 : memref<128xi32, #tpu.memory_space<vmem>>) semaphore(%dma_start3A_230 : memref<!tpu.dma_semaphore, #tpu.memory_space<semaphore_mem>>) {add = true}
    %dma_start3A_231 = arith.constant 0 : i32
    %dma_start3A_232 = arith.constant 15 : i32
    %dma_start3A_233 = arith.constant 0 : i32
    %dma_start3A_234 = arith.constant 0 : i32
    %dma_start3A_235 = tpu.memref_slice %arg6[%dma_start3A_231, %dma_start3A_232, %dma_start3A_234] : memref<4x16x128xi32, #tpu.memory_space<vmem>> -> memref<1x1x128xi32, #tpu.memory_space<vmem>>
    %dma_start3A_236 = tpu.memref_squeeze %dma_start3A_235 : memref<1x1x128xi32, #tpu.memory_space<vmem>> -> memref<128xi32, #tpu.memory_space<vmem>>
    %dma_start3A_237 = arith.constant 0 : i32
    %dma_start3A_238 = tpu.memref_slice %arg8[%dma_start3A_237] : memref<102400xf32, #tpu.memory_space<vmem_shared>> -> memref<102400xf32, #tpu.memory_space<vmem_shared>>
    %dma_start3A_239 = tpu.memref_slice %arg10[%dma_start3A_233] : memref<2x!tpu.dma_semaphore, #tpu.memory_space<semaphore_mem>> -> memref<1x!tpu.dma_semaphore, #tpu.memory_space<semaphore_mem>>
    %dma_start3A_240 = tpu.memref_squeeze %dma_start3A_239 : memref<1x!tpu.dma_semaphore, #tpu.memory_space<semaphore_mem>> -> memref<!tpu.dma_semaphore, #tpu.memory_space<semaphore_mem>>
    tpu.enqueue_indirect_dma source(%arg7 : memref<128xf32, #tpu.memory_space<vmem>>) target(%dma_start3A_238 : memref<102400xf32, #tpu.memory_space<vmem_shared>>) offsets(%dma_start3A_236 : memref<128xi32, #tpu.memory_space<vmem>>) semaphore(%dma_start3A_240 : memref<!tpu.dma_semaphore, #tpu.memory_space<semaphore_mem>>) {add = true}
    %mul3A_241 = arith.constant 1600 : i32
    %mul3A_242 = arith.muli %add3A, %mul3A_241 : i32
    %add3A_243 = arith.constant 48 : i32
    %add3A_244 = arith.addi %mul3A_242, %add3A_243 : i32
    %dma_start3A_245 = arith.constant 3 : i32
    %dma_start3A_246 = arith.constant 3 : i32
    %dma_start3A_247 = arith.constant 0 : i32
    %dma_start3A_248 = arith.constant 0 : i32
    %dma_start3A_249 = tpu.memref_slice %arg6[%dma_start3A_245, %dma_start3A_247, %dma_start3A_248] : memref<4x16x128xi32, #tpu.memory_space<vmem>> -> memref<1x16x128xi32, #tpu.memory_space<vmem>>
    %dma_start3A_250 = tpu.memref_squeeze %dma_start3A_249 : memref<1x16x128xi32, #tpu.memory_space<vmem>> -> memref<16x128xi32, #tpu.memory_space<vmem>>
    %dma_start3A_251 = arith.constant 0 : i32
    %dma_start3A_252 = tpu.memref_slice %arg2[%add3A_244, %dma_start3A_251] : memref<51200x128xi32, #tpu.memory_space<hbm>> -> memref<16x128xi32, #tpu.memory_space<hbm>>
    %dma_start3A_253 = tpu.memref_slice %arg9[%dma_start3A_246] : memref<4x!tpu.dma_semaphore, #tpu.memory_space<semaphore_mem>> -> memref<1x!tpu.dma_semaphore, #tpu.memory_space<semaphore_mem>>
    %dma_start3A_254 = tpu.memref_squeeze %dma_start3A_253 : memref<1x!tpu.dma_semaphore, #tpu.memory_space<semaphore_mem>> -> memref<!tpu.dma_semaphore, #tpu.memory_space<semaphore_mem>>
    %dma_start3A_255 = arith.constant 0 : i32
    %dma_start3A_256 = arith.constant 0 : i32
    %dma_start3A_257 = tpu.memref_slice %arg6[%dma_start3A_245, %dma_start3A_255, %dma_start3A_256] : memref<4x16x128xi32, #tpu.memory_space<vmem>> -> memref<1x16x128xi32, #tpu.memory_space<vmem>>
    %dma_start3A_258 = tpu.memref_squeeze %dma_start3A_257 : memref<1x16x128xi32, #tpu.memory_space<vmem>> -> memref<16x128xi32, #tpu.memory_space<vmem>>
    %dma_start3A_259 = arith.constant 0 : i32
    %dma_start3A_260 = tpu.memref_slice %arg2[%add3A_244, %dma_start3A_259] : memref<51200x128xi32, #tpu.memory_space<hbm>> -> memref<16x128xi32, #tpu.memory_space<hbm>>
    tpu.enqueue_dma source(%dma_start3A_260 : memref<16x128xi32, #tpu.memory_space<hbm>>) target(%dma_start3A_258 : memref<16x128xi32, #tpu.memory_space<vmem>>) target_semaphore(%dma_start3A_254 : memref<!tpu.dma_semaphore, #tpu.memory_space<semaphore_mem>>)
    %dma_wait3A_261 = arith.constant 1 : i32
    %dma_wait3A_262 = arith.constant 1 : i32
    %dma_wait3A_263 = arith.constant 0 : i32
    %dma_wait3A_264 = arith.constant 0 : i32
    %dma_wait3A_265 = tpu.memref_slice %arg6[%dma_wait3A_261, %dma_wait3A_263, %dma_wait3A_264] : memref<4x16x128xi32, #tpu.memory_space<vmem>> -> memref<1x16x128xi32, #tpu.memory_space<vmem>>
    %dma_wait3A_266 = tpu.memref_squeeze %dma_wait3A_265 : memref<1x16x128xi32, #tpu.memory_space<vmem>> -> memref<16x128xi32, #tpu.memory_space<vmem>>
    %dma_wait3A_267 = arith.constant 0 : i32
    %dma_wait3A_268 = arith.constant 0 : i32
    %dma_wait3A_269 = tpu.memref_slice %arg2[%dma_wait3A_267, %dma_wait3A_268] : memref<51200x128xi32, #tpu.memory_space<hbm>> -> memref<16x128xi32, #tpu.memory_space<hbm>>
    %dma_wait3A_270 = tpu.memref_slice %arg9[%dma_wait3A_262] : memref<4x!tpu.dma_semaphore, #tpu.memory_space<semaphore_mem>> -> memref<1x!tpu.dma_semaphore, #tpu.memory_space<semaphore_mem>>
    %dma_wait3A_271 = tpu.memref_squeeze %dma_wait3A_270 : memref<1x!tpu.dma_semaphore, #tpu.memory_space<semaphore_mem>> -> memref<!tpu.dma_semaphore, #tpu.memory_space<semaphore_mem>>
    %dma_wait3A_272 = arith.constant 0 : i32
    %dma_wait3A_273 = arith.constant 0 : i32
    %dma_wait3A_274 = tpu.memref_slice %arg6[%dma_wait3A_261, %dma_wait3A_272, %dma_wait3A_273] : memref<4x16x128xi32, #tpu.memory_space<vmem>> -> memref<1x16x128xi32, #tpu.memory_space<vmem>>
    %dma_wait3A_275 = tpu.memref_squeeze %dma_wait3A_274 : memref<1x16x128xi32, #tpu.memory_space<vmem>> -> memref<16x128xi32, #tpu.memory_space<vmem>>
    %dma_wait3A_276 = arith.constant 0 : i32
    %dma_wait3A_277 = arith.constant 0 : i32
    %dma_wait3A_278 = tpu.memref_slice %arg2[%dma_wait3A_276, %dma_wait3A_277] : memref<51200x128xi32, #tpu.memory_space<hbm>> -> memref<16x128xi32, #tpu.memory_space<hbm>>
    tpu.wait_dma2 semaphore(%dma_wait3A_271 : memref<!tpu.dma_semaphore, #tpu.memory_space<semaphore_mem>>) src(%dma_wait3A_278 : memref<16x128xi32, #tpu.memory_space<hbm>>) dst(%dma_wait3A_275 : memref<16x128xi32, #tpu.memory_space<vmem>>)
    %dma_start3A_279 = arith.constant 1 : i32
    %dma_start3A_280 = arith.constant 0 : i32
    %dma_start3A_281 = arith.constant 1 : i32
    %dma_start3A_282 = arith.constant 0 : i32
    %dma_start3A_283 = tpu.memref_slice %arg6[%dma_start3A_279, %dma_start3A_280, %dma_start3A_282] : memref<4x16x128xi32, #tpu.memory_space<vmem>> -> memref<1x1x128xi32, #tpu.memory_space<vmem>>
    %dma_start3A_284 = tpu.memref_squeeze %dma_start3A_283 : memref<1x1x128xi32, #tpu.memory_space<vmem>> -> memref<128xi32, #tpu.memory_space<vmem>>
    %dma_start3A_285 = arith.constant 0 : i32
    %dma_start3A_286 = tpu.memref_slice %arg8[%dma_start3A_285] : memref<102400xf32, #tpu.memory_space<vmem_shared>> -> memref<102400xf32, #tpu.memory_space<vmem_shared>>
    %dma_start3A_287 = tpu.memref_slice %arg10[%dma_start3A_281] : memref<2x!tpu.dma_semaphore, #tpu.memory_space<semaphore_mem>> -> memref<1x!tpu.dma_semaphore, #tpu.memory_space<semaphore_mem>>
    %dma_start3A_288 = tpu.memref_squeeze %dma_start3A_287 : memref<1x!tpu.dma_semaphore, #tpu.memory_space<semaphore_mem>> -> memref<!tpu.dma_semaphore, #tpu.memory_space<semaphore_mem>>
    tpu.enqueue_indirect_dma source(%arg7 : memref<128xf32, #tpu.memory_space<vmem>>) target(%dma_start3A_286 : memref<102400xf32, #tpu.memory_space<vmem_shared>>) offsets(%dma_start3A_284 : memref<128xi32, #tpu.memory_space<vmem>>) semaphore(%dma_start3A_288 : memref<!tpu.dma_semaphore, #tpu.memory_space<semaphore_mem>>) {add = true}
    %dma_start3A_289 = arith.constant 1 : i32
    %dma_start3A_290 = arith.constant 1 : i32
    %dma_start3A_291 = arith.constant 1 : i32
    %dma_start3A_292 = arith.constant 0 : i32
    %dma_start3A_293 = tpu.memref_slice %arg6[%dma_start3A_289, %dma_start3A_290, %dma_start3A_292] : memref<4x16x128xi32, #tpu.memory_space<vmem>> -> memref<1x1x128xi32, #tpu.memory_space<vmem>>
    %dma_start3A_294 = tpu.memref_squeeze %dma_start3A_293 : memref<1x1x128xi32, #tpu.memory_space<vmem>> -> memref<128xi32, #tpu.memory_space<vmem>>
    %dma_start3A_295 = arith.constant 0 : i32
    %dma_start3A_296 = tpu.memref_slice %arg8[%dma_start3A_295] : memref<102400xf32, #tpu.memory_space<vmem_shared>> -> memref<102400xf32, #tpu.memory_space<vmem_shared>>
    %dma_start3A_297 = tpu.memref_slice %arg10[%dma_start3A_291] : memref<2x!tpu.dma_semaphore, #tpu.memory_space<semaphore_mem>> -> memref<1x!tpu.dma_semaphore, #tpu.memory_space<semaphore_mem>>
    %dma_start3A_298 = tpu.memref_squeeze %dma_start3A_297 : memref<1x!tpu.dma_semaphore, #tpu.memory_space<semaphore_mem>> -> memref<!tpu.dma_semaphore, #tpu.memory_space<semaphore_mem>>
    tpu.enqueue_indirect_dma source(%arg7 : memref<128xf32, #tpu.memory_space<vmem>>) target(%dma_start3A_296 : memref<102400xf32, #tpu.memory_space<vmem_shared>>) offsets(%dma_start3A_294 : memref<128xi32, #tpu.memory_space<vmem>>) semaphore(%dma_start3A_298 : memref<!tpu.dma_semaphore, #tpu.memory_space<semaphore_mem>>) {add = true}
    %dma_start3A_299 = arith.constant 1 : i32
    %dma_start3A_300 = arith.constant 2 : i32
    %dma_start3A_301 = arith.constant 1 : i32
    %dma_start3A_302 = arith.constant 0 : i32
    %dma_start3A_303 = tpu.memref_slice %arg6[%dma_start3A_299, %dma_start3A_300, %dma_start3A_302] : memref<4x16x128xi32, #tpu.memory_space<vmem>> -> memref<1x1x128xi32, #tpu.memory_space<vmem>>
    %dma_start3A_304 = tpu.memref_squeeze %dma_start3A_303 : memref<1x1x128xi32, #tpu.memory_space<vmem>> -> memref<128xi32, #tpu.memory_space<vmem>>
    %dma_start3A_305 = arith.constant 0 : i32
    %dma_start3A_306 = tpu.memref_slice %arg8[%dma_start3A_305] : memref<102400xf32, #tpu.memory_space<vmem_shared>> -> memref<102400xf32, #tpu.memory_space<vmem_shared>>
    %dma_start3A_307 = tpu.memref_slice %arg10[%dma_start3A_301] : memref<2x!tpu.dma_semaphore, #tpu.memory_space<semaphore_mem>> -> memref<1x!tpu.dma_semaphore, #tpu.memory_space<semaphore_mem>>
    %dma_start3A_308 = tpu.memref_squeeze %dma_start3A_307 : memref<1x!tpu.dma_semaphore, #tpu.memory_space<semaphore_mem>> -> memref<!tpu.dma_semaphore, #tpu.memory_space<semaphore_mem>>
    tpu.enqueue_indirect_dma source(%arg7 : memref<128xf32, #tpu.memory_space<vmem>>) target(%dma_start3A_306 : memref<102400xf32, #tpu.memory_space<vmem_shared>>) offsets(%dma_start3A_304 : memref<128xi32, #tpu.memory_space<vmem>>) semaphore(%dma_start3A_308 : memref<!tpu.dma_semaphore, #tpu.memory_space<semaphore_mem>>) {add = true}
    %dma_start3A_309 = arith.constant 1 : i32
    %dma_start3A_310 = arith.constant 3 : i32
    %dma_start3A_311 = arith.constant 1 : i32
    %dma_start3A_312 = arith.constant 0 : i32
    %dma_start3A_313 = tpu.memref_slice %arg6[%dma_start3A_309, %dma_start3A_310, %dma_start3A_312] : memref<4x16x128xi32, #tpu.memory_space<vmem>> -> memref<1x1x128xi32, #tpu.memory_space<vmem>>
    %dma_start3A_314 = tpu.memref_squeeze %dma_start3A_313 : memref<1x1x128xi32, #tpu.memory_space<vmem>> -> memref<128xi32, #tpu.memory_space<vmem>>
    %dma_start3A_315 = arith.constant 0 : i32
    %dma_start3A_316 = tpu.memref_slice %arg8[%dma_start3A_315] : memref<102400xf32, #tpu.memory_space<vmem_shared>> -> memref<102400xf32, #tpu.memory_space<vmem_shared>>
    %dma_start3A_317 = tpu.memref_slice %arg10[%dma_start3A_311] : memref<2x!tpu.dma_semaphore, #tpu.memory_space<semaphore_mem>> -> memref<1x!tpu.dma_semaphore, #tpu.memory_space<semaphore_mem>>
    %dma_start3A_318 = tpu.memref_squeeze %dma_start3A_317 : memref<1x!tpu.dma_semaphore, #tpu.memory_space<semaphore_mem>> -> memref<!tpu.dma_semaphore, #tpu.memory_space<semaphore_mem>>
    tpu.enqueue_indirect_dma source(%arg7 : memref<128xf32, #tpu.memory_space<vmem>>) target(%dma_start3A_316 : memref<102400xf32, #tpu.memory_space<vmem_shared>>) offsets(%dma_start3A_314 : memref<128xi32, #tpu.memory_space<vmem>>) semaphore(%dma_start3A_318 : memref<!tpu.dma_semaphore, #tpu.memory_space<semaphore_mem>>) {add = true}
    %dma_start3A_319 = arith.constant 1 : i32
    %dma_start3A_320 = arith.constant 4 : i32
    %dma_start3A_321 = arith.constant 1 : i32
    %dma_start3A_322 = arith.constant 0 : i32
    %dma_start3A_323 = tpu.memref_slice %arg6[%dma_start3A_319, %dma_start3A_320, %dma_start3A_322] : memref<4x16x128xi32, #tpu.memory_space<vmem>> -> memref<1x1x128xi32, #tpu.memory_space<vmem>>
    %dma_start3A_324 = tpu.memref_squeeze %dma_start3A_323 : memref<1x1x128xi32, #tpu.memory_space<vmem>> -> memref<128xi32, #tpu.memory_space<vmem>>
    %dma_start3A_325 = arith.constant 0 : i32
    %dma_start3A_326 = tpu.memref_slice %arg8[%dma_start3A_325] : memref<102400xf32, #tpu.memory_space<vmem_shared>> -> memref<102400xf32, #tpu.memory_space<vmem_shared>>
    %dma_start3A_327 = tpu.memref_slice %arg10[%dma_start3A_321] : memref<2x!tpu.dma_semaphore, #tpu.memory_space<semaphore_mem>> -> memref<1x!tpu.dma_semaphore, #tpu.memory_space<semaphore_mem>>
    %dma_start3A_328 = tpu.memref_squeeze %dma_start3A_327 : memref<1x!tpu.dma_semaphore, #tpu.memory_space<semaphore_mem>> -> memref<!tpu.dma_semaphore, #tpu.memory_space<semaphore_mem>>
    tpu.enqueue_indirect_dma source(%arg7 : memref<128xf32, #tpu.memory_space<vmem>>) target(%dma_start3A_326 : memref<102400xf32, #tpu.memory_space<vmem_shared>>) offsets(%dma_start3A_324 : memref<128xi32, #tpu.memory_space<vmem>>) semaphore(%dma_start3A_328 : memref<!tpu.dma_semaphore, #tpu.memory_space<semaphore_mem>>) {add = true}
    %dma_start3A_329 = arith.constant 1 : i32
    %dma_start3A_330 = arith.constant 5 : i32
    %dma_start3A_331 = arith.constant 1 : i32
    %dma_start3A_332 = arith.constant 0 : i32
    %dma_start3A_333 = tpu.memref_slice %arg6[%dma_start3A_329, %dma_start3A_330, %dma_start3A_332] : memref<4x16x128xi32, #tpu.memory_space<vmem>> -> memref<1x1x128xi32, #tpu.memory_space<vmem>>
    %dma_start3A_334 = tpu.memref_squeeze %dma_start3A_333 : memref<1x1x128xi32, #tpu.memory_space<vmem>> -> memref<128xi32, #tpu.memory_space<vmem>>
    %dma_start3A_335 = arith.constant 0 : i32
    %dma_start3A_336 = tpu.memref_slice %arg8[%dma_start3A_335] : memref<102400xf32, #tpu.memory_space<vmem_shared>> -> memref<102400xf32, #tpu.memory_space<vmem_shared>>
    %dma_start3A_337 = tpu.memref_slice %arg10[%dma_start3A_331] : memref<2x!tpu.dma_semaphore, #tpu.memory_space<semaphore_mem>> -> memref<1x!tpu.dma_semaphore, #tpu.memory_space<semaphore_mem>>
    %dma_start3A_338 = tpu.memref_squeeze %dma_start3A_337 : memref<1x!tpu.dma_semaphore, #tpu.memory_space<semaphore_mem>> -> memref<!tpu.dma_semaphore, #tpu.memory_space<semaphore_mem>>
    tpu.enqueue_indirect_dma source(%arg7 : memref<128xf32, #tpu.memory_space<vmem>>) target(%dma_start3A_336 : memref<102400xf32, #tpu.memory_space<vmem_shared>>) offsets(%dma_start3A_334 : memref<128xi32, #tpu.memory_space<vmem>>) semaphore(%dma_start3A_338 : memref<!tpu.dma_semaphore, #tpu.memory_space<semaphore_mem>>) {add = true}
    %dma_start3A_339 = arith.constant 1 : i32
    %dma_start3A_340 = arith.constant 6 : i32
    %dma_start3A_341 = arith.constant 1 : i32
    %dma_start3A_342 = arith.constant 0 : i32
    %dma_start3A_343 = tpu.memref_slice %arg6[%dma_start3A_339, %dma_start3A_340, %dma_start3A_342] : memref<4x16x128xi32, #tpu.memory_space<vmem>> -> memref<1x1x128xi32, #tpu.memory_space<vmem>>
    %dma_start3A_344 = tpu.memref_squeeze %dma_start3A_343 : memref<1x1x128xi32, #tpu.memory_space<vmem>> -> memref<128xi32, #tpu.memory_space<vmem>>
    %dma_start3A_345 = arith.constant 0 : i32
    %dma_start3A_346 = tpu.memref_slice %arg8[%dma_start3A_345] : memref<102400xf32, #tpu.memory_space<vmem_shared>> -> memref<102400xf32, #tpu.memory_space<vmem_shared>>
    %dma_start3A_347 = tpu.memref_slice %arg10[%dma_start3A_341] : memref<2x!tpu.dma_semaphore, #tpu.memory_space<semaphore_mem>> -> memref<1x!tpu.dma_semaphore, #tpu.memory_space<semaphore_mem>>
    %dma_start3A_348 = tpu.memref_squeeze %dma_start3A_347 : memref<1x!tpu.dma_semaphore, #tpu.memory_space<semaphore_mem>> -> memref<!tpu.dma_semaphore, #tpu.memory_space<semaphore_mem>>
    tpu.enqueue_indirect_dma source(%arg7 : memref<128xf32, #tpu.memory_space<vmem>>) target(%dma_start3A_346 : memref<102400xf32, #tpu.memory_space<vmem_shared>>) offsets(%dma_start3A_344 : memref<128xi32, #tpu.memory_space<vmem>>) semaphore(%dma_start3A_348 : memref<!tpu.dma_semaphore, #tpu.memory_space<semaphore_mem>>) {add = true}
    %dma_start3A_349 = arith.constant 1 : i32
    %dma_start3A_350 = arith.constant 7 : i32
    %dma_start3A_351 = arith.constant 1 : i32
    %dma_start3A_352 = arith.constant 0 : i32
    %dma_start3A_353 = tpu.memref_slice %arg6[%dma_start3A_349, %dma_start3A_350, %dma_start3A_352] : memref<4x16x128xi32, #tpu.memory_space<vmem>> -> memref<1x1x128xi32, #tpu.memory_space<vmem>>
    %dma_start3A_354 = tpu.memref_squeeze %dma_start3A_353 : memref<1x1x128xi32, #tpu.memory_space<vmem>> -> memref<128xi32, #tpu.memory_space<vmem>>
    %dma_start3A_355 = arith.constant 0 : i32
    %dma_start3A_356 = tpu.memref_slice %arg8[%dma_start3A_355] : memref<102400xf32, #tpu.memory_space<vmem_shared>> -> memref<102400xf32, #tpu.memory_space<vmem_shared>>
    %dma_start3A_357 = tpu.memref_slice %arg10[%dma_start3A_351] : memref<2x!tpu.dma_semaphore, #tpu.memory_space<semaphore_mem>> -> memref<1x!tpu.dma_semaphore, #tpu.memory_space<semaphore_mem>>
    %dma_start3A_358 = tpu.memref_squeeze %dma_start3A_357 : memref<1x!tpu.dma_semaphore, #tpu.memory_space<semaphore_mem>> -> memref<!tpu.dma_semaphore, #tpu.memory_space<semaphore_mem>>
    tpu.enqueue_indirect_dma source(%arg7 : memref<128xf32, #tpu.memory_space<vmem>>) target(%dma_start3A_356 : memref<102400xf32, #tpu.memory_space<vmem_shared>>) offsets(%dma_start3A_354 : memref<128xi32, #tpu.memory_space<vmem>>) semaphore(%dma_start3A_358 : memref<!tpu.dma_semaphore, #tpu.memory_space<semaphore_mem>>) {add = true}
    %dma_start3A_359 = arith.constant 1 : i32
    %dma_start3A_360 = arith.constant 8 : i32
    %dma_start3A_361 = arith.constant 1 : i32
    %dma_start3A_362 = arith.constant 0 : i32
    %dma_start3A_363 = tpu.memref_slice %arg6[%dma_start3A_359, %dma_start3A_360, %dma_start3A_362] : memref<4x16x128xi32, #tpu.memory_space<vmem>> -> memref<1x1x128xi32, #tpu.memory_space<vmem>>
    %dma_start3A_364 = tpu.memref_squeeze %dma_start3A_363 : memref<1x1x128xi32, #tpu.memory_space<vmem>> -> memref<128xi32, #tpu.memory_space<vmem>>
    %dma_start3A_365 = arith.constant 0 : i32
    %dma_start3A_366 = tpu.memref_slice %arg8[%dma_start3A_365] : memref<102400xf32, #tpu.memory_space<vmem_shared>> -> memref<102400xf32, #tpu.memory_space<vmem_shared>>
    %dma_start3A_367 = tpu.memref_slice %arg10[%dma_start3A_361] : memref<2x!tpu.dma_semaphore, #tpu.memory_space<semaphore_mem>> -> memref<1x!tpu.dma_semaphore, #tpu.memory_space<semaphore_mem>>
    %dma_start3A_368 = tpu.memref_squeeze %dma_start3A_367 : memref<1x!tpu.dma_semaphore, #tpu.memory_space<semaphore_mem>> -> memref<!tpu.dma_semaphore, #tpu.memory_space<semaphore_mem>>
    tpu.enqueue_indirect_dma source(%arg7 : memref<128xf32, #tpu.memory_space<vmem>>) target(%dma_start3A_366 : memref<102400xf32, #tpu.memory_space<vmem_shared>>) offsets(%dma_start3A_364 : memref<128xi32, #tpu.memory_space<vmem>>) semaphore(%dma_start3A_368 : memref<!tpu.dma_semaphore, #tpu.memory_space<semaphore_mem>>) {add = true}
    %dma_start3A_369 = arith.constant 1 : i32
    %dma_start3A_370 = arith.constant 9 : i32
    %dma_start3A_371 = arith.constant 1 : i32
    %dma_start3A_372 = arith.constant 0 : i32
    %dma_start3A_373 = tpu.memref_slice %arg6[%dma_start3A_369, %dma_start3A_370, %dma_start3A_372] : memref<4x16x128xi32, #tpu.memory_space<vmem>> -> memref<1x1x128xi32, #tpu.memory_space<vmem>>
    %dma_start3A_374 = tpu.memref_squeeze %dma_start3A_373 : memref<1x1x128xi32, #tpu.memory_space<vmem>> -> memref<128xi32, #tpu.memory_space<vmem>>
    %dma_start3A_375 = arith.constant 0 : i32
    %dma_start3A_376 = tpu.memref_slice %arg8[%dma_start3A_375] : memref<102400xf32, #tpu.memory_space<vmem_shared>> -> memref<102400xf32, #tpu.memory_space<vmem_shared>>
    %dma_start3A_377 = tpu.memref_slice %arg10[%dma_start3A_371] : memref<2x!tpu.dma_semaphore, #tpu.memory_space<semaphore_mem>> -> memref<1x!tpu.dma_semaphore, #tpu.memory_space<semaphore_mem>>
    %dma_start3A_378 = tpu.memref_squeeze %dma_start3A_377 : memref<1x!tpu.dma_semaphore, #tpu.memory_space<semaphore_mem>> -> memref<!tpu.dma_semaphore, #tpu.memory_space<semaphore_mem>>
    tpu.enqueue_indirect_dma source(%arg7 : memref<128xf32, #tpu.memory_space<vmem>>) target(%dma_start3A_376 : memref<102400xf32, #tpu.memory_space<vmem_shared>>) offsets(%dma_start3A_374 : memref<128xi32, #tpu.memory_space<vmem>>) semaphore(%dma_start3A_378 : memref<!tpu.dma_semaphore, #tpu.memory_space<semaphore_mem>>) {add = true}
    %dma_start3A_379 = arith.constant 1 : i32
    %dma_start3A_380 = arith.constant 10 : i32
    %dma_start3A_381 = arith.constant 1 : i32
    %dma_start3A_382 = arith.constant 0 : i32
    %dma_start3A_383 = tpu.memref_slice %arg6[%dma_start3A_379, %dma_start3A_380, %dma_start3A_382] : memref<4x16x128xi32, #tpu.memory_space<vmem>> -> memref<1x1x128xi32, #tpu.memory_space<vmem>>
    %dma_start3A_384 = tpu.memref_squeeze %dma_start3A_383 : memref<1x1x128xi32, #tpu.memory_space<vmem>> -> memref<128xi32, #tpu.memory_space<vmem>>
    %dma_start3A_385 = arith.constant 0 : i32
    %dma_start3A_386 = tpu.memref_slice %arg8[%dma_start3A_385] : memref<102400xf32, #tpu.memory_space<vmem_shared>> -> memref<102400xf32, #tpu.memory_space<vmem_shared>>
    %dma_start3A_387 = tpu.memref_slice %arg10[%dma_start3A_381] : memref<2x!tpu.dma_semaphore, #tpu.memory_space<semaphore_mem>> -> memref<1x!tpu.dma_semaphore, #tpu.memory_space<semaphore_mem>>
    %dma_start3A_388 = tpu.memref_squeeze %dma_start3A_387 : memref<1x!tpu.dma_semaphore, #tpu.memory_space<semaphore_mem>> -> memref<!tpu.dma_semaphore, #tpu.memory_space<semaphore_mem>>
    tpu.enqueue_indirect_dma source(%arg7 : memref<128xf32, #tpu.memory_space<vmem>>) target(%dma_start3A_386 : memref<102400xf32, #tpu.memory_space<vmem_shared>>) offsets(%dma_start3A_384 : memref<128xi32, #tpu.memory_space<vmem>>) semaphore(%dma_start3A_388 : memref<!tpu.dma_semaphore, #tpu.memory_space<semaphore_mem>>) {add = true}
    %dma_start3A_389 = arith.constant 1 : i32
    %dma_start3A_390 = arith.constant 11 : i32
    %dma_start3A_391 = arith.constant 1 : i32
    %dma_start3A_392 = arith.constant 0 : i32
    %dma_start3A_393 = tpu.memref_slice %arg6[%dma_start3A_389, %dma_start3A_390, %dma_start3A_392] : memref<4x16x128xi32, #tpu.memory_space<vmem>> -> memref<1x1x128xi32, #tpu.memory_space<vmem>>
    %dma_start3A_394 = tpu.memref_squeeze %dma_start3A_393 : memref<1x1x128xi32, #tpu.memory_space<vmem>> -> memref<128xi32, #tpu.memory_space<vmem>>
    %dma_start3A_395 = arith.constant 0 : i32
    %dma_start3A_396 = tpu.memref_slice %arg8[%dma_start3A_395] : memref<102400xf32, #tpu.memory_space<vmem_shared>> -> memref<102400xf32, #tpu.memory_space<vmem_shared>>
    %dma_start3A_397 = tpu.memref_slice %arg10[%dma_start3A_391] : memref<2x!tpu.dma_semaphore, #tpu.memory_space<semaphore_mem>> -> memref<1x!tpu.dma_semaphore, #tpu.memory_space<semaphore_mem>>
    %dma_start3A_398 = tpu.memref_squeeze %dma_start3A_397 : memref<1x!tpu.dma_semaphore, #tpu.memory_space<semaphore_mem>> -> memref<!tpu.dma_semaphore, #tpu.memory_space<semaphore_mem>>
    tpu.enqueue_indirect_dma source(%arg7 : memref<128xf32, #tpu.memory_space<vmem>>) target(%dma_start3A_396 : memref<102400xf32, #tpu.memory_space<vmem_shared>>) offsets(%dma_start3A_394 : memref<128xi32, #tpu.memory_space<vmem>>) semaphore(%dma_start3A_398 : memref<!tpu.dma_semaphore, #tpu.memory_space<semaphore_mem>>) {add = true}
    %dma_start3A_399 = arith.constant 1 : i32
    %dma_start3A_400 = arith.constant 12 : i32
    %dma_start3A_401 = arith.constant 1 : i32
    %dma_start3A_402 = arith.constant 0 : i32
    %dma_start3A_403 = tpu.memref_slice %arg6[%dma_start3A_399, %dma_start3A_400, %dma_start3A_402] : memref<4x16x128xi32, #tpu.memory_space<vmem>> -> memref<1x1x128xi32, #tpu.memory_space<vmem>>
    %dma_start3A_404 = tpu.memref_squeeze %dma_start3A_403 : memref<1x1x128xi32, #tpu.memory_space<vmem>> -> memref<128xi32, #tpu.memory_space<vmem>>
    %dma_start3A_405 = arith.constant 0 : i32
    %dma_start3A_406 = tpu.memref_slice %arg8[%dma_start3A_405] : memref<102400xf32, #tpu.memory_space<vmem_shared>> -> memref<102400xf32, #tpu.memory_space<vmem_shared>>
    %dma_start3A_407 = tpu.memref_slice %arg10[%dma_start3A_401] : memref<2x!tpu.dma_semaphore, #tpu.memory_space<semaphore_mem>> -> memref<1x!tpu.dma_semaphore, #tpu.memory_space<semaphore_mem>>
    %dma_start3A_408 = tpu.memref_squeeze %dma_start3A_407 : memref<1x!tpu.dma_semaphore, #tpu.memory_space<semaphore_mem>> -> memref<!tpu.dma_semaphore, #tpu.memory_space<semaphore_mem>>
    tpu.enqueue_indirect_dma source(%arg7 : memref<128xf32, #tpu.memory_space<vmem>>) target(%dma_start3A_406 : memref<102400xf32, #tpu.memory_space<vmem_shared>>) offsets(%dma_start3A_404 : memref<128xi32, #tpu.memory_space<vmem>>) semaphore(%dma_start3A_408 : memref<!tpu.dma_semaphore, #tpu.memory_space<semaphore_mem>>) {add = true}
    %dma_start3A_409 = arith.constant 1 : i32
    %dma_start3A_410 = arith.constant 13 : i32
    %dma_start3A_411 = arith.constant 1 : i32
    %dma_start3A_412 = arith.constant 0 : i32
    %dma_start3A_413 = tpu.memref_slice %arg6[%dma_start3A_409, %dma_start3A_410, %dma_start3A_412] : memref<4x16x128xi32, #tpu.memory_space<vmem>> -> memref<1x1x128xi32, #tpu.memory_space<vmem>>
    %dma_start3A_414 = tpu.memref_squeeze %dma_start3A_413 : memref<1x1x128xi32, #tpu.memory_space<vmem>> -> memref<128xi32, #tpu.memory_space<vmem>>
    %dma_start3A_415 = arith.constant 0 : i32
    %dma_start3A_416 = tpu.memref_slice %arg8[%dma_start3A_415] : memref<102400xf32, #tpu.memory_space<vmem_shared>> -> memref<102400xf32, #tpu.memory_space<vmem_shared>>
    %dma_start3A_417 = tpu.memref_slice %arg10[%dma_start3A_411] : memref<2x!tpu.dma_semaphore, #tpu.memory_space<semaphore_mem>> -> memref<1x!tpu.dma_semaphore, #tpu.memory_space<semaphore_mem>>
    %dma_start3A_418 = tpu.memref_squeeze %dma_start3A_417 : memref<1x!tpu.dma_semaphore, #tpu.memory_space<semaphore_mem>> -> memref<!tpu.dma_semaphore, #tpu.memory_space<semaphore_mem>>
    tpu.enqueue_indirect_dma source(%arg7 : memref<128xf32, #tpu.memory_space<vmem>>) target(%dma_start3A_416 : memref<102400xf32, #tpu.memory_space<vmem_shared>>) offsets(%dma_start3A_414 : memref<128xi32, #tpu.memory_space<vmem>>) semaphore(%dma_start3A_418 : memref<!tpu.dma_semaphore, #tpu.memory_space<semaphore_mem>>) {add = true}
    %dma_start3A_419 = arith.constant 1 : i32
    %dma_start3A_420 = arith.constant 14 : i32
    %dma_start3A_421 = arith.constant 1 : i32
    %dma_start3A_422 = arith.constant 0 : i32
    %dma_start3A_423 = tpu.memref_slice %arg6[%dma_start3A_419, %dma_start3A_420, %dma_start3A_422] : memref<4x16x128xi32, #tpu.memory_space<vmem>> -> memref<1x1x128xi32, #tpu.memory_space<vmem>>
    %dma_start3A_424 = tpu.memref_squeeze %dma_start3A_423 : memref<1x1x128xi32, #tpu.memory_space<vmem>> -> memref<128xi32, #tpu.memory_space<vmem>>
    %dma_start3A_425 = arith.constant 0 : i32
    %dma_start3A_426 = tpu.memref_slice %arg8[%dma_start3A_425] : memref<102400xf32, #tpu.memory_space<vmem_shared>> -> memref<102400xf32, #tpu.memory_space<vmem_shared>>
    %dma_start3A_427 = tpu.memref_slice %arg10[%dma_start3A_421] : memref<2x!tpu.dma_semaphore, #tpu.memory_space<semaphore_mem>> -> memref<1x!tpu.dma_semaphore, #tpu.memory_space<semaphore_mem>>
    %dma_start3A_428 = tpu.memref_squeeze %dma_start3A_427 : memref<1x!tpu.dma_semaphore, #tpu.memory_space<semaphore_mem>> -> memref<!tpu.dma_semaphore, #tpu.memory_space<semaphore_mem>>
    tpu.enqueue_indirect_dma source(%arg7 : memref<128xf32, #tpu.memory_space<vmem>>) target(%dma_start3A_426 : memref<102400xf32, #tpu.memory_space<vmem_shared>>) offsets(%dma_start3A_424 : memref<128xi32, #tpu.memory_space<vmem>>) semaphore(%dma_start3A_428 : memref<!tpu.dma_semaphore, #tpu.memory_space<semaphore_mem>>) {add = true}
    %dma_start3A_429 = arith.constant 1 : i32
    %dma_start3A_430 = arith.constant 15 : i32
    %dma_start3A_431 = arith.constant 1 : i32
    %dma_start3A_432 = arith.constant 0 : i32
    %dma_start3A_433 = tpu.memref_slice %arg6[%dma_start3A_429, %dma_start3A_430, %dma_start3A_432] : memref<4x16x128xi32, #tpu.memory_space<vmem>> -> memref<1x1x128xi32, #tpu.memory_space<vmem>>
    %dma_start3A_434 = tpu.memref_squeeze %dma_start3A_433 : memref<1x1x128xi32, #tpu.memory_space<vmem>> -> memref<128xi32, #tpu.memory_space<vmem>>
    %dma_start3A_435 = arith.constant 0 : i32
    %dma_start3A_436 = tpu.memref_slice %arg8[%dma_start3A_435] : memref<102400xf32, #tpu.memory_space<vmem_shared>> -> memref<102400xf32, #tpu.memory_space<vmem_shared>>
    %dma_start3A_437 = tpu.memref_slice %arg10[%dma_start3A_431] : memref<2x!tpu.dma_semaphore, #tpu.memory_space<semaphore_mem>> -> memref<1x!tpu.dma_semaphore, #tpu.memory_space<semaphore_mem>>
    %dma_start3A_438 = tpu.memref_squeeze %dma_start3A_437 : memref<1x!tpu.dma_semaphore, #tpu.memory_space<semaphore_mem>> -> memref<!tpu.dma_semaphore, #tpu.memory_space<semaphore_mem>>
    tpu.enqueue_indirect_dma source(%arg7 : memref<128xf32, #tpu.memory_space<vmem>>) target(%dma_start3A_436 : memref<102400xf32, #tpu.memory_space<vmem_shared>>) offsets(%dma_start3A_434 : memref<128xi32, #tpu.memory_space<vmem>>) semaphore(%dma_start3A_438 : memref<!tpu.dma_semaphore, #tpu.memory_space<semaphore_mem>>) {add = true}
    %scan3A = arith.constant 0 : i32
    %scan3A_439 = arith.constant 0 : i32
    %scan3A_440 = arith.constant 24 : i32
    %scan3A_441 = arith.addi %scan3A_439, %scan3A_440 : i32
    %scan3A_442 = arith.constant 1 : i32
    scf.for %scan3A_1256 = %scan3A_439 to %scan3A_441 step %scan3A_442  : i32 {
      %mul3A_1257 = arith.constant 4 : i32
      %mul3A_1258 = arith.muli %mul3A_1257, %scan3A_1256 : i32
      %add3A_1259 = arith.constant 2 : i32
      %add3A_1260 = arith.addi %add3A_1259, %mul3A_1258 : i32
      %add3A_1261 = arith.constant 0 : i32
      %add3A_1262 = arith.addi %add3A_1260, %add3A_1261 : i32
      %dma_wait3A_1263 = arith.constant 0 : i32
      %dma_wait3A_1264 = arith.constant 0 : i32
      %dma_wait3A_1265 = tpu.memref_slice %arg4[%dma_wait3A_1264] : memref<102400xf32, #tpu.memory_space<hbm>> -> memref<128xf32, #tpu.memory_space<hbm>>
      %dma_wait3A_1266 = tpu.memref_slice %arg10[%dma_wait3A_1263] : memref<2x!tpu.dma_semaphore, #tpu.memory_space<semaphore_mem>> -> memref<1x!tpu.dma_semaphore, #tpu.memory_space<semaphore_mem>>
      %dma_wait3A_1267 = tpu.memref_squeeze %dma_wait3A_1266 : memref<1x!tpu.dma_semaphore, #tpu.memory_space<semaphore_mem>> -> memref<!tpu.dma_semaphore, #tpu.memory_space<semaphore_mem>>
      %dma_wait3A_1268 = arith.constant 0 : i32
      %dma_wait3A_1269 = tpu.memref_slice %arg4[%dma_wait3A_1268] : memref<102400xf32, #tpu.memory_space<hbm>> -> memref<128xf32, #tpu.memory_space<hbm>>
      tpu.wait_dma2 semaphore(%dma_wait3A_1267 : memref<!tpu.dma_semaphore, #tpu.memory_space<semaphore_mem>>) src(%dma_wait3A_1269 : memref<128xf32, #tpu.memory_space<hbm>>) dst(%arg7 : memref<128xf32, #tpu.memory_space<vmem>>)
      %dma_wait3A_1270 = arith.constant 0 : i32
      %dma_wait3A_1271 = arith.constant 0 : i32
      %dma_wait3A_1272 = tpu.memref_slice %arg4[%dma_wait3A_1271] : memref<102400xf32, #tpu.memory_space<hbm>> -> memref<128xf32, #tpu.memory_space<hbm>>
      %dma_wait3A_1273 = tpu.memref_slice %arg10[%dma_wait3A_1270] : memref<2x!tpu.dma_semaphore, #tpu.memory_space<semaphore_mem>> -> memref<1x!tpu.dma_semaphore, #tpu.memory_space<semaphore_mem>>
      %dma_wait3A_1274 = tpu.memref_squeeze %dma_wait3A_1273 : memref<1x!tpu.dma_semaphore, #tpu.memory_space<semaphore_mem>> -> memref<!tpu.dma_semaphore, #tpu.memory_space<semaphore_mem>>
      %dma_wait3A_1275 = arith.constant 0 : i32
      %dma_wait3A_1276 = tpu.memref_slice %arg4[%dma_wait3A_1275] : memref<102400xf32, #tpu.memory_space<hbm>> -> memref<128xf32, #tpu.memory_space<hbm>>
      tpu.wait_dma2 semaphore(%dma_wait3A_1274 : memref<!tpu.dma_semaphore, #tpu.memory_space<semaphore_mem>>) src(%dma_wait3A_1276 : memref<128xf32, #tpu.memory_space<hbm>>) dst(%arg7 : memref<128xf32, #tpu.memory_space<vmem>>)
      %dma_wait3A_1277 = arith.constant 0 : i32
      %dma_wait3A_1278 = arith.constant 0 : i32
      %dma_wait3A_1279 = tpu.memref_slice %arg4[%dma_wait3A_1278] : memref<102400xf32, #tpu.memory_space<hbm>> -> memref<128xf32, #tpu.memory_space<hbm>>
      %dma_wait3A_1280 = tpu.memref_slice %arg10[%dma_wait3A_1277] : memref<2x!tpu.dma_semaphore, #tpu.memory_space<semaphore_mem>> -> memref<1x!tpu.dma_semaphore, #tpu.memory_space<semaphore_mem>>
      %dma_wait3A_1281 = tpu.memref_squeeze %dma_wait3A_1280 : memref<1x!tpu.dma_semaphore, #tpu.memory_space<semaphore_mem>> -> memref<!tpu.dma_semaphore, #tpu.memory_space<semaphore_mem>>
      %dma_wait3A_1282 = arith.constant 0 : i32
      %dma_wait3A_1283 = tpu.memref_slice %arg4[%dma_wait3A_1282] : memref<102400xf32, #tpu.memory_space<hbm>> -> memref<128xf32, #tpu.memory_space<hbm>>
      tpu.wait_dma2 semaphore(%dma_wait3A_1281 : memref<!tpu.dma_semaphore, #tpu.memory_space<semaphore_mem>>) src(%dma_wait3A_1283 : memref<128xf32, #tpu.memory_space<hbm>>) dst(%arg7 : memref<128xf32, #tpu.memory_space<vmem>>)
      %dma_wait3A_1284 = arith.constant 0 : i32
      %dma_wait3A_1285 = arith.constant 0 : i32
      %dma_wait3A_1286 = tpu.memref_slice %arg4[%dma_wait3A_1285] : memref<102400xf32, #tpu.memory_space<hbm>> -> memref<128xf32, #tpu.memory_space<hbm>>
      %dma_wait3A_1287 = tpu.memref_slice %arg10[%dma_wait3A_1284] : memref<2x!tpu.dma_semaphore, #tpu.memory_space<semaphore_mem>> -> memref<1x!tpu.dma_semaphore, #tpu.memory_space<semaphore_mem>>
      %dma_wait3A_1288 = tpu.memref_squeeze %dma_wait3A_1287 : memref<1x!tpu.dma_semaphore, #tpu.memory_space<semaphore_mem>> -> memref<!tpu.dma_semaphore, #tpu.memory_space<semaphore_mem>>
      %dma_wait3A_1289 = arith.constant 0 : i32
      %dma_wait3A_1290 = tpu.memref_slice %arg4[%dma_wait3A_1289] : memref<102400xf32, #tpu.memory_space<hbm>> -> memref<128xf32, #tpu.memory_space<hbm>>
      tpu.wait_dma2 semaphore(%dma_wait3A_1288 : memref<!tpu.dma_semaphore, #tpu.memory_space<semaphore_mem>>) src(%dma_wait3A_1290 : memref<128xf32, #tpu.memory_space<hbm>>) dst(%arg7 : memref<128xf32, #tpu.memory_space<vmem>>)
      %dma_wait3A_1291 = arith.constant 0 : i32
      %dma_wait3A_1292 = arith.constant 0 : i32
      %dma_wait3A_1293 = tpu.memref_slice %arg4[%dma_wait3A_1292] : memref<102400xf32, #tpu.memory_space<hbm>> -> memref<128xf32, #tpu.memory_space<hbm>>
      %dma_wait3A_1294 = tpu.memref_slice %arg10[%dma_wait3A_1291] : memref<2x!tpu.dma_semaphore, #tpu.memory_space<semaphore_mem>> -> memref<1x!tpu.dma_semaphore, #tpu.memory_space<semaphore_mem>>
      %dma_wait3A_1295 = tpu.memref_squeeze %dma_wait3A_1294 : memref<1x!tpu.dma_semaphore, #tpu.memory_space<semaphore_mem>> -> memref<!tpu.dma_semaphore, #tpu.memory_space<semaphore_mem>>
      %dma_wait3A_1296 = arith.constant 0 : i32
      %dma_wait3A_1297 = tpu.memref_slice %arg4[%dma_wait3A_1296] : memref<102400xf32, #tpu.memory_space<hbm>> -> memref<128xf32, #tpu.memory_space<hbm>>
      tpu.wait_dma2 semaphore(%dma_wait3A_1295 : memref<!tpu.dma_semaphore, #tpu.memory_space<semaphore_mem>>) src(%dma_wait3A_1297 : memref<128xf32, #tpu.memory_space<hbm>>) dst(%arg7 : memref<128xf32, #tpu.memory_space<vmem>>)
      %dma_wait3A_1298 = arith.constant 0 : i32
      %dma_wait3A_1299 = arith.constant 0 : i32
      %dma_wait3A_1300 = tpu.memref_slice %arg4[%dma_wait3A_1299] : memref<102400xf32, #tpu.memory_space<hbm>> -> memref<128xf32, #tpu.memory_space<hbm>>
      %dma_wait3A_1301 = tpu.memref_slice %arg10[%dma_wait3A_1298] : memref<2x!tpu.dma_semaphore, #tpu.memory_space<semaphore_mem>> -> memref<1x!tpu.dma_semaphore, #tpu.memory_space<semaphore_mem>>
      %dma_wait3A_1302 = tpu.memref_squeeze %dma_wait3A_1301 : memref<1x!tpu.dma_semaphore, #tpu.memory_space<semaphore_mem>> -> memref<!tpu.dma_semaphore, #tpu.memory_space<semaphore_mem>>
      %dma_wait3A_1303 = arith.constant 0 : i32
      %dma_wait3A_1304 = tpu.memref_slice %arg4[%dma_wait3A_1303] : memref<102400xf32, #tpu.memory_space<hbm>> -> memref<128xf32, #tpu.memory_space<hbm>>
      tpu.wait_dma2 semaphore(%dma_wait3A_1302 : memref<!tpu.dma_semaphore, #tpu.memory_space<semaphore_mem>>) src(%dma_wait3A_1304 : memref<128xf32, #tpu.memory_space<hbm>>) dst(%arg7 : memref<128xf32, #tpu.memory_space<vmem>>)
      %dma_wait3A_1305 = arith.constant 0 : i32
      %dma_wait3A_1306 = arith.constant 0 : i32
      %dma_wait3A_1307 = tpu.memref_slice %arg4[%dma_wait3A_1306] : memref<102400xf32, #tpu.memory_space<hbm>> -> memref<128xf32, #tpu.memory_space<hbm>>
      %dma_wait3A_1308 = tpu.memref_slice %arg10[%dma_wait3A_1305] : memref<2x!tpu.dma_semaphore, #tpu.memory_space<semaphore_mem>> -> memref<1x!tpu.dma_semaphore, #tpu.memory_space<semaphore_mem>>
      %dma_wait3A_1309 = tpu.memref_squeeze %dma_wait3A_1308 : memref<1x!tpu.dma_semaphore, #tpu.memory_space<semaphore_mem>> -> memref<!tpu.dma_semaphore, #tpu.memory_space<semaphore_mem>>
      %dma_wait3A_1310 = arith.constant 0 : i32
      %dma_wait3A_1311 = tpu.memref_slice %arg4[%dma_wait3A_1310] : memref<102400xf32, #tpu.memory_space<hbm>> -> memref<128xf32, #tpu.memory_space<hbm>>
      tpu.wait_dma2 semaphore(%dma_wait3A_1309 : memref<!tpu.dma_semaphore, #tpu.memory_space<semaphore_mem>>) src(%dma_wait3A_1311 : memref<128xf32, #tpu.memory_space<hbm>>) dst(%arg7 : memref<128xf32, #tpu.memory_space<vmem>>)
      %dma_wait3A_1312 = arith.constant 0 : i32
      %dma_wait3A_1313 = arith.constant 0 : i32
      %dma_wait3A_1314 = tpu.memref_slice %arg4[%dma_wait3A_1313] : memref<102400xf32, #tpu.memory_space<hbm>> -> memref<128xf32, #tpu.memory_space<hbm>>
      %dma_wait3A_1315 = tpu.memref_slice %arg10[%dma_wait3A_1312] : memref<2x!tpu.dma_semaphore, #tpu.memory_space<semaphore_mem>> -> memref<1x!tpu.dma_semaphore, #tpu.memory_space<semaphore_mem>>
      %dma_wait3A_1316 = tpu.memref_squeeze %dma_wait3A_1315 : memref<1x!tpu.dma_semaphore, #tpu.memory_space<semaphore_mem>> -> memref<!tpu.dma_semaphore, #tpu.memory_space<semaphore_mem>>
      %dma_wait3A_1317 = arith.constant 0 : i32
      %dma_wait3A_1318 = tpu.memref_slice %arg4[%dma_wait3A_1317] : memref<102400xf32, #tpu.memory_space<hbm>> -> memref<128xf32, #tpu.memory_space<hbm>>
      tpu.wait_dma2 semaphore(%dma_wait3A_1316 : memref<!tpu.dma_semaphore, #tpu.memory_space<semaphore_mem>>) src(%dma_wait3A_1318 : memref<128xf32, #tpu.memory_space<hbm>>) dst(%arg7 : memref<128xf32, #tpu.memory_space<vmem>>)
      %dma_wait3A_1319 = arith.constant 0 : i32
      %dma_wait3A_1320 = arith.constant 0 : i32
      %dma_wait3A_1321 = tpu.memref_slice %arg4[%dma_wait3A_1320] : memref<102400xf32, #tpu.memory_space<hbm>> -> memref<128xf32, #tpu.memory_space<hbm>>
      %dma_wait3A_1322 = tpu.memref_slice %arg10[%dma_wait3A_1319] : memref<2x!tpu.dma_semaphore, #tpu.memory_space<semaphore_mem>> -> memref<1x!tpu.dma_semaphore, #tpu.memory_space<semaphore_mem>>
      %dma_wait3A_1323 = tpu.memref_squeeze %dma_wait3A_1322 : memref<1x!tpu.dma_semaphore, #tpu.memory_space<semaphore_mem>> -> memref<!tpu.dma_semaphore, #tpu.memory_space<semaphore_mem>>
      %dma_wait3A_1324 = arith.constant 0 : i32
      %dma_wait3A_1325 = tpu.memref_slice %arg4[%dma_wait3A_1324] : memref<102400xf32, #tpu.memory_space<hbm>> -> memref<128xf32, #tpu.memory_space<hbm>>
      tpu.wait_dma2 semaphore(%dma_wait3A_1323 : memref<!tpu.dma_semaphore, #tpu.memory_space<semaphore_mem>>) src(%dma_wait3A_1325 : memref<128xf32, #tpu.memory_space<hbm>>) dst(%arg7 : memref<128xf32, #tpu.memory_space<vmem>>)
      %dma_wait3A_1326 = arith.constant 0 : i32
      %dma_wait3A_1327 = arith.constant 0 : i32
      %dma_wait3A_1328 = tpu.memref_slice %arg4[%dma_wait3A_1327] : memref<102400xf32, #tpu.memory_space<hbm>> -> memref<128xf32, #tpu.memory_space<hbm>>
      %dma_wait3A_1329 = tpu.memref_slice %arg10[%dma_wait3A_1326] : memref<2x!tpu.dma_semaphore, #tpu.memory_space<semaphore_mem>> -> memref<1x!tpu.dma_semaphore, #tpu.memory_space<semaphore_mem>>
      %dma_wait3A_1330 = tpu.memref_squeeze %dma_wait3A_1329 : memref<1x!tpu.dma_semaphore, #tpu.memory_space<semaphore_mem>> -> memref<!tpu.dma_semaphore, #tpu.memory_space<semaphore_mem>>
      %dma_wait3A_1331 = arith.constant 0 : i32
      %dma_wait3A_1332 = tpu.memref_slice %arg4[%dma_wait3A_1331] : memref<102400xf32, #tpu.memory_space<hbm>> -> memref<128xf32, #tpu.memory_space<hbm>>
      tpu.wait_dma2 semaphore(%dma_wait3A_1330 : memref<!tpu.dma_semaphore, #tpu.memory_space<semaphore_mem>>) src(%dma_wait3A_1332 : memref<128xf32, #tpu.memory_space<hbm>>) dst(%arg7 : memref<128xf32, #tpu.memory_space<vmem>>)
      %dma_wait3A_1333 = arith.constant 0 : i32
      %dma_wait3A_1334 = arith.constant 0 : i32
      %dma_wait3A_1335 = tpu.memref_slice %arg4[%dma_wait3A_1334] : memref<102400xf32, #tpu.memory_space<hbm>> -> memref<128xf32, #tpu.memory_space<hbm>>
      %dma_wait3A_1336 = tpu.memref_slice %arg10[%dma_wait3A_1333] : memref<2x!tpu.dma_semaphore, #tpu.memory_space<semaphore_mem>> -> memref<1x!tpu.dma_semaphore, #tpu.memory_space<semaphore_mem>>
      %dma_wait3A_1337 = tpu.memref_squeeze %dma_wait3A_1336 : memref<1x!tpu.dma_semaphore, #tpu.memory_space<semaphore_mem>> -> memref<!tpu.dma_semaphore, #tpu.memory_space<semaphore_mem>>
      %dma_wait3A_1338 = arith.constant 0 : i32
      %dma_wait3A_1339 = tpu.memref_slice %arg4[%dma_wait3A_1338] : memref<102400xf32, #tpu.memory_space<hbm>> -> memref<128xf32, #tpu.memory_space<hbm>>
      tpu.wait_dma2 semaphore(%dma_wait3A_1337 : memref<!tpu.dma_semaphore, #tpu.memory_space<semaphore_mem>>) src(%dma_wait3A_1339 : memref<128xf32, #tpu.memory_space<hbm>>) dst(%arg7 : memref<128xf32, #tpu.memory_space<vmem>>)
      %dma_wait3A_1340 = arith.constant 0 : i32
      %dma_wait3A_1341 = arith.constant 0 : i32
      %dma_wait3A_1342 = tpu.memref_slice %arg4[%dma_wait3A_1341] : memref<102400xf32, #tpu.memory_space<hbm>> -> memref<128xf32, #tpu.memory_space<hbm>>
      %dma_wait3A_1343 = tpu.memref_slice %arg10[%dma_wait3A_1340] : memref<2x!tpu.dma_semaphore, #tpu.memory_space<semaphore_mem>> -> memref<1x!tpu.dma_semaphore, #tpu.memory_space<semaphore_mem>>
      %dma_wait3A_1344 = tpu.memref_squeeze %dma_wait3A_1343 : memref<1x!tpu.dma_semaphore, #tpu.memory_space<semaphore_mem>> -> memref<!tpu.dma_semaphore, #tpu.memory_space<semaphore_mem>>
      %dma_wait3A_1345 = arith.constant 0 : i32
      %dma_wait3A_1346 = tpu.memref_slice %arg4[%dma_wait3A_1345] : memref<102400xf32, #tpu.memory_space<hbm>> -> memref<128xf32, #tpu.memory_space<hbm>>
      tpu.wait_dma2 semaphore(%dma_wait3A_1344 : memref<!tpu.dma_semaphore, #tpu.memory_space<semaphore_mem>>) src(%dma_wait3A_1346 : memref<128xf32, #tpu.memory_space<hbm>>) dst(%arg7 : memref<128xf32, #tpu.memory_space<vmem>>)
      %dma_wait3A_1347 = arith.constant 0 : i32
      %dma_wait3A_1348 = arith.constant 0 : i32
      %dma_wait3A_1349 = tpu.memref_slice %arg4[%dma_wait3A_1348] : memref<102400xf32, #tpu.memory_space<hbm>> -> memref<128xf32, #tpu.memory_space<hbm>>
      %dma_wait3A_1350 = tpu.memref_slice %arg10[%dma_wait3A_1347] : memref<2x!tpu.dma_semaphore, #tpu.memory_space<semaphore_mem>> -> memref<1x!tpu.dma_semaphore, #tpu.memory_space<semaphore_mem>>
      %dma_wait3A_1351 = tpu.memref_squeeze %dma_wait3A_1350 : memref<1x!tpu.dma_semaphore, #tpu.memory_space<semaphore_mem>> -> memref<!tpu.dma_semaphore, #tpu.memory_space<semaphore_mem>>
      %dma_wait3A_1352 = arith.constant 0 : i32
      %dma_wait3A_1353 = tpu.memref_slice %arg4[%dma_wait3A_1352] : memref<102400xf32, #tpu.memory_space<hbm>> -> memref<128xf32, #tpu.memory_space<hbm>>
      tpu.wait_dma2 semaphore(%dma_wait3A_1351 : memref<!tpu.dma_semaphore, #tpu.memory_space<semaphore_mem>>) src(%dma_wait3A_1353 : memref<128xf32, #tpu.memory_space<hbm>>) dst(%arg7 : memref<128xf32, #tpu.memory_space<vmem>>)
      %dma_wait3A_1354 = arith.constant 0 : i32
      %dma_wait3A_1355 = arith.constant 0 : i32
      %dma_wait3A_1356 = tpu.memref_slice %arg4[%dma_wait3A_1355] : memref<102400xf32, #tpu.memory_space<hbm>> -> memref<128xf32, #tpu.memory_space<hbm>>
      %dma_wait3A_1357 = tpu.memref_slice %arg10[%dma_wait3A_1354] : memref<2x!tpu.dma_semaphore, #tpu.memory_space<semaphore_mem>> -> memref<1x!tpu.dma_semaphore, #tpu.memory_space<semaphore_mem>>
      %dma_wait3A_1358 = tpu.memref_squeeze %dma_wait3A_1357 : memref<1x!tpu.dma_semaphore, #tpu.memory_space<semaphore_mem>> -> memref<!tpu.dma_semaphore, #tpu.memory_space<semaphore_mem>>
      %dma_wait3A_1359 = arith.constant 0 : i32
      %dma_wait3A_1360 = tpu.memref_slice %arg4[%dma_wait3A_1359] : memref<102400xf32, #tpu.memory_space<hbm>> -> memref<128xf32, #tpu.memory_space<hbm>>
      tpu.wait_dma2 semaphore(%dma_wait3A_1358 : memref<!tpu.dma_semaphore, #tpu.memory_space<semaphore_mem>>) src(%dma_wait3A_1360 : memref<128xf32, #tpu.memory_space<hbm>>) dst(%arg7 : memref<128xf32, #tpu.memory_space<vmem>>)
      %dma_wait3A_1361 = arith.constant 0 : i32
      %dma_wait3A_1362 = arith.constant 0 : i32
      %dma_wait3A_1363 = tpu.memref_slice %arg4[%dma_wait3A_1362] : memref<102400xf32, #tpu.memory_space<hbm>> -> memref<128xf32, #tpu.memory_space<hbm>>
      %dma_wait3A_1364 = tpu.memref_slice %arg10[%dma_wait3A_1361] : memref<2x!tpu.dma_semaphore, #tpu.memory_space<semaphore_mem>> -> memref<1x!tpu.dma_semaphore, #tpu.memory_space<semaphore_mem>>
      %dma_wait3A_1365 = tpu.memref_squeeze %dma_wait3A_1364 : memref<1x!tpu.dma_semaphore, #tpu.memory_space<semaphore_mem>> -> memref<!tpu.dma_semaphore, #tpu.memory_space<semaphore_mem>>
      %dma_wait3A_1366 = arith.constant 0 : i32
      %dma_wait3A_1367 = tpu.memref_slice %arg4[%dma_wait3A_1366] : memref<102400xf32, #tpu.memory_space<hbm>> -> memref<128xf32, #tpu.memory_space<hbm>>
      tpu.wait_dma2 semaphore(%dma_wait3A_1365 : memref<!tpu.dma_semaphore, #tpu.memory_space<semaphore_mem>>) src(%dma_wait3A_1367 : memref<128xf32, #tpu.memory_space<hbm>>) dst(%arg7 : memref<128xf32, #tpu.memory_space<vmem>>)
      %dma_wait3A_1368 = arith.constant 0 : i32
      %dma_wait3A_1369 = arith.constant 0 : i32
      %dma_wait3A_1370 = tpu.memref_slice %arg4[%dma_wait3A_1369] : memref<102400xf32, #tpu.memory_space<hbm>> -> memref<128xf32, #tpu.memory_space<hbm>>
      %dma_wait3A_1371 = tpu.memref_slice %arg10[%dma_wait3A_1368] : memref<2x!tpu.dma_semaphore, #tpu.memory_space<semaphore_mem>> -> memref<1x!tpu.dma_semaphore, #tpu.memory_space<semaphore_mem>>
      %dma_wait3A_1372 = tpu.memref_squeeze %dma_wait3A_1371 : memref<1x!tpu.dma_semaphore, #tpu.memory_space<semaphore_mem>> -> memref<!tpu.dma_semaphore, #tpu.memory_space<semaphore_mem>>
      %dma_wait3A_1373 = arith.constant 0 : i32
      %dma_wait3A_1374 = tpu.memref_slice %arg4[%dma_wait3A_1373] : memref<102400xf32, #tpu.memory_space<hbm>> -> memref<128xf32, #tpu.memory_space<hbm>>
      tpu.wait_dma2 semaphore(%dma_wait3A_1372 : memref<!tpu.dma_semaphore, #tpu.memory_space<semaphore_mem>>) src(%dma_wait3A_1374 : memref<128xf32, #tpu.memory_space<hbm>>) dst(%arg7 : memref<128xf32, #tpu.memory_space<vmem>>)
      %add3A_1375 = arith.constant 2 : i32
      %add3A_1376 = arith.addi %add3A_1262, %add3A_1375 : i32
      %mul3A_1377 = arith.constant 1600 : i32
      %mul3A_1378 = arith.muli %add3A, %mul3A_1377 : i32
      %mul3A_1379 = arith.constant 16 : i32
      %mul3A_1380 = arith.muli %add3A_1376, %mul3A_1379 : i32
      %add3A_1381 = arith.addi %mul3A_1378, %mul3A_1380 : i32
      %dma_start3A_1382 = arith.constant 0 : i32
      %dma_start3A_1383 = arith.constant 0 : i32
      %dma_start3A_1384 = arith.constant 0 : i32
      %dma_start3A_1385 = arith.constant 0 : i32
      %dma_start3A_1386 = tpu.memref_slice %arg6[%dma_start3A_1382, %dma_start3A_1384, %dma_start3A_1385] : memref<4x16x128xi32, #tpu.memory_space<vmem>> -> memref<1x16x128xi32, #tpu.memory_space<vmem>>
      %dma_start3A_1387 = tpu.memref_squeeze %dma_start3A_1386 : memref<1x16x128xi32, #tpu.memory_space<vmem>> -> memref<16x128xi32, #tpu.memory_space<vmem>>
      %dma_start3A_1388 = arith.constant 0 : i32
      %dma_start3A_1389 = tpu.memref_slice %arg2[%add3A_1381, %dma_start3A_1388] : memref<51200x128xi32, #tpu.memory_space<hbm>> -> memref<16x128xi32, #tpu.memory_space<hbm>>
      %dma_start3A_1390 = tpu.memref_slice %arg9[%dma_start3A_1383] : memref<4x!tpu.dma_semaphore, #tpu.memory_space<semaphore_mem>> -> memref<1x!tpu.dma_semaphore, #tpu.memory_space<semaphore_mem>>
      %dma_start3A_1391 = tpu.memref_squeeze %dma_start3A_1390 : memref<1x!tpu.dma_semaphore, #tpu.memory_space<semaphore_mem>> -> memref<!tpu.dma_semaphore, #tpu.memory_space<semaphore_mem>>
      %dma_start3A_1392 = arith.constant 0 : i32
      %dma_start3A_1393 = arith.constant 0 : i32
      %dma_start3A_1394 = tpu.memref_slice %arg6[%dma_start3A_1382, %dma_start3A_1392, %dma_start3A_1393] : memref<4x16x128xi32, #tpu.memory_space<vmem>> -> memref<1x16x128xi32, #tpu.memory_space<vmem>>
      %dma_start3A_1395 = tpu.memref_squeeze %dma_start3A_1394 : memref<1x16x128xi32, #tpu.memory_space<vmem>> -> memref<16x128xi32, #tpu.memory_space<vmem>>
      %dma_start3A_1396 = arith.constant 0 : i32
      %dma_start3A_1397 = tpu.memref_slice %arg2[%add3A_1381, %dma_start3A_1396] : memref<51200x128xi32, #tpu.memory_space<hbm>> -> memref<16x128xi32, #tpu.memory_space<hbm>>
      tpu.enqueue_dma source(%dma_start3A_1397 : memref<16x128xi32, #tpu.memory_space<hbm>>) target(%dma_start3A_1395 : memref<16x128xi32, #tpu.memory_space<vmem>>) target_semaphore(%dma_start3A_1391 : memref<!tpu.dma_semaphore, #tpu.memory_space<semaphore_mem>>)
      %dma_wait3A_1398 = arith.constant 2 : i32
      %dma_wait3A_1399 = arith.constant 2 : i32
      %dma_wait3A_1400 = arith.constant 0 : i32
      %dma_wait3A_1401 = arith.constant 0 : i32
      %dma_wait3A_1402 = tpu.memref_slice %arg6[%dma_wait3A_1398, %dma_wait3A_1400, %dma_wait3A_1401] : memref<4x16x128xi32, #tpu.memory_space<vmem>> -> memref<1x16x128xi32, #tpu.memory_space<vmem>>
      %dma_wait3A_1403 = tpu.memref_squeeze %dma_wait3A_1402 : memref<1x16x128xi32, #tpu.memory_space<vmem>> -> memref<16x128xi32, #tpu.memory_space<vmem>>
      %dma_wait3A_1404 = arith.constant 0 : i32
      %dma_wait3A_1405 = arith.constant 0 : i32
      %dma_wait3A_1406 = tpu.memref_slice %arg2[%dma_wait3A_1404, %dma_wait3A_1405] : memref<51200x128xi32, #tpu.memory_space<hbm>> -> memref<16x128xi32, #tpu.memory_space<hbm>>
      %dma_wait3A_1407 = tpu.memref_slice %arg9[%dma_wait3A_1399] : memref<4x!tpu.dma_semaphore, #tpu.memory_space<semaphore_mem>> -> memref<1x!tpu.dma_semaphore, #tpu.memory_space<semaphore_mem>>
      %dma_wait3A_1408 = tpu.memref_squeeze %dma_wait3A_1407 : memref<1x!tpu.dma_semaphore, #tpu.memory_space<semaphore_mem>> -> memref<!tpu.dma_semaphore, #tpu.memory_space<semaphore_mem>>
      %dma_wait3A_1409 = arith.constant 0 : i32
      %dma_wait3A_1410 = arith.constant 0 : i32
      %dma_wait3A_1411 = tpu.memref_slice %arg6[%dma_wait3A_1398, %dma_wait3A_1409, %dma_wait3A_1410] : memref<4x16x128xi32, #tpu.memory_space<vmem>> -> memref<1x16x128xi32, #tpu.memory_space<vmem>>
      %dma_wait3A_1412 = tpu.memref_squeeze %dma_wait3A_1411 : memref<1x16x128xi32, #tpu.memory_space<vmem>> -> memref<16x128xi32, #tpu.memory_space<vmem>>
      %dma_wait3A_1413 = arith.constant 0 : i32
      %dma_wait3A_1414 = arith.constant 0 : i32
      %dma_wait3A_1415 = tpu.memref_slice %arg2[%dma_wait3A_1413, %dma_wait3A_1414] : memref<51200x128xi32, #tpu.memory_space<hbm>> -> memref<16x128xi32, #tpu.memory_space<hbm>>
      tpu.wait_dma2 semaphore(%dma_wait3A_1408 : memref<!tpu.dma_semaphore, #tpu.memory_space<semaphore_mem>>) src(%dma_wait3A_1415 : memref<16x128xi32, #tpu.memory_space<hbm>>) dst(%dma_wait3A_1412 : memref<16x128xi32, #tpu.memory_space<vmem>>)
      %dma_start3A_1416 = arith.constant 2 : i32
      %dma_start3A_1417 = arith.constant 0 : i32
      %dma_start3A_1418 = arith.constant 0 : i32
      %dma_start3A_1419 = arith.constant 0 : i32
      %dma_start3A_1420 = tpu.memref_slice %arg6[%dma_start3A_1416, %dma_start3A_1417, %dma_start3A_1419] : memref<4x16x128xi32, #tpu.memory_space<vmem>> -> memref<1x1x128xi32, #tpu.memory_space<vmem>>
      %dma_start3A_1421 = tpu.memref_squeeze %dma_start3A_1420 : memref<1x1x128xi32, #tpu.memory_space<vmem>> -> memref<128xi32, #tpu.memory_space<vmem>>
      %dma_start3A_1422 = arith.constant 0 : i32
      %dma_start3A_1423 = tpu.memref_slice %arg8[%dma_start3A_1422] : memref<102400xf32, #tpu.memory_space<vmem_shared>> -> memref<102400xf32, #tpu.memory_space<vmem_shared>>
      %dma_start3A_1424 = tpu.memref_slice %arg10[%dma_start3A_1418] : memref<2x!tpu.dma_semaphore, #tpu.memory_space<semaphore_mem>> -> memref<1x!tpu.dma_semaphore, #tpu.memory_space<semaphore_mem>>
      %dma_start3A_1425 = tpu.memref_squeeze %dma_start3A_1424 : memref<1x!tpu.dma_semaphore, #tpu.memory_space<semaphore_mem>> -> memref<!tpu.dma_semaphore, #tpu.memory_space<semaphore_mem>>
      tpu.enqueue_indirect_dma source(%arg7 : memref<128xf32, #tpu.memory_space<vmem>>) target(%dma_start3A_1423 : memref<102400xf32, #tpu.memory_space<vmem_shared>>) offsets(%dma_start3A_1421 : memref<128xi32, #tpu.memory_space<vmem>>) semaphore(%dma_start3A_1425 : memref<!tpu.dma_semaphore, #tpu.memory_space<semaphore_mem>>) {add = true}
      %dma_start3A_1426 = arith.constant 2 : i32
      %dma_start3A_1427 = arith.constant 1 : i32
      %dma_start3A_1428 = arith.constant 0 : i32
      %dma_start3A_1429 = arith.constant 0 : i32
      %dma_start3A_1430 = tpu.memref_slice %arg6[%dma_start3A_1426, %dma_start3A_1427, %dma_start3A_1429] : memref<4x16x128xi32, #tpu.memory_space<vmem>> -> memref<1x1x128xi32, #tpu.memory_space<vmem>>
      %dma_start3A_1431 = tpu.memref_squeeze %dma_start3A_1430 : memref<1x1x128xi32, #tpu.memory_space<vmem>> -> memref<128xi32, #tpu.memory_space<vmem>>
      %dma_start3A_1432 = arith.constant 0 : i32
      %dma_start3A_1433 = tpu.memref_slice %arg8[%dma_start3A_1432] : memref<102400xf32, #tpu.memory_space<vmem_shared>> -> memref<102400xf32, #tpu.memory_space<vmem_shared>>
      %dma_start3A_1434 = tpu.memref_slice %arg10[%dma_start3A_1428] : memref<2x!tpu.dma_semaphore, #tpu.memory_space<semaphore_mem>> -> memref<1x!tpu.dma_semaphore, #tpu.memory_space<semaphore_mem>>
      %dma_start3A_1435 = tpu.memref_squeeze %dma_start3A_1434 : memref<1x!tpu.dma_semaphore, #tpu.memory_space<semaphore_mem>> -> memref<!tpu.dma_semaphore, #tpu.memory_space<semaphore_mem>>
      tpu.enqueue_indirect_dma source(%arg7 : memref<128xf32, #tpu.memory_space<vmem>>) target(%dma_start3A_1433 : memref<102400xf32, #tpu.memory_space<vmem_shared>>) offsets(%dma_start3A_1431 : memref<128xi32, #tpu.memory_space<vmem>>) semaphore(%dma_start3A_1435 : memref<!tpu.dma_semaphore, #tpu.memory_space<semaphore_mem>>) {add = true}
      %dma_start3A_1436 = arith.constant 2 : i32
      %dma_start3A_1437 = arith.constant 2 : i32
      %dma_start3A_1438 = arith.constant 0 : i32
      %dma_start3A_1439 = arith.constant 0 : i32
      %dma_start3A_1440 = tpu.memref_slice %arg6[%dma_start3A_1436, %dma_start3A_1437, %dma_start3A_1439] : memref<4x16x128xi32, #tpu.memory_space<vmem>> -> memref<1x1x128xi32, #tpu.memory_space<vmem>>
      %dma_start3A_1441 = tpu.memref_squeeze %dma_start3A_1440 : memref<1x1x128xi32, #tpu.memory_space<vmem>> -> memref<128xi32, #tpu.memory_space<vmem>>
      %dma_start3A_1442 = arith.constant 0 : i32
      %dma_start3A_1443 = tpu.memref_slice %arg8[%dma_start3A_1442] : memref<102400xf32, #tpu.memory_space<vmem_shared>> -> memref<102400xf32, #tpu.memory_space<vmem_shared>>
      %dma_start3A_1444 = tpu.memref_slice %arg10[%dma_start3A_1438] : memref<2x!tpu.dma_semaphore, #tpu.memory_space<semaphore_mem>> -> memref<1x!tpu.dma_semaphore, #tpu.memory_space<semaphore_mem>>
      %dma_start3A_1445 = tpu.memref_squeeze %dma_start3A_1444 : memref<1x!tpu.dma_semaphore, #tpu.memory_space<semaphore_mem>> -> memref<!tpu.dma_semaphore, #tpu.memory_space<semaphore_mem>>
      tpu.enqueue_indirect_dma source(%arg7 : memref<128xf32, #tpu.memory_space<vmem>>) target(%dma_start3A_1443 : memref<102400xf32, #tpu.memory_space<vmem_shared>>) offsets(%dma_start3A_1441 : memref<128xi32, #tpu.memory_space<vmem>>) semaphore(%dma_start3A_1445 : memref<!tpu.dma_semaphore, #tpu.memory_space<semaphore_mem>>) {add = true}
      %dma_start3A_1446 = arith.constant 2 : i32
      %dma_start3A_1447 = arith.constant 3 : i32
      %dma_start3A_1448 = arith.constant 0 : i32
      %dma_start3A_1449 = arith.constant 0 : i32
      %dma_start3A_1450 = tpu.memref_slice %arg6[%dma_start3A_1446, %dma_start3A_1447, %dma_start3A_1449] : memref<4x16x128xi32, #tpu.memory_space<vmem>> -> memref<1x1x128xi32, #tpu.memory_space<vmem>>
      %dma_start3A_1451 = tpu.memref_squeeze %dma_start3A_1450 : memref<1x1x128xi32, #tpu.memory_space<vmem>> -> memref<128xi32, #tpu.memory_space<vmem>>
      %dma_start3A_1452 = arith.constant 0 : i32
      %dma_start3A_1453 = tpu.memref_slice %arg8[%dma_start3A_1452] : memref<102400xf32, #tpu.memory_space<vmem_shared>> -> memref<102400xf32, #tpu.memory_space<vmem_shared>>
      %dma_start3A_1454 = tpu.memref_slice %arg10[%dma_start3A_1448] : memref<2x!tpu.dma_semaphore, #tpu.memory_space<semaphore_mem>> -> memref<1x!tpu.dma_semaphore, #tpu.memory_space<semaphore_mem>>
      %dma_start3A_1455 = tpu.memref_squeeze %dma_start3A_1454 : memref<1x!tpu.dma_semaphore, #tpu.memory_space<semaphore_mem>> -> memref<!tpu.dma_semaphore, #tpu.memory_space<semaphore_mem>>
      tpu.enqueue_indirect_dma source(%arg7 : memref<128xf32, #tpu.memory_space<vmem>>) target(%dma_start3A_1453 : memref<102400xf32, #tpu.memory_space<vmem_shared>>) offsets(%dma_start3A_1451 : memref<128xi32, #tpu.memory_space<vmem>>) semaphore(%dma_start3A_1455 : memref<!tpu.dma_semaphore, #tpu.memory_space<semaphore_mem>>) {add = true}
      %dma_start3A_1456 = arith.constant 2 : i32
      %dma_start3A_1457 = arith.constant 4 : i32
      %dma_start3A_1458 = arith.constant 0 : i32
      %dma_start3A_1459 = arith.constant 0 : i32
      %dma_start3A_1460 = tpu.memref_slice %arg6[%dma_start3A_1456, %dma_start3A_1457, %dma_start3A_1459] : memref<4x16x128xi32, #tpu.memory_space<vmem>> -> memref<1x1x128xi32, #tpu.memory_space<vmem>>
      %dma_start3A_1461 = tpu.memref_squeeze %dma_start3A_1460 : memref<1x1x128xi32, #tpu.memory_space<vmem>> -> memref<128xi32, #tpu.memory_space<vmem>>
      %dma_start3A_1462 = arith.constant 0 : i32
      %dma_start3A_1463 = tpu.memref_slice %arg8[%dma_start3A_1462] : memref<102400xf32, #tpu.memory_space<vmem_shared>> -> memref<102400xf32, #tpu.memory_space<vmem_shared>>
      %dma_start3A_1464 = tpu.memref_slice %arg10[%dma_start3A_1458] : memref<2x!tpu.dma_semaphore, #tpu.memory_space<semaphore_mem>> -> memref<1x!tpu.dma_semaphore, #tpu.memory_space<semaphore_mem>>
      %dma_start3A_1465 = tpu.memref_squeeze %dma_start3A_1464 : memref<1x!tpu.dma_semaphore, #tpu.memory_space<semaphore_mem>> -> memref<!tpu.dma_semaphore, #tpu.memory_space<semaphore_mem>>
      tpu.enqueue_indirect_dma source(%arg7 : memref<128xf32, #tpu.memory_space<vmem>>) target(%dma_start3A_1463 : memref<102400xf32, #tpu.memory_space<vmem_shared>>) offsets(%dma_start3A_1461 : memref<128xi32, #tpu.memory_space<vmem>>) semaphore(%dma_start3A_1465 : memref<!tpu.dma_semaphore, #tpu.memory_space<semaphore_mem>>) {add = true}
      %dma_start3A_1466 = arith.constant 2 : i32
      %dma_start3A_1467 = arith.constant 5 : i32
      %dma_start3A_1468 = arith.constant 0 : i32
      %dma_start3A_1469 = arith.constant 0 : i32
      %dma_start3A_1470 = tpu.memref_slice %arg6[%dma_start3A_1466, %dma_start3A_1467, %dma_start3A_1469] : memref<4x16x128xi32, #tpu.memory_space<vmem>> -> memref<1x1x128xi32, #tpu.memory_space<vmem>>
      %dma_start3A_1471 = tpu.memref_squeeze %dma_start3A_1470 : memref<1x1x128xi32, #tpu.memory_space<vmem>> -> memref<128xi32, #tpu.memory_space<vmem>>
      %dma_start3A_1472 = arith.constant 0 : i32
      %dma_start3A_1473 = tpu.memref_slice %arg8[%dma_start3A_1472] : memref<102400xf32, #tpu.memory_space<vmem_shared>> -> memref<102400xf32, #tpu.memory_space<vmem_shared>>
      %dma_start3A_1474 = tpu.memref_slice %arg10[%dma_start3A_1468] : memref<2x!tpu.dma_semaphore, #tpu.memory_space<semaphore_mem>> -> memref<1x!tpu.dma_semaphore, #tpu.memory_space<semaphore_mem>>
      %dma_start3A_1475 = tpu.memref_squeeze %dma_start3A_1474 : memref<1x!tpu.dma_semaphore, #tpu.memory_space<semaphore_mem>> -> memref<!tpu.dma_semaphore, #tpu.memory_space<semaphore_mem>>
      tpu.enqueue_indirect_dma source(%arg7 : memref<128xf32, #tpu.memory_space<vmem>>) target(%dma_start3A_1473 : memref<102400xf32, #tpu.memory_space<vmem_shared>>) offsets(%dma_start3A_1471 : memref<128xi32, #tpu.memory_space<vmem>>) semaphore(%dma_start3A_1475 : memref<!tpu.dma_semaphore, #tpu.memory_space<semaphore_mem>>) {add = true}
      %dma_start3A_1476 = arith.constant 2 : i32
      %dma_start3A_1477 = arith.constant 6 : i32
      %dma_start3A_1478 = arith.constant 0 : i32
      %dma_start3A_1479 = arith.constant 0 : i32
      %dma_start3A_1480 = tpu.memref_slice %arg6[%dma_start3A_1476, %dma_start3A_1477, %dma_start3A_1479] : memref<4x16x128xi32, #tpu.memory_space<vmem>> -> memref<1x1x128xi32, #tpu.memory_space<vmem>>
      %dma_start3A_1481 = tpu.memref_squeeze %dma_start3A_1480 : memref<1x1x128xi32, #tpu.memory_space<vmem>> -> memref<128xi32, #tpu.memory_space<vmem>>
      %dma_start3A_1482 = arith.constant 0 : i32
      %dma_start3A_1483 = tpu.memref_slice %arg8[%dma_start3A_1482] : memref<102400xf32, #tpu.memory_space<vmem_shared>> -> memref<102400xf32, #tpu.memory_space<vmem_shared>>
      %dma_start3A_1484 = tpu.memref_slice %arg10[%dma_start3A_1478] : memref<2x!tpu.dma_semaphore, #tpu.memory_space<semaphore_mem>> -> memref<1x!tpu.dma_semaphore, #tpu.memory_space<semaphore_mem>>
      %dma_start3A_1485 = tpu.memref_squeeze %dma_start3A_1484 : memref<1x!tpu.dma_semaphore, #tpu.memory_space<semaphore_mem>> -> memref<!tpu.dma_semaphore, #tpu.memory_space<semaphore_mem>>
      tpu.enqueue_indirect_dma source(%arg7 : memref<128xf32, #tpu.memory_space<vmem>>) target(%dma_start3A_1483 : memref<102400xf32, #tpu.memory_space<vmem_shared>>) offsets(%dma_start3A_1481 : memref<128xi32, #tpu.memory_space<vmem>>) semaphore(%dma_start3A_1485 : memref<!tpu.dma_semaphore, #tpu.memory_space<semaphore_mem>>) {add = true}
      %dma_start3A_1486 = arith.constant 2 : i32
      %dma_start3A_1487 = arith.constant 7 : i32
      %dma_start3A_1488 = arith.constant 0 : i32
      %dma_start3A_1489 = arith.constant 0 : i32
      %dma_start3A_1490 = tpu.memref_slice %arg6[%dma_start3A_1486, %dma_start3A_1487, %dma_start3A_1489] : memref<4x16x128xi32, #tpu.memory_space<vmem>> -> memref<1x1x128xi32, #tpu.memory_space<vmem>>
      %dma_start3A_1491 = tpu.memref_squeeze %dma_start3A_1490 : memref<1x1x128xi32, #tpu.memory_space<vmem>> -> memref<128xi32, #tpu.memory_space<vmem>>
      %dma_start3A_1492 = arith.constant 0 : i32
      %dma_start3A_1493 = tpu.memref_slice %arg8[%dma_start3A_1492] : memref<102400xf32, #tpu.memory_space<vmem_shared>> -> memref<102400xf32, #tpu.memory_space<vmem_shared>>
      %dma_start3A_1494 = tpu.memref_slice %arg10[%dma_start3A_1488] : memref<2x!tpu.dma_semaphore, #tpu.memory_space<semaphore_mem>> -> memref<1x!tpu.dma_semaphore, #tpu.memory_space<semaphore_mem>>
      %dma_start3A_1495 = tpu.memref_squeeze %dma_start3A_1494 : memref<1x!tpu.dma_semaphore, #tpu.memory_space<semaphore_mem>> -> memref<!tpu.dma_semaphore, #tpu.memory_space<semaphore_mem>>
      tpu.enqueue_indirect_dma source(%arg7 : memref<128xf32, #tpu.memory_space<vmem>>) target(%dma_start3A_1493 : memref<102400xf32, #tpu.memory_space<vmem_shared>>) offsets(%dma_start3A_1491 : memref<128xi32, #tpu.memory_space<vmem>>) semaphore(%dma_start3A_1495 : memref<!tpu.dma_semaphore, #tpu.memory_space<semaphore_mem>>) {add = true}
      %dma_start3A_1496 = arith.constant 2 : i32
      %dma_start3A_1497 = arith.constant 8 : i32
      %dma_start3A_1498 = arith.constant 0 : i32
      %dma_start3A_1499 = arith.constant 0 : i32
      %dma_start3A_1500 = tpu.memref_slice %arg6[%dma_start3A_1496, %dma_start3A_1497, %dma_start3A_1499] : memref<4x16x128xi32, #tpu.memory_space<vmem>> -> memref<1x1x128xi32, #tpu.memory_space<vmem>>
      %dma_start3A_1501 = tpu.memref_squeeze %dma_start3A_1500 : memref<1x1x128xi32, #tpu.memory_space<vmem>> -> memref<128xi32, #tpu.memory_space<vmem>>
      %dma_start3A_1502 = arith.constant 0 : i32
      %dma_start3A_1503 = tpu.memref_slice %arg8[%dma_start3A_1502] : memref<102400xf32, #tpu.memory_space<vmem_shared>> -> memref<102400xf32, #tpu.memory_space<vmem_shared>>
      %dma_start3A_1504 = tpu.memref_slice %arg10[%dma_start3A_1498] : memref<2x!tpu.dma_semaphore, #tpu.memory_space<semaphore_mem>> -> memref<1x!tpu.dma_semaphore, #tpu.memory_space<semaphore_mem>>
      %dma_start3A_1505 = tpu.memref_squeeze %dma_start3A_1504 : memref<1x!tpu.dma_semaphore, #tpu.memory_space<semaphore_mem>> -> memref<!tpu.dma_semaphore, #tpu.memory_space<semaphore_mem>>
      tpu.enqueue_indirect_dma source(%arg7 : memref<128xf32, #tpu.memory_space<vmem>>) target(%dma_start3A_1503 : memref<102400xf32, #tpu.memory_space<vmem_shared>>) offsets(%dma_start3A_1501 : memref<128xi32, #tpu.memory_space<vmem>>) semaphore(%dma_start3A_1505 : memref<!tpu.dma_semaphore, #tpu.memory_space<semaphore_mem>>) {add = true}
      %dma_start3A_1506 = arith.constant 2 : i32
      %dma_start3A_1507 = arith.constant 9 : i32
      %dma_start3A_1508 = arith.constant 0 : i32
      %dma_start3A_1509 = arith.constant 0 : i32
      %dma_start3A_1510 = tpu.memref_slice %arg6[%dma_start3A_1506, %dma_start3A_1507, %dma_start3A_1509] : memref<4x16x128xi32, #tpu.memory_space<vmem>> -> memref<1x1x128xi32, #tpu.memory_space<vmem>>
      %dma_start3A_1511 = tpu.memref_squeeze %dma_start3A_1510 : memref<1x1x128xi32, #tpu.memory_space<vmem>> -> memref<128xi32, #tpu.memory_space<vmem>>
      %dma_start3A_1512 = arith.constant 0 : i32
      %dma_start3A_1513 = tpu.memref_slice %arg8[%dma_start3A_1512] : memref<102400xf32, #tpu.memory_space<vmem_shared>> -> memref<102400xf32, #tpu.memory_space<vmem_shared>>
      %dma_start3A_1514 = tpu.memref_slice %arg10[%dma_start3A_1508] : memref<2x!tpu.dma_semaphore, #tpu.memory_space<semaphore_mem>> -> memref<1x!tpu.dma_semaphore, #tpu.memory_space<semaphore_mem>>
      %dma_start3A_1515 = tpu.memref_squeeze %dma_start3A_1514 : memref<1x!tpu.dma_semaphore, #tpu.memory_space<semaphore_mem>> -> memref<!tpu.dma_semaphore, #tpu.memory_space<semaphore_mem>>
      tpu.enqueue_indirect_dma source(%arg7 : memref<128xf32, #tpu.memory_space<vmem>>) target(%dma_start3A_1513 : memref<102400xf32, #tpu.memory_space<vmem_shared>>) offsets(%dma_start3A_1511 : memref<128xi32, #tpu.memory_space<vmem>>) semaphore(%dma_start3A_1515 : memref<!tpu.dma_semaphore, #tpu.memory_space<semaphore_mem>>) {add = true}
      %dma_start3A_1516 = arith.constant 2 : i32
      %dma_start3A_1517 = arith.constant 10 : i32
      %dma_start3A_1518 = arith.constant 0 : i32
      %dma_start3A_1519 = arith.constant 0 : i32
      %dma_start3A_1520 = tpu.memref_slice %arg6[%dma_start3A_1516, %dma_start3A_1517, %dma_start3A_1519] : memref<4x16x128xi32, #tpu.memory_space<vmem>> -> memref<1x1x128xi32, #tpu.memory_space<vmem>>
      %dma_start3A_1521 = tpu.memref_squeeze %dma_start3A_1520 : memref<1x1x128xi32, #tpu.memory_space<vmem>> -> memref<128xi32, #tpu.memory_space<vmem>>
      %dma_start3A_1522 = arith.constant 0 : i32
      %dma_start3A_1523 = tpu.memref_slice %arg8[%dma_start3A_1522] : memref<102400xf32, #tpu.memory_space<vmem_shared>> -> memref<102400xf32, #tpu.memory_space<vmem_shared>>
      %dma_start3A_1524 = tpu.memref_slice %arg10[%dma_start3A_1518] : memref<2x!tpu.dma_semaphore, #tpu.memory_space<semaphore_mem>> -> memref<1x!tpu.dma_semaphore, #tpu.memory_space<semaphore_mem>>
      %dma_start3A_1525 = tpu.memref_squeeze %dma_start3A_1524 : memref<1x!tpu.dma_semaphore, #tpu.memory_space<semaphore_mem>> -> memref<!tpu.dma_semaphore, #tpu.memory_space<semaphore_mem>>
      tpu.enqueue_indirect_dma source(%arg7 : memref<128xf32, #tpu.memory_space<vmem>>) target(%dma_start3A_1523 : memref<102400xf32, #tpu.memory_space<vmem_shared>>) offsets(%dma_start3A_1521 : memref<128xi32, #tpu.memory_space<vmem>>) semaphore(%dma_start3A_1525 : memref<!tpu.dma_semaphore, #tpu.memory_space<semaphore_mem>>) {add = true}
      %dma_start3A_1526 = arith.constant 2 : i32
      %dma_start3A_1527 = arith.constant 11 : i32
      %dma_start3A_1528 = arith.constant 0 : i32
      %dma_start3A_1529 = arith.constant 0 : i32
      %dma_start3A_1530 = tpu.memref_slice %arg6[%dma_start3A_1526, %dma_start3A_1527, %dma_start3A_1529] : memref<4x16x128xi32, #tpu.memory_space<vmem>> -> memref<1x1x128xi32, #tpu.memory_space<vmem>>
      %dma_start3A_1531 = tpu.memref_squeeze %dma_start3A_1530 : memref<1x1x128xi32, #tpu.memory_space<vmem>> -> memref<128xi32, #tpu.memory_space<vmem>>
      %dma_start3A_1532 = arith.constant 0 : i32
      %dma_start3A_1533 = tpu.memref_slice %arg8[%dma_start3A_1532] : memref<102400xf32, #tpu.memory_space<vmem_shared>> -> memref<102400xf32, #tpu.memory_space<vmem_shared>>
      %dma_start3A_1534 = tpu.memref_slice %arg10[%dma_start3A_1528] : memref<2x!tpu.dma_semaphore, #tpu.memory_space<semaphore_mem>> -> memref<1x!tpu.dma_semaphore, #tpu.memory_space<semaphore_mem>>
      %dma_start3A_1535 = tpu.memref_squeeze %dma_start3A_1534 : memref<1x!tpu.dma_semaphore, #tpu.memory_space<semaphore_mem>> -> memref<!tpu.dma_semaphore, #tpu.memory_space<semaphore_mem>>
      tpu.enqueue_indirect_dma source(%arg7 : memref<128xf32, #tpu.memory_space<vmem>>) target(%dma_start3A_1533 : memref<102400xf32, #tpu.memory_space<vmem_shared>>) offsets(%dma_start3A_1531 : memref<128xi32, #tpu.memory_space<vmem>>) semaphore(%dma_start3A_1535 : memref<!tpu.dma_semaphore, #tpu.memory_space<semaphore_mem>>) {add = true}
      %dma_start3A_1536 = arith.constant 2 : i32
      %dma_start3A_1537 = arith.constant 12 : i32
      %dma_start3A_1538 = arith.constant 0 : i32
      %dma_start3A_1539 = arith.constant 0 : i32
      %dma_start3A_1540 = tpu.memref_slice %arg6[%dma_start3A_1536, %dma_start3A_1537, %dma_start3A_1539] : memref<4x16x128xi32, #tpu.memory_space<vmem>> -> memref<1x1x128xi32, #tpu.memory_space<vmem>>
      %dma_start3A_1541 = tpu.memref_squeeze %dma_start3A_1540 : memref<1x1x128xi32, #tpu.memory_space<vmem>> -> memref<128xi32, #tpu.memory_space<vmem>>
      %dma_start3A_1542 = arith.constant 0 : i32
      %dma_start3A_1543 = tpu.memref_slice %arg8[%dma_start3A_1542] : memref<102400xf32, #tpu.memory_space<vmem_shared>> -> memref<102400xf32, #tpu.memory_space<vmem_shared>>
      %dma_start3A_1544 = tpu.memref_slice %arg10[%dma_start3A_1538] : memref<2x!tpu.dma_semaphore, #tpu.memory_space<semaphore_mem>> -> memref<1x!tpu.dma_semaphore, #tpu.memory_space<semaphore_mem>>
      %dma_start3A_1545 = tpu.memref_squeeze %dma_start3A_1544 : memref<1x!tpu.dma_semaphore, #tpu.memory_space<semaphore_mem>> -> memref<!tpu.dma_semaphore, #tpu.memory_space<semaphore_mem>>
      tpu.enqueue_indirect_dma source(%arg7 : memref<128xf32, #tpu.memory_space<vmem>>) target(%dma_start3A_1543 : memref<102400xf32, #tpu.memory_space<vmem_shared>>) offsets(%dma_start3A_1541 : memref<128xi32, #tpu.memory_space<vmem>>) semaphore(%dma_start3A_1545 : memref<!tpu.dma_semaphore, #tpu.memory_space<semaphore_mem>>) {add = true}
      %dma_start3A_1546 = arith.constant 2 : i32
      %dma_start3A_1547 = arith.constant 13 : i32
      %dma_start3A_1548 = arith.constant 0 : i32
      %dma_start3A_1549 = arith.constant 0 : i32
      %dma_start3A_1550 = tpu.memref_slice %arg6[%dma_start3A_1546, %dma_start3A_1547, %dma_start3A_1549] : memref<4x16x128xi32, #tpu.memory_space<vmem>> -> memref<1x1x128xi32, #tpu.memory_space<vmem>>
      %dma_start3A_1551 = tpu.memref_squeeze %dma_start3A_1550 : memref<1x1x128xi32, #tpu.memory_space<vmem>> -> memref<128xi32, #tpu.memory_space<vmem>>
      %dma_start3A_1552 = arith.constant 0 : i32
      %dma_start3A_1553 = tpu.memref_slice %arg8[%dma_start3A_1552] : memref<102400xf32, #tpu.memory_space<vmem_shared>> -> memref<102400xf32, #tpu.memory_space<vmem_shared>>
      %dma_start3A_1554 = tpu.memref_slice %arg10[%dma_start3A_1548] : memref<2x!tpu.dma_semaphore, #tpu.memory_space<semaphore_mem>> -> memref<1x!tpu.dma_semaphore, #tpu.memory_space<semaphore_mem>>
      %dma_start3A_1555 = tpu.memref_squeeze %dma_start3A_1554 : memref<1x!tpu.dma_semaphore, #tpu.memory_space<semaphore_mem>> -> memref<!tpu.dma_semaphore, #tpu.memory_space<semaphore_mem>>
      tpu.enqueue_indirect_dma source(%arg7 : memref<128xf32, #tpu.memory_space<vmem>>) target(%dma_start3A_1553 : memref<102400xf32, #tpu.memory_space<vmem_shared>>) offsets(%dma_start3A_1551 : memref<128xi32, #tpu.memory_space<vmem>>) semaphore(%dma_start3A_1555 : memref<!tpu.dma_semaphore, #tpu.memory_space<semaphore_mem>>) {add = true}
      %dma_start3A_1556 = arith.constant 2 : i32
      %dma_start3A_1557 = arith.constant 14 : i32
      %dma_start3A_1558 = arith.constant 0 : i32
      %dma_start3A_1559 = arith.constant 0 : i32
      %dma_start3A_1560 = tpu.memref_slice %arg6[%dma_start3A_1556, %dma_start3A_1557, %dma_start3A_1559] : memref<4x16x128xi32, #tpu.memory_space<vmem>> -> memref<1x1x128xi32, #tpu.memory_space<vmem>>
      %dma_start3A_1561 = tpu.memref_squeeze %dma_start3A_1560 : memref<1x1x128xi32, #tpu.memory_space<vmem>> -> memref<128xi32, #tpu.memory_space<vmem>>
      %dma_start3A_1562 = arith.constant 0 : i32
      %dma_start3A_1563 = tpu.memref_slice %arg8[%dma_start3A_1562] : memref<102400xf32, #tpu.memory_space<vmem_shared>> -> memref<102400xf32, #tpu.memory_space<vmem_shared>>
      %dma_start3A_1564 = tpu.memref_slice %arg10[%dma_start3A_1558] : memref<2x!tpu.dma_semaphore, #tpu.memory_space<semaphore_mem>> -> memref<1x!tpu.dma_semaphore, #tpu.memory_space<semaphore_mem>>
      %dma_start3A_1565 = tpu.memref_squeeze %dma_start3A_1564 : memref<1x!tpu.dma_semaphore, #tpu.memory_space<semaphore_mem>> -> memref<!tpu.dma_semaphore, #tpu.memory_space<semaphore_mem>>
      tpu.enqueue_indirect_dma source(%arg7 : memref<128xf32, #tpu.memory_space<vmem>>) target(%dma_start3A_1563 : memref<102400xf32, #tpu.memory_space<vmem_shared>>) offsets(%dma_start3A_1561 : memref<128xi32, #tpu.memory_space<vmem>>) semaphore(%dma_start3A_1565 : memref<!tpu.dma_semaphore, #tpu.memory_space<semaphore_mem>>) {add = true}
      %dma_start3A_1566 = arith.constant 2 : i32
      %dma_start3A_1567 = arith.constant 15 : i32
      %dma_start3A_1568 = arith.constant 0 : i32
      %dma_start3A_1569 = arith.constant 0 : i32
      %dma_start3A_1570 = tpu.memref_slice %arg6[%dma_start3A_1566, %dma_start3A_1567, %dma_start3A_1569] : memref<4x16x128xi32, #tpu.memory_space<vmem>> -> memref<1x1x128xi32, #tpu.memory_space<vmem>>
      %dma_start3A_1571 = tpu.memref_squeeze %dma_start3A_1570 : memref<1x1x128xi32, #tpu.memory_space<vmem>> -> memref<128xi32, #tpu.memory_space<vmem>>
      %dma_start3A_1572 = arith.constant 0 : i32
      %dma_start3A_1573 = tpu.memref_slice %arg8[%dma_start3A_1572] : memref<102400xf32, #tpu.memory_space<vmem_shared>> -> memref<102400xf32, #tpu.memory_space<vmem_shared>>
      %dma_start3A_1574 = tpu.memref_slice %arg10[%dma_start3A_1568] : memref<2x!tpu.dma_semaphore, #tpu.memory_space<semaphore_mem>> -> memref<1x!tpu.dma_semaphore, #tpu.memory_space<semaphore_mem>>
      %dma_start3A_1575 = tpu.memref_squeeze %dma_start3A_1574 : memref<1x!tpu.dma_semaphore, #tpu.memory_space<semaphore_mem>> -> memref<!tpu.dma_semaphore, #tpu.memory_space<semaphore_mem>>
      tpu.enqueue_indirect_dma source(%arg7 : memref<128xf32, #tpu.memory_space<vmem>>) target(%dma_start3A_1573 : memref<102400xf32, #tpu.memory_space<vmem_shared>>) offsets(%dma_start3A_1571 : memref<128xi32, #tpu.memory_space<vmem>>) semaphore(%dma_start3A_1575 : memref<!tpu.dma_semaphore, #tpu.memory_space<semaphore_mem>>) {add = true}
      %add3A_1576 = arith.constant 1 : i32
      %add3A_1577 = arith.addi %add3A_1260, %add3A_1576 : i32
      %dma_wait3A_1578 = arith.constant 1 : i32
      %dma_wait3A_1579 = arith.constant 0 : i32
      %dma_wait3A_1580 = tpu.memref_slice %arg4[%dma_wait3A_1579] : memref<102400xf32, #tpu.memory_space<hbm>> -> memref<128xf32, #tpu.memory_space<hbm>>
      %dma_wait3A_1581 = tpu.memref_slice %arg10[%dma_wait3A_1578] : memref<2x!tpu.dma_semaphore, #tpu.memory_space<semaphore_mem>> -> memref<1x!tpu.dma_semaphore, #tpu.memory_space<semaphore_mem>>
      %dma_wait3A_1582 = tpu.memref_squeeze %dma_wait3A_1581 : memref<1x!tpu.dma_semaphore, #tpu.memory_space<semaphore_mem>> -> memref<!tpu.dma_semaphore, #tpu.memory_space<semaphore_mem>>
      %dma_wait3A_1583 = arith.constant 0 : i32
      %dma_wait3A_1584 = tpu.memref_slice %arg4[%dma_wait3A_1583] : memref<102400xf32, #tpu.memory_space<hbm>> -> memref<128xf32, #tpu.memory_space<hbm>>
      tpu.wait_dma2 semaphore(%dma_wait3A_1582 : memref<!tpu.dma_semaphore, #tpu.memory_space<semaphore_mem>>) src(%dma_wait3A_1584 : memref<128xf32, #tpu.memory_space<hbm>>) dst(%arg7 : memref<128xf32, #tpu.memory_space<vmem>>)
      %dma_wait3A_1585 = arith.constant 1 : i32
      %dma_wait3A_1586 = arith.constant 0 : i32
      %dma_wait3A_1587 = tpu.memref_slice %arg4[%dma_wait3A_1586] : memref<102400xf32, #tpu.memory_space<hbm>> -> memref<128xf32, #tpu.memory_space<hbm>>
      %dma_wait3A_1588 = tpu.memref_slice %arg10[%dma_wait3A_1585] : memref<2x!tpu.dma_semaphore, #tpu.memory_space<semaphore_mem>> -> memref<1x!tpu.dma_semaphore, #tpu.memory_space<semaphore_mem>>
      %dma_wait3A_1589 = tpu.memref_squeeze %dma_wait3A_1588 : memref<1x!tpu.dma_semaphore, #tpu.memory_space<semaphore_mem>> -> memref<!tpu.dma_semaphore, #tpu.memory_space<semaphore_mem>>
      %dma_wait3A_1590 = arith.constant 0 : i32
      %dma_wait3A_1591 = tpu.memref_slice %arg4[%dma_wait3A_1590] : memref<102400xf32, #tpu.memory_space<hbm>> -> memref<128xf32, #tpu.memory_space<hbm>>
      tpu.wait_dma2 semaphore(%dma_wait3A_1589 : memref<!tpu.dma_semaphore, #tpu.memory_space<semaphore_mem>>) src(%dma_wait3A_1591 : memref<128xf32, #tpu.memory_space<hbm>>) dst(%arg7 : memref<128xf32, #tpu.memory_space<vmem>>)
      %dma_wait3A_1592 = arith.constant 1 : i32
      %dma_wait3A_1593 = arith.constant 0 : i32
      %dma_wait3A_1594 = tpu.memref_slice %arg4[%dma_wait3A_1593] : memref<102400xf32, #tpu.memory_space<hbm>> -> memref<128xf32, #tpu.memory_space<hbm>>
      %dma_wait3A_1595 = tpu.memref_slice %arg10[%dma_wait3A_1592] : memref<2x!tpu.dma_semaphore, #tpu.memory_space<semaphore_mem>> -> memref<1x!tpu.dma_semaphore, #tpu.memory_space<semaphore_mem>>
      %dma_wait3A_1596 = tpu.memref_squeeze %dma_wait3A_1595 : memref<1x!tpu.dma_semaphore, #tpu.memory_space<semaphore_mem>> -> memref<!tpu.dma_semaphore, #tpu.memory_space<semaphore_mem>>
      %dma_wait3A_1597 = arith.constant 0 : i32
      %dma_wait3A_1598 = tpu.memref_slice %arg4[%dma_wait3A_1597] : memref<102400xf32, #tpu.memory_space<hbm>> -> memref<128xf32, #tpu.memory_space<hbm>>
      tpu.wait_dma2 semaphore(%dma_wait3A_1596 : memref<!tpu.dma_semaphore, #tpu.memory_space<semaphore_mem>>) src(%dma_wait3A_1598 : memref<128xf32, #tpu.memory_space<hbm>>) dst(%arg7 : memref<128xf32, #tpu.memory_space<vmem>>)
      %dma_wait3A_1599 = arith.constant 1 : i32
      %dma_wait3A_1600 = arith.constant 0 : i32
      %dma_wait3A_1601 = tpu.memref_slice %arg4[%dma_wait3A_1600] : memref<102400xf32, #tpu.memory_space<hbm>> -> memref<128xf32, #tpu.memory_space<hbm>>
      %dma_wait3A_1602 = tpu.memref_slice %arg10[%dma_wait3A_1599] : memref<2x!tpu.dma_semaphore, #tpu.memory_space<semaphore_mem>> -> memref<1x!tpu.dma_semaphore, #tpu.memory_space<semaphore_mem>>
      %dma_wait3A_1603 = tpu.memref_squeeze %dma_wait3A_1602 : memref<1x!tpu.dma_semaphore, #tpu.memory_space<semaphore_mem>> -> memref<!tpu.dma_semaphore, #tpu.memory_space<semaphore_mem>>
      %dma_wait3A_1604 = arith.constant 0 : i32
      %dma_wait3A_1605 = tpu.memref_slice %arg4[%dma_wait3A_1604] : memref<102400xf32, #tpu.memory_space<hbm>> -> memref<128xf32, #tpu.memory_space<hbm>>
      tpu.wait_dma2 semaphore(%dma_wait3A_1603 : memref<!tpu.dma_semaphore, #tpu.memory_space<semaphore_mem>>) src(%dma_wait3A_1605 : memref<128xf32, #tpu.memory_space<hbm>>) dst(%arg7 : memref<128xf32, #tpu.memory_space<vmem>>)
      %dma_wait3A_1606 = arith.constant 1 : i32
      %dma_wait3A_1607 = arith.constant 0 : i32
      %dma_wait3A_1608 = tpu.memref_slice %arg4[%dma_wait3A_1607] : memref<102400xf32, #tpu.memory_space<hbm>> -> memref<128xf32, #tpu.memory_space<hbm>>
      %dma_wait3A_1609 = tpu.memref_slice %arg10[%dma_wait3A_1606] : memref<2x!tpu.dma_semaphore, #tpu.memory_space<semaphore_mem>> -> memref<1x!tpu.dma_semaphore, #tpu.memory_space<semaphore_mem>>
      %dma_wait3A_1610 = tpu.memref_squeeze %dma_wait3A_1609 : memref<1x!tpu.dma_semaphore, #tpu.memory_space<semaphore_mem>> -> memref<!tpu.dma_semaphore, #tpu.memory_space<semaphore_mem>>
      %dma_wait3A_1611 = arith.constant 0 : i32
      %dma_wait3A_1612 = tpu.memref_slice %arg4[%dma_wait3A_1611] : memref<102400xf32, #tpu.memory_space<hbm>> -> memref<128xf32, #tpu.memory_space<hbm>>
      tpu.wait_dma2 semaphore(%dma_wait3A_1610 : memref<!tpu.dma_semaphore, #tpu.memory_space<semaphore_mem>>) src(%dma_wait3A_1612 : memref<128xf32, #tpu.memory_space<hbm>>) dst(%arg7 : memref<128xf32, #tpu.memory_space<vmem>>)
      %dma_wait3A_1613 = arith.constant 1 : i32
      %dma_wait3A_1614 = arith.constant 0 : i32
      %dma_wait3A_1615 = tpu.memref_slice %arg4[%dma_wait3A_1614] : memref<102400xf32, #tpu.memory_space<hbm>> -> memref<128xf32, #tpu.memory_space<hbm>>
      %dma_wait3A_1616 = tpu.memref_slice %arg10[%dma_wait3A_1613] : memref<2x!tpu.dma_semaphore, #tpu.memory_space<semaphore_mem>> -> memref<1x!tpu.dma_semaphore, #tpu.memory_space<semaphore_mem>>
      %dma_wait3A_1617 = tpu.memref_squeeze %dma_wait3A_1616 : memref<1x!tpu.dma_semaphore, #tpu.memory_space<semaphore_mem>> -> memref<!tpu.dma_semaphore, #tpu.memory_space<semaphore_mem>>
      %dma_wait3A_1618 = arith.constant 0 : i32
      %dma_wait3A_1619 = tpu.memref_slice %arg4[%dma_wait3A_1618] : memref<102400xf32, #tpu.memory_space<hbm>> -> memref<128xf32, #tpu.memory_space<hbm>>
      tpu.wait_dma2 semaphore(%dma_wait3A_1617 : memref<!tpu.dma_semaphore, #tpu.memory_space<semaphore_mem>>) src(%dma_wait3A_1619 : memref<128xf32, #tpu.memory_space<hbm>>) dst(%arg7 : memref<128xf32, #tpu.memory_space<vmem>>)
      %dma_wait3A_1620 = arith.constant 1 : i32
      %dma_wait3A_1621 = arith.constant 0 : i32
      %dma_wait3A_1622 = tpu.memref_slice %arg4[%dma_wait3A_1621] : memref<102400xf32, #tpu.memory_space<hbm>> -> memref<128xf32, #tpu.memory_space<hbm>>
      %dma_wait3A_1623 = tpu.memref_slice %arg10[%dma_wait3A_1620] : memref<2x!tpu.dma_semaphore, #tpu.memory_space<semaphore_mem>> -> memref<1x!tpu.dma_semaphore, #tpu.memory_space<semaphore_mem>>
      %dma_wait3A_1624 = tpu.memref_squeeze %dma_wait3A_1623 : memref<1x!tpu.dma_semaphore, #tpu.memory_space<semaphore_mem>> -> memref<!tpu.dma_semaphore, #tpu.memory_space<semaphore_mem>>
      %dma_wait3A_1625 = arith.constant 0 : i32
      %dma_wait3A_1626 = tpu.memref_slice %arg4[%dma_wait3A_1625] : memref<102400xf32, #tpu.memory_space<hbm>> -> memref<128xf32, #tpu.memory_space<hbm>>
      tpu.wait_dma2 semaphore(%dma_wait3A_1624 : memref<!tpu.dma_semaphore, #tpu.memory_space<semaphore_mem>>) src(%dma_wait3A_1626 : memref<128xf32, #tpu.memory_space<hbm>>) dst(%arg7 : memref<128xf32, #tpu.memory_space<vmem>>)
      %dma_wait3A_1627 = arith.constant 1 : i32
      %dma_wait3A_1628 = arith.constant 0 : i32
      %dma_wait3A_1629 = tpu.memref_slice %arg4[%dma_wait3A_1628] : memref<102400xf32, #tpu.memory_space<hbm>> -> memref<128xf32, #tpu.memory_space<hbm>>
      %dma_wait3A_1630 = tpu.memref_slice %arg10[%dma_wait3A_1627] : memref<2x!tpu.dma_semaphore, #tpu.memory_space<semaphore_mem>> -> memref<1x!tpu.dma_semaphore, #tpu.memory_space<semaphore_mem>>
      %dma_wait3A_1631 = tpu.memref_squeeze %dma_wait3A_1630 : memref<1x!tpu.dma_semaphore, #tpu.memory_space<semaphore_mem>> -> memref<!tpu.dma_semaphore, #tpu.memory_space<semaphore_mem>>
      %dma_wait3A_1632 = arith.constant 0 : i32
      %dma_wait3A_1633 = tpu.memref_slice %arg4[%dma_wait3A_1632] : memref<102400xf32, #tpu.memory_space<hbm>> -> memref<128xf32, #tpu.memory_space<hbm>>
      tpu.wait_dma2 semaphore(%dma_wait3A_1631 : memref<!tpu.dma_semaphore, #tpu.memory_space<semaphore_mem>>) src(%dma_wait3A_1633 : memref<128xf32, #tpu.memory_space<hbm>>) dst(%arg7 : memref<128xf32, #tpu.memory_space<vmem>>)
      %dma_wait3A_1634 = arith.constant 1 : i32
      %dma_wait3A_1635 = arith.constant 0 : i32
      %dma_wait3A_1636 = tpu.memref_slice %arg4[%dma_wait3A_1635] : memref<102400xf32, #tpu.memory_space<hbm>> -> memref<128xf32, #tpu.memory_space<hbm>>
      %dma_wait3A_1637 = tpu.memref_slice %arg10[%dma_wait3A_1634] : memref<2x!tpu.dma_semaphore, #tpu.memory_space<semaphore_mem>> -> memref<1x!tpu.dma_semaphore, #tpu.memory_space<semaphore_mem>>
      %dma_wait3A_1638 = tpu.memref_squeeze %dma_wait3A_1637 : memref<1x!tpu.dma_semaphore, #tpu.memory_space<semaphore_mem>> -> memref<!tpu.dma_semaphore, #tpu.memory_space<semaphore_mem>>
      %dma_wait3A_1639 = arith.constant 0 : i32
      %dma_wait3A_1640 = tpu.memref_slice %arg4[%dma_wait3A_1639] : memref<102400xf32, #tpu.memory_space<hbm>> -> memref<128xf32, #tpu.memory_space<hbm>>
      tpu.wait_dma2 semaphore(%dma_wait3A_1638 : memref<!tpu.dma_semaphore, #tpu.memory_space<semaphore_mem>>) src(%dma_wait3A_1640 : memref<128xf32, #tpu.memory_space<hbm>>) dst(%arg7 : memref<128xf32, #tpu.memory_space<vmem>>)
      %dma_wait3A_1641 = arith.constant 1 : i32
      %dma_wait3A_1642 = arith.constant 0 : i32
      %dma_wait3A_1643 = tpu.memref_slice %arg4[%dma_wait3A_1642] : memref<102400xf32, #tpu.memory_space<hbm>> -> memref<128xf32, #tpu.memory_space<hbm>>
      %dma_wait3A_1644 = tpu.memref_slice %arg10[%dma_wait3A_1641] : memref<2x!tpu.dma_semaphore, #tpu.memory_space<semaphore_mem>> -> memref<1x!tpu.dma_semaphore, #tpu.memory_space<semaphore_mem>>
      %dma_wait3A_1645 = tpu.memref_squeeze %dma_wait3A_1644 : memref<1x!tpu.dma_semaphore, #tpu.memory_space<semaphore_mem>> -> memref<!tpu.dma_semaphore, #tpu.memory_space<semaphore_mem>>
      %dma_wait3A_1646 = arith.constant 0 : i32
      %dma_wait3A_1647 = tpu.memref_slice %arg4[%dma_wait3A_1646] : memref<102400xf32, #tpu.memory_space<hbm>> -> memref<128xf32, #tpu.memory_space<hbm>>
      tpu.wait_dma2 semaphore(%dma_wait3A_1645 : memref<!tpu.dma_semaphore, #tpu.memory_space<semaphore_mem>>) src(%dma_wait3A_1647 : memref<128xf32, #tpu.memory_space<hbm>>) dst(%arg7 : memref<128xf32, #tpu.memory_space<vmem>>)
      %dma_wait3A_1648 = arith.constant 1 : i32
      %dma_wait3A_1649 = arith.constant 0 : i32
      %dma_wait3A_1650 = tpu.memref_slice %arg4[%dma_wait3A_1649] : memref<102400xf32, #tpu.memory_space<hbm>> -> memref<128xf32, #tpu.memory_space<hbm>>
      %dma_wait3A_1651 = tpu.memref_slice %arg10[%dma_wait3A_1648] : memref<2x!tpu.dma_semaphore, #tpu.memory_space<semaphore_mem>> -> memref<1x!tpu.dma_semaphore, #tpu.memory_space<semaphore_mem>>
      %dma_wait3A_1652 = tpu.memref_squeeze %dma_wait3A_1651 : memref<1x!tpu.dma_semaphore, #tpu.memory_space<semaphore_mem>> -> memref<!tpu.dma_semaphore, #tpu.memory_space<semaphore_mem>>
      %dma_wait3A_1653 = arith.constant 0 : i32
      %dma_wait3A_1654 = tpu.memref_slice %arg4[%dma_wait3A_1653] : memref<102400xf32, #tpu.memory_space<hbm>> -> memref<128xf32, #tpu.memory_space<hbm>>
      tpu.wait_dma2 semaphore(%dma_wait3A_1652 : memref<!tpu.dma_semaphore, #tpu.memory_space<semaphore_mem>>) src(%dma_wait3A_1654 : memref<128xf32, #tpu.memory_space<hbm>>) dst(%arg7 : memref<128xf32, #tpu.memory_space<vmem>>)
      %dma_wait3A_1655 = arith.constant 1 : i32
      %dma_wait3A_1656 = arith.constant 0 : i32
      %dma_wait3A_1657 = tpu.memref_slice %arg4[%dma_wait3A_1656] : memref<102400xf32, #tpu.memory_space<hbm>> -> memref<128xf32, #tpu.memory_space<hbm>>
      %dma_wait3A_1658 = tpu.memref_slice %arg10[%dma_wait3A_1655] : memref<2x!tpu.dma_semaphore, #tpu.memory_space<semaphore_mem>> -> memref<1x!tpu.dma_semaphore, #tpu.memory_space<semaphore_mem>>
      %dma_wait3A_1659 = tpu.memref_squeeze %dma_wait3A_1658 : memref<1x!tpu.dma_semaphore, #tpu.memory_space<semaphore_mem>> -> memref<!tpu.dma_semaphore, #tpu.memory_space<semaphore_mem>>
      %dma_wait3A_1660 = arith.constant 0 : i32
      %dma_wait3A_1661 = tpu.memref_slice %arg4[%dma_wait3A_1660] : memref<102400xf32, #tpu.memory_space<hbm>> -> memref<128xf32, #tpu.memory_space<hbm>>
      tpu.wait_dma2 semaphore(%dma_wait3A_1659 : memref<!tpu.dma_semaphore, #tpu.memory_space<semaphore_mem>>) src(%dma_wait3A_1661 : memref<128xf32, #tpu.memory_space<hbm>>) dst(%arg7 : memref<128xf32, #tpu.memory_space<vmem>>)
      %dma_wait3A_1662 = arith.constant 1 : i32
      %dma_wait3A_1663 = arith.constant 0 : i32
      %dma_wait3A_1664 = tpu.memref_slice %arg4[%dma_wait3A_1663] : memref<102400xf32, #tpu.memory_space<hbm>> -> memref<128xf32, #tpu.memory_space<hbm>>
      %dma_wait3A_1665 = tpu.memref_slice %arg10[%dma_wait3A_1662] : memref<2x!tpu.dma_semaphore, #tpu.memory_space<semaphore_mem>> -> memref<1x!tpu.dma_semaphore, #tpu.memory_space<semaphore_mem>>
      %dma_wait3A_1666 = tpu.memref_squeeze %dma_wait3A_1665 : memref<1x!tpu.dma_semaphore, #tpu.memory_space<semaphore_mem>> -> memref<!tpu.dma_semaphore, #tpu.memory_space<semaphore_mem>>
      %dma_wait3A_1667 = arith.constant 0 : i32
      %dma_wait3A_1668 = tpu.memref_slice %arg4[%dma_wait3A_1667] : memref<102400xf32, #tpu.memory_space<hbm>> -> memref<128xf32, #tpu.memory_space<hbm>>
      tpu.wait_dma2 semaphore(%dma_wait3A_1666 : memref<!tpu.dma_semaphore, #tpu.memory_space<semaphore_mem>>) src(%dma_wait3A_1668 : memref<128xf32, #tpu.memory_space<hbm>>) dst(%arg7 : memref<128xf32, #tpu.memory_space<vmem>>)
      %dma_wait3A_1669 = arith.constant 1 : i32
      %dma_wait3A_1670 = arith.constant 0 : i32
      %dma_wait3A_1671 = tpu.memref_slice %arg4[%dma_wait3A_1670] : memref<102400xf32, #tpu.memory_space<hbm>> -> memref<128xf32, #tpu.memory_space<hbm>>
      %dma_wait3A_1672 = tpu.memref_slice %arg10[%dma_wait3A_1669] : memref<2x!tpu.dma_semaphore, #tpu.memory_space<semaphore_mem>> -> memref<1x!tpu.dma_semaphore, #tpu.memory_space<semaphore_mem>>
      %dma_wait3A_1673 = tpu.memref_squeeze %dma_wait3A_1672 : memref<1x!tpu.dma_semaphore, #tpu.memory_space<semaphore_mem>> -> memref<!tpu.dma_semaphore, #tpu.memory_space<semaphore_mem>>
      %dma_wait3A_1674 = arith.constant 0 : i32
      %dma_wait3A_1675 = tpu.memref_slice %arg4[%dma_wait3A_1674] : memref<102400xf32, #tpu.memory_space<hbm>> -> memref<128xf32, #tpu.memory_space<hbm>>
      tpu.wait_dma2 semaphore(%dma_wait3A_1673 : memref<!tpu.dma_semaphore, #tpu.memory_space<semaphore_mem>>) src(%dma_wait3A_1675 : memref<128xf32, #tpu.memory_space<hbm>>) dst(%arg7 : memref<128xf32, #tpu.memory_space<vmem>>)
      %dma_wait3A_1676 = arith.constant 1 : i32
      %dma_wait3A_1677 = arith.constant 0 : i32
      %dma_wait3A_1678 = tpu.memref_slice %arg4[%dma_wait3A_1677] : memref<102400xf32, #tpu.memory_space<hbm>> -> memref<128xf32, #tpu.memory_space<hbm>>
      %dma_wait3A_1679 = tpu.memref_slice %arg10[%dma_wait3A_1676] : memref<2x!tpu.dma_semaphore, #tpu.memory_space<semaphore_mem>> -> memref<1x!tpu.dma_semaphore, #tpu.memory_space<semaphore_mem>>
      %dma_wait3A_1680 = tpu.memref_squeeze %dma_wait3A_1679 : memref<1x!tpu.dma_semaphore, #tpu.memory_space<semaphore_mem>> -> memref<!tpu.dma_semaphore, #tpu.memory_space<semaphore_mem>>
      %dma_wait3A_1681 = arith.constant 0 : i32
      %dma_wait3A_1682 = tpu.memref_slice %arg4[%dma_wait3A_1681] : memref<102400xf32, #tpu.memory_space<hbm>> -> memref<128xf32, #tpu.memory_space<hbm>>
      tpu.wait_dma2 semaphore(%dma_wait3A_1680 : memref<!tpu.dma_semaphore, #tpu.memory_space<semaphore_mem>>) src(%dma_wait3A_1682 : memref<128xf32, #tpu.memory_space<hbm>>) dst(%arg7 : memref<128xf32, #tpu.memory_space<vmem>>)
      %dma_wait3A_1683 = arith.constant 1 : i32
      %dma_wait3A_1684 = arith.constant 0 : i32
      %dma_wait3A_1685 = tpu.memref_slice %arg4[%dma_wait3A_1684] : memref<102400xf32, #tpu.memory_space<hbm>> -> memref<128xf32, #tpu.memory_space<hbm>>
      %dma_wait3A_1686 = tpu.memref_slice %arg10[%dma_wait3A_1683] : memref<2x!tpu.dma_semaphore, #tpu.memory_space<semaphore_mem>> -> memref<1x!tpu.dma_semaphore, #tpu.memory_space<semaphore_mem>>
      %dma_wait3A_1687 = tpu.memref_squeeze %dma_wait3A_1686 : memref<1x!tpu.dma_semaphore, #tpu.memory_space<semaphore_mem>> -> memref<!tpu.dma_semaphore, #tpu.memory_space<semaphore_mem>>
      %dma_wait3A_1688 = arith.constant 0 : i32
      %dma_wait3A_1689 = tpu.memref_slice %arg4[%dma_wait3A_1688] : memref<102400xf32, #tpu.memory_space<hbm>> -> memref<128xf32, #tpu.memory_space<hbm>>
      tpu.wait_dma2 semaphore(%dma_wait3A_1687 : memref<!tpu.dma_semaphore, #tpu.memory_space<semaphore_mem>>) src(%dma_wait3A_1689 : memref<128xf32, #tpu.memory_space<hbm>>) dst(%arg7 : memref<128xf32, #tpu.memory_space<vmem>>)
      %add3A_1690 = arith.constant 2 : i32
      %add3A_1691 = arith.addi %add3A_1577, %add3A_1690 : i32
      %mul3A_1692 = arith.constant 1600 : i32
      %mul3A_1693 = arith.muli %add3A, %mul3A_1692 : i32
      %mul3A_1694 = arith.constant 16 : i32
      %mul3A_1695 = arith.muli %add3A_1691, %mul3A_1694 : i32
      %add3A_1696 = arith.addi %mul3A_1693, %mul3A_1695 : i32
      %dma_start3A_1697 = arith.constant 1 : i32
      %dma_start3A_1698 = arith.constant 1 : i32
      %dma_start3A_1699 = arith.constant 0 : i32
      %dma_start3A_1700 = arith.constant 0 : i32
      %dma_start3A_1701 = tpu.memref_slice %arg6[%dma_start3A_1697, %dma_start3A_1699, %dma_start3A_1700] : memref<4x16x128xi32, #tpu.memory_space<vmem>> -> memref<1x16x128xi32, #tpu.memory_space<vmem>>
      %dma_start3A_1702 = tpu.memref_squeeze %dma_start3A_1701 : memref<1x16x128xi32, #tpu.memory_space<vmem>> -> memref<16x128xi32, #tpu.memory_space<vmem>>
      %dma_start3A_1703 = arith.constant 0 : i32
      %dma_start3A_1704 = tpu.memref_slice %arg2[%add3A_1696, %dma_start3A_1703] : memref<51200x128xi32, #tpu.memory_space<hbm>> -> memref<16x128xi32, #tpu.memory_space<hbm>>
      %dma_start3A_1705 = tpu.memref_slice %arg9[%dma_start3A_1698] : memref<4x!tpu.dma_semaphore, #tpu.memory_space<semaphore_mem>> -> memref<1x!tpu.dma_semaphore, #tpu.memory_space<semaphore_mem>>
      %dma_start3A_1706 = tpu.memref_squeeze %dma_start3A_1705 : memref<1x!tpu.dma_semaphore, #tpu.memory_space<semaphore_mem>> -> memref<!tpu.dma_semaphore, #tpu.memory_space<semaphore_mem>>
      %dma_start3A_1707 = arith.constant 0 : i32
      %dma_start3A_1708 = arith.constant 0 : i32
      %dma_start3A_1709 = tpu.memref_slice %arg6[%dma_start3A_1697, %dma_start3A_1707, %dma_start3A_1708] : memref<4x16x128xi32, #tpu.memory_space<vmem>> -> memref<1x16x128xi32, #tpu.memory_space<vmem>>
      %dma_start3A_1710 = tpu.memref_squeeze %dma_start3A_1709 : memref<1x16x128xi32, #tpu.memory_space<vmem>> -> memref<16x128xi32, #tpu.memory_space<vmem>>
      %dma_start3A_1711 = arith.constant 0 : i32
      %dma_start3A_1712 = tpu.memref_slice %arg2[%add3A_1696, %dma_start3A_1711] : memref<51200x128xi32, #tpu.memory_space<hbm>> -> memref<16x128xi32, #tpu.memory_space<hbm>>
      tpu.enqueue_dma source(%dma_start3A_1712 : memref<16x128xi32, #tpu.memory_space<hbm>>) target(%dma_start3A_1710 : memref<16x128xi32, #tpu.memory_space<vmem>>) target_semaphore(%dma_start3A_1706 : memref<!tpu.dma_semaphore, #tpu.memory_space<semaphore_mem>>)
      %dma_wait3A_1713 = arith.constant 3 : i32
      %dma_wait3A_1714 = arith.constant 3 : i32
      %dma_wait3A_1715 = arith.constant 0 : i32
      %dma_wait3A_1716 = arith.constant 0 : i32
      %dma_wait3A_1717 = tpu.memref_slice %arg6[%dma_wait3A_1713, %dma_wait3A_1715, %dma_wait3A_1716] : memref<4x16x128xi32, #tpu.memory_space<vmem>> -> memref<1x16x128xi32, #tpu.memory_space<vmem>>
      %dma_wait3A_1718 = tpu.memref_squeeze %dma_wait3A_1717 : memref<1x16x128xi32, #tpu.memory_space<vmem>> -> memref<16x128xi32, #tpu.memory_space<vmem>>
      %dma_wait3A_1719 = arith.constant 0 : i32
      %dma_wait3A_1720 = arith.constant 0 : i32
      %dma_wait3A_1721 = tpu.memref_slice %arg2[%dma_wait3A_1719, %dma_wait3A_1720] : memref<51200x128xi32, #tpu.memory_space<hbm>> -> memref<16x128xi32, #tpu.memory_space<hbm>>
      %dma_wait3A_1722 = tpu.memref_slice %arg9[%dma_wait3A_1714] : memref<4x!tpu.dma_semaphore, #tpu.memory_space<semaphore_mem>> -> memref<1x!tpu.dma_semaphore, #tpu.memory_space<semaphore_mem>>
      %dma_wait3A_1723 = tpu.memref_squeeze %dma_wait3A_1722 : memref<1x!tpu.dma_semaphore, #tpu.memory_space<semaphore_mem>> -> memref<!tpu.dma_semaphore, #tpu.memory_space<semaphore_mem>>
      %dma_wait3A_1724 = arith.constant 0 : i32
      %dma_wait3A_1725 = arith.constant 0 : i32
      %dma_wait3A_1726 = tpu.memref_slice %arg6[%dma_wait3A_1713, %dma_wait3A_1724, %dma_wait3A_1725] : memref<4x16x128xi32, #tpu.memory_space<vmem>> -> memref<1x16x128xi32, #tpu.memory_space<vmem>>
      %dma_wait3A_1727 = tpu.memref_squeeze %dma_wait3A_1726 : memref<1x16x128xi32, #tpu.memory_space<vmem>> -> memref<16x128xi32, #tpu.memory_space<vmem>>
      %dma_wait3A_1728 = arith.constant 0 : i32
      %dma_wait3A_1729 = arith.constant 0 : i32
      %dma_wait3A_1730 = tpu.memref_slice %arg2[%dma_wait3A_1728, %dma_wait3A_1729] : memref<51200x128xi32, #tpu.memory_space<hbm>> -> memref<16x128xi32, #tpu.memory_space<hbm>>
      tpu.wait_dma2 semaphore(%dma_wait3A_1723 : memref<!tpu.dma_semaphore, #tpu.memory_space<semaphore_mem>>) src(%dma_wait3A_1730 : memref<16x128xi32, #tpu.memory_space<hbm>>) dst(%dma_wait3A_1727 : memref<16x128xi32, #tpu.memory_space<vmem>>)
      %dma_start3A_1731 = arith.constant 3 : i32
      %dma_start3A_1732 = arith.constant 0 : i32
      %dma_start3A_1733 = arith.constant 1 : i32
      %dma_start3A_1734 = arith.constant 0 : i32
      %dma_start3A_1735 = tpu.memref_slice %arg6[%dma_start3A_1731, %dma_start3A_1732, %dma_start3A_1734] : memref<4x16x128xi32, #tpu.memory_space<vmem>> -> memref<1x1x128xi32, #tpu.memory_space<vmem>>
      %dma_start3A_1736 = tpu.memref_squeeze %dma_start3A_1735 : memref<1x1x128xi32, #tpu.memory_space<vmem>> -> memref<128xi32, #tpu.memory_space<vmem>>
      %dma_start3A_1737 = arith.constant 0 : i32
      %dma_start3A_1738 = tpu.memref_slice %arg8[%dma_start3A_1737] : memref<102400xf32, #tpu.memory_space<vmem_shared>> -> memref<102400xf32, #tpu.memory_space<vmem_shared>>
      %dma_start3A_1739 = tpu.memref_slice %arg10[%dma_start3A_1733] : memref<2x!tpu.dma_semaphore, #tpu.memory_space<semaphore_mem>> -> memref<1x!tpu.dma_semaphore, #tpu.memory_space<semaphore_mem>>
      %dma_start3A_1740 = tpu.memref_squeeze %dma_start3A_1739 : memref<1x!tpu.dma_semaphore, #tpu.memory_space<semaphore_mem>> -> memref<!tpu.dma_semaphore, #tpu.memory_space<semaphore_mem>>
      tpu.enqueue_indirect_dma source(%arg7 : memref<128xf32, #tpu.memory_space<vmem>>) target(%dma_start3A_1738 : memref<102400xf32, #tpu.memory_space<vmem_shared>>) offsets(%dma_start3A_1736 : memref<128xi32, #tpu.memory_space<vmem>>) semaphore(%dma_start3A_1740 : memref<!tpu.dma_semaphore, #tpu.memory_space<semaphore_mem>>) {add = true}
      %dma_start3A_1741 = arith.constant 3 : i32
      %dma_start3A_1742 = arith.constant 1 : i32
      %dma_start3A_1743 = arith.constant 1 : i32
      %dma_start3A_1744 = arith.constant 0 : i32
      %dma_start3A_1745 = tpu.memref_slice %arg6[%dma_start3A_1741, %dma_start3A_1742, %dma_start3A_1744] : memref<4x16x128xi32, #tpu.memory_space<vmem>> -> memref<1x1x128xi32, #tpu.memory_space<vmem>>
      %dma_start3A_1746 = tpu.memref_squeeze %dma_start3A_1745 : memref<1x1x128xi32, #tpu.memory_space<vmem>> -> memref<128xi32, #tpu.memory_space<vmem>>
      %dma_start3A_1747 = arith.constant 0 : i32
      %dma_start3A_1748 = tpu.memref_slice %arg8[%dma_start3A_1747] : memref<102400xf32, #tpu.memory_space<vmem_shared>> -> memref<102400xf32, #tpu.memory_space<vmem_shared>>
      %dma_start3A_1749 = tpu.memref_slice %arg10[%dma_start3A_1743] : memref<2x!tpu.dma_semaphore, #tpu.memory_space<semaphore_mem>> -> memref<1x!tpu.dma_semaphore, #tpu.memory_space<semaphore_mem>>
      %dma_start3A_1750 = tpu.memref_squeeze %dma_start3A_1749 : memref<1x!tpu.dma_semaphore, #tpu.memory_space<semaphore_mem>> -> memref<!tpu.dma_semaphore, #tpu.memory_space<semaphore_mem>>
      tpu.enqueue_indirect_dma source(%arg7 : memref<128xf32, #tpu.memory_space<vmem>>) target(%dma_start3A_1748 : memref<102400xf32, #tpu.memory_space<vmem_shared>>) offsets(%dma_start3A_1746 : memref<128xi32, #tpu.memory_space<vmem>>) semaphore(%dma_start3A_1750 : memref<!tpu.dma_semaphore, #tpu.memory_space<semaphore_mem>>) {add = true}
      %dma_start3A_1751 = arith.constant 3 : i32
      %dma_start3A_1752 = arith.constant 2 : i32
      %dma_start3A_1753 = arith.constant 1 : i32
      %dma_start3A_1754 = arith.constant 0 : i32
      %dma_start3A_1755 = tpu.memref_slice %arg6[%dma_start3A_1751, %dma_start3A_1752, %dma_start3A_1754] : memref<4x16x128xi32, #tpu.memory_space<vmem>> -> memref<1x1x128xi32, #tpu.memory_space<vmem>>
      %dma_start3A_1756 = tpu.memref_squeeze %dma_start3A_1755 : memref<1x1x128xi32, #tpu.memory_space<vmem>> -> memref<128xi32, #tpu.memory_space<vmem>>
      %dma_start3A_1757 = arith.constant 0 : i32
      %dma_start3A_1758 = tpu.memref_slice %arg8[%dma_start3A_1757] : memref<102400xf32, #tpu.memory_space<vmem_shared>> -> memref<102400xf32, #tpu.memory_space<vmem_shared>>
      %dma_start3A_1759 = tpu.memref_slice %arg10[%dma_start3A_1753] : memref<2x!tpu.dma_semaphore, #tpu.memory_space<semaphore_mem>> -> memref<1x!tpu.dma_semaphore, #tpu.memory_space<semaphore_mem>>
      %dma_start3A_1760 = tpu.memref_squeeze %dma_start3A_1759 : memref<1x!tpu.dma_semaphore, #tpu.memory_space<semaphore_mem>> -> memref<!tpu.dma_semaphore, #tpu.memory_space<semaphore_mem>>
      tpu.enqueue_indirect_dma source(%arg7 : memref<128xf32, #tpu.memory_space<vmem>>) target(%dma_start3A_1758 : memref<102400xf32, #tpu.memory_space<vmem_shared>>) offsets(%dma_start3A_1756 : memref<128xi32, #tpu.memory_space<vmem>>) semaphore(%dma_start3A_1760 : memref<!tpu.dma_semaphore, #tpu.memory_space<semaphore_mem>>) {add = true}
      %dma_start3A_1761 = arith.constant 3 : i32
      %dma_start3A_1762 = arith.constant 3 : i32
      %dma_start3A_1763 = arith.constant 1 : i32
      %dma_start3A_1764 = arith.constant 0 : i32
      %dma_start3A_1765 = tpu.memref_slice %arg6[%dma_start3A_1761, %dma_start3A_1762, %dma_start3A_1764] : memref<4x16x128xi32, #tpu.memory_space<vmem>> -> memref<1x1x128xi32, #tpu.memory_space<vmem>>
      %dma_start3A_1766 = tpu.memref_squeeze %dma_start3A_1765 : memref<1x1x128xi32, #tpu.memory_space<vmem>> -> memref<128xi32, #tpu.memory_space<vmem>>
      %dma_start3A_1767 = arith.constant 0 : i32
      %dma_start3A_1768 = tpu.memref_slice %arg8[%dma_start3A_1767] : memref<102400xf32, #tpu.memory_space<vmem_shared>> -> memref<102400xf32, #tpu.memory_space<vmem_shared>>
      %dma_start3A_1769 = tpu.memref_slice %arg10[%dma_start3A_1763] : memref<2x!tpu.dma_semaphore, #tpu.memory_space<semaphore_mem>> -> memref<1x!tpu.dma_semaphore, #tpu.memory_space<semaphore_mem>>
      %dma_start3A_1770 = tpu.memref_squeeze %dma_start3A_1769 : memref<1x!tpu.dma_semaphore, #tpu.memory_space<semaphore_mem>> -> memref<!tpu.dma_semaphore, #tpu.memory_space<semaphore_mem>>
      tpu.enqueue_indirect_dma source(%arg7 : memref<128xf32, #tpu.memory_space<vmem>>) target(%dma_start3A_1768 : memref<102400xf32, #tpu.memory_space<vmem_shared>>) offsets(%dma_start3A_1766 : memref<128xi32, #tpu.memory_space<vmem>>) semaphore(%dma_start3A_1770 : memref<!tpu.dma_semaphore, #tpu.memory_space<semaphore_mem>>) {add = true}
      %dma_start3A_1771 = arith.constant 3 : i32
      %dma_start3A_1772 = arith.constant 4 : i32
      %dma_start3A_1773 = arith.constant 1 : i32
      %dma_start3A_1774 = arith.constant 0 : i32
      %dma_start3A_1775 = tpu.memref_slice %arg6[%dma_start3A_1771, %dma_start3A_1772, %dma_start3A_1774] : memref<4x16x128xi32, #tpu.memory_space<vmem>> -> memref<1x1x128xi32, #tpu.memory_space<vmem>>
      %dma_start3A_1776 = tpu.memref_squeeze %dma_start3A_1775 : memref<1x1x128xi32, #tpu.memory_space<vmem>> -> memref<128xi32, #tpu.memory_space<vmem>>
      %dma_start3A_1777 = arith.constant 0 : i32
      %dma_start3A_1778 = tpu.memref_slice %arg8[%dma_start3A_1777] : memref<102400xf32, #tpu.memory_space<vmem_shared>> -> memref<102400xf32, #tpu.memory_space<vmem_shared>>
      %dma_start3A_1779 = tpu.memref_slice %arg10[%dma_start3A_1773] : memref<2x!tpu.dma_semaphore, #tpu.memory_space<semaphore_mem>> -> memref<1x!tpu.dma_semaphore, #tpu.memory_space<semaphore_mem>>
      %dma_start3A_1780 = tpu.memref_squeeze %dma_start3A_1779 : memref<1x!tpu.dma_semaphore, #tpu.memory_space<semaphore_mem>> -> memref<!tpu.dma_semaphore, #tpu.memory_space<semaphore_mem>>
      tpu.enqueue_indirect_dma source(%arg7 : memref<128xf32, #tpu.memory_space<vmem>>) target(%dma_start3A_1778 : memref<102400xf32, #tpu.memory_space<vmem_shared>>) offsets(%dma_start3A_1776 : memref<128xi32, #tpu.memory_space<vmem>>) semaphore(%dma_start3A_1780 : memref<!tpu.dma_semaphore, #tpu.memory_space<semaphore_mem>>) {add = true}
      %dma_start3A_1781 = arith.constant 3 : i32
      %dma_start3A_1782 = arith.constant 5 : i32
      %dma_start3A_1783 = arith.constant 1 : i32
      %dma_start3A_1784 = arith.constant 0 : i32
      %dma_start3A_1785 = tpu.memref_slice %arg6[%dma_start3A_1781, %dma_start3A_1782, %dma_start3A_1784] : memref<4x16x128xi32, #tpu.memory_space<vmem>> -> memref<1x1x128xi32, #tpu.memory_space<vmem>>
      %dma_start3A_1786 = tpu.memref_squeeze %dma_start3A_1785 : memref<1x1x128xi32, #tpu.memory_space<vmem>> -> memref<128xi32, #tpu.memory_space<vmem>>
      %dma_start3A_1787 = arith.constant 0 : i32
      %dma_start3A_1788 = tpu.memref_slice %arg8[%dma_start3A_1787] : memref<102400xf32, #tpu.memory_space<vmem_shared>> -> memref<102400xf32, #tpu.memory_space<vmem_shared>>
      %dma_start3A_1789 = tpu.memref_slice %arg10[%dma_start3A_1783] : memref<2x!tpu.dma_semaphore, #tpu.memory_space<semaphore_mem>> -> memref<1x!tpu.dma_semaphore, #tpu.memory_space<semaphore_mem>>
      %dma_start3A_1790 = tpu.memref_squeeze %dma_start3A_1789 : memref<1x!tpu.dma_semaphore, #tpu.memory_space<semaphore_mem>> -> memref<!tpu.dma_semaphore, #tpu.memory_space<semaphore_mem>>
      tpu.enqueue_indirect_dma source(%arg7 : memref<128xf32, #tpu.memory_space<vmem>>) target(%dma_start3A_1788 : memref<102400xf32, #tpu.memory_space<vmem_shared>>) offsets(%dma_start3A_1786 : memref<128xi32, #tpu.memory_space<vmem>>) semaphore(%dma_start3A_1790 : memref<!tpu.dma_semaphore, #tpu.memory_space<semaphore_mem>>) {add = true}
      %dma_start3A_1791 = arith.constant 3 : i32
      %dma_start3A_1792 = arith.constant 6 : i32
      %dma_start3A_1793 = arith.constant 1 : i32
      %dma_start3A_1794 = arith.constant 0 : i32
      %dma_start3A_1795 = tpu.memref_slice %arg6[%dma_start3A_1791, %dma_start3A_1792, %dma_start3A_1794] : memref<4x16x128xi32, #tpu.memory_space<vmem>> -> memref<1x1x128xi32, #tpu.memory_space<vmem>>
      %dma_start3A_1796 = tpu.memref_squeeze %dma_start3A_1795 : memref<1x1x128xi32, #tpu.memory_space<vmem>> -> memref<128xi32, #tpu.memory_space<vmem>>
      %dma_start3A_1797 = arith.constant 0 : i32
      %dma_start3A_1798 = tpu.memref_slice %arg8[%dma_start3A_1797] : memref<102400xf32, #tpu.memory_space<vmem_shared>> -> memref<102400xf32, #tpu.memory_space<vmem_shared>>
      %dma_start3A_1799 = tpu.memref_slice %arg10[%dma_start3A_1793] : memref<2x!tpu.dma_semaphore, #tpu.memory_space<semaphore_mem>> -> memref<1x!tpu.dma_semaphore, #tpu.memory_space<semaphore_mem>>
      %dma_start3A_1800 = tpu.memref_squeeze %dma_start3A_1799 : memref<1x!tpu.dma_semaphore, #tpu.memory_space<semaphore_mem>> -> memref<!tpu.dma_semaphore, #tpu.memory_space<semaphore_mem>>
      tpu.enqueue_indirect_dma source(%arg7 : memref<128xf32, #tpu.memory_space<vmem>>) target(%dma_start3A_1798 : memref<102400xf32, #tpu.memory_space<vmem_shared>>) offsets(%dma_start3A_1796 : memref<128xi32, #tpu.memory_space<vmem>>) semaphore(%dma_start3A_1800 : memref<!tpu.dma_semaphore, #tpu.memory_space<semaphore_mem>>) {add = true}
      %dma_start3A_1801 = arith.constant 3 : i32
      %dma_start3A_1802 = arith.constant 7 : i32
      %dma_start3A_1803 = arith.constant 1 : i32
      %dma_start3A_1804 = arith.constant 0 : i32
      %dma_start3A_1805 = tpu.memref_slice %arg6[%dma_start3A_1801, %dma_start3A_1802, %dma_start3A_1804] : memref<4x16x128xi32, #tpu.memory_space<vmem>> -> memref<1x1x128xi32, #tpu.memory_space<vmem>>
      %dma_start3A_1806 = tpu.memref_squeeze %dma_start3A_1805 : memref<1x1x128xi32, #tpu.memory_space<vmem>> -> memref<128xi32, #tpu.memory_space<vmem>>
      %dma_start3A_1807 = arith.constant 0 : i32
      %dma_start3A_1808 = tpu.memref_slice %arg8[%dma_start3A_1807] : memref<102400xf32, #tpu.memory_space<vmem_shared>> -> memref<102400xf32, #tpu.memory_space<vmem_shared>>
      %dma_start3A_1809 = tpu.memref_slice %arg10[%dma_start3A_1803] : memref<2x!tpu.dma_semaphore, #tpu.memory_space<semaphore_mem>> -> memref<1x!tpu.dma_semaphore, #tpu.memory_space<semaphore_mem>>
      %dma_start3A_1810 = tpu.memref_squeeze %dma_start3A_1809 : memref<1x!tpu.dma_semaphore, #tpu.memory_space<semaphore_mem>> -> memref<!tpu.dma_semaphore, #tpu.memory_space<semaphore_mem>>
      tpu.enqueue_indirect_dma source(%arg7 : memref<128xf32, #tpu.memory_space<vmem>>) target(%dma_start3A_1808 : memref<102400xf32, #tpu.memory_space<vmem_shared>>) offsets(%dma_start3A_1806 : memref<128xi32, #tpu.memory_space<vmem>>) semaphore(%dma_start3A_1810 : memref<!tpu.dma_semaphore, #tpu.memory_space<semaphore_mem>>) {add = true}
      %dma_start3A_1811 = arith.constant 3 : i32
      %dma_start3A_1812 = arith.constant 8 : i32
      %dma_start3A_1813 = arith.constant 1 : i32
      %dma_start3A_1814 = arith.constant 0 : i32
      %dma_start3A_1815 = tpu.memref_slice %arg6[%dma_start3A_1811, %dma_start3A_1812, %dma_start3A_1814] : memref<4x16x128xi32, #tpu.memory_space<vmem>> -> memref<1x1x128xi32, #tpu.memory_space<vmem>>
      %dma_start3A_1816 = tpu.memref_squeeze %dma_start3A_1815 : memref<1x1x128xi32, #tpu.memory_space<vmem>> -> memref<128xi32, #tpu.memory_space<vmem>>
      %dma_start3A_1817 = arith.constant 0 : i32
      %dma_start3A_1818 = tpu.memref_slice %arg8[%dma_start3A_1817] : memref<102400xf32, #tpu.memory_space<vmem_shared>> -> memref<102400xf32, #tpu.memory_space<vmem_shared>>
      %dma_start3A_1819 = tpu.memref_slice %arg10[%dma_start3A_1813] : memref<2x!tpu.dma_semaphore, #tpu.memory_space<semaphore_mem>> -> memref<1x!tpu.dma_semaphore, #tpu.memory_space<semaphore_mem>>
      %dma_start3A_1820 = tpu.memref_squeeze %dma_start3A_1819 : memref<1x!tpu.dma_semaphore, #tpu.memory_space<semaphore_mem>> -> memref<!tpu.dma_semaphore, #tpu.memory_space<semaphore_mem>>
      tpu.enqueue_indirect_dma source(%arg7 : memref<128xf32, #tpu.memory_space<vmem>>) target(%dma_start3A_1818 : memref<102400xf32, #tpu.memory_space<vmem_shared>>) offsets(%dma_start3A_1816 : memref<128xi32, #tpu.memory_space<vmem>>) semaphore(%dma_start3A_1820 : memref<!tpu.dma_semaphore, #tpu.memory_space<semaphore_mem>>) {add = true}
      %dma_start3A_1821 = arith.constant 3 : i32
      %dma_start3A_1822 = arith.constant 9 : i32
      %dma_start3A_1823 = arith.constant 1 : i32
      %dma_start3A_1824 = arith.constant 0 : i32
      %dma_start3A_1825 = tpu.memref_slice %arg6[%dma_start3A_1821, %dma_start3A_1822, %dma_start3A_1824] : memref<4x16x128xi32, #tpu.memory_space<vmem>> -> memref<1x1x128xi32, #tpu.memory_space<vmem>>
      %dma_start3A_1826 = tpu.memref_squeeze %dma_start3A_1825 : memref<1x1x128xi32, #tpu.memory_space<vmem>> -> memref<128xi32, #tpu.memory_space<vmem>>
      %dma_start3A_1827 = arith.constant 0 : i32
      %dma_start3A_1828 = tpu.memref_slice %arg8[%dma_start3A_1827] : memref<102400xf32, #tpu.memory_space<vmem_shared>> -> memref<102400xf32, #tpu.memory_space<vmem_shared>>
      %dma_start3A_1829 = tpu.memref_slice %arg10[%dma_start3A_1823] : memref<2x!tpu.dma_semaphore, #tpu.memory_space<semaphore_mem>> -> memref<1x!tpu.dma_semaphore, #tpu.memory_space<semaphore_mem>>
      %dma_start3A_1830 = tpu.memref_squeeze %dma_start3A_1829 : memref<1x!tpu.dma_semaphore, #tpu.memory_space<semaphore_mem>> -> memref<!tpu.dma_semaphore, #tpu.memory_space<semaphore_mem>>
      tpu.enqueue_indirect_dma source(%arg7 : memref<128xf32, #tpu.memory_space<vmem>>) target(%dma_start3A_1828 : memref<102400xf32, #tpu.memory_space<vmem_shared>>) offsets(%dma_start3A_1826 : memref<128xi32, #tpu.memory_space<vmem>>) semaphore(%dma_start3A_1830 : memref<!tpu.dma_semaphore, #tpu.memory_space<semaphore_mem>>) {add = true}
      %dma_start3A_1831 = arith.constant 3 : i32
      %dma_start3A_1832 = arith.constant 10 : i32
      %dma_start3A_1833 = arith.constant 1 : i32
      %dma_start3A_1834 = arith.constant 0 : i32
      %dma_start3A_1835 = tpu.memref_slice %arg6[%dma_start3A_1831, %dma_start3A_1832, %dma_start3A_1834] : memref<4x16x128xi32, #tpu.memory_space<vmem>> -> memref<1x1x128xi32, #tpu.memory_space<vmem>>
      %dma_start3A_1836 = tpu.memref_squeeze %dma_start3A_1835 : memref<1x1x128xi32, #tpu.memory_space<vmem>> -> memref<128xi32, #tpu.memory_space<vmem>>
      %dma_start3A_1837 = arith.constant 0 : i32
      %dma_start3A_1838 = tpu.memref_slice %arg8[%dma_start3A_1837] : memref<102400xf32, #tpu.memory_space<vmem_shared>> -> memref<102400xf32, #tpu.memory_space<vmem_shared>>
      %dma_start3A_1839 = tpu.memref_slice %arg10[%dma_start3A_1833] : memref<2x!tpu.dma_semaphore, #tpu.memory_space<semaphore_mem>> -> memref<1x!tpu.dma_semaphore, #tpu.memory_space<semaphore_mem>>
      %dma_start3A_1840 = tpu.memref_squeeze %dma_start3A_1839 : memref<1x!tpu.dma_semaphore, #tpu.memory_space<semaphore_mem>> -> memref<!tpu.dma_semaphore, #tpu.memory_space<semaphore_mem>>
      tpu.enqueue_indirect_dma source(%arg7 : memref<128xf32, #tpu.memory_space<vmem>>) target(%dma_start3A_1838 : memref<102400xf32, #tpu.memory_space<vmem_shared>>) offsets(%dma_start3A_1836 : memref<128xi32, #tpu.memory_space<vmem>>) semaphore(%dma_start3A_1840 : memref<!tpu.dma_semaphore, #tpu.memory_space<semaphore_mem>>) {add = true}
      %dma_start3A_1841 = arith.constant 3 : i32
      %dma_start3A_1842 = arith.constant 11 : i32
      %dma_start3A_1843 = arith.constant 1 : i32
      %dma_start3A_1844 = arith.constant 0 : i32
      %dma_start3A_1845 = tpu.memref_slice %arg6[%dma_start3A_1841, %dma_start3A_1842, %dma_start3A_1844] : memref<4x16x128xi32, #tpu.memory_space<vmem>> -> memref<1x1x128xi32, #tpu.memory_space<vmem>>
      %dma_start3A_1846 = tpu.memref_squeeze %dma_start3A_1845 : memref<1x1x128xi32, #tpu.memory_space<vmem>> -> memref<128xi32, #tpu.memory_space<vmem>>
      %dma_start3A_1847 = arith.constant 0 : i32
      %dma_start3A_1848 = tpu.memref_slice %arg8[%dma_start3A_1847] : memref<102400xf32, #tpu.memory_space<vmem_shared>> -> memref<102400xf32, #tpu.memory_space<vmem_shared>>
      %dma_start3A_1849 = tpu.memref_slice %arg10[%dma_start3A_1843] : memref<2x!tpu.dma_semaphore, #tpu.memory_space<semaphore_mem>> -> memref<1x!tpu.dma_semaphore, #tpu.memory_space<semaphore_mem>>
      %dma_start3A_1850 = tpu.memref_squeeze %dma_start3A_1849 : memref<1x!tpu.dma_semaphore, #tpu.memory_space<semaphore_mem>> -> memref<!tpu.dma_semaphore, #tpu.memory_space<semaphore_mem>>
      tpu.enqueue_indirect_dma source(%arg7 : memref<128xf32, #tpu.memory_space<vmem>>) target(%dma_start3A_1848 : memref<102400xf32, #tpu.memory_space<vmem_shared>>) offsets(%dma_start3A_1846 : memref<128xi32, #tpu.memory_space<vmem>>) semaphore(%dma_start3A_1850 : memref<!tpu.dma_semaphore, #tpu.memory_space<semaphore_mem>>) {add = true}
      %dma_start3A_1851 = arith.constant 3 : i32
      %dma_start3A_1852 = arith.constant 12 : i32
      %dma_start3A_1853 = arith.constant 1 : i32
      %dma_start3A_1854 = arith.constant 0 : i32
      %dma_start3A_1855 = tpu.memref_slice %arg6[%dma_start3A_1851, %dma_start3A_1852, %dma_start3A_1854] : memref<4x16x128xi32, #tpu.memory_space<vmem>> -> memref<1x1x128xi32, #tpu.memory_space<vmem>>
      %dma_start3A_1856 = tpu.memref_squeeze %dma_start3A_1855 : memref<1x1x128xi32, #tpu.memory_space<vmem>> -> memref<128xi32, #tpu.memory_space<vmem>>
      %dma_start3A_1857 = arith.constant 0 : i32
      %dma_start3A_1858 = tpu.memref_slice %arg8[%dma_start3A_1857] : memref<102400xf32, #tpu.memory_space<vmem_shared>> -> memref<102400xf32, #tpu.memory_space<vmem_shared>>
      %dma_start3A_1859 = tpu.memref_slice %arg10[%dma_start3A_1853] : memref<2x!tpu.dma_semaphore, #tpu.memory_space<semaphore_mem>> -> memref<1x!tpu.dma_semaphore, #tpu.memory_space<semaphore_mem>>
      %dma_start3A_1860 = tpu.memref_squeeze %dma_start3A_1859 : memref<1x!tpu.dma_semaphore, #tpu.memory_space<semaphore_mem>> -> memref<!tpu.dma_semaphore, #tpu.memory_space<semaphore_mem>>
      tpu.enqueue_indirect_dma source(%arg7 : memref<128xf32, #tpu.memory_space<vmem>>) target(%dma_start3A_1858 : memref<102400xf32, #tpu.memory_space<vmem_shared>>) offsets(%dma_start3A_1856 : memref<128xi32, #tpu.memory_space<vmem>>) semaphore(%dma_start3A_1860 : memref<!tpu.dma_semaphore, #tpu.memory_space<semaphore_mem>>) {add = true}
      %dma_start3A_1861 = arith.constant 3 : i32
      %dma_start3A_1862 = arith.constant 13 : i32
      %dma_start3A_1863 = arith.constant 1 : i32
      %dma_start3A_1864 = arith.constant 0 : i32
      %dma_start3A_1865 = tpu.memref_slice %arg6[%dma_start3A_1861, %dma_start3A_1862, %dma_start3A_1864] : memref<4x16x128xi32, #tpu.memory_space<vmem>> -> memref<1x1x128xi32, #tpu.memory_space<vmem>>
      %dma_start3A_1866 = tpu.memref_squeeze %dma_start3A_1865 : memref<1x1x128xi32, #tpu.memory_space<vmem>> -> memref<128xi32, #tpu.memory_space<vmem>>
      %dma_start3A_1867 = arith.constant 0 : i32
      %dma_start3A_1868 = tpu.memref_slice %arg8[%dma_start3A_1867] : memref<102400xf32, #tpu.memory_space<vmem_shared>> -> memref<102400xf32, #tpu.memory_space<vmem_shared>>
      %dma_start3A_1869 = tpu.memref_slice %arg10[%dma_start3A_1863] : memref<2x!tpu.dma_semaphore, #tpu.memory_space<semaphore_mem>> -> memref<1x!tpu.dma_semaphore, #tpu.memory_space<semaphore_mem>>
      %dma_start3A_1870 = tpu.memref_squeeze %dma_start3A_1869 : memref<1x!tpu.dma_semaphore, #tpu.memory_space<semaphore_mem>> -> memref<!tpu.dma_semaphore, #tpu.memory_space<semaphore_mem>>
      tpu.enqueue_indirect_dma source(%arg7 : memref<128xf32, #tpu.memory_space<vmem>>) target(%dma_start3A_1868 : memref<102400xf32, #tpu.memory_space<vmem_shared>>) offsets(%dma_start3A_1866 : memref<128xi32, #tpu.memory_space<vmem>>) semaphore(%dma_start3A_1870 : memref<!tpu.dma_semaphore, #tpu.memory_space<semaphore_mem>>) {add = true}
      %dma_start3A_1871 = arith.constant 3 : i32
      %dma_start3A_1872 = arith.constant 14 : i32
      %dma_start3A_1873 = arith.constant 1 : i32
      %dma_start3A_1874 = arith.constant 0 : i32
      %dma_start3A_1875 = tpu.memref_slice %arg6[%dma_start3A_1871, %dma_start3A_1872, %dma_start3A_1874] : memref<4x16x128xi32, #tpu.memory_space<vmem>> -> memref<1x1x128xi32, #tpu.memory_space<vmem>>
      %dma_start3A_1876 = tpu.memref_squeeze %dma_start3A_1875 : memref<1x1x128xi32, #tpu.memory_space<vmem>> -> memref<128xi32, #tpu.memory_space<vmem>>
      %dma_start3A_1877 = arith.constant 0 : i32
      %dma_start3A_1878 = tpu.memref_slice %arg8[%dma_start3A_1877] : memref<102400xf32, #tpu.memory_space<vmem_shared>> -> memref<102400xf32, #tpu.memory_space<vmem_shared>>
      %dma_start3A_1879 = tpu.memref_slice %arg10[%dma_start3A_1873] : memref<2x!tpu.dma_semaphore, #tpu.memory_space<semaphore_mem>> -> memref<1x!tpu.dma_semaphore, #tpu.memory_space<semaphore_mem>>
      %dma_start3A_1880 = tpu.memref_squeeze %dma_start3A_1879 : memref<1x!tpu.dma_semaphore, #tpu.memory_space<semaphore_mem>> -> memref<!tpu.dma_semaphore, #tpu.memory_space<semaphore_mem>>
      tpu.enqueue_indirect_dma source(%arg7 : memref<128xf32, #tpu.memory_space<vmem>>) target(%dma_start3A_1878 : memref<102400xf32, #tpu.memory_space<vmem_shared>>) offsets(%dma_start3A_1876 : memref<128xi32, #tpu.memory_space<vmem>>) semaphore(%dma_start3A_1880 : memref<!tpu.dma_semaphore, #tpu.memory_space<semaphore_mem>>) {add = true}
      %dma_start3A_1881 = arith.constant 3 : i32
      %dma_start3A_1882 = arith.constant 15 : i32
      %dma_start3A_1883 = arith.constant 1 : i32
      %dma_start3A_1884 = arith.constant 0 : i32
      %dma_start3A_1885 = tpu.memref_slice %arg6[%dma_start3A_1881, %dma_start3A_1882, %dma_start3A_1884] : memref<4x16x128xi32, #tpu.memory_space<vmem>> -> memref<1x1x128xi32, #tpu.memory_space<vmem>>
      %dma_start3A_1886 = tpu.memref_squeeze %dma_start3A_1885 : memref<1x1x128xi32, #tpu.memory_space<vmem>> -> memref<128xi32, #tpu.memory_space<vmem>>
      %dma_start3A_1887 = arith.constant 0 : i32
      %dma_start3A_1888 = tpu.memref_slice %arg8[%dma_start3A_1887] : memref<102400xf32, #tpu.memory_space<vmem_shared>> -> memref<102400xf32, #tpu.memory_space<vmem_shared>>
      %dma_start3A_1889 = tpu.memref_slice %arg10[%dma_start3A_1883] : memref<2x!tpu.dma_semaphore, #tpu.memory_space<semaphore_mem>> -> memref<1x!tpu.dma_semaphore, #tpu.memory_space<semaphore_mem>>
      %dma_start3A_1890 = tpu.memref_squeeze %dma_start3A_1889 : memref<1x!tpu.dma_semaphore, #tpu.memory_space<semaphore_mem>> -> memref<!tpu.dma_semaphore, #tpu.memory_space<semaphore_mem>>
      tpu.enqueue_indirect_dma source(%arg7 : memref<128xf32, #tpu.memory_space<vmem>>) target(%dma_start3A_1888 : memref<102400xf32, #tpu.memory_space<vmem_shared>>) offsets(%dma_start3A_1886 : memref<128xi32, #tpu.memory_space<vmem>>) semaphore(%dma_start3A_1890 : memref<!tpu.dma_semaphore, #tpu.memory_space<semaphore_mem>>) {add = true}
      %add3A_1891 = arith.constant 2 : i32
      %add3A_1892 = arith.addi %add3A_1260, %add3A_1891 : i32
      %dma_wait3A_1893 = arith.constant 0 : i32
      %dma_wait3A_1894 = arith.constant 0 : i32
      %dma_wait3A_1895 = tpu.memref_slice %arg4[%dma_wait3A_1894] : memref<102400xf32, #tpu.memory_space<hbm>> -> memref<128xf32, #tpu.memory_space<hbm>>
      %dma_wait3A_1896 = tpu.memref_slice %arg10[%dma_wait3A_1893] : memref<2x!tpu.dma_semaphore, #tpu.memory_space<semaphore_mem>> -> memref<1x!tpu.dma_semaphore, #tpu.memory_space<semaphore_mem>>
      %dma_wait3A_1897 = tpu.memref_squeeze %dma_wait3A_1896 : memref<1x!tpu.dma_semaphore, #tpu.memory_space<semaphore_mem>> -> memref<!tpu.dma_semaphore, #tpu.memory_space<semaphore_mem>>
      %dma_wait3A_1898 = arith.constant 0 : i32
      %dma_wait3A_1899 = tpu.memref_slice %arg4[%dma_wait3A_1898] : memref<102400xf32, #tpu.memory_space<hbm>> -> memref<128xf32, #tpu.memory_space<hbm>>
      tpu.wait_dma2 semaphore(%dma_wait3A_1897 : memref<!tpu.dma_semaphore, #tpu.memory_space<semaphore_mem>>) src(%dma_wait3A_1899 : memref<128xf32, #tpu.memory_space<hbm>>) dst(%arg7 : memref<128xf32, #tpu.memory_space<vmem>>)
      %dma_wait3A_1900 = arith.constant 0 : i32
      %dma_wait3A_1901 = arith.constant 0 : i32
      %dma_wait3A_1902 = tpu.memref_slice %arg4[%dma_wait3A_1901] : memref<102400xf32, #tpu.memory_space<hbm>> -> memref<128xf32, #tpu.memory_space<hbm>>
      %dma_wait3A_1903 = tpu.memref_slice %arg10[%dma_wait3A_1900] : memref<2x!tpu.dma_semaphore, #tpu.memory_space<semaphore_mem>> -> memref<1x!tpu.dma_semaphore, #tpu.memory_space<semaphore_mem>>
      %dma_wait3A_1904 = tpu.memref_squeeze %dma_wait3A_1903 : memref<1x!tpu.dma_semaphore, #tpu.memory_space<semaphore_mem>> -> memref<!tpu.dma_semaphore, #tpu.memory_space<semaphore_mem>>
      %dma_wait3A_1905 = arith.constant 0 : i32
      %dma_wait3A_1906 = tpu.memref_slice %arg4[%dma_wait3A_1905] : memref<102400xf32, #tpu.memory_space<hbm>> -> memref<128xf32, #tpu.memory_space<hbm>>
      tpu.wait_dma2 semaphore(%dma_wait3A_1904 : memref<!tpu.dma_semaphore, #tpu.memory_space<semaphore_mem>>) src(%dma_wait3A_1906 : memref<128xf32, #tpu.memory_space<hbm>>) dst(%arg7 : memref<128xf32, #tpu.memory_space<vmem>>)
      %dma_wait3A_1907 = arith.constant 0 : i32
      %dma_wait3A_1908 = arith.constant 0 : i32
      %dma_wait3A_1909 = tpu.memref_slice %arg4[%dma_wait3A_1908] : memref<102400xf32, #tpu.memory_space<hbm>> -> memref<128xf32, #tpu.memory_space<hbm>>
      %dma_wait3A_1910 = tpu.memref_slice %arg10[%dma_wait3A_1907] : memref<2x!tpu.dma_semaphore, #tpu.memory_space<semaphore_mem>> -> memref<1x!tpu.dma_semaphore, #tpu.memory_space<semaphore_mem>>
      %dma_wait3A_1911 = tpu.memref_squeeze %dma_wait3A_1910 : memref<1x!tpu.dma_semaphore, #tpu.memory_space<semaphore_mem>> -> memref<!tpu.dma_semaphore, #tpu.memory_space<semaphore_mem>>
      %dma_wait3A_1912 = arith.constant 0 : i32
      %dma_wait3A_1913 = tpu.memref_slice %arg4[%dma_wait3A_1912] : memref<102400xf32, #tpu.memory_space<hbm>> -> memref<128xf32, #tpu.memory_space<hbm>>
      tpu.wait_dma2 semaphore(%dma_wait3A_1911 : memref<!tpu.dma_semaphore, #tpu.memory_space<semaphore_mem>>) src(%dma_wait3A_1913 : memref<128xf32, #tpu.memory_space<hbm>>) dst(%arg7 : memref<128xf32, #tpu.memory_space<vmem>>)
      %dma_wait3A_1914 = arith.constant 0 : i32
      %dma_wait3A_1915 = arith.constant 0 : i32
      %dma_wait3A_1916 = tpu.memref_slice %arg4[%dma_wait3A_1915] : memref<102400xf32, #tpu.memory_space<hbm>> -> memref<128xf32, #tpu.memory_space<hbm>>
      %dma_wait3A_1917 = tpu.memref_slice %arg10[%dma_wait3A_1914] : memref<2x!tpu.dma_semaphore, #tpu.memory_space<semaphore_mem>> -> memref<1x!tpu.dma_semaphore, #tpu.memory_space<semaphore_mem>>
      %dma_wait3A_1918 = tpu.memref_squeeze %dma_wait3A_1917 : memref<1x!tpu.dma_semaphore, #tpu.memory_space<semaphore_mem>> -> memref<!tpu.dma_semaphore, #tpu.memory_space<semaphore_mem>>
      %dma_wait3A_1919 = arith.constant 0 : i32
      %dma_wait3A_1920 = tpu.memref_slice %arg4[%dma_wait3A_1919] : memref<102400xf32, #tpu.memory_space<hbm>> -> memref<128xf32, #tpu.memory_space<hbm>>
      tpu.wait_dma2 semaphore(%dma_wait3A_1918 : memref<!tpu.dma_semaphore, #tpu.memory_space<semaphore_mem>>) src(%dma_wait3A_1920 : memref<128xf32, #tpu.memory_space<hbm>>) dst(%arg7 : memref<128xf32, #tpu.memory_space<vmem>>)
      %dma_wait3A_1921 = arith.constant 0 : i32
      %dma_wait3A_1922 = arith.constant 0 : i32
      %dma_wait3A_1923 = tpu.memref_slice %arg4[%dma_wait3A_1922] : memref<102400xf32, #tpu.memory_space<hbm>> -> memref<128xf32, #tpu.memory_space<hbm>>
      %dma_wait3A_1924 = tpu.memref_slice %arg10[%dma_wait3A_1921] : memref<2x!tpu.dma_semaphore, #tpu.memory_space<semaphore_mem>> -> memref<1x!tpu.dma_semaphore, #tpu.memory_space<semaphore_mem>>
      %dma_wait3A_1925 = tpu.memref_squeeze %dma_wait3A_1924 : memref<1x!tpu.dma_semaphore, #tpu.memory_space<semaphore_mem>> -> memref<!tpu.dma_semaphore, #tpu.memory_space<semaphore_mem>>
      %dma_wait3A_1926 = arith.constant 0 : i32
      %dma_wait3A_1927 = tpu.memref_slice %arg4[%dma_wait3A_1926] : memref<102400xf32, #tpu.memory_space<hbm>> -> memref<128xf32, #tpu.memory_space<hbm>>
      tpu.wait_dma2 semaphore(%dma_wait3A_1925 : memref<!tpu.dma_semaphore, #tpu.memory_space<semaphore_mem>>) src(%dma_wait3A_1927 : memref<128xf32, #tpu.memory_space<hbm>>) dst(%arg7 : memref<128xf32, #tpu.memory_space<vmem>>)
      %dma_wait3A_1928 = arith.constant 0 : i32
      %dma_wait3A_1929 = arith.constant 0 : i32
      %dma_wait3A_1930 = tpu.memref_slice %arg4[%dma_wait3A_1929] : memref<102400xf32, #tpu.memory_space<hbm>> -> memref<128xf32, #tpu.memory_space<hbm>>
      %dma_wait3A_1931 = tpu.memref_slice %arg10[%dma_wait3A_1928] : memref<2x!tpu.dma_semaphore, #tpu.memory_space<semaphore_mem>> -> memref<1x!tpu.dma_semaphore, #tpu.memory_space<semaphore_mem>>
      %dma_wait3A_1932 = tpu.memref_squeeze %dma_wait3A_1931 : memref<1x!tpu.dma_semaphore, #tpu.memory_space<semaphore_mem>> -> memref<!tpu.dma_semaphore, #tpu.memory_space<semaphore_mem>>
      %dma_wait3A_1933 = arith.constant 0 : i32
      %dma_wait3A_1934 = tpu.memref_slice %arg4[%dma_wait3A_1933] : memref<102400xf32, #tpu.memory_space<hbm>> -> memref<128xf32, #tpu.memory_space<hbm>>
      tpu.wait_dma2 semaphore(%dma_wait3A_1932 : memref<!tpu.dma_semaphore, #tpu.memory_space<semaphore_mem>>) src(%dma_wait3A_1934 : memref<128xf32, #tpu.memory_space<hbm>>) dst(%arg7 : memref<128xf32, #tpu.memory_space<vmem>>)
      %dma_wait3A_1935 = arith.constant 0 : i32
      %dma_wait3A_1936 = arith.constant 0 : i32
      %dma_wait3A_1937 = tpu.memref_slice %arg4[%dma_wait3A_1936] : memref<102400xf32, #tpu.memory_space<hbm>> -> memref<128xf32, #tpu.memory_space<hbm>>
      %dma_wait3A_1938 = tpu.memref_slice %arg10[%dma_wait3A_1935] : memref<2x!tpu.dma_semaphore, #tpu.memory_space<semaphore_mem>> -> memref<1x!tpu.dma_semaphore, #tpu.memory_space<semaphore_mem>>
      %dma_wait3A_1939 = tpu.memref_squeeze %dma_wait3A_1938 : memref<1x!tpu.dma_semaphore, #tpu.memory_space<semaphore_mem>> -> memref<!tpu.dma_semaphore, #tpu.memory_space<semaphore_mem>>
      %dma_wait3A_1940 = arith.constant 0 : i32
      %dma_wait3A_1941 = tpu.memref_slice %arg4[%dma_wait3A_1940] : memref<102400xf32, #tpu.memory_space<hbm>> -> memref<128xf32, #tpu.memory_space<hbm>>
      tpu.wait_dma2 semaphore(%dma_wait3A_1939 : memref<!tpu.dma_semaphore, #tpu.memory_space<semaphore_mem>>) src(%dma_wait3A_1941 : memref<128xf32, #tpu.memory_space<hbm>>) dst(%arg7 : memref<128xf32, #tpu.memory_space<vmem>>)
      %dma_wait3A_1942 = arith.constant 0 : i32
      %dma_wait3A_1943 = arith.constant 0 : i32
      %dma_wait3A_1944 = tpu.memref_slice %arg4[%dma_wait3A_1943] : memref<102400xf32, #tpu.memory_space<hbm>> -> memref<128xf32, #tpu.memory_space<hbm>>
      %dma_wait3A_1945 = tpu.memref_slice %arg10[%dma_wait3A_1942] : memref<2x!tpu.dma_semaphore, #tpu.memory_space<semaphore_mem>> -> memref<1x!tpu.dma_semaphore, #tpu.memory_space<semaphore_mem>>
      %dma_wait3A_1946 = tpu.memref_squeeze %dma_wait3A_1945 : memref<1x!tpu.dma_semaphore, #tpu.memory_space<semaphore_mem>> -> memref<!tpu.dma_semaphore, #tpu.memory_space<semaphore_mem>>
      %dma_wait3A_1947 = arith.constant 0 : i32
      %dma_wait3A_1948 = tpu.memref_slice %arg4[%dma_wait3A_1947] : memref<102400xf32, #tpu.memory_space<hbm>> -> memref<128xf32, #tpu.memory_space<hbm>>
      tpu.wait_dma2 semaphore(%dma_wait3A_1946 : memref<!tpu.dma_semaphore, #tpu.memory_space<semaphore_mem>>) src(%dma_wait3A_1948 : memref<128xf32, #tpu.memory_space<hbm>>) dst(%arg7 : memref<128xf32, #tpu.memory_space<vmem>>)
      %dma_wait3A_1949 = arith.constant 0 : i32
      %dma_wait3A_1950 = arith.constant 0 : i32
      %dma_wait3A_1951 = tpu.memref_slice %arg4[%dma_wait3A_1950] : memref<102400xf32, #tpu.memory_space<hbm>> -> memref<128xf32, #tpu.memory_space<hbm>>
      %dma_wait3A_1952 = tpu.memref_slice %arg10[%dma_wait3A_1949] : memref<2x!tpu.dma_semaphore, #tpu.memory_space<semaphore_mem>> -> memref<1x!tpu.dma_semaphore, #tpu.memory_space<semaphore_mem>>
      %dma_wait3A_1953 = tpu.memref_squeeze %dma_wait3A_1952 : memref<1x!tpu.dma_semaphore, #tpu.memory_space<semaphore_mem>> -> memref<!tpu.dma_semaphore, #tpu.memory_space<semaphore_mem>>
      %dma_wait3A_1954 = arith.constant 0 : i32
      %dma_wait3A_1955 = tpu.memref_slice %arg4[%dma_wait3A_1954] : memref<102400xf32, #tpu.memory_space<hbm>> -> memref<128xf32, #tpu.memory_space<hbm>>
      tpu.wait_dma2 semaphore(%dma_wait3A_1953 : memref<!tpu.dma_semaphore, #tpu.memory_space<semaphore_mem>>) src(%dma_wait3A_1955 : memref<128xf32, #tpu.memory_space<hbm>>) dst(%arg7 : memref<128xf32, #tpu.memory_space<vmem>>)
      %dma_wait3A_1956 = arith.constant 0 : i32
      %dma_wait3A_1957 = arith.constant 0 : i32
      %dma_wait3A_1958 = tpu.memref_slice %arg4[%dma_wait3A_1957] : memref<102400xf32, #tpu.memory_space<hbm>> -> memref<128xf32, #tpu.memory_space<hbm>>
      %dma_wait3A_1959 = tpu.memref_slice %arg10[%dma_wait3A_1956] : memref<2x!tpu.dma_semaphore, #tpu.memory_space<semaphore_mem>> -> memref<1x!tpu.dma_semaphore, #tpu.memory_space<semaphore_mem>>
      %dma_wait3A_1960 = tpu.memref_squeeze %dma_wait3A_1959 : memref<1x!tpu.dma_semaphore, #tpu.memory_space<semaphore_mem>> -> memref<!tpu.dma_semaphore, #tpu.memory_space<semaphore_mem>>
      %dma_wait3A_1961 = arith.constant 0 : i32
      %dma_wait3A_1962 = tpu.memref_slice %arg4[%dma_wait3A_1961] : memref<102400xf32, #tpu.memory_space<hbm>> -> memref<128xf32, #tpu.memory_space<hbm>>
      tpu.wait_dma2 semaphore(%dma_wait3A_1960 : memref<!tpu.dma_semaphore, #tpu.memory_space<semaphore_mem>>) src(%dma_wait3A_1962 : memref<128xf32, #tpu.memory_space<hbm>>) dst(%arg7 : memref<128xf32, #tpu.memory_space<vmem>>)
      %dma_wait3A_1963 = arith.constant 0 : i32
      %dma_wait3A_1964 = arith.constant 0 : i32
      %dma_wait3A_1965 = tpu.memref_slice %arg4[%dma_wait3A_1964] : memref<102400xf32, #tpu.memory_space<hbm>> -> memref<128xf32, #tpu.memory_space<hbm>>
      %dma_wait3A_1966 = tpu.memref_slice %arg10[%dma_wait3A_1963] : memref<2x!tpu.dma_semaphore, #tpu.memory_space<semaphore_mem>> -> memref<1x!tpu.dma_semaphore, #tpu.memory_space<semaphore_mem>>
      %dma_wait3A_1967 = tpu.memref_squeeze %dma_wait3A_1966 : memref<1x!tpu.dma_semaphore, #tpu.memory_space<semaphore_mem>> -> memref<!tpu.dma_semaphore, #tpu.memory_space<semaphore_mem>>
      %dma_wait3A_1968 = arith.constant 0 : i32
      %dma_wait3A_1969 = tpu.memref_slice %arg4[%dma_wait3A_1968] : memref<102400xf32, #tpu.memory_space<hbm>> -> memref<128xf32, #tpu.memory_space<hbm>>
      tpu.wait_dma2 semaphore(%dma_wait3A_1967 : memref<!tpu.dma_semaphore, #tpu.memory_space<semaphore_mem>>) src(%dma_wait3A_1969 : memref<128xf32, #tpu.memory_space<hbm>>) dst(%arg7 : memref<128xf32, #tpu.memory_space<vmem>>)
      %dma_wait3A_1970 = arith.constant 0 : i32
      %dma_wait3A_1971 = arith.constant 0 : i32
      %dma_wait3A_1972 = tpu.memref_slice %arg4[%dma_wait3A_1971] : memref<102400xf32, #tpu.memory_space<hbm>> -> memref<128xf32, #tpu.memory_space<hbm>>
      %dma_wait3A_1973 = tpu.memref_slice %arg10[%dma_wait3A_1970] : memref<2x!tpu.dma_semaphore, #tpu.memory_space<semaphore_mem>> -> memref<1x!tpu.dma_semaphore, #tpu.memory_space<semaphore_mem>>
      %dma_wait3A_1974 = tpu.memref_squeeze %dma_wait3A_1973 : memref<1x!tpu.dma_semaphore, #tpu.memory_space<semaphore_mem>> -> memref<!tpu.dma_semaphore, #tpu.memory_space<semaphore_mem>>
      %dma_wait3A_1975 = arith.constant 0 : i32
      %dma_wait3A_1976 = tpu.memref_slice %arg4[%dma_wait3A_1975] : memref<102400xf32, #tpu.memory_space<hbm>> -> memref<128xf32, #tpu.memory_space<hbm>>
      tpu.wait_dma2 semaphore(%dma_wait3A_1974 : memref<!tpu.dma_semaphore, #tpu.memory_space<semaphore_mem>>) src(%dma_wait3A_1976 : memref<128xf32, #tpu.memory_space<hbm>>) dst(%arg7 : memref<128xf32, #tpu.memory_space<vmem>>)
      %dma_wait3A_1977 = arith.constant 0 : i32
      %dma_wait3A_1978 = arith.constant 0 : i32
      %dma_wait3A_1979 = tpu.memref_slice %arg4[%dma_wait3A_1978] : memref<102400xf32, #tpu.memory_space<hbm>> -> memref<128xf32, #tpu.memory_space<hbm>>
      %dma_wait3A_1980 = tpu.memref_slice %arg10[%dma_wait3A_1977] : memref<2x!tpu.dma_semaphore, #tpu.memory_space<semaphore_mem>> -> memref<1x!tpu.dma_semaphore, #tpu.memory_space<semaphore_mem>>
      %dma_wait3A_1981 = tpu.memref_squeeze %dma_wait3A_1980 : memref<1x!tpu.dma_semaphore, #tpu.memory_space<semaphore_mem>> -> memref<!tpu.dma_semaphore, #tpu.memory_space<semaphore_mem>>
      %dma_wait3A_1982 = arith.constant 0 : i32
      %dma_wait3A_1983 = tpu.memref_slice %arg4[%dma_wait3A_1982] : memref<102400xf32, #tpu.memory_space<hbm>> -> memref<128xf32, #tpu.memory_space<hbm>>
      tpu.wait_dma2 semaphore(%dma_wait3A_1981 : memref<!tpu.dma_semaphore, #tpu.memory_space<semaphore_mem>>) src(%dma_wait3A_1983 : memref<128xf32, #tpu.memory_space<hbm>>) dst(%arg7 : memref<128xf32, #tpu.memory_space<vmem>>)
      %dma_wait3A_1984 = arith.constant 0 : i32
      %dma_wait3A_1985 = arith.constant 0 : i32
      %dma_wait3A_1986 = tpu.memref_slice %arg4[%dma_wait3A_1985] : memref<102400xf32, #tpu.memory_space<hbm>> -> memref<128xf32, #tpu.memory_space<hbm>>
      %dma_wait3A_1987 = tpu.memref_slice %arg10[%dma_wait3A_1984] : memref<2x!tpu.dma_semaphore, #tpu.memory_space<semaphore_mem>> -> memref<1x!tpu.dma_semaphore, #tpu.memory_space<semaphore_mem>>
      %dma_wait3A_1988 = tpu.memref_squeeze %dma_wait3A_1987 : memref<1x!tpu.dma_semaphore, #tpu.memory_space<semaphore_mem>> -> memref<!tpu.dma_semaphore, #tpu.memory_space<semaphore_mem>>
      %dma_wait3A_1989 = arith.constant 0 : i32
      %dma_wait3A_1990 = tpu.memref_slice %arg4[%dma_wait3A_1989] : memref<102400xf32, #tpu.memory_space<hbm>> -> memref<128xf32, #tpu.memory_space<hbm>>
      tpu.wait_dma2 semaphore(%dma_wait3A_1988 : memref<!tpu.dma_semaphore, #tpu.memory_space<semaphore_mem>>) src(%dma_wait3A_1990 : memref<128xf32, #tpu.memory_space<hbm>>) dst(%arg7 : memref<128xf32, #tpu.memory_space<vmem>>)
      %dma_wait3A_1991 = arith.constant 0 : i32
      %dma_wait3A_1992 = arith.constant 0 : i32
      %dma_wait3A_1993 = tpu.memref_slice %arg4[%dma_wait3A_1992] : memref<102400xf32, #tpu.memory_space<hbm>> -> memref<128xf32, #tpu.memory_space<hbm>>
      %dma_wait3A_1994 = tpu.memref_slice %arg10[%dma_wait3A_1991] : memref<2x!tpu.dma_semaphore, #tpu.memory_space<semaphore_mem>> -> memref<1x!tpu.dma_semaphore, #tpu.memory_space<semaphore_mem>>
      %dma_wait3A_1995 = tpu.memref_squeeze %dma_wait3A_1994 : memref<1x!tpu.dma_semaphore, #tpu.memory_space<semaphore_mem>> -> memref<!tpu.dma_semaphore, #tpu.memory_space<semaphore_mem>>
      %dma_wait3A_1996 = arith.constant 0 : i32
      %dma_wait3A_1997 = tpu.memref_slice %arg4[%dma_wait3A_1996] : memref<102400xf32, #tpu.memory_space<hbm>> -> memref<128xf32, #tpu.memory_space<hbm>>
      tpu.wait_dma2 semaphore(%dma_wait3A_1995 : memref<!tpu.dma_semaphore, #tpu.memory_space<semaphore_mem>>) src(%dma_wait3A_1997 : memref<128xf32, #tpu.memory_space<hbm>>) dst(%arg7 : memref<128xf32, #tpu.memory_space<vmem>>)
      %dma_wait3A_1998 = arith.constant 0 : i32
      %dma_wait3A_1999 = arith.constant 0 : i32
      %dma_wait3A_2000 = tpu.memref_slice %arg4[%dma_wait3A_1999] : memref<102400xf32, #tpu.memory_space<hbm>> -> memref<128xf32, #tpu.memory_space<hbm>>
      %dma_wait3A_2001 = tpu.memref_slice %arg10[%dma_wait3A_1998] : memref<2x!tpu.dma_semaphore, #tpu.memory_space<semaphore_mem>> -> memref<1x!tpu.dma_semaphore, #tpu.memory_space<semaphore_mem>>
      %dma_wait3A_2002 = tpu.memref_squeeze %dma_wait3A_2001 : memref<1x!tpu.dma_semaphore, #tpu.memory_space<semaphore_mem>> -> memref<!tpu.dma_semaphore, #tpu.memory_space<semaphore_mem>>
      %dma_wait3A_2003 = arith.constant 0 : i32
      %dma_wait3A_2004 = tpu.memref_slice %arg4[%dma_wait3A_2003] : memref<102400xf32, #tpu.memory_space<hbm>> -> memref<128xf32, #tpu.memory_space<hbm>>
      tpu.wait_dma2 semaphore(%dma_wait3A_2002 : memref<!tpu.dma_semaphore, #tpu.memory_space<semaphore_mem>>) src(%dma_wait3A_2004 : memref<128xf32, #tpu.memory_space<hbm>>) dst(%arg7 : memref<128xf32, #tpu.memory_space<vmem>>)
      %add3A_2005 = arith.constant 2 : i32
      %add3A_2006 = arith.addi %add3A_1892, %add3A_2005 : i32
      %mul3A_2007 = arith.constant 1600 : i32
      %mul3A_2008 = arith.muli %add3A, %mul3A_2007 : i32
      %mul3A_2009 = arith.constant 16 : i32
      %mul3A_2010 = arith.muli %add3A_2006, %mul3A_2009 : i32
      %add3A_2011 = arith.addi %mul3A_2008, %mul3A_2010 : i32
      %dma_start3A_2012 = arith.constant 2 : i32
      %dma_start3A_2013 = arith.constant 2 : i32
      %dma_start3A_2014 = arith.constant 0 : i32
      %dma_start3A_2015 = arith.constant 0 : i32
      %dma_start3A_2016 = tpu.memref_slice %arg6[%dma_start3A_2012, %dma_start3A_2014, %dma_start3A_2015] : memref<4x16x128xi32, #tpu.memory_space<vmem>> -> memref<1x16x128xi32, #tpu.memory_space<vmem>>
      %dma_start3A_2017 = tpu.memref_squeeze %dma_start3A_2016 : memref<1x16x128xi32, #tpu.memory_space<vmem>> -> memref<16x128xi32, #tpu.memory_space<vmem>>
      %dma_start3A_2018 = arith.constant 0 : i32
      %dma_start3A_2019 = tpu.memref_slice %arg2[%add3A_2011, %dma_start3A_2018] : memref<51200x128xi32, #tpu.memory_space<hbm>> -> memref<16x128xi32, #tpu.memory_space<hbm>>
      %dma_start3A_2020 = tpu.memref_slice %arg9[%dma_start3A_2013] : memref<4x!tpu.dma_semaphore, #tpu.memory_space<semaphore_mem>> -> memref<1x!tpu.dma_semaphore, #tpu.memory_space<semaphore_mem>>
      %dma_start3A_2021 = tpu.memref_squeeze %dma_start3A_2020 : memref<1x!tpu.dma_semaphore, #tpu.memory_space<semaphore_mem>> -> memref<!tpu.dma_semaphore, #tpu.memory_space<semaphore_mem>>
      %dma_start3A_2022 = arith.constant 0 : i32
      %dma_start3A_2023 = arith.constant 0 : i32
      %dma_start3A_2024 = tpu.memref_slice %arg6[%dma_start3A_2012, %dma_start3A_2022, %dma_start3A_2023] : memref<4x16x128xi32, #tpu.memory_space<vmem>> -> memref<1x16x128xi32, #tpu.memory_space<vmem>>
      %dma_start3A_2025 = tpu.memref_squeeze %dma_start3A_2024 : memref<1x16x128xi32, #tpu.memory_space<vmem>> -> memref<16x128xi32, #tpu.memory_space<vmem>>
      %dma_start3A_2026 = arith.constant 0 : i32
      %dma_start3A_2027 = tpu.memref_slice %arg2[%add3A_2011, %dma_start3A_2026] : memref<51200x128xi32, #tpu.memory_space<hbm>> -> memref<16x128xi32, #tpu.memory_space<hbm>>
      tpu.enqueue_dma source(%dma_start3A_2027 : memref<16x128xi32, #tpu.memory_space<hbm>>) target(%dma_start3A_2025 : memref<16x128xi32, #tpu.memory_space<vmem>>) target_semaphore(%dma_start3A_2021 : memref<!tpu.dma_semaphore, #tpu.memory_space<semaphore_mem>>)
      %dma_wait3A_2028 = arith.constant 0 : i32
      %dma_wait3A_2029 = arith.constant 0 : i32
      %dma_wait3A_2030 = arith.constant 0 : i32
      %dma_wait3A_2031 = arith.constant 0 : i32
      %dma_wait3A_2032 = tpu.memref_slice %arg6[%dma_wait3A_2028, %dma_wait3A_2030, %dma_wait3A_2031] : memref<4x16x128xi32, #tpu.memory_space<vmem>> -> memref<1x16x128xi32, #tpu.memory_space<vmem>>
      %dma_wait3A_2033 = tpu.memref_squeeze %dma_wait3A_2032 : memref<1x16x128xi32, #tpu.memory_space<vmem>> -> memref<16x128xi32, #tpu.memory_space<vmem>>
      %dma_wait3A_2034 = arith.constant 0 : i32
      %dma_wait3A_2035 = arith.constant 0 : i32
      %dma_wait3A_2036 = tpu.memref_slice %arg2[%dma_wait3A_2034, %dma_wait3A_2035] : memref<51200x128xi32, #tpu.memory_space<hbm>> -> memref<16x128xi32, #tpu.memory_space<hbm>>
      %dma_wait3A_2037 = tpu.memref_slice %arg9[%dma_wait3A_2029] : memref<4x!tpu.dma_semaphore, #tpu.memory_space<semaphore_mem>> -> memref<1x!tpu.dma_semaphore, #tpu.memory_space<semaphore_mem>>
      %dma_wait3A_2038 = tpu.memref_squeeze %dma_wait3A_2037 : memref<1x!tpu.dma_semaphore, #tpu.memory_space<semaphore_mem>> -> memref<!tpu.dma_semaphore, #tpu.memory_space<semaphore_mem>>
      %dma_wait3A_2039 = arith.constant 0 : i32
      %dma_wait3A_2040 = arith.constant 0 : i32
      %dma_wait3A_2041 = tpu.memref_slice %arg6[%dma_wait3A_2028, %dma_wait3A_2039, %dma_wait3A_2040] : memref<4x16x128xi32, #tpu.memory_space<vmem>> -> memref<1x16x128xi32, #tpu.memory_space<vmem>>
      %dma_wait3A_2042 = tpu.memref_squeeze %dma_wait3A_2041 : memref<1x16x128xi32, #tpu.memory_space<vmem>> -> memref<16x128xi32, #tpu.memory_space<vmem>>
      %dma_wait3A_2043 = arith.constant 0 : i32
      %dma_wait3A_2044 = arith.constant 0 : i32
      %dma_wait3A_2045 = tpu.memref_slice %arg2[%dma_wait3A_2043, %dma_wait3A_2044] : memref<51200x128xi32, #tpu.memory_space<hbm>> -> memref<16x128xi32, #tpu.memory_space<hbm>>
      tpu.wait_dma2 semaphore(%dma_wait3A_2038 : memref<!tpu.dma_semaphore, #tpu.memory_space<semaphore_mem>>) src(%dma_wait3A_2045 : memref<16x128xi32, #tpu.memory_space<hbm>>) dst(%dma_wait3A_2042 : memref<16x128xi32, #tpu.memory_space<vmem>>)
      %dma_start3A_2046 = arith.constant 0 : i32
      %dma_start3A_2047 = arith.constant 0 : i32
      %dma_start3A_2048 = arith.constant 0 : i32
      %dma_start3A_2049 = arith.constant 0 : i32
      %dma_start3A_2050 = tpu.memref_slice %arg6[%dma_start3A_2046, %dma_start3A_2047, %dma_start3A_2049] : memref<4x16x128xi32, #tpu.memory_space<vmem>> -> memref<1x1x128xi32, #tpu.memory_space<vmem>>
      %dma_start3A_2051 = tpu.memref_squeeze %dma_start3A_2050 : memref<1x1x128xi32, #tpu.memory_space<vmem>> -> memref<128xi32, #tpu.memory_space<vmem>>
      %dma_start3A_2052 = arith.constant 0 : i32
      %dma_start3A_2053 = tpu.memref_slice %arg8[%dma_start3A_2052] : memref<102400xf32, #tpu.memory_space<vmem_shared>> -> memref<102400xf32, #tpu.memory_space<vmem_shared>>
      %dma_start3A_2054 = tpu.memref_slice %arg10[%dma_start3A_2048] : memref<2x!tpu.dma_semaphore, #tpu.memory_space<semaphore_mem>> -> memref<1x!tpu.dma_semaphore, #tpu.memory_space<semaphore_mem>>
      %dma_start3A_2055 = tpu.memref_squeeze %dma_start3A_2054 : memref<1x!tpu.dma_semaphore, #tpu.memory_space<semaphore_mem>> -> memref<!tpu.dma_semaphore, #tpu.memory_space<semaphore_mem>>
      tpu.enqueue_indirect_dma source(%arg7 : memref<128xf32, #tpu.memory_space<vmem>>) target(%dma_start3A_2053 : memref<102400xf32, #tpu.memory_space<vmem_shared>>) offsets(%dma_start3A_2051 : memref<128xi32, #tpu.memory_space<vmem>>) semaphore(%dma_start3A_2055 : memref<!tpu.dma_semaphore, #tpu.memory_space<semaphore_mem>>) {add = true}
      %dma_start3A_2056 = arith.constant 0 : i32
      %dma_start3A_2057 = arith.constant 1 : i32
      %dma_start3A_2058 = arith.constant 0 : i32
      %dma_start3A_2059 = arith.constant 0 : i32
      %dma_start3A_2060 = tpu.memref_slice %arg6[%dma_start3A_2056, %dma_start3A_2057, %dma_start3A_2059] : memref<4x16x128xi32, #tpu.memory_space<vmem>> -> memref<1x1x128xi32, #tpu.memory_space<vmem>>
      %dma_start3A_2061 = tpu.memref_squeeze %dma_start3A_2060 : memref<1x1x128xi32, #tpu.memory_space<vmem>> -> memref<128xi32, #tpu.memory_space<vmem>>
      %dma_start3A_2062 = arith.constant 0 : i32
      %dma_start3A_2063 = tpu.memref_slice %arg8[%dma_start3A_2062] : memref<102400xf32, #tpu.memory_space<vmem_shared>> -> memref<102400xf32, #tpu.memory_space<vmem_shared>>
      %dma_start3A_2064 = tpu.memref_slice %arg10[%dma_start3A_2058] : memref<2x!tpu.dma_semaphore, #tpu.memory_space<semaphore_mem>> -> memref<1x!tpu.dma_semaphore, #tpu.memory_space<semaphore_mem>>
      %dma_start3A_2065 = tpu.memref_squeeze %dma_start3A_2064 : memref<1x!tpu.dma_semaphore, #tpu.memory_space<semaphore_mem>> -> memref<!tpu.dma_semaphore, #tpu.memory_space<semaphore_mem>>
      tpu.enqueue_indirect_dma source(%arg7 : memref<128xf32, #tpu.memory_space<vmem>>) target(%dma_start3A_2063 : memref<102400xf32, #tpu.memory_space<vmem_shared>>) offsets(%dma_start3A_2061 : memref<128xi32, #tpu.memory_space<vmem>>) semaphore(%dma_start3A_2065 : memref<!tpu.dma_semaphore, #tpu.memory_space<semaphore_mem>>) {add = true}
      %dma_start3A_2066 = arith.constant 0 : i32
      %dma_start3A_2067 = arith.constant 2 : i32
      %dma_start3A_2068 = arith.constant 0 : i32
      %dma_start3A_2069 = arith.constant 0 : i32
      %dma_start3A_2070 = tpu.memref_slice %arg6[%dma_start3A_2066, %dma_start3A_2067, %dma_start3A_2069] : memref<4x16x128xi32, #tpu.memory_space<vmem>> -> memref<1x1x128xi32, #tpu.memory_space<vmem>>
      %dma_start3A_2071 = tpu.memref_squeeze %dma_start3A_2070 : memref<1x1x128xi32, #tpu.memory_space<vmem>> -> memref<128xi32, #tpu.memory_space<vmem>>
      %dma_start3A_2072 = arith.constant 0 : i32
      %dma_start3A_2073 = tpu.memref_slice %arg8[%dma_start3A_2072] : memref<102400xf32, #tpu.memory_space<vmem_shared>> -> memref<102400xf32, #tpu.memory_space<vmem_shared>>
      %dma_start3A_2074 = tpu.memref_slice %arg10[%dma_start3A_2068] : memref<2x!tpu.dma_semaphore, #tpu.memory_space<semaphore_mem>> -> memref<1x!tpu.dma_semaphore, #tpu.memory_space<semaphore_mem>>
      %dma_start3A_2075 = tpu.memref_squeeze %dma_start3A_2074 : memref<1x!tpu.dma_semaphore, #tpu.memory_space<semaphore_mem>> -> memref<!tpu.dma_semaphore, #tpu.memory_space<semaphore_mem>>
      tpu.enqueue_indirect_dma source(%arg7 : memref<128xf32, #tpu.memory_space<vmem>>) target(%dma_start3A_2073 : memref<102400xf32, #tpu.memory_space<vmem_shared>>) offsets(%dma_start3A_2071 : memref<128xi32, #tpu.memory_space<vmem>>) semaphore(%dma_start3A_2075 : memref<!tpu.dma_semaphore, #tpu.memory_space<semaphore_mem>>) {add = true}
      %dma_start3A_2076 = arith.constant 0 : i32
      %dma_start3A_2077 = arith.constant 3 : i32
      %dma_start3A_2078 = arith.constant 0 : i32
      %dma_start3A_2079 = arith.constant 0 : i32
      %dma_start3A_2080 = tpu.memref_slice %arg6[%dma_start3A_2076, %dma_start3A_2077, %dma_start3A_2079] : memref<4x16x128xi32, #tpu.memory_space<vmem>> -> memref<1x1x128xi32, #tpu.memory_space<vmem>>
      %dma_start3A_2081 = tpu.memref_squeeze %dma_start3A_2080 : memref<1x1x128xi32, #tpu.memory_space<vmem>> -> memref<128xi32, #tpu.memory_space<vmem>>
      %dma_start3A_2082 = arith.constant 0 : i32
      %dma_start3A_2083 = tpu.memref_slice %arg8[%dma_start3A_2082] : memref<102400xf32, #tpu.memory_space<vmem_shared>> -> memref<102400xf32, #tpu.memory_space<vmem_shared>>
      %dma_start3A_2084 = tpu.memref_slice %arg10[%dma_start3A_2078] : memref<2x!tpu.dma_semaphore, #tpu.memory_space<semaphore_mem>> -> memref<1x!tpu.dma_semaphore, #tpu.memory_space<semaphore_mem>>
      %dma_start3A_2085 = tpu.memref_squeeze %dma_start3A_2084 : memref<1x!tpu.dma_semaphore, #tpu.memory_space<semaphore_mem>> -> memref<!tpu.dma_semaphore, #tpu.memory_space<semaphore_mem>>
      tpu.enqueue_indirect_dma source(%arg7 : memref<128xf32, #tpu.memory_space<vmem>>) target(%dma_start3A_2083 : memref<102400xf32, #tpu.memory_space<vmem_shared>>) offsets(%dma_start3A_2081 : memref<128xi32, #tpu.memory_space<vmem>>) semaphore(%dma_start3A_2085 : memref<!tpu.dma_semaphore, #tpu.memory_space<semaphore_mem>>) {add = true}
      %dma_start3A_2086 = arith.constant 0 : i32
      %dma_start3A_2087 = arith.constant 4 : i32
      %dma_start3A_2088 = arith.constant 0 : i32
      %dma_start3A_2089 = arith.constant 0 : i32
      %dma_start3A_2090 = tpu.memref_slice %arg6[%dma_start3A_2086, %dma_start3A_2087, %dma_start3A_2089] : memref<4x16x128xi32, #tpu.memory_space<vmem>> -> memref<1x1x128xi32, #tpu.memory_space<vmem>>
      %dma_start3A_2091 = tpu.memref_squeeze %dma_start3A_2090 : memref<1x1x128xi32, #tpu.memory_space<vmem>> -> memref<128xi32, #tpu.memory_space<vmem>>
      %dma_start3A_2092 = arith.constant 0 : i32
      %dma_start3A_2093 = tpu.memref_slice %arg8[%dma_start3A_2092] : memref<102400xf32, #tpu.memory_space<vmem_shared>> -> memref<102400xf32, #tpu.memory_space<vmem_shared>>
      %dma_start3A_2094 = tpu.memref_slice %arg10[%dma_start3A_2088] : memref<2x!tpu.dma_semaphore, #tpu.memory_space<semaphore_mem>> -> memref<1x!tpu.dma_semaphore, #tpu.memory_space<semaphore_mem>>
      %dma_start3A_2095 = tpu.memref_squeeze %dma_start3A_2094 : memref<1x!tpu.dma_semaphore, #tpu.memory_space<semaphore_mem>> -> memref<!tpu.dma_semaphore, #tpu.memory_space<semaphore_mem>>
      tpu.enqueue_indirect_dma source(%arg7 : memref<128xf32, #tpu.memory_space<vmem>>) target(%dma_start3A_2093 : memref<102400xf32, #tpu.memory_space<vmem_shared>>) offsets(%dma_start3A_2091 : memref<128xi32, #tpu.memory_space<vmem>>) semaphore(%dma_start3A_2095 : memref<!tpu.dma_semaphore, #tpu.memory_space<semaphore_mem>>) {add = true}
      %dma_start3A_2096 = arith.constant 0 : i32
      %dma_start3A_2097 = arith.constant 5 : i32
      %dma_start3A_2098 = arith.constant 0 : i32
      %dma_start3A_2099 = arith.constant 0 : i32
      %dma_start3A_2100 = tpu.memref_slice %arg6[%dma_start3A_2096, %dma_start3A_2097, %dma_start3A_2099] : memref<4x16x128xi32, #tpu.memory_space<vmem>> -> memref<1x1x128xi32, #tpu.memory_space<vmem>>
      %dma_start3A_2101 = tpu.memref_squeeze %dma_start3A_2100 : memref<1x1x128xi32, #tpu.memory_space<vmem>> -> memref<128xi32, #tpu.memory_space<vmem>>
      %dma_start3A_2102 = arith.constant 0 : i32
      %dma_start3A_2103 = tpu.memref_slice %arg8[%dma_start3A_2102] : memref<102400xf32, #tpu.memory_space<vmem_shared>> -> memref<102400xf32, #tpu.memory_space<vmem_shared>>
      %dma_start3A_2104 = tpu.memref_slice %arg10[%dma_start3A_2098] : memref<2x!tpu.dma_semaphore, #tpu.memory_space<semaphore_mem>> -> memref<1x!tpu.dma_semaphore, #tpu.memory_space<semaphore_mem>>
      %dma_start3A_2105 = tpu.memref_squeeze %dma_start3A_2104 : memref<1x!tpu.dma_semaphore, #tpu.memory_space<semaphore_mem>> -> memref<!tpu.dma_semaphore, #tpu.memory_space<semaphore_mem>>
      tpu.enqueue_indirect_dma source(%arg7 : memref<128xf32, #tpu.memory_space<vmem>>) target(%dma_start3A_2103 : memref<102400xf32, #tpu.memory_space<vmem_shared>>) offsets(%dma_start3A_2101 : memref<128xi32, #tpu.memory_space<vmem>>) semaphore(%dma_start3A_2105 : memref<!tpu.dma_semaphore, #tpu.memory_space<semaphore_mem>>) {add = true}
      %dma_start3A_2106 = arith.constant 0 : i32
      %dma_start3A_2107 = arith.constant 6 : i32
      %dma_start3A_2108 = arith.constant 0 : i32
      %dma_start3A_2109 = arith.constant 0 : i32
      %dma_start3A_2110 = tpu.memref_slice %arg6[%dma_start3A_2106, %dma_start3A_2107, %dma_start3A_2109] : memref<4x16x128xi32, #tpu.memory_space<vmem>> -> memref<1x1x128xi32, #tpu.memory_space<vmem>>
      %dma_start3A_2111 = tpu.memref_squeeze %dma_start3A_2110 : memref<1x1x128xi32, #tpu.memory_space<vmem>> -> memref<128xi32, #tpu.memory_space<vmem>>
      %dma_start3A_2112 = arith.constant 0 : i32
      %dma_start3A_2113 = tpu.memref_slice %arg8[%dma_start3A_2112] : memref<102400xf32, #tpu.memory_space<vmem_shared>> -> memref<102400xf32, #tpu.memory_space<vmem_shared>>
      %dma_start3A_2114 = tpu.memref_slice %arg10[%dma_start3A_2108] : memref<2x!tpu.dma_semaphore, #tpu.memory_space<semaphore_mem>> -> memref<1x!tpu.dma_semaphore, #tpu.memory_space<semaphore_mem>>
      %dma_start3A_2115 = tpu.memref_squeeze %dma_start3A_2114 : memref<1x!tpu.dma_semaphore, #tpu.memory_space<semaphore_mem>> -> memref<!tpu.dma_semaphore, #tpu.memory_space<semaphore_mem>>
      tpu.enqueue_indirect_dma source(%arg7 : memref<128xf32, #tpu.memory_space<vmem>>) target(%dma_start3A_2113 : memref<102400xf32, #tpu.memory_space<vmem_shared>>) offsets(%dma_start3A_2111 : memref<128xi32, #tpu.memory_space<vmem>>) semaphore(%dma_start3A_2115 : memref<!tpu.dma_semaphore, #tpu.memory_space<semaphore_mem>>) {add = true}
      %dma_start3A_2116 = arith.constant 0 : i32
      %dma_start3A_2117 = arith.constant 7 : i32
      %dma_start3A_2118 = arith.constant 0 : i32
      %dma_start3A_2119 = arith.constant 0 : i32
      %dma_start3A_2120 = tpu.memref_slice %arg6[%dma_start3A_2116, %dma_start3A_2117, %dma_start3A_2119] : memref<4x16x128xi32, #tpu.memory_space<vmem>> -> memref<1x1x128xi32, #tpu.memory_space<vmem>>
      %dma_start3A_2121 = tpu.memref_squeeze %dma_start3A_2120 : memref<1x1x128xi32, #tpu.memory_space<vmem>> -> memref<128xi32, #tpu.memory_space<vmem>>
      %dma_start3A_2122 = arith.constant 0 : i32
      %dma_start3A_2123 = tpu.memref_slice %arg8[%dma_start3A_2122] : memref<102400xf32, #tpu.memory_space<vmem_shared>> -> memref<102400xf32, #tpu.memory_space<vmem_shared>>
      %dma_start3A_2124 = tpu.memref_slice %arg10[%dma_start3A_2118] : memref<2x!tpu.dma_semaphore, #tpu.memory_space<semaphore_mem>> -> memref<1x!tpu.dma_semaphore, #tpu.memory_space<semaphore_mem>>
      %dma_start3A_2125 = tpu.memref_squeeze %dma_start3A_2124 : memref<1x!tpu.dma_semaphore, #tpu.memory_space<semaphore_mem>> -> memref<!tpu.dma_semaphore, #tpu.memory_space<semaphore_mem>>
      tpu.enqueue_indirect_dma source(%arg7 : memref<128xf32, #tpu.memory_space<vmem>>) target(%dma_start3A_2123 : memref<102400xf32, #tpu.memory_space<vmem_shared>>) offsets(%dma_start3A_2121 : memref<128xi32, #tpu.memory_space<vmem>>) semaphore(%dma_start3A_2125 : memref<!tpu.dma_semaphore, #tpu.memory_space<semaphore_mem>>) {add = true}
      %dma_start3A_2126 = arith.constant 0 : i32
      %dma_start3A_2127 = arith.constant 8 : i32
      %dma_start3A_2128 = arith.constant 0 : i32
      %dma_start3A_2129 = arith.constant 0 : i32
      %dma_start3A_2130 = tpu.memref_slice %arg6[%dma_start3A_2126, %dma_start3A_2127, %dma_start3A_2129] : memref<4x16x128xi32, #tpu.memory_space<vmem>> -> memref<1x1x128xi32, #tpu.memory_space<vmem>>
      %dma_start3A_2131 = tpu.memref_squeeze %dma_start3A_2130 : memref<1x1x128xi32, #tpu.memory_space<vmem>> -> memref<128xi32, #tpu.memory_space<vmem>>
      %dma_start3A_2132 = arith.constant 0 : i32
      %dma_start3A_2133 = tpu.memref_slice %arg8[%dma_start3A_2132] : memref<102400xf32, #tpu.memory_space<vmem_shared>> -> memref<102400xf32, #tpu.memory_space<vmem_shared>>
      %dma_start3A_2134 = tpu.memref_slice %arg10[%dma_start3A_2128] : memref<2x!tpu.dma_semaphore, #tpu.memory_space<semaphore_mem>> -> memref<1x!tpu.dma_semaphore, #tpu.memory_space<semaphore_mem>>
      %dma_start3A_2135 = tpu.memref_squeeze %dma_start3A_2134 : memref<1x!tpu.dma_semaphore, #tpu.memory_space<semaphore_mem>> -> memref<!tpu.dma_semaphore, #tpu.memory_space<semaphore_mem>>
      tpu.enqueue_indirect_dma source(%arg7 : memref<128xf32, #tpu.memory_space<vmem>>) target(%dma_start3A_2133 : memref<102400xf32, #tpu.memory_space<vmem_shared>>) offsets(%dma_start3A_2131 : memref<128xi32, #tpu.memory_space<vmem>>) semaphore(%dma_start3A_2135 : memref<!tpu.dma_semaphore, #tpu.memory_space<semaphore_mem>>) {add = true}
      %dma_start3A_2136 = arith.constant 0 : i32
      %dma_start3A_2137 = arith.constant 9 : i32
      %dma_start3A_2138 = arith.constant 0 : i32
      %dma_start3A_2139 = arith.constant 0 : i32
      %dma_start3A_2140 = tpu.memref_slice %arg6[%dma_start3A_2136, %dma_start3A_2137, %dma_start3A_2139] : memref<4x16x128xi32, #tpu.memory_space<vmem>> -> memref<1x1x128xi32, #tpu.memory_space<vmem>>
      %dma_start3A_2141 = tpu.memref_squeeze %dma_start3A_2140 : memref<1x1x128xi32, #tpu.memory_space<vmem>> -> memref<128xi32, #tpu.memory_space<vmem>>
      %dma_start3A_2142 = arith.constant 0 : i32
      %dma_start3A_2143 = tpu.memref_slice %arg8[%dma_start3A_2142] : memref<102400xf32, #tpu.memory_space<vmem_shared>> -> memref<102400xf32, #tpu.memory_space<vmem_shared>>
      %dma_start3A_2144 = tpu.memref_slice %arg10[%dma_start3A_2138] : memref<2x!tpu.dma_semaphore, #tpu.memory_space<semaphore_mem>> -> memref<1x!tpu.dma_semaphore, #tpu.memory_space<semaphore_mem>>
      %dma_start3A_2145 = tpu.memref_squeeze %dma_start3A_2144 : memref<1x!tpu.dma_semaphore, #tpu.memory_space<semaphore_mem>> -> memref<!tpu.dma_semaphore, #tpu.memory_space<semaphore_mem>>
      tpu.enqueue_indirect_dma source(%arg7 : memref<128xf32, #tpu.memory_space<vmem>>) target(%dma_start3A_2143 : memref<102400xf32, #tpu.memory_space<vmem_shared>>) offsets(%dma_start3A_2141 : memref<128xi32, #tpu.memory_space<vmem>>) semaphore(%dma_start3A_2145 : memref<!tpu.dma_semaphore, #tpu.memory_space<semaphore_mem>>) {add = true}
      %dma_start3A_2146 = arith.constant 0 : i32
      %dma_start3A_2147 = arith.constant 10 : i32
      %dma_start3A_2148 = arith.constant 0 : i32
      %dma_start3A_2149 = arith.constant 0 : i32
      %dma_start3A_2150 = tpu.memref_slice %arg6[%dma_start3A_2146, %dma_start3A_2147, %dma_start3A_2149] : memref<4x16x128xi32, #tpu.memory_space<vmem>> -> memref<1x1x128xi32, #tpu.memory_space<vmem>>
      %dma_start3A_2151 = tpu.memref_squeeze %dma_start3A_2150 : memref<1x1x128xi32, #tpu.memory_space<vmem>> -> memref<128xi32, #tpu.memory_space<vmem>>
      %dma_start3A_2152 = arith.constant 0 : i32
      %dma_start3A_2153 = tpu.memref_slice %arg8[%dma_start3A_2152] : memref<102400xf32, #tpu.memory_space<vmem_shared>> -> memref<102400xf32, #tpu.memory_space<vmem_shared>>
      %dma_start3A_2154 = tpu.memref_slice %arg10[%dma_start3A_2148] : memref<2x!tpu.dma_semaphore, #tpu.memory_space<semaphore_mem>> -> memref<1x!tpu.dma_semaphore, #tpu.memory_space<semaphore_mem>>
      %dma_start3A_2155 = tpu.memref_squeeze %dma_start3A_2154 : memref<1x!tpu.dma_semaphore, #tpu.memory_space<semaphore_mem>> -> memref<!tpu.dma_semaphore, #tpu.memory_space<semaphore_mem>>
      tpu.enqueue_indirect_dma source(%arg7 : memref<128xf32, #tpu.memory_space<vmem>>) target(%dma_start3A_2153 : memref<102400xf32, #tpu.memory_space<vmem_shared>>) offsets(%dma_start3A_2151 : memref<128xi32, #tpu.memory_space<vmem>>) semaphore(%dma_start3A_2155 : memref<!tpu.dma_semaphore, #tpu.memory_space<semaphore_mem>>) {add = true}
      %dma_start3A_2156 = arith.constant 0 : i32
      %dma_start3A_2157 = arith.constant 11 : i32
      %dma_start3A_2158 = arith.constant 0 : i32
      %dma_start3A_2159 = arith.constant 0 : i32
      %dma_start3A_2160 = tpu.memref_slice %arg6[%dma_start3A_2156, %dma_start3A_2157, %dma_start3A_2159] : memref<4x16x128xi32, #tpu.memory_space<vmem>> -> memref<1x1x128xi32, #tpu.memory_space<vmem>>
      %dma_start3A_2161 = tpu.memref_squeeze %dma_start3A_2160 : memref<1x1x128xi32, #tpu.memory_space<vmem>> -> memref<128xi32, #tpu.memory_space<vmem>>
      %dma_start3A_2162 = arith.constant 0 : i32
      %dma_start3A_2163 = tpu.memref_slice %arg8[%dma_start3A_2162] : memref<102400xf32, #tpu.memory_space<vmem_shared>> -> memref<102400xf32, #tpu.memory_space<vmem_shared>>
      %dma_start3A_2164 = tpu.memref_slice %arg10[%dma_start3A_2158] : memref<2x!tpu.dma_semaphore, #tpu.memory_space<semaphore_mem>> -> memref<1x!tpu.dma_semaphore, #tpu.memory_space<semaphore_mem>>
      %dma_start3A_2165 = tpu.memref_squeeze %dma_start3A_2164 : memref<1x!tpu.dma_semaphore, #tpu.memory_space<semaphore_mem>> -> memref<!tpu.dma_semaphore, #tpu.memory_space<semaphore_mem>>
      tpu.enqueue_indirect_dma source(%arg7 : memref<128xf32, #tpu.memory_space<vmem>>) target(%dma_start3A_2163 : memref<102400xf32, #tpu.memory_space<vmem_shared>>) offsets(%dma_start3A_2161 : memref<128xi32, #tpu.memory_space<vmem>>) semaphore(%dma_start3A_2165 : memref<!tpu.dma_semaphore, #tpu.memory_space<semaphore_mem>>) {add = true}
      %dma_start3A_2166 = arith.constant 0 : i32
      %dma_start3A_2167 = arith.constant 12 : i32
      %dma_start3A_2168 = arith.constant 0 : i32
      %dma_start3A_2169 = arith.constant 0 : i32
      %dma_start3A_2170 = tpu.memref_slice %arg6[%dma_start3A_2166, %dma_start3A_2167, %dma_start3A_2169] : memref<4x16x128xi32, #tpu.memory_space<vmem>> -> memref<1x1x128xi32, #tpu.memory_space<vmem>>
      %dma_start3A_2171 = tpu.memref_squeeze %dma_start3A_2170 : memref<1x1x128xi32, #tpu.memory_space<vmem>> -> memref<128xi32, #tpu.memory_space<vmem>>
      %dma_start3A_2172 = arith.constant 0 : i32
      %dma_start3A_2173 = tpu.memref_slice %arg8[%dma_start3A_2172] : memref<102400xf32, #tpu.memory_space<vmem_shared>> -> memref<102400xf32, #tpu.memory_space<vmem_shared>>
      %dma_start3A_2174 = tpu.memref_slice %arg10[%dma_start3A_2168] : memref<2x!tpu.dma_semaphore, #tpu.memory_space<semaphore_mem>> -> memref<1x!tpu.dma_semaphore, #tpu.memory_space<semaphore_mem>>
      %dma_start3A_2175 = tpu.memref_squeeze %dma_start3A_2174 : memref<1x!tpu.dma_semaphore, #tpu.memory_space<semaphore_mem>> -> memref<!tpu.dma_semaphore, #tpu.memory_space<semaphore_mem>>
      tpu.enqueue_indirect_dma source(%arg7 : memref<128xf32, #tpu.memory_space<vmem>>) target(%dma_start3A_2173 : memref<102400xf32, #tpu.memory_space<vmem_shared>>) offsets(%dma_start3A_2171 : memref<128xi32, #tpu.memory_space<vmem>>) semaphore(%dma_start3A_2175 : memref<!tpu.dma_semaphore, #tpu.memory_space<semaphore_mem>>) {add = true}
      %dma_start3A_2176 = arith.constant 0 : i32
      %dma_start3A_2177 = arith.constant 13 : i32
      %dma_start3A_2178 = arith.constant 0 : i32
      %dma_start3A_2179 = arith.constant 0 : i32
      %dma_start3A_2180 = tpu.memref_slice %arg6[%dma_start3A_2176, %dma_start3A_2177, %dma_start3A_2179] : memref<4x16x128xi32, #tpu.memory_space<vmem>> -> memref<1x1x128xi32, #tpu.memory_space<vmem>>
      %dma_start3A_2181 = tpu.memref_squeeze %dma_start3A_2180 : memref<1x1x128xi32, #tpu.memory_space<vmem>> -> memref<128xi32, #tpu.memory_space<vmem>>
      %dma_start3A_2182 = arith.constant 0 : i32
      %dma_start3A_2183 = tpu.memref_slice %arg8[%dma_start3A_2182] : memref<102400xf32, #tpu.memory_space<vmem_shared>> -> memref<102400xf32, #tpu.memory_space<vmem_shared>>
      %dma_start3A_2184 = tpu.memref_slice %arg10[%dma_start3A_2178] : memref<2x!tpu.dma_semaphore, #tpu.memory_space<semaphore_mem>> -> memref<1x!tpu.dma_semaphore, #tpu.memory_space<semaphore_mem>>
      %dma_start3A_2185 = tpu.memref_squeeze %dma_start3A_2184 : memref<1x!tpu.dma_semaphore, #tpu.memory_space<semaphore_mem>> -> memref<!tpu.dma_semaphore, #tpu.memory_space<semaphore_mem>>
      tpu.enqueue_indirect_dma source(%arg7 : memref<128xf32, #tpu.memory_space<vmem>>) target(%dma_start3A_2183 : memref<102400xf32, #tpu.memory_space<vmem_shared>>) offsets(%dma_start3A_2181 : memref<128xi32, #tpu.memory_space<vmem>>) semaphore(%dma_start3A_2185 : memref<!tpu.dma_semaphore, #tpu.memory_space<semaphore_mem>>) {add = true}
      %dma_start3A_2186 = arith.constant 0 : i32
      %dma_start3A_2187 = arith.constant 14 : i32
      %dma_start3A_2188 = arith.constant 0 : i32
      %dma_start3A_2189 = arith.constant 0 : i32
      %dma_start3A_2190 = tpu.memref_slice %arg6[%dma_start3A_2186, %dma_start3A_2187, %dma_start3A_2189] : memref<4x16x128xi32, #tpu.memory_space<vmem>> -> memref<1x1x128xi32, #tpu.memory_space<vmem>>
      %dma_start3A_2191 = tpu.memref_squeeze %dma_start3A_2190 : memref<1x1x128xi32, #tpu.memory_space<vmem>> -> memref<128xi32, #tpu.memory_space<vmem>>
      %dma_start3A_2192 = arith.constant 0 : i32
      %dma_start3A_2193 = tpu.memref_slice %arg8[%dma_start3A_2192] : memref<102400xf32, #tpu.memory_space<vmem_shared>> -> memref<102400xf32, #tpu.memory_space<vmem_shared>>
      %dma_start3A_2194 = tpu.memref_slice %arg10[%dma_start3A_2188] : memref<2x!tpu.dma_semaphore, #tpu.memory_space<semaphore_mem>> -> memref<1x!tpu.dma_semaphore, #tpu.memory_space<semaphore_mem>>
      %dma_start3A_2195 = tpu.memref_squeeze %dma_start3A_2194 : memref<1x!tpu.dma_semaphore, #tpu.memory_space<semaphore_mem>> -> memref<!tpu.dma_semaphore, #tpu.memory_space<semaphore_mem>>
      tpu.enqueue_indirect_dma source(%arg7 : memref<128xf32, #tpu.memory_space<vmem>>) target(%dma_start3A_2193 : memref<102400xf32, #tpu.memory_space<vmem_shared>>) offsets(%dma_start3A_2191 : memref<128xi32, #tpu.memory_space<vmem>>) semaphore(%dma_start3A_2195 : memref<!tpu.dma_semaphore, #tpu.memory_space<semaphore_mem>>) {add = true}
      %dma_start3A_2196 = arith.constant 0 : i32
      %dma_start3A_2197 = arith.constant 15 : i32
      %dma_start3A_2198 = arith.constant 0 : i32
      %dma_start3A_2199 = arith.constant 0 : i32
      %dma_start3A_2200 = tpu.memref_slice %arg6[%dma_start3A_2196, %dma_start3A_2197, %dma_start3A_2199] : memref<4x16x128xi32, #tpu.memory_space<vmem>> -> memref<1x1x128xi32, #tpu.memory_space<vmem>>
      %dma_start3A_2201 = tpu.memref_squeeze %dma_start3A_2200 : memref<1x1x128xi32, #tpu.memory_space<vmem>> -> memref<128xi32, #tpu.memory_space<vmem>>
      %dma_start3A_2202 = arith.constant 0 : i32
      %dma_start3A_2203 = tpu.memref_slice %arg8[%dma_start3A_2202] : memref<102400xf32, #tpu.memory_space<vmem_shared>> -> memref<102400xf32, #tpu.memory_space<vmem_shared>>
      %dma_start3A_2204 = tpu.memref_slice %arg10[%dma_start3A_2198] : memref<2x!tpu.dma_semaphore, #tpu.memory_space<semaphore_mem>> -> memref<1x!tpu.dma_semaphore, #tpu.memory_space<semaphore_mem>>
      %dma_start3A_2205 = tpu.memref_squeeze %dma_start3A_2204 : memref<1x!tpu.dma_semaphore, #tpu.memory_space<semaphore_mem>> -> memref<!tpu.dma_semaphore, #tpu.memory_space<semaphore_mem>>
      tpu.enqueue_indirect_dma source(%arg7 : memref<128xf32, #tpu.memory_space<vmem>>) target(%dma_start3A_2203 : memref<102400xf32, #tpu.memory_space<vmem_shared>>) offsets(%dma_start3A_2201 : memref<128xi32, #tpu.memory_space<vmem>>) semaphore(%dma_start3A_2205 : memref<!tpu.dma_semaphore, #tpu.memory_space<semaphore_mem>>) {add = true}
      %add3A_2206 = arith.constant 3 : i32
      %add3A_2207 = arith.addi %add3A_1260, %add3A_2206 : i32
      %dma_wait3A_2208 = arith.constant 1 : i32
      %dma_wait3A_2209 = arith.constant 0 : i32
      %dma_wait3A_2210 = tpu.memref_slice %arg4[%dma_wait3A_2209] : memref<102400xf32, #tpu.memory_space<hbm>> -> memref<128xf32, #tpu.memory_space<hbm>>
      %dma_wait3A_2211 = tpu.memref_slice %arg10[%dma_wait3A_2208] : memref<2x!tpu.dma_semaphore, #tpu.memory_space<semaphore_mem>> -> memref<1x!tpu.dma_semaphore, #tpu.memory_space<semaphore_mem>>
      %dma_wait3A_2212 = tpu.memref_squeeze %dma_wait3A_2211 : memref<1x!tpu.dma_semaphore, #tpu.memory_space<semaphore_mem>> -> memref<!tpu.dma_semaphore, #tpu.memory_space<semaphore_mem>>
      %dma_wait3A_2213 = arith.constant 0 : i32
      %dma_wait3A_2214 = tpu.memref_slice %arg4[%dma_wait3A_2213] : memref<102400xf32, #tpu.memory_space<hbm>> -> memref<128xf32, #tpu.memory_space<hbm>>
      tpu.wait_dma2 semaphore(%dma_wait3A_2212 : memref<!tpu.dma_semaphore, #tpu.memory_space<semaphore_mem>>) src(%dma_wait3A_2214 : memref<128xf32, #tpu.memory_space<hbm>>) dst(%arg7 : memref<128xf32, #tpu.memory_space<vmem>>)
      %dma_wait3A_2215 = arith.constant 1 : i32
      %dma_wait3A_2216 = arith.constant 0 : i32
      %dma_wait3A_2217 = tpu.memref_slice %arg4[%dma_wait3A_2216] : memref<102400xf32, #tpu.memory_space<hbm>> -> memref<128xf32, #tpu.memory_space<hbm>>
      %dma_wait3A_2218 = tpu.memref_slice %arg10[%dma_wait3A_2215] : memref<2x!tpu.dma_semaphore, #tpu.memory_space<semaphore_mem>> -> memref<1x!tpu.dma_semaphore, #tpu.memory_space<semaphore_mem>>
      %dma_wait3A_2219 = tpu.memref_squeeze %dma_wait3A_2218 : memref<1x!tpu.dma_semaphore, #tpu.memory_space<semaphore_mem>> -> memref<!tpu.dma_semaphore, #tpu.memory_space<semaphore_mem>>
      %dma_wait3A_2220 = arith.constant 0 : i32
      %dma_wait3A_2221 = tpu.memref_slice %arg4[%dma_wait3A_2220] : memref<102400xf32, #tpu.memory_space<hbm>> -> memref<128xf32, #tpu.memory_space<hbm>>
      tpu.wait_dma2 semaphore(%dma_wait3A_2219 : memref<!tpu.dma_semaphore, #tpu.memory_space<semaphore_mem>>) src(%dma_wait3A_2221 : memref<128xf32, #tpu.memory_space<hbm>>) dst(%arg7 : memref<128xf32, #tpu.memory_space<vmem>>)
      %dma_wait3A_2222 = arith.constant 1 : i32
      %dma_wait3A_2223 = arith.constant 0 : i32
      %dma_wait3A_2224 = tpu.memref_slice %arg4[%dma_wait3A_2223] : memref<102400xf32, #tpu.memory_space<hbm>> -> memref<128xf32, #tpu.memory_space<hbm>>
      %dma_wait3A_2225 = tpu.memref_slice %arg10[%dma_wait3A_2222] : memref<2x!tpu.dma_semaphore, #tpu.memory_space<semaphore_mem>> -> memref<1x!tpu.dma_semaphore, #tpu.memory_space<semaphore_mem>>
      %dma_wait3A_2226 = tpu.memref_squeeze %dma_wait3A_2225 : memref<1x!tpu.dma_semaphore, #tpu.memory_space<semaphore_mem>> -> memref<!tpu.dma_semaphore, #tpu.memory_space<semaphore_mem>>
      %dma_wait3A_2227 = arith.constant 0 : i32
      %dma_wait3A_2228 = tpu.memref_slice %arg4[%dma_wait3A_2227] : memref<102400xf32, #tpu.memory_space<hbm>> -> memref<128xf32, #tpu.memory_space<hbm>>
      tpu.wait_dma2 semaphore(%dma_wait3A_2226 : memref<!tpu.dma_semaphore, #tpu.memory_space<semaphore_mem>>) src(%dma_wait3A_2228 : memref<128xf32, #tpu.memory_space<hbm>>) dst(%arg7 : memref<128xf32, #tpu.memory_space<vmem>>)
      %dma_wait3A_2229 = arith.constant 1 : i32
      %dma_wait3A_2230 = arith.constant 0 : i32
      %dma_wait3A_2231 = tpu.memref_slice %arg4[%dma_wait3A_2230] : memref<102400xf32, #tpu.memory_space<hbm>> -> memref<128xf32, #tpu.memory_space<hbm>>
      %dma_wait3A_2232 = tpu.memref_slice %arg10[%dma_wait3A_2229] : memref<2x!tpu.dma_semaphore, #tpu.memory_space<semaphore_mem>> -> memref<1x!tpu.dma_semaphore, #tpu.memory_space<semaphore_mem>>
      %dma_wait3A_2233 = tpu.memref_squeeze %dma_wait3A_2232 : memref<1x!tpu.dma_semaphore, #tpu.memory_space<semaphore_mem>> -> memref<!tpu.dma_semaphore, #tpu.memory_space<semaphore_mem>>
      %dma_wait3A_2234 = arith.constant 0 : i32
      %dma_wait3A_2235 = tpu.memref_slice %arg4[%dma_wait3A_2234] : memref<102400xf32, #tpu.memory_space<hbm>> -> memref<128xf32, #tpu.memory_space<hbm>>
      tpu.wait_dma2 semaphore(%dma_wait3A_2233 : memref<!tpu.dma_semaphore, #tpu.memory_space<semaphore_mem>>) src(%dma_wait3A_2235 : memref<128xf32, #tpu.memory_space<hbm>>) dst(%arg7 : memref<128xf32, #tpu.memory_space<vmem>>)
      %dma_wait3A_2236 = arith.constant 1 : i32
      %dma_wait3A_2237 = arith.constant 0 : i32
      %dma_wait3A_2238 = tpu.memref_slice %arg4[%dma_wait3A_2237] : memref<102400xf32, #tpu.memory_space<hbm>> -> memref<128xf32, #tpu.memory_space<hbm>>
      %dma_wait3A_2239 = tpu.memref_slice %arg10[%dma_wait3A_2236] : memref<2x!tpu.dma_semaphore, #tpu.memory_space<semaphore_mem>> -> memref<1x!tpu.dma_semaphore, #tpu.memory_space<semaphore_mem>>
      %dma_wait3A_2240 = tpu.memref_squeeze %dma_wait3A_2239 : memref<1x!tpu.dma_semaphore, #tpu.memory_space<semaphore_mem>> -> memref<!tpu.dma_semaphore, #tpu.memory_space<semaphore_mem>>
      %dma_wait3A_2241 = arith.constant 0 : i32
      %dma_wait3A_2242 = tpu.memref_slice %arg4[%dma_wait3A_2241] : memref<102400xf32, #tpu.memory_space<hbm>> -> memref<128xf32, #tpu.memory_space<hbm>>
      tpu.wait_dma2 semaphore(%dma_wait3A_2240 : memref<!tpu.dma_semaphore, #tpu.memory_space<semaphore_mem>>) src(%dma_wait3A_2242 : memref<128xf32, #tpu.memory_space<hbm>>) dst(%arg7 : memref<128xf32, #tpu.memory_space<vmem>>)
      %dma_wait3A_2243 = arith.constant 1 : i32
      %dma_wait3A_2244 = arith.constant 0 : i32
      %dma_wait3A_2245 = tpu.memref_slice %arg4[%dma_wait3A_2244] : memref<102400xf32, #tpu.memory_space<hbm>> -> memref<128xf32, #tpu.memory_space<hbm>>
      %dma_wait3A_2246 = tpu.memref_slice %arg10[%dma_wait3A_2243] : memref<2x!tpu.dma_semaphore, #tpu.memory_space<semaphore_mem>> -> memref<1x!tpu.dma_semaphore, #tpu.memory_space<semaphore_mem>>
      %dma_wait3A_2247 = tpu.memref_squeeze %dma_wait3A_2246 : memref<1x!tpu.dma_semaphore, #tpu.memory_space<semaphore_mem>> -> memref<!tpu.dma_semaphore, #tpu.memory_space<semaphore_mem>>
      %dma_wait3A_2248 = arith.constant 0 : i32
      %dma_wait3A_2249 = tpu.memref_slice %arg4[%dma_wait3A_2248] : memref<102400xf32, #tpu.memory_space<hbm>> -> memref<128xf32, #tpu.memory_space<hbm>>
      tpu.wait_dma2 semaphore(%dma_wait3A_2247 : memref<!tpu.dma_semaphore, #tpu.memory_space<semaphore_mem>>) src(%dma_wait3A_2249 : memref<128xf32, #tpu.memory_space<hbm>>) dst(%arg7 : memref<128xf32, #tpu.memory_space<vmem>>)
      %dma_wait3A_2250 = arith.constant 1 : i32
      %dma_wait3A_2251 = arith.constant 0 : i32
      %dma_wait3A_2252 = tpu.memref_slice %arg4[%dma_wait3A_2251] : memref<102400xf32, #tpu.memory_space<hbm>> -> memref<128xf32, #tpu.memory_space<hbm>>
      %dma_wait3A_2253 = tpu.memref_slice %arg10[%dma_wait3A_2250] : memref<2x!tpu.dma_semaphore, #tpu.memory_space<semaphore_mem>> -> memref<1x!tpu.dma_semaphore, #tpu.memory_space<semaphore_mem>>
      %dma_wait3A_2254 = tpu.memref_squeeze %dma_wait3A_2253 : memref<1x!tpu.dma_semaphore, #tpu.memory_space<semaphore_mem>> -> memref<!tpu.dma_semaphore, #tpu.memory_space<semaphore_mem>>
      %dma_wait3A_2255 = arith.constant 0 : i32
      %dma_wait3A_2256 = tpu.memref_slice %arg4[%dma_wait3A_2255] : memref<102400xf32, #tpu.memory_space<hbm>> -> memref<128xf32, #tpu.memory_space<hbm>>
      tpu.wait_dma2 semaphore(%dma_wait3A_2254 : memref<!tpu.dma_semaphore, #tpu.memory_space<semaphore_mem>>) src(%dma_wait3A_2256 : memref<128xf32, #tpu.memory_space<hbm>>) dst(%arg7 : memref<128xf32, #tpu.memory_space<vmem>>)
      %dma_wait3A_2257 = arith.constant 1 : i32
      %dma_wait3A_2258 = arith.constant 0 : i32
      %dma_wait3A_2259 = tpu.memref_slice %arg4[%dma_wait3A_2258] : memref<102400xf32, #tpu.memory_space<hbm>> -> memref<128xf32, #tpu.memory_space<hbm>>
      %dma_wait3A_2260 = tpu.memref_slice %arg10[%dma_wait3A_2257] : memref<2x!tpu.dma_semaphore, #tpu.memory_space<semaphore_mem>> -> memref<1x!tpu.dma_semaphore, #tpu.memory_space<semaphore_mem>>
      %dma_wait3A_2261 = tpu.memref_squeeze %dma_wait3A_2260 : memref<1x!tpu.dma_semaphore, #tpu.memory_space<semaphore_mem>> -> memref<!tpu.dma_semaphore, #tpu.memory_space<semaphore_mem>>
      %dma_wait3A_2262 = arith.constant 0 : i32
      %dma_wait3A_2263 = tpu.memref_slice %arg4[%dma_wait3A_2262] : memref<102400xf32, #tpu.memory_space<hbm>> -> memref<128xf32, #tpu.memory_space<hbm>>
      tpu.wait_dma2 semaphore(%dma_wait3A_2261 : memref<!tpu.dma_semaphore, #tpu.memory_space<semaphore_mem>>) src(%dma_wait3A_2263 : memref<128xf32, #tpu.memory_space<hbm>>) dst(%arg7 : memref<128xf32, #tpu.memory_space<vmem>>)
      %dma_wait3A_2264 = arith.constant 1 : i32
      %dma_wait3A_2265 = arith.constant 0 : i32
      %dma_wait3A_2266 = tpu.memref_slice %arg4[%dma_wait3A_2265] : memref<102400xf32, #tpu.memory_space<hbm>> -> memref<128xf32, #tpu.memory_space<hbm>>
      %dma_wait3A_2267 = tpu.memref_slice %arg10[%dma_wait3A_2264] : memref<2x!tpu.dma_semaphore, #tpu.memory_space<semaphore_mem>> -> memref<1x!tpu.dma_semaphore, #tpu.memory_space<semaphore_mem>>
      %dma_wait3A_2268 = tpu.memref_squeeze %dma_wait3A_2267 : memref<1x!tpu.dma_semaphore, #tpu.memory_space<semaphore_mem>> -> memref<!tpu.dma_semaphore, #tpu.memory_space<semaphore_mem>>
      %dma_wait3A_2269 = arith.constant 0 : i32
      %dma_wait3A_2270 = tpu.memref_slice %arg4[%dma_wait3A_2269] : memref<102400xf32, #tpu.memory_space<hbm>> -> memref<128xf32, #tpu.memory_space<hbm>>
      tpu.wait_dma2 semaphore(%dma_wait3A_2268 : memref<!tpu.dma_semaphore, #tpu.memory_space<semaphore_mem>>) src(%dma_wait3A_2270 : memref<128xf32, #tpu.memory_space<hbm>>) dst(%arg7 : memref<128xf32, #tpu.memory_space<vmem>>)
      %dma_wait3A_2271 = arith.constant 1 : i32
      %dma_wait3A_2272 = arith.constant 0 : i32
      %dma_wait3A_2273 = tpu.memref_slice %arg4[%dma_wait3A_2272] : memref<102400xf32, #tpu.memory_space<hbm>> -> memref<128xf32, #tpu.memory_space<hbm>>
      %dma_wait3A_2274 = tpu.memref_slice %arg10[%dma_wait3A_2271] : memref<2x!tpu.dma_semaphore, #tpu.memory_space<semaphore_mem>> -> memref<1x!tpu.dma_semaphore, #tpu.memory_space<semaphore_mem>>
      %dma_wait3A_2275 = tpu.memref_squeeze %dma_wait3A_2274 : memref<1x!tpu.dma_semaphore, #tpu.memory_space<semaphore_mem>> -> memref<!tpu.dma_semaphore, #tpu.memory_space<semaphore_mem>>
      %dma_wait3A_2276 = arith.constant 0 : i32
      %dma_wait3A_2277 = tpu.memref_slice %arg4[%dma_wait3A_2276] : memref<102400xf32, #tpu.memory_space<hbm>> -> memref<128xf32, #tpu.memory_space<hbm>>
      tpu.wait_dma2 semaphore(%dma_wait3A_2275 : memref<!tpu.dma_semaphore, #tpu.memory_space<semaphore_mem>>) src(%dma_wait3A_2277 : memref<128xf32, #tpu.memory_space<hbm>>) dst(%arg7 : memref<128xf32, #tpu.memory_space<vmem>>)
      %dma_wait3A_2278 = arith.constant 1 : i32
      %dma_wait3A_2279 = arith.constant 0 : i32
      %dma_wait3A_2280 = tpu.memref_slice %arg4[%dma_wait3A_2279] : memref<102400xf32, #tpu.memory_space<hbm>> -> memref<128xf32, #tpu.memory_space<hbm>>
      %dma_wait3A_2281 = tpu.memref_slice %arg10[%dma_wait3A_2278] : memref<2x!tpu.dma_semaphore, #tpu.memory_space<semaphore_mem>> -> memref<1x!tpu.dma_semaphore, #tpu.memory_space<semaphore_mem>>
      %dma_wait3A_2282 = tpu.memref_squeeze %dma_wait3A_2281 : memref<1x!tpu.dma_semaphore, #tpu.memory_space<semaphore_mem>> -> memref<!tpu.dma_semaphore, #tpu.memory_space<semaphore_mem>>
      %dma_wait3A_2283 = arith.constant 0 : i32
      %dma_wait3A_2284 = tpu.memref_slice %arg4[%dma_wait3A_2283] : memref<102400xf32, #tpu.memory_space<hbm>> -> memref<128xf32, #tpu.memory_space<hbm>>
      tpu.wait_dma2 semaphore(%dma_wait3A_2282 : memref<!tpu.dma_semaphore, #tpu.memory_space<semaphore_mem>>) src(%dma_wait3A_2284 : memref<128xf32, #tpu.memory_space<hbm>>) dst(%arg7 : memref<128xf32, #tpu.memory_space<vmem>>)
      %dma_wait3A_2285 = arith.constant 1 : i32
      %dma_wait3A_2286 = arith.constant 0 : i32
      %dma_wait3A_2287 = tpu.memref_slice %arg4[%dma_wait3A_2286] : memref<102400xf32, #tpu.memory_space<hbm>> -> memref<128xf32, #tpu.memory_space<hbm>>
      %dma_wait3A_2288 = tpu.memref_slice %arg10[%dma_wait3A_2285] : memref<2x!tpu.dma_semaphore, #tpu.memory_space<semaphore_mem>> -> memref<1x!tpu.dma_semaphore, #tpu.memory_space<semaphore_mem>>
      %dma_wait3A_2289 = tpu.memref_squeeze %dma_wait3A_2288 : memref<1x!tpu.dma_semaphore, #tpu.memory_space<semaphore_mem>> -> memref<!tpu.dma_semaphore, #tpu.memory_space<semaphore_mem>>
      %dma_wait3A_2290 = arith.constant 0 : i32
      %dma_wait3A_2291 = tpu.memref_slice %arg4[%dma_wait3A_2290] : memref<102400xf32, #tpu.memory_space<hbm>> -> memref<128xf32, #tpu.memory_space<hbm>>
      tpu.wait_dma2 semaphore(%dma_wait3A_2289 : memref<!tpu.dma_semaphore, #tpu.memory_space<semaphore_mem>>) src(%dma_wait3A_2291 : memref<128xf32, #tpu.memory_space<hbm>>) dst(%arg7 : memref<128xf32, #tpu.memory_space<vmem>>)
      %dma_wait3A_2292 = arith.constant 1 : i32
      %dma_wait3A_2293 = arith.constant 0 : i32
      %dma_wait3A_2294 = tpu.memref_slice %arg4[%dma_wait3A_2293] : memref<102400xf32, #tpu.memory_space<hbm>> -> memref<128xf32, #tpu.memory_space<hbm>>
      %dma_wait3A_2295 = tpu.memref_slice %arg10[%dma_wait3A_2292] : memref<2x!tpu.dma_semaphore, #tpu.memory_space<semaphore_mem>> -> memref<1x!tpu.dma_semaphore, #tpu.memory_space<semaphore_mem>>
      %dma_wait3A_2296 = tpu.memref_squeeze %dma_wait3A_2295 : memref<1x!tpu.dma_semaphore, #tpu.memory_space<semaphore_mem>> -> memref<!tpu.dma_semaphore, #tpu.memory_space<semaphore_mem>>
      %dma_wait3A_2297 = arith.constant 0 : i32
      %dma_wait3A_2298 = tpu.memref_slice %arg4[%dma_wait3A_2297] : memref<102400xf32, #tpu.memory_space<hbm>> -> memref<128xf32, #tpu.memory_space<hbm>>
      tpu.wait_dma2 semaphore(%dma_wait3A_2296 : memref<!tpu.dma_semaphore, #tpu.memory_space<semaphore_mem>>) src(%dma_wait3A_2298 : memref<128xf32, #tpu.memory_space<hbm>>) dst(%arg7 : memref<128xf32, #tpu.memory_space<vmem>>)
      %dma_wait3A_2299 = arith.constant 1 : i32
      %dma_wait3A_2300 = arith.constant 0 : i32
      %dma_wait3A_2301 = tpu.memref_slice %arg4[%dma_wait3A_2300] : memref<102400xf32, #tpu.memory_space<hbm>> -> memref<128xf32, #tpu.memory_space<hbm>>
      %dma_wait3A_2302 = tpu.memref_slice %arg10[%dma_wait3A_2299] : memref<2x!tpu.dma_semaphore, #tpu.memory_space<semaphore_mem>> -> memref<1x!tpu.dma_semaphore, #tpu.memory_space<semaphore_mem>>
      %dma_wait3A_2303 = tpu.memref_squeeze %dma_wait3A_2302 : memref<1x!tpu.dma_semaphore, #tpu.memory_space<semaphore_mem>> -> memref<!tpu.dma_semaphore, #tpu.memory_space<semaphore_mem>>
      %dma_wait3A_2304 = arith.constant 0 : i32
      %dma_wait3A_2305 = tpu.memref_slice %arg4[%dma_wait3A_2304] : memref<102400xf32, #tpu.memory_space<hbm>> -> memref<128xf32, #tpu.memory_space<hbm>>
      tpu.wait_dma2 semaphore(%dma_wait3A_2303 : memref<!tpu.dma_semaphore, #tpu.memory_space<semaphore_mem>>) src(%dma_wait3A_2305 : memref<128xf32, #tpu.memory_space<hbm>>) dst(%arg7 : memref<128xf32, #tpu.memory_space<vmem>>)
      %dma_wait3A_2306 = arith.constant 1 : i32
      %dma_wait3A_2307 = arith.constant 0 : i32
      %dma_wait3A_2308 = tpu.memref_slice %arg4[%dma_wait3A_2307] : memref<102400xf32, #tpu.memory_space<hbm>> -> memref<128xf32, #tpu.memory_space<hbm>>
      %dma_wait3A_2309 = tpu.memref_slice %arg10[%dma_wait3A_2306] : memref<2x!tpu.dma_semaphore, #tpu.memory_space<semaphore_mem>> -> memref<1x!tpu.dma_semaphore, #tpu.memory_space<semaphore_mem>>
      %dma_wait3A_2310 = tpu.memref_squeeze %dma_wait3A_2309 : memref<1x!tpu.dma_semaphore, #tpu.memory_space<semaphore_mem>> -> memref<!tpu.dma_semaphore, #tpu.memory_space<semaphore_mem>>
      %dma_wait3A_2311 = arith.constant 0 : i32
      %dma_wait3A_2312 = tpu.memref_slice %arg4[%dma_wait3A_2311] : memref<102400xf32, #tpu.memory_space<hbm>> -> memref<128xf32, #tpu.memory_space<hbm>>
      tpu.wait_dma2 semaphore(%dma_wait3A_2310 : memref<!tpu.dma_semaphore, #tpu.memory_space<semaphore_mem>>) src(%dma_wait3A_2312 : memref<128xf32, #tpu.memory_space<hbm>>) dst(%arg7 : memref<128xf32, #tpu.memory_space<vmem>>)
      %dma_wait3A_2313 = arith.constant 1 : i32
      %dma_wait3A_2314 = arith.constant 0 : i32
      %dma_wait3A_2315 = tpu.memref_slice %arg4[%dma_wait3A_2314] : memref<102400xf32, #tpu.memory_space<hbm>> -> memref<128xf32, #tpu.memory_space<hbm>>
      %dma_wait3A_2316 = tpu.memref_slice %arg10[%dma_wait3A_2313] : memref<2x!tpu.dma_semaphore, #tpu.memory_space<semaphore_mem>> -> memref<1x!tpu.dma_semaphore, #tpu.memory_space<semaphore_mem>>
      %dma_wait3A_2317 = tpu.memref_squeeze %dma_wait3A_2316 : memref<1x!tpu.dma_semaphore, #tpu.memory_space<semaphore_mem>> -> memref<!tpu.dma_semaphore, #tpu.memory_space<semaphore_mem>>
      %dma_wait3A_2318 = arith.constant 0 : i32
      %dma_wait3A_2319 = tpu.memref_slice %arg4[%dma_wait3A_2318] : memref<102400xf32, #tpu.memory_space<hbm>> -> memref<128xf32, #tpu.memory_space<hbm>>
      tpu.wait_dma2 semaphore(%dma_wait3A_2317 : memref<!tpu.dma_semaphore, #tpu.memory_space<semaphore_mem>>) src(%dma_wait3A_2319 : memref<128xf32, #tpu.memory_space<hbm>>) dst(%arg7 : memref<128xf32, #tpu.memory_space<vmem>>)
      %add3A_2320 = arith.constant 2 : i32
      %add3A_2321 = arith.addi %add3A_2207, %add3A_2320 : i32
      %mul3A_2322 = arith.constant 1600 : i32
      %mul3A_2323 = arith.muli %add3A, %mul3A_2322 : i32
      %mul3A_2324 = arith.constant 16 : i32
      %mul3A_2325 = arith.muli %add3A_2321, %mul3A_2324 : i32
      %add3A_2326 = arith.addi %mul3A_2323, %mul3A_2325 : i32
      %dma_start3A_2327 = arith.constant 3 : i32
      %dma_start3A_2328 = arith.constant 3 : i32
      %dma_start3A_2329 = arith.constant 0 : i32
      %dma_start3A_2330 = arith.constant 0 : i32
      %dma_start3A_2331 = tpu.memref_slice %arg6[%dma_start3A_2327, %dma_start3A_2329, %dma_start3A_2330] : memref<4x16x128xi32, #tpu.memory_space<vmem>> -> memref<1x16x128xi32, #tpu.memory_space<vmem>>
      %dma_start3A_2332 = tpu.memref_squeeze %dma_start3A_2331 : memref<1x16x128xi32, #tpu.memory_space<vmem>> -> memref<16x128xi32, #tpu.memory_space<vmem>>
      %dma_start3A_2333 = arith.constant 0 : i32
      %dma_start3A_2334 = tpu.memref_slice %arg2[%add3A_2326, %dma_start3A_2333] : memref<51200x128xi32, #tpu.memory_space<hbm>> -> memref<16x128xi32, #tpu.memory_space<hbm>>
      %dma_start3A_2335 = tpu.memref_slice %arg9[%dma_start3A_2328] : memref<4x!tpu.dma_semaphore, #tpu.memory_space<semaphore_mem>> -> memref<1x!tpu.dma_semaphore, #tpu.memory_space<semaphore_mem>>
      %dma_start3A_2336 = tpu.memref_squeeze %dma_start3A_2335 : memref<1x!tpu.dma_semaphore, #tpu.memory_space<semaphore_mem>> -> memref<!tpu.dma_semaphore, #tpu.memory_space<semaphore_mem>>
      %dma_start3A_2337 = arith.constant 0 : i32
      %dma_start3A_2338 = arith.constant 0 : i32
      %dma_start3A_2339 = tpu.memref_slice %arg6[%dma_start3A_2327, %dma_start3A_2337, %dma_start3A_2338] : memref<4x16x128xi32, #tpu.memory_space<vmem>> -> memref<1x16x128xi32, #tpu.memory_space<vmem>>
      %dma_start3A_2340 = tpu.memref_squeeze %dma_start3A_2339 : memref<1x16x128xi32, #tpu.memory_space<vmem>> -> memref<16x128xi32, #tpu.memory_space<vmem>>
      %dma_start3A_2341 = arith.constant 0 : i32
      %dma_start3A_2342 = tpu.memref_slice %arg2[%add3A_2326, %dma_start3A_2341] : memref<51200x128xi32, #tpu.memory_space<hbm>> -> memref<16x128xi32, #tpu.memory_space<hbm>>
      tpu.enqueue_dma source(%dma_start3A_2342 : memref<16x128xi32, #tpu.memory_space<hbm>>) target(%dma_start3A_2340 : memref<16x128xi32, #tpu.memory_space<vmem>>) target_semaphore(%dma_start3A_2336 : memref<!tpu.dma_semaphore, #tpu.memory_space<semaphore_mem>>)
      %dma_wait3A_2343 = arith.constant 1 : i32
      %dma_wait3A_2344 = arith.constant 1 : i32
      %dma_wait3A_2345 = arith.constant 0 : i32
      %dma_wait3A_2346 = arith.constant 0 : i32
      %dma_wait3A_2347 = tpu.memref_slice %arg6[%dma_wait3A_2343, %dma_wait3A_2345, %dma_wait3A_2346] : memref<4x16x128xi32, #tpu.memory_space<vmem>> -> memref<1x16x128xi32, #tpu.memory_space<vmem>>
      %dma_wait3A_2348 = tpu.memref_squeeze %dma_wait3A_2347 : memref<1x16x128xi32, #tpu.memory_space<vmem>> -> memref<16x128xi32, #tpu.memory_space<vmem>>
      %dma_wait3A_2349 = arith.constant 0 : i32
      %dma_wait3A_2350 = arith.constant 0 : i32
      %dma_wait3A_2351 = tpu.memref_slice %arg2[%dma_wait3A_2349, %dma_wait3A_2350] : memref<51200x128xi32, #tpu.memory_space<hbm>> -> memref<16x128xi32, #tpu.memory_space<hbm>>
      %dma_wait3A_2352 = tpu.memref_slice %arg9[%dma_wait3A_2344] : memref<4x!tpu.dma_semaphore, #tpu.memory_space<semaphore_mem>> -> memref<1x!tpu.dma_semaphore, #tpu.memory_space<semaphore_mem>>
      %dma_wait3A_2353 = tpu.memref_squeeze %dma_wait3A_2352 : memref<1x!tpu.dma_semaphore, #tpu.memory_space<semaphore_mem>> -> memref<!tpu.dma_semaphore, #tpu.memory_space<semaphore_mem>>
      %dma_wait3A_2354 = arith.constant 0 : i32
      %dma_wait3A_2355 = arith.constant 0 : i32
      %dma_wait3A_2356 = tpu.memref_slice %arg6[%dma_wait3A_2343, %dma_wait3A_2354, %dma_wait3A_2355] : memref<4x16x128xi32, #tpu.memory_space<vmem>> -> memref<1x16x128xi32, #tpu.memory_space<vmem>>
      %dma_wait3A_2357 = tpu.memref_squeeze %dma_wait3A_2356 : memref<1x16x128xi32, #tpu.memory_space<vmem>> -> memref<16x128xi32, #tpu.memory_space<vmem>>
      %dma_wait3A_2358 = arith.constant 0 : i32
      %dma_wait3A_2359 = arith.constant 0 : i32
      %dma_wait3A_2360 = tpu.memref_slice %arg2[%dma_wait3A_2358, %dma_wait3A_2359] : memref<51200x128xi32, #tpu.memory_space<hbm>> -> memref<16x128xi32, #tpu.memory_space<hbm>>
      tpu.wait_dma2 semaphore(%dma_wait3A_2353 : memref<!tpu.dma_semaphore, #tpu.memory_space<semaphore_mem>>) src(%dma_wait3A_2360 : memref<16x128xi32, #tpu.memory_space<hbm>>) dst(%dma_wait3A_2357 : memref<16x128xi32, #tpu.memory_space<vmem>>)
      %dma_start3A_2361 = arith.constant 1 : i32
      %dma_start3A_2362 = arith.constant 0 : i32
      %dma_start3A_2363 = arith.constant 1 : i32
      %dma_start3A_2364 = arith.constant 0 : i32
      %dma_start3A_2365 = tpu.memref_slice %arg6[%dma_start3A_2361, %dma_start3A_2362, %dma_start3A_2364] : memref<4x16x128xi32, #tpu.memory_space<vmem>> -> memref<1x1x128xi32, #tpu.memory_space<vmem>>
      %dma_start3A_2366 = tpu.memref_squeeze %dma_start3A_2365 : memref<1x1x128xi32, #tpu.memory_space<vmem>> -> memref<128xi32, #tpu.memory_space<vmem>>
      %dma_start3A_2367 = arith.constant 0 : i32
      %dma_start3A_2368 = tpu.memref_slice %arg8[%dma_start3A_2367] : memref<102400xf32, #tpu.memory_space<vmem_shared>> -> memref<102400xf32, #tpu.memory_space<vmem_shared>>
      %dma_start3A_2369 = tpu.memref_slice %arg10[%dma_start3A_2363] : memref<2x!tpu.dma_semaphore, #tpu.memory_space<semaphore_mem>> -> memref<1x!tpu.dma_semaphore, #tpu.memory_space<semaphore_mem>>
      %dma_start3A_2370 = tpu.memref_squeeze %dma_start3A_2369 : memref<1x!tpu.dma_semaphore, #tpu.memory_space<semaphore_mem>> -> memref<!tpu.dma_semaphore, #tpu.memory_space<semaphore_mem>>
      tpu.enqueue_indirect_dma source(%arg7 : memref<128xf32, #tpu.memory_space<vmem>>) target(%dma_start3A_2368 : memref<102400xf32, #tpu.memory_space<vmem_shared>>) offsets(%dma_start3A_2366 : memref<128xi32, #tpu.memory_space<vmem>>) semaphore(%dma_start3A_2370 : memref<!tpu.dma_semaphore, #tpu.memory_space<semaphore_mem>>) {add = true}
      %dma_start3A_2371 = arith.constant 1 : i32
      %dma_start3A_2372 = arith.constant 1 : i32
      %dma_start3A_2373 = arith.constant 1 : i32
      %dma_start3A_2374 = arith.constant 0 : i32
      %dma_start3A_2375 = tpu.memref_slice %arg6[%dma_start3A_2371, %dma_start3A_2372, %dma_start3A_2374] : memref<4x16x128xi32, #tpu.memory_space<vmem>> -> memref<1x1x128xi32, #tpu.memory_space<vmem>>
      %dma_start3A_2376 = tpu.memref_squeeze %dma_start3A_2375 : memref<1x1x128xi32, #tpu.memory_space<vmem>> -> memref<128xi32, #tpu.memory_space<vmem>>
      %dma_start3A_2377 = arith.constant 0 : i32
      %dma_start3A_2378 = tpu.memref_slice %arg8[%dma_start3A_2377] : memref<102400xf32, #tpu.memory_space<vmem_shared>> -> memref<102400xf32, #tpu.memory_space<vmem_shared>>
      %dma_start3A_2379 = tpu.memref_slice %arg10[%dma_start3A_2373] : memref<2x!tpu.dma_semaphore, #tpu.memory_space<semaphore_mem>> -> memref<1x!tpu.dma_semaphore, #tpu.memory_space<semaphore_mem>>
      %dma_start3A_2380 = tpu.memref_squeeze %dma_start3A_2379 : memref<1x!tpu.dma_semaphore, #tpu.memory_space<semaphore_mem>> -> memref<!tpu.dma_semaphore, #tpu.memory_space<semaphore_mem>>
      tpu.enqueue_indirect_dma source(%arg7 : memref<128xf32, #tpu.memory_space<vmem>>) target(%dma_start3A_2378 : memref<102400xf32, #tpu.memory_space<vmem_shared>>) offsets(%dma_start3A_2376 : memref<128xi32, #tpu.memory_space<vmem>>) semaphore(%dma_start3A_2380 : memref<!tpu.dma_semaphore, #tpu.memory_space<semaphore_mem>>) {add = true}
      %dma_start3A_2381 = arith.constant 1 : i32
      %dma_start3A_2382 = arith.constant 2 : i32
      %dma_start3A_2383 = arith.constant 1 : i32
      %dma_start3A_2384 = arith.constant 0 : i32
      %dma_start3A_2385 = tpu.memref_slice %arg6[%dma_start3A_2381, %dma_start3A_2382, %dma_start3A_2384] : memref<4x16x128xi32, #tpu.memory_space<vmem>> -> memref<1x1x128xi32, #tpu.memory_space<vmem>>
      %dma_start3A_2386 = tpu.memref_squeeze %dma_start3A_2385 : memref<1x1x128xi32, #tpu.memory_space<vmem>> -> memref<128xi32, #tpu.memory_space<vmem>>
      %dma_start3A_2387 = arith.constant 0 : i32
      %dma_start3A_2388 = tpu.memref_slice %arg8[%dma_start3A_2387] : memref<102400xf32, #tpu.memory_space<vmem_shared>> -> memref<102400xf32, #tpu.memory_space<vmem_shared>>
      %dma_start3A_2389 = tpu.memref_slice %arg10[%dma_start3A_2383] : memref<2x!tpu.dma_semaphore, #tpu.memory_space<semaphore_mem>> -> memref<1x!tpu.dma_semaphore, #tpu.memory_space<semaphore_mem>>
      %dma_start3A_2390 = tpu.memref_squeeze %dma_start3A_2389 : memref<1x!tpu.dma_semaphore, #tpu.memory_space<semaphore_mem>> -> memref<!tpu.dma_semaphore, #tpu.memory_space<semaphore_mem>>
      tpu.enqueue_indirect_dma source(%arg7 : memref<128xf32, #tpu.memory_space<vmem>>) target(%dma_start3A_2388 : memref<102400xf32, #tpu.memory_space<vmem_shared>>) offsets(%dma_start3A_2386 : memref<128xi32, #tpu.memory_space<vmem>>) semaphore(%dma_start3A_2390 : memref<!tpu.dma_semaphore, #tpu.memory_space<semaphore_mem>>) {add = true}
      %dma_start3A_2391 = arith.constant 1 : i32
      %dma_start3A_2392 = arith.constant 3 : i32
      %dma_start3A_2393 = arith.constant 1 : i32
      %dma_start3A_2394 = arith.constant 0 : i32
      %dma_start3A_2395 = tpu.memref_slice %arg6[%dma_start3A_2391, %dma_start3A_2392, %dma_start3A_2394] : memref<4x16x128xi32, #tpu.memory_space<vmem>> -> memref<1x1x128xi32, #tpu.memory_space<vmem>>
      %dma_start3A_2396 = tpu.memref_squeeze %dma_start3A_2395 : memref<1x1x128xi32, #tpu.memory_space<vmem>> -> memref<128xi32, #tpu.memory_space<vmem>>
      %dma_start3A_2397 = arith.constant 0 : i32
      %dma_start3A_2398 = tpu.memref_slice %arg8[%dma_start3A_2397] : memref<102400xf32, #tpu.memory_space<vmem_shared>> -> memref<102400xf32, #tpu.memory_space<vmem_shared>>
      %dma_start3A_2399 = tpu.memref_slice %arg10[%dma_start3A_2393] : memref<2x!tpu.dma_semaphore, #tpu.memory_space<semaphore_mem>> -> memref<1x!tpu.dma_semaphore, #tpu.memory_space<semaphore_mem>>
      %dma_start3A_2400 = tpu.memref_squeeze %dma_start3A_2399 : memref<1x!tpu.dma_semaphore, #tpu.memory_space<semaphore_mem>> -> memref<!tpu.dma_semaphore, #tpu.memory_space<semaphore_mem>>
      tpu.enqueue_indirect_dma source(%arg7 : memref<128xf32, #tpu.memory_space<vmem>>) target(%dma_start3A_2398 : memref<102400xf32, #tpu.memory_space<vmem_shared>>) offsets(%dma_start3A_2396 : memref<128xi32, #tpu.memory_space<vmem>>) semaphore(%dma_start3A_2400 : memref<!tpu.dma_semaphore, #tpu.memory_space<semaphore_mem>>) {add = true}
      %dma_start3A_2401 = arith.constant 1 : i32
      %dma_start3A_2402 = arith.constant 4 : i32
      %dma_start3A_2403 = arith.constant 1 : i32
      %dma_start3A_2404 = arith.constant 0 : i32
      %dma_start3A_2405 = tpu.memref_slice %arg6[%dma_start3A_2401, %dma_start3A_2402, %dma_start3A_2404] : memref<4x16x128xi32, #tpu.memory_space<vmem>> -> memref<1x1x128xi32, #tpu.memory_space<vmem>>
      %dma_start3A_2406 = tpu.memref_squeeze %dma_start3A_2405 : memref<1x1x128xi32, #tpu.memory_space<vmem>> -> memref<128xi32, #tpu.memory_space<vmem>>
      %dma_start3A_2407 = arith.constant 0 : i32
      %dma_start3A_2408 = tpu.memref_slice %arg8[%dma_start3A_2407] : memref<102400xf32, #tpu.memory_space<vmem_shared>> -> memref<102400xf32, #tpu.memory_space<vmem_shared>>
      %dma_start3A_2409 = tpu.memref_slice %arg10[%dma_start3A_2403] : memref<2x!tpu.dma_semaphore, #tpu.memory_space<semaphore_mem>> -> memref<1x!tpu.dma_semaphore, #tpu.memory_space<semaphore_mem>>
      %dma_start3A_2410 = tpu.memref_squeeze %dma_start3A_2409 : memref<1x!tpu.dma_semaphore, #tpu.memory_space<semaphore_mem>> -> memref<!tpu.dma_semaphore, #tpu.memory_space<semaphore_mem>>
      tpu.enqueue_indirect_dma source(%arg7 : memref<128xf32, #tpu.memory_space<vmem>>) target(%dma_start3A_2408 : memref<102400xf32, #tpu.memory_space<vmem_shared>>) offsets(%dma_start3A_2406 : memref<128xi32, #tpu.memory_space<vmem>>) semaphore(%dma_start3A_2410 : memref<!tpu.dma_semaphore, #tpu.memory_space<semaphore_mem>>) {add = true}
      %dma_start3A_2411 = arith.constant 1 : i32
      %dma_start3A_2412 = arith.constant 5 : i32
      %dma_start3A_2413 = arith.constant 1 : i32
      %dma_start3A_2414 = arith.constant 0 : i32
      %dma_start3A_2415 = tpu.memref_slice %arg6[%dma_start3A_2411, %dma_start3A_2412, %dma_start3A_2414] : memref<4x16x128xi32, #tpu.memory_space<vmem>> -> memref<1x1x128xi32, #tpu.memory_space<vmem>>
      %dma_start3A_2416 = tpu.memref_squeeze %dma_start3A_2415 : memref<1x1x128xi32, #tpu.memory_space<vmem>> -> memref<128xi32, #tpu.memory_space<vmem>>
      %dma_start3A_2417 = arith.constant 0 : i32
      %dma_start3A_2418 = tpu.memref_slice %arg8[%dma_start3A_2417] : memref<102400xf32, #tpu.memory_space<vmem_shared>> -> memref<102400xf32, #tpu.memory_space<vmem_shared>>
      %dma_start3A_2419 = tpu.memref_slice %arg10[%dma_start3A_2413] : memref<2x!tpu.dma_semaphore, #tpu.memory_space<semaphore_mem>> -> memref<1x!tpu.dma_semaphore, #tpu.memory_space<semaphore_mem>>
      %dma_start3A_2420 = tpu.memref_squeeze %dma_start3A_2419 : memref<1x!tpu.dma_semaphore, #tpu.memory_space<semaphore_mem>> -> memref<!tpu.dma_semaphore, #tpu.memory_space<semaphore_mem>>
      tpu.enqueue_indirect_dma source(%arg7 : memref<128xf32, #tpu.memory_space<vmem>>) target(%dma_start3A_2418 : memref<102400xf32, #tpu.memory_space<vmem_shared>>) offsets(%dma_start3A_2416 : memref<128xi32, #tpu.memory_space<vmem>>) semaphore(%dma_start3A_2420 : memref<!tpu.dma_semaphore, #tpu.memory_space<semaphore_mem>>) {add = true}
      %dma_start3A_2421 = arith.constant 1 : i32
      %dma_start3A_2422 = arith.constant 6 : i32
      %dma_start3A_2423 = arith.constant 1 : i32
      %dma_start3A_2424 = arith.constant 0 : i32
      %dma_start3A_2425 = tpu.memref_slice %arg6[%dma_start3A_2421, %dma_start3A_2422, %dma_start3A_2424] : memref<4x16x128xi32, #tpu.memory_space<vmem>> -> memref<1x1x128xi32, #tpu.memory_space<vmem>>
      %dma_start3A_2426 = tpu.memref_squeeze %dma_start3A_2425 : memref<1x1x128xi32, #tpu.memory_space<vmem>> -> memref<128xi32, #tpu.memory_space<vmem>>
      %dma_start3A_2427 = arith.constant 0 : i32
      %dma_start3A_2428 = tpu.memref_slice %arg8[%dma_start3A_2427] : memref<102400xf32, #tpu.memory_space<vmem_shared>> -> memref<102400xf32, #tpu.memory_space<vmem_shared>>
      %dma_start3A_2429 = tpu.memref_slice %arg10[%dma_start3A_2423] : memref<2x!tpu.dma_semaphore, #tpu.memory_space<semaphore_mem>> -> memref<1x!tpu.dma_semaphore, #tpu.memory_space<semaphore_mem>>
      %dma_start3A_2430 = tpu.memref_squeeze %dma_start3A_2429 : memref<1x!tpu.dma_semaphore, #tpu.memory_space<semaphore_mem>> -> memref<!tpu.dma_semaphore, #tpu.memory_space<semaphore_mem>>
      tpu.enqueue_indirect_dma source(%arg7 : memref<128xf32, #tpu.memory_space<vmem>>) target(%dma_start3A_2428 : memref<102400xf32, #tpu.memory_space<vmem_shared>>) offsets(%dma_start3A_2426 : memref<128xi32, #tpu.memory_space<vmem>>) semaphore(%dma_start3A_2430 : memref<!tpu.dma_semaphore, #tpu.memory_space<semaphore_mem>>) {add = true}
      %dma_start3A_2431 = arith.constant 1 : i32
      %dma_start3A_2432 = arith.constant 7 : i32
      %dma_start3A_2433 = arith.constant 1 : i32
      %dma_start3A_2434 = arith.constant 0 : i32
      %dma_start3A_2435 = tpu.memref_slice %arg6[%dma_start3A_2431, %dma_start3A_2432, %dma_start3A_2434] : memref<4x16x128xi32, #tpu.memory_space<vmem>> -> memref<1x1x128xi32, #tpu.memory_space<vmem>>
      %dma_start3A_2436 = tpu.memref_squeeze %dma_start3A_2435 : memref<1x1x128xi32, #tpu.memory_space<vmem>> -> memref<128xi32, #tpu.memory_space<vmem>>
      %dma_start3A_2437 = arith.constant 0 : i32
      %dma_start3A_2438 = tpu.memref_slice %arg8[%dma_start3A_2437] : memref<102400xf32, #tpu.memory_space<vmem_shared>> -> memref<102400xf32, #tpu.memory_space<vmem_shared>>
      %dma_start3A_2439 = tpu.memref_slice %arg10[%dma_start3A_2433] : memref<2x!tpu.dma_semaphore, #tpu.memory_space<semaphore_mem>> -> memref<1x!tpu.dma_semaphore, #tpu.memory_space<semaphore_mem>>
      %dma_start3A_2440 = tpu.memref_squeeze %dma_start3A_2439 : memref<1x!tpu.dma_semaphore, #tpu.memory_space<semaphore_mem>> -> memref<!tpu.dma_semaphore, #tpu.memory_space<semaphore_mem>>
      tpu.enqueue_indirect_dma source(%arg7 : memref<128xf32, #tpu.memory_space<vmem>>) target(%dma_start3A_2438 : memref<102400xf32, #tpu.memory_space<vmem_shared>>) offsets(%dma_start3A_2436 : memref<128xi32, #tpu.memory_space<vmem>>) semaphore(%dma_start3A_2440 : memref<!tpu.dma_semaphore, #tpu.memory_space<semaphore_mem>>) {add = true}
      %dma_start3A_2441 = arith.constant 1 : i32
      %dma_start3A_2442 = arith.constant 8 : i32
      %dma_start3A_2443 = arith.constant 1 : i32
      %dma_start3A_2444 = arith.constant 0 : i32
      %dma_start3A_2445 = tpu.memref_slice %arg6[%dma_start3A_2441, %dma_start3A_2442, %dma_start3A_2444] : memref<4x16x128xi32, #tpu.memory_space<vmem>> -> memref<1x1x128xi32, #tpu.memory_space<vmem>>
      %dma_start3A_2446 = tpu.memref_squeeze %dma_start3A_2445 : memref<1x1x128xi32, #tpu.memory_space<vmem>> -> memref<128xi32, #tpu.memory_space<vmem>>
      %dma_start3A_2447 = arith.constant 0 : i32
      %dma_start3A_2448 = tpu.memref_slice %arg8[%dma_start3A_2447] : memref<102400xf32, #tpu.memory_space<vmem_shared>> -> memref<102400xf32, #tpu.memory_space<vmem_shared>>
      %dma_start3A_2449 = tpu.memref_slice %arg10[%dma_start3A_2443] : memref<2x!tpu.dma_semaphore, #tpu.memory_space<semaphore_mem>> -> memref<1x!tpu.dma_semaphore, #tpu.memory_space<semaphore_mem>>
      %dma_start3A_2450 = tpu.memref_squeeze %dma_start3A_2449 : memref<1x!tpu.dma_semaphore, #tpu.memory_space<semaphore_mem>> -> memref<!tpu.dma_semaphore, #tpu.memory_space<semaphore_mem>>
      tpu.enqueue_indirect_dma source(%arg7 : memref<128xf32, #tpu.memory_space<vmem>>) target(%dma_start3A_2448 : memref<102400xf32, #tpu.memory_space<vmem_shared>>) offsets(%dma_start3A_2446 : memref<128xi32, #tpu.memory_space<vmem>>) semaphore(%dma_start3A_2450 : memref<!tpu.dma_semaphore, #tpu.memory_space<semaphore_mem>>) {add = true}
      %dma_start3A_2451 = arith.constant 1 : i32
      %dma_start3A_2452 = arith.constant 9 : i32
      %dma_start3A_2453 = arith.constant 1 : i32
      %dma_start3A_2454 = arith.constant 0 : i32
      %dma_start3A_2455 = tpu.memref_slice %arg6[%dma_start3A_2451, %dma_start3A_2452, %dma_start3A_2454] : memref<4x16x128xi32, #tpu.memory_space<vmem>> -> memref<1x1x128xi32, #tpu.memory_space<vmem>>
      %dma_start3A_2456 = tpu.memref_squeeze %dma_start3A_2455 : memref<1x1x128xi32, #tpu.memory_space<vmem>> -> memref<128xi32, #tpu.memory_space<vmem>>
      %dma_start3A_2457 = arith.constant 0 : i32
      %dma_start3A_2458 = tpu.memref_slice %arg8[%dma_start3A_2457] : memref<102400xf32, #tpu.memory_space<vmem_shared>> -> memref<102400xf32, #tpu.memory_space<vmem_shared>>
      %dma_start3A_2459 = tpu.memref_slice %arg10[%dma_start3A_2453] : memref<2x!tpu.dma_semaphore, #tpu.memory_space<semaphore_mem>> -> memref<1x!tpu.dma_semaphore, #tpu.memory_space<semaphore_mem>>
      %dma_start3A_2460 = tpu.memref_squeeze %dma_start3A_2459 : memref<1x!tpu.dma_semaphore, #tpu.memory_space<semaphore_mem>> -> memref<!tpu.dma_semaphore, #tpu.memory_space<semaphore_mem>>
      tpu.enqueue_indirect_dma source(%arg7 : memref<128xf32, #tpu.memory_space<vmem>>) target(%dma_start3A_2458 : memref<102400xf32, #tpu.memory_space<vmem_shared>>) offsets(%dma_start3A_2456 : memref<128xi32, #tpu.memory_space<vmem>>) semaphore(%dma_start3A_2460 : memref<!tpu.dma_semaphore, #tpu.memory_space<semaphore_mem>>) {add = true}
      %dma_start3A_2461 = arith.constant 1 : i32
      %dma_start3A_2462 = arith.constant 10 : i32
      %dma_start3A_2463 = arith.constant 1 : i32
      %dma_start3A_2464 = arith.constant 0 : i32
      %dma_start3A_2465 = tpu.memref_slice %arg6[%dma_start3A_2461, %dma_start3A_2462, %dma_start3A_2464] : memref<4x16x128xi32, #tpu.memory_space<vmem>> -> memref<1x1x128xi32, #tpu.memory_space<vmem>>
      %dma_start3A_2466 = tpu.memref_squeeze %dma_start3A_2465 : memref<1x1x128xi32, #tpu.memory_space<vmem>> -> memref<128xi32, #tpu.memory_space<vmem>>
      %dma_start3A_2467 = arith.constant 0 : i32
      %dma_start3A_2468 = tpu.memref_slice %arg8[%dma_start3A_2467] : memref<102400xf32, #tpu.memory_space<vmem_shared>> -> memref<102400xf32, #tpu.memory_space<vmem_shared>>
      %dma_start3A_2469 = tpu.memref_slice %arg10[%dma_start3A_2463] : memref<2x!tpu.dma_semaphore, #tpu.memory_space<semaphore_mem>> -> memref<1x!tpu.dma_semaphore, #tpu.memory_space<semaphore_mem>>
      %dma_start3A_2470 = tpu.memref_squeeze %dma_start3A_2469 : memref<1x!tpu.dma_semaphore, #tpu.memory_space<semaphore_mem>> -> memref<!tpu.dma_semaphore, #tpu.memory_space<semaphore_mem>>
      tpu.enqueue_indirect_dma source(%arg7 : memref<128xf32, #tpu.memory_space<vmem>>) target(%dma_start3A_2468 : memref<102400xf32, #tpu.memory_space<vmem_shared>>) offsets(%dma_start3A_2466 : memref<128xi32, #tpu.memory_space<vmem>>) semaphore(%dma_start3A_2470 : memref<!tpu.dma_semaphore, #tpu.memory_space<semaphore_mem>>) {add = true}
      %dma_start3A_2471 = arith.constant 1 : i32
      %dma_start3A_2472 = arith.constant 11 : i32
      %dma_start3A_2473 = arith.constant 1 : i32
      %dma_start3A_2474 = arith.constant 0 : i32
      %dma_start3A_2475 = tpu.memref_slice %arg6[%dma_start3A_2471, %dma_start3A_2472, %dma_start3A_2474] : memref<4x16x128xi32, #tpu.memory_space<vmem>> -> memref<1x1x128xi32, #tpu.memory_space<vmem>>
      %dma_start3A_2476 = tpu.memref_squeeze %dma_start3A_2475 : memref<1x1x128xi32, #tpu.memory_space<vmem>> -> memref<128xi32, #tpu.memory_space<vmem>>
      %dma_start3A_2477 = arith.constant 0 : i32
      %dma_start3A_2478 = tpu.memref_slice %arg8[%dma_start3A_2477] : memref<102400xf32, #tpu.memory_space<vmem_shared>> -> memref<102400xf32, #tpu.memory_space<vmem_shared>>
      %dma_start3A_2479 = tpu.memref_slice %arg10[%dma_start3A_2473] : memref<2x!tpu.dma_semaphore, #tpu.memory_space<semaphore_mem>> -> memref<1x!tpu.dma_semaphore, #tpu.memory_space<semaphore_mem>>
      %dma_start3A_2480 = tpu.memref_squeeze %dma_start3A_2479 : memref<1x!tpu.dma_semaphore, #tpu.memory_space<semaphore_mem>> -> memref<!tpu.dma_semaphore, #tpu.memory_space<semaphore_mem>>
      tpu.enqueue_indirect_dma source(%arg7 : memref<128xf32, #tpu.memory_space<vmem>>) target(%dma_start3A_2478 : memref<102400xf32, #tpu.memory_space<vmem_shared>>) offsets(%dma_start3A_2476 : memref<128xi32, #tpu.memory_space<vmem>>) semaphore(%dma_start3A_2480 : memref<!tpu.dma_semaphore, #tpu.memory_space<semaphore_mem>>) {add = true}
      %dma_start3A_2481 = arith.constant 1 : i32
      %dma_start3A_2482 = arith.constant 12 : i32
      %dma_start3A_2483 = arith.constant 1 : i32
      %dma_start3A_2484 = arith.constant 0 : i32
      %dma_start3A_2485 = tpu.memref_slice %arg6[%dma_start3A_2481, %dma_start3A_2482, %dma_start3A_2484] : memref<4x16x128xi32, #tpu.memory_space<vmem>> -> memref<1x1x128xi32, #tpu.memory_space<vmem>>
      %dma_start3A_2486 = tpu.memref_squeeze %dma_start3A_2485 : memref<1x1x128xi32, #tpu.memory_space<vmem>> -> memref<128xi32, #tpu.memory_space<vmem>>
      %dma_start3A_2487 = arith.constant 0 : i32
      %dma_start3A_2488 = tpu.memref_slice %arg8[%dma_start3A_2487] : memref<102400xf32, #tpu.memory_space<vmem_shared>> -> memref<102400xf32, #tpu.memory_space<vmem_shared>>
      %dma_start3A_2489 = tpu.memref_slice %arg10[%dma_start3A_2483] : memref<2x!tpu.dma_semaphore, #tpu.memory_space<semaphore_mem>> -> memref<1x!tpu.dma_semaphore, #tpu.memory_space<semaphore_mem>>
      %dma_start3A_2490 = tpu.memref_squeeze %dma_start3A_2489 : memref<1x!tpu.dma_semaphore, #tpu.memory_space<semaphore_mem>> -> memref<!tpu.dma_semaphore, #tpu.memory_space<semaphore_mem>>
      tpu.enqueue_indirect_dma source(%arg7 : memref<128xf32, #tpu.memory_space<vmem>>) target(%dma_start3A_2488 : memref<102400xf32, #tpu.memory_space<vmem_shared>>) offsets(%dma_start3A_2486 : memref<128xi32, #tpu.memory_space<vmem>>) semaphore(%dma_start3A_2490 : memref<!tpu.dma_semaphore, #tpu.memory_space<semaphore_mem>>) {add = true}
      %dma_start3A_2491 = arith.constant 1 : i32
      %dma_start3A_2492 = arith.constant 13 : i32
      %dma_start3A_2493 = arith.constant 1 : i32
      %dma_start3A_2494 = arith.constant 0 : i32
      %dma_start3A_2495 = tpu.memref_slice %arg6[%dma_start3A_2491, %dma_start3A_2492, %dma_start3A_2494] : memref<4x16x128xi32, #tpu.memory_space<vmem>> -> memref<1x1x128xi32, #tpu.memory_space<vmem>>
      %dma_start3A_2496 = tpu.memref_squeeze %dma_start3A_2495 : memref<1x1x128xi32, #tpu.memory_space<vmem>> -> memref<128xi32, #tpu.memory_space<vmem>>
      %dma_start3A_2497 = arith.constant 0 : i32
      %dma_start3A_2498 = tpu.memref_slice %arg8[%dma_start3A_2497] : memref<102400xf32, #tpu.memory_space<vmem_shared>> -> memref<102400xf32, #tpu.memory_space<vmem_shared>>
      %dma_start3A_2499 = tpu.memref_slice %arg10[%dma_start3A_2493] : memref<2x!tpu.dma_semaphore, #tpu.memory_space<semaphore_mem>> -> memref<1x!tpu.dma_semaphore, #tpu.memory_space<semaphore_mem>>
      %dma_start3A_2500 = tpu.memref_squeeze %dma_start3A_2499 : memref<1x!tpu.dma_semaphore, #tpu.memory_space<semaphore_mem>> -> memref<!tpu.dma_semaphore, #tpu.memory_space<semaphore_mem>>
      tpu.enqueue_indirect_dma source(%arg7 : memref<128xf32, #tpu.memory_space<vmem>>) target(%dma_start3A_2498 : memref<102400xf32, #tpu.memory_space<vmem_shared>>) offsets(%dma_start3A_2496 : memref<128xi32, #tpu.memory_space<vmem>>) semaphore(%dma_start3A_2500 : memref<!tpu.dma_semaphore, #tpu.memory_space<semaphore_mem>>) {add = true}
      %dma_start3A_2501 = arith.constant 1 : i32
      %dma_start3A_2502 = arith.constant 14 : i32
      %dma_start3A_2503 = arith.constant 1 : i32
      %dma_start3A_2504 = arith.constant 0 : i32
      %dma_start3A_2505 = tpu.memref_slice %arg6[%dma_start3A_2501, %dma_start3A_2502, %dma_start3A_2504] : memref<4x16x128xi32, #tpu.memory_space<vmem>> -> memref<1x1x128xi32, #tpu.memory_space<vmem>>
      %dma_start3A_2506 = tpu.memref_squeeze %dma_start3A_2505 : memref<1x1x128xi32, #tpu.memory_space<vmem>> -> memref<128xi32, #tpu.memory_space<vmem>>
      %dma_start3A_2507 = arith.constant 0 : i32
      %dma_start3A_2508 = tpu.memref_slice %arg8[%dma_start3A_2507] : memref<102400xf32, #tpu.memory_space<vmem_shared>> -> memref<102400xf32, #tpu.memory_space<vmem_shared>>
      %dma_start3A_2509 = tpu.memref_slice %arg10[%dma_start3A_2503] : memref<2x!tpu.dma_semaphore, #tpu.memory_space<semaphore_mem>> -> memref<1x!tpu.dma_semaphore, #tpu.memory_space<semaphore_mem>>
      %dma_start3A_2510 = tpu.memref_squeeze %dma_start3A_2509 : memref<1x!tpu.dma_semaphore, #tpu.memory_space<semaphore_mem>> -> memref<!tpu.dma_semaphore, #tpu.memory_space<semaphore_mem>>
      tpu.enqueue_indirect_dma source(%arg7 : memref<128xf32, #tpu.memory_space<vmem>>) target(%dma_start3A_2508 : memref<102400xf32, #tpu.memory_space<vmem_shared>>) offsets(%dma_start3A_2506 : memref<128xi32, #tpu.memory_space<vmem>>) semaphore(%dma_start3A_2510 : memref<!tpu.dma_semaphore, #tpu.memory_space<semaphore_mem>>) {add = true}
      %dma_start3A_2511 = arith.constant 1 : i32
      %dma_start3A_2512 = arith.constant 15 : i32
      %dma_start3A_2513 = arith.constant 1 : i32
      %dma_start3A_2514 = arith.constant 0 : i32
      %dma_start3A_2515 = tpu.memref_slice %arg6[%dma_start3A_2511, %dma_start3A_2512, %dma_start3A_2514] : memref<4x16x128xi32, #tpu.memory_space<vmem>> -> memref<1x1x128xi32, #tpu.memory_space<vmem>>
      %dma_start3A_2516 = tpu.memref_squeeze %dma_start3A_2515 : memref<1x1x128xi32, #tpu.memory_space<vmem>> -> memref<128xi32, #tpu.memory_space<vmem>>
      %dma_start3A_2517 = arith.constant 0 : i32
      %dma_start3A_2518 = tpu.memref_slice %arg8[%dma_start3A_2517] : memref<102400xf32, #tpu.memory_space<vmem_shared>> -> memref<102400xf32, #tpu.memory_space<vmem_shared>>
      %dma_start3A_2519 = tpu.memref_slice %arg10[%dma_start3A_2513] : memref<2x!tpu.dma_semaphore, #tpu.memory_space<semaphore_mem>> -> memref<1x!tpu.dma_semaphore, #tpu.memory_space<semaphore_mem>>
      %dma_start3A_2520 = tpu.memref_squeeze %dma_start3A_2519 : memref<1x!tpu.dma_semaphore, #tpu.memory_space<semaphore_mem>> -> memref<!tpu.dma_semaphore, #tpu.memory_space<semaphore_mem>>
      tpu.enqueue_indirect_dma source(%arg7 : memref<128xf32, #tpu.memory_space<vmem>>) target(%dma_start3A_2518 : memref<102400xf32, #tpu.memory_space<vmem_shared>>) offsets(%dma_start3A_2516 : memref<128xi32, #tpu.memory_space<vmem>>) semaphore(%dma_start3A_2520 : memref<!tpu.dma_semaphore, #tpu.memory_space<semaphore_mem>>) {add = true}
    }
    %scan3A_443 = arith.constant 24 : i32
    %dma_wait3A_444 = arith.constant 0 : i32
    %dma_wait3A_445 = arith.constant 0 : i32
    %dma_wait3A_446 = tpu.memref_slice %arg4[%dma_wait3A_445] : memref<102400xf32, #tpu.memory_space<hbm>> -> memref<128xf32, #tpu.memory_space<hbm>>
    %dma_wait3A_447 = tpu.memref_slice %arg10[%dma_wait3A_444] : memref<2x!tpu.dma_semaphore, #tpu.memory_space<semaphore_mem>> -> memref<1x!tpu.dma_semaphore, #tpu.memory_space<semaphore_mem>>
    %dma_wait3A_448 = tpu.memref_squeeze %dma_wait3A_447 : memref<1x!tpu.dma_semaphore, #tpu.memory_space<semaphore_mem>> -> memref<!tpu.dma_semaphore, #tpu.memory_space<semaphore_mem>>
    %dma_wait3A_449 = arith.constant 0 : i32
    %dma_wait3A_450 = tpu.memref_slice %arg4[%dma_wait3A_449] : memref<102400xf32, #tpu.memory_space<hbm>> -> memref<128xf32, #tpu.memory_space<hbm>>
    tpu.wait_dma2 semaphore(%dma_wait3A_448 : memref<!tpu.dma_semaphore, #tpu.memory_space<semaphore_mem>>) src(%dma_wait3A_450 : memref<128xf32, #tpu.memory_space<hbm>>) dst(%arg7 : memref<128xf32, #tpu.memory_space<vmem>>)
    %dma_wait3A_451 = arith.constant 0 : i32
    %dma_wait3A_452 = arith.constant 0 : i32
    %dma_wait3A_453 = tpu.memref_slice %arg4[%dma_wait3A_452] : memref<102400xf32, #tpu.memory_space<hbm>> -> memref<128xf32, #tpu.memory_space<hbm>>
    %dma_wait3A_454 = tpu.memref_slice %arg10[%dma_wait3A_451] : memref<2x!tpu.dma_semaphore, #tpu.memory_space<semaphore_mem>> -> memref<1x!tpu.dma_semaphore, #tpu.memory_space<semaphore_mem>>
    %dma_wait3A_455 = tpu.memref_squeeze %dma_wait3A_454 : memref<1x!tpu.dma_semaphore, #tpu.memory_space<semaphore_mem>> -> memref<!tpu.dma_semaphore, #tpu.memory_space<semaphore_mem>>
    %dma_wait3A_456 = arith.constant 0 : i32
    %dma_wait3A_457 = tpu.memref_slice %arg4[%dma_wait3A_456] : memref<102400xf32, #tpu.memory_space<hbm>> -> memref<128xf32, #tpu.memory_space<hbm>>
    tpu.wait_dma2 semaphore(%dma_wait3A_455 : memref<!tpu.dma_semaphore, #tpu.memory_space<semaphore_mem>>) src(%dma_wait3A_457 : memref<128xf32, #tpu.memory_space<hbm>>) dst(%arg7 : memref<128xf32, #tpu.memory_space<vmem>>)
    %dma_wait3A_458 = arith.constant 0 : i32
    %dma_wait3A_459 = arith.constant 0 : i32
    %dma_wait3A_460 = tpu.memref_slice %arg4[%dma_wait3A_459] : memref<102400xf32, #tpu.memory_space<hbm>> -> memref<128xf32, #tpu.memory_space<hbm>>
    %dma_wait3A_461 = tpu.memref_slice %arg10[%dma_wait3A_458] : memref<2x!tpu.dma_semaphore, #tpu.memory_space<semaphore_mem>> -> memref<1x!tpu.dma_semaphore, #tpu.memory_space<semaphore_mem>>
    %dma_wait3A_462 = tpu.memref_squeeze %dma_wait3A_461 : memref<1x!tpu.dma_semaphore, #tpu.memory_space<semaphore_mem>> -> memref<!tpu.dma_semaphore, #tpu.memory_space<semaphore_mem>>
    %dma_wait3A_463 = arith.constant 0 : i32
    %dma_wait3A_464 = tpu.memref_slice %arg4[%dma_wait3A_463] : memref<102400xf32, #tpu.memory_space<hbm>> -> memref<128xf32, #tpu.memory_space<hbm>>
    tpu.wait_dma2 semaphore(%dma_wait3A_462 : memref<!tpu.dma_semaphore, #tpu.memory_space<semaphore_mem>>) src(%dma_wait3A_464 : memref<128xf32, #tpu.memory_space<hbm>>) dst(%arg7 : memref<128xf32, #tpu.memory_space<vmem>>)
    %dma_wait3A_465 = arith.constant 0 : i32
    %dma_wait3A_466 = arith.constant 0 : i32
    %dma_wait3A_467 = tpu.memref_slice %arg4[%dma_wait3A_466] : memref<102400xf32, #tpu.memory_space<hbm>> -> memref<128xf32, #tpu.memory_space<hbm>>
    %dma_wait3A_468 = tpu.memref_slice %arg10[%dma_wait3A_465] : memref<2x!tpu.dma_semaphore, #tpu.memory_space<semaphore_mem>> -> memref<1x!tpu.dma_semaphore, #tpu.memory_space<semaphore_mem>>
    %dma_wait3A_469 = tpu.memref_squeeze %dma_wait3A_468 : memref<1x!tpu.dma_semaphore, #tpu.memory_space<semaphore_mem>> -> memref<!tpu.dma_semaphore, #tpu.memory_space<semaphore_mem>>
    %dma_wait3A_470 = arith.constant 0 : i32
    %dma_wait3A_471 = tpu.memref_slice %arg4[%dma_wait3A_470] : memref<102400xf32, #tpu.memory_space<hbm>> -> memref<128xf32, #tpu.memory_space<hbm>>
    tpu.wait_dma2 semaphore(%dma_wait3A_469 : memref<!tpu.dma_semaphore, #tpu.memory_space<semaphore_mem>>) src(%dma_wait3A_471 : memref<128xf32, #tpu.memory_space<hbm>>) dst(%arg7 : memref<128xf32, #tpu.memory_space<vmem>>)
    %dma_wait3A_472 = arith.constant 0 : i32
    %dma_wait3A_473 = arith.constant 0 : i32
    %dma_wait3A_474 = tpu.memref_slice %arg4[%dma_wait3A_473] : memref<102400xf32, #tpu.memory_space<hbm>> -> memref<128xf32, #tpu.memory_space<hbm>>
    %dma_wait3A_475 = tpu.memref_slice %arg10[%dma_wait3A_472] : memref<2x!tpu.dma_semaphore, #tpu.memory_space<semaphore_mem>> -> memref<1x!tpu.dma_semaphore, #tpu.memory_space<semaphore_mem>>
    %dma_wait3A_476 = tpu.memref_squeeze %dma_wait3A_475 : memref<1x!tpu.dma_semaphore, #tpu.memory_space<semaphore_mem>> -> memref<!tpu.dma_semaphore, #tpu.memory_space<semaphore_mem>>
    %dma_wait3A_477 = arith.constant 0 : i32
    %dma_wait3A_478 = tpu.memref_slice %arg4[%dma_wait3A_477] : memref<102400xf32, #tpu.memory_space<hbm>> -> memref<128xf32, #tpu.memory_space<hbm>>
    tpu.wait_dma2 semaphore(%dma_wait3A_476 : memref<!tpu.dma_semaphore, #tpu.memory_space<semaphore_mem>>) src(%dma_wait3A_478 : memref<128xf32, #tpu.memory_space<hbm>>) dst(%arg7 : memref<128xf32, #tpu.memory_space<vmem>>)
    %dma_wait3A_479 = arith.constant 0 : i32
    %dma_wait3A_480 = arith.constant 0 : i32
    %dma_wait3A_481 = tpu.memref_slice %arg4[%dma_wait3A_480] : memref<102400xf32, #tpu.memory_space<hbm>> -> memref<128xf32, #tpu.memory_space<hbm>>
    %dma_wait3A_482 = tpu.memref_slice %arg10[%dma_wait3A_479] : memref<2x!tpu.dma_semaphore, #tpu.memory_space<semaphore_mem>> -> memref<1x!tpu.dma_semaphore, #tpu.memory_space<semaphore_mem>>
    %dma_wait3A_483 = tpu.memref_squeeze %dma_wait3A_482 : memref<1x!tpu.dma_semaphore, #tpu.memory_space<semaphore_mem>> -> memref<!tpu.dma_semaphore, #tpu.memory_space<semaphore_mem>>
    %dma_wait3A_484 = arith.constant 0 : i32
    %dma_wait3A_485 = tpu.memref_slice %arg4[%dma_wait3A_484] : memref<102400xf32, #tpu.memory_space<hbm>> -> memref<128xf32, #tpu.memory_space<hbm>>
    tpu.wait_dma2 semaphore(%dma_wait3A_483 : memref<!tpu.dma_semaphore, #tpu.memory_space<semaphore_mem>>) src(%dma_wait3A_485 : memref<128xf32, #tpu.memory_space<hbm>>) dst(%arg7 : memref<128xf32, #tpu.memory_space<vmem>>)
    %dma_wait3A_486 = arith.constant 0 : i32
    %dma_wait3A_487 = arith.constant 0 : i32
    %dma_wait3A_488 = tpu.memref_slice %arg4[%dma_wait3A_487] : memref<102400xf32, #tpu.memory_space<hbm>> -> memref<128xf32, #tpu.memory_space<hbm>>
    %dma_wait3A_489 = tpu.memref_slice %arg10[%dma_wait3A_486] : memref<2x!tpu.dma_semaphore, #tpu.memory_space<semaphore_mem>> -> memref<1x!tpu.dma_semaphore, #tpu.memory_space<semaphore_mem>>
    %dma_wait3A_490 = tpu.memref_squeeze %dma_wait3A_489 : memref<1x!tpu.dma_semaphore, #tpu.memory_space<semaphore_mem>> -> memref<!tpu.dma_semaphore, #tpu.memory_space<semaphore_mem>>
    %dma_wait3A_491 = arith.constant 0 : i32
    %dma_wait3A_492 = tpu.memref_slice %arg4[%dma_wait3A_491] : memref<102400xf32, #tpu.memory_space<hbm>> -> memref<128xf32, #tpu.memory_space<hbm>>
    tpu.wait_dma2 semaphore(%dma_wait3A_490 : memref<!tpu.dma_semaphore, #tpu.memory_space<semaphore_mem>>) src(%dma_wait3A_492 : memref<128xf32, #tpu.memory_space<hbm>>) dst(%arg7 : memref<128xf32, #tpu.memory_space<vmem>>)
    %dma_wait3A_493 = arith.constant 0 : i32
    %dma_wait3A_494 = arith.constant 0 : i32
    %dma_wait3A_495 = tpu.memref_slice %arg4[%dma_wait3A_494] : memref<102400xf32, #tpu.memory_space<hbm>> -> memref<128xf32, #tpu.memory_space<hbm>>
    %dma_wait3A_496 = tpu.memref_slice %arg10[%dma_wait3A_493] : memref<2x!tpu.dma_semaphore, #tpu.memory_space<semaphore_mem>> -> memref<1x!tpu.dma_semaphore, #tpu.memory_space<semaphore_mem>>
    %dma_wait3A_497 = tpu.memref_squeeze %dma_wait3A_496 : memref<1x!tpu.dma_semaphore, #tpu.memory_space<semaphore_mem>> -> memref<!tpu.dma_semaphore, #tpu.memory_space<semaphore_mem>>
    %dma_wait3A_498 = arith.constant 0 : i32
    %dma_wait3A_499 = tpu.memref_slice %arg4[%dma_wait3A_498] : memref<102400xf32, #tpu.memory_space<hbm>> -> memref<128xf32, #tpu.memory_space<hbm>>
    tpu.wait_dma2 semaphore(%dma_wait3A_497 : memref<!tpu.dma_semaphore, #tpu.memory_space<semaphore_mem>>) src(%dma_wait3A_499 : memref<128xf32, #tpu.memory_space<hbm>>) dst(%arg7 : memref<128xf32, #tpu.memory_space<vmem>>)
    %dma_wait3A_500 = arith.constant 0 : i32
    %dma_wait3A_501 = arith.constant 0 : i32
    %dma_wait3A_502 = tpu.memref_slice %arg4[%dma_wait3A_501] : memref<102400xf32, #tpu.memory_space<hbm>> -> memref<128xf32, #tpu.memory_space<hbm>>
    %dma_wait3A_503 = tpu.memref_slice %arg10[%dma_wait3A_500] : memref<2x!tpu.dma_semaphore, #tpu.memory_space<semaphore_mem>> -> memref<1x!tpu.dma_semaphore, #tpu.memory_space<semaphore_mem>>
    %dma_wait3A_504 = tpu.memref_squeeze %dma_wait3A_503 : memref<1x!tpu.dma_semaphore, #tpu.memory_space<semaphore_mem>> -> memref<!tpu.dma_semaphore, #tpu.memory_space<semaphore_mem>>
    %dma_wait3A_505 = arith.constant 0 : i32
    %dma_wait3A_506 = tpu.memref_slice %arg4[%dma_wait3A_505] : memref<102400xf32, #tpu.memory_space<hbm>> -> memref<128xf32, #tpu.memory_space<hbm>>
    tpu.wait_dma2 semaphore(%dma_wait3A_504 : memref<!tpu.dma_semaphore, #tpu.memory_space<semaphore_mem>>) src(%dma_wait3A_506 : memref<128xf32, #tpu.memory_space<hbm>>) dst(%arg7 : memref<128xf32, #tpu.memory_space<vmem>>)
    %dma_wait3A_507 = arith.constant 0 : i32
    %dma_wait3A_508 = arith.constant 0 : i32
    %dma_wait3A_509 = tpu.memref_slice %arg4[%dma_wait3A_508] : memref<102400xf32, #tpu.memory_space<hbm>> -> memref<128xf32, #tpu.memory_space<hbm>>
    %dma_wait3A_510 = tpu.memref_slice %arg10[%dma_wait3A_507] : memref<2x!tpu.dma_semaphore, #tpu.memory_space<semaphore_mem>> -> memref<1x!tpu.dma_semaphore, #tpu.memory_space<semaphore_mem>>
    %dma_wait3A_511 = tpu.memref_squeeze %dma_wait3A_510 : memref<1x!tpu.dma_semaphore, #tpu.memory_space<semaphore_mem>> -> memref<!tpu.dma_semaphore, #tpu.memory_space<semaphore_mem>>
    %dma_wait3A_512 = arith.constant 0 : i32
    %dma_wait3A_513 = tpu.memref_slice %arg4[%dma_wait3A_512] : memref<102400xf32, #tpu.memory_space<hbm>> -> memref<128xf32, #tpu.memory_space<hbm>>
    tpu.wait_dma2 semaphore(%dma_wait3A_511 : memref<!tpu.dma_semaphore, #tpu.memory_space<semaphore_mem>>) src(%dma_wait3A_513 : memref<128xf32, #tpu.memory_space<hbm>>) dst(%arg7 : memref<128xf32, #tpu.memory_space<vmem>>)
    %dma_wait3A_514 = arith.constant 0 : i32
    %dma_wait3A_515 = arith.constant 0 : i32
    %dma_wait3A_516 = tpu.memref_slice %arg4[%dma_wait3A_515] : memref<102400xf32, #tpu.memory_space<hbm>> -> memref<128xf32, #tpu.memory_space<hbm>>
    %dma_wait3A_517 = tpu.memref_slice %arg10[%dma_wait3A_514] : memref<2x!tpu.dma_semaphore, #tpu.memory_space<semaphore_mem>> -> memref<1x!tpu.dma_semaphore, #tpu.memory_space<semaphore_mem>>
    %dma_wait3A_518 = tpu.memref_squeeze %dma_wait3A_517 : memref<1x!tpu.dma_semaphore, #tpu.memory_space<semaphore_mem>> -> memref<!tpu.dma_semaphore, #tpu.memory_space<semaphore_mem>>
    %dma_wait3A_519 = arith.constant 0 : i32
    %dma_wait3A_520 = tpu.memref_slice %arg4[%dma_wait3A_519] : memref<102400xf32, #tpu.memory_space<hbm>> -> memref<128xf32, #tpu.memory_space<hbm>>
    tpu.wait_dma2 semaphore(%dma_wait3A_518 : memref<!tpu.dma_semaphore, #tpu.memory_space<semaphore_mem>>) src(%dma_wait3A_520 : memref<128xf32, #tpu.memory_space<hbm>>) dst(%arg7 : memref<128xf32, #tpu.memory_space<vmem>>)
    %dma_wait3A_521 = arith.constant 0 : i32
    %dma_wait3A_522 = arith.constant 0 : i32
    %dma_wait3A_523 = tpu.memref_slice %arg4[%dma_wait3A_522] : memref<102400xf32, #tpu.memory_space<hbm>> -> memref<128xf32, #tpu.memory_space<hbm>>
    %dma_wait3A_524 = tpu.memref_slice %arg10[%dma_wait3A_521] : memref<2x!tpu.dma_semaphore, #tpu.memory_space<semaphore_mem>> -> memref<1x!tpu.dma_semaphore, #tpu.memory_space<semaphore_mem>>
    %dma_wait3A_525 = tpu.memref_squeeze %dma_wait3A_524 : memref<1x!tpu.dma_semaphore, #tpu.memory_space<semaphore_mem>> -> memref<!tpu.dma_semaphore, #tpu.memory_space<semaphore_mem>>
    %dma_wait3A_526 = arith.constant 0 : i32
    %dma_wait3A_527 = tpu.memref_slice %arg4[%dma_wait3A_526] : memref<102400xf32, #tpu.memory_space<hbm>> -> memref<128xf32, #tpu.memory_space<hbm>>
    tpu.wait_dma2 semaphore(%dma_wait3A_525 : memref<!tpu.dma_semaphore, #tpu.memory_space<semaphore_mem>>) src(%dma_wait3A_527 : memref<128xf32, #tpu.memory_space<hbm>>) dst(%arg7 : memref<128xf32, #tpu.memory_space<vmem>>)
    %dma_wait3A_528 = arith.constant 0 : i32
    %dma_wait3A_529 = arith.constant 0 : i32
    %dma_wait3A_530 = tpu.memref_slice %arg4[%dma_wait3A_529] : memref<102400xf32, #tpu.memory_space<hbm>> -> memref<128xf32, #tpu.memory_space<hbm>>
    %dma_wait3A_531 = tpu.memref_slice %arg10[%dma_wait3A_528] : memref<2x!tpu.dma_semaphore, #tpu.memory_space<semaphore_mem>> -> memref<1x!tpu.dma_semaphore, #tpu.memory_space<semaphore_mem>>
    %dma_wait3A_532 = tpu.memref_squeeze %dma_wait3A_531 : memref<1x!tpu.dma_semaphore, #tpu.memory_space<semaphore_mem>> -> memref<!tpu.dma_semaphore, #tpu.memory_space<semaphore_mem>>
    %dma_wait3A_533 = arith.constant 0 : i32
    %dma_wait3A_534 = tpu.memref_slice %arg4[%dma_wait3A_533] : memref<102400xf32, #tpu.memory_space<hbm>> -> memref<128xf32, #tpu.memory_space<hbm>>
    tpu.wait_dma2 semaphore(%dma_wait3A_532 : memref<!tpu.dma_semaphore, #tpu.memory_space<semaphore_mem>>) src(%dma_wait3A_534 : memref<128xf32, #tpu.memory_space<hbm>>) dst(%arg7 : memref<128xf32, #tpu.memory_space<vmem>>)
    %dma_wait3A_535 = arith.constant 0 : i32
    %dma_wait3A_536 = arith.constant 0 : i32
    %dma_wait3A_537 = tpu.memref_slice %arg4[%dma_wait3A_536] : memref<102400xf32, #tpu.memory_space<hbm>> -> memref<128xf32, #tpu.memory_space<hbm>>
    %dma_wait3A_538 = tpu.memref_slice %arg10[%dma_wait3A_535] : memref<2x!tpu.dma_semaphore, #tpu.memory_space<semaphore_mem>> -> memref<1x!tpu.dma_semaphore, #tpu.memory_space<semaphore_mem>>
    %dma_wait3A_539 = tpu.memref_squeeze %dma_wait3A_538 : memref<1x!tpu.dma_semaphore, #tpu.memory_space<semaphore_mem>> -> memref<!tpu.dma_semaphore, #tpu.memory_space<semaphore_mem>>
    %dma_wait3A_540 = arith.constant 0 : i32
    %dma_wait3A_541 = tpu.memref_slice %arg4[%dma_wait3A_540] : memref<102400xf32, #tpu.memory_space<hbm>> -> memref<128xf32, #tpu.memory_space<hbm>>
    tpu.wait_dma2 semaphore(%dma_wait3A_539 : memref<!tpu.dma_semaphore, #tpu.memory_space<semaphore_mem>>) src(%dma_wait3A_541 : memref<128xf32, #tpu.memory_space<hbm>>) dst(%arg7 : memref<128xf32, #tpu.memory_space<vmem>>)
    %dma_wait3A_542 = arith.constant 0 : i32
    %dma_wait3A_543 = arith.constant 0 : i32
    %dma_wait3A_544 = tpu.memref_slice %arg4[%dma_wait3A_543] : memref<102400xf32, #tpu.memory_space<hbm>> -> memref<128xf32, #tpu.memory_space<hbm>>
    %dma_wait3A_545 = tpu.memref_slice %arg10[%dma_wait3A_542] : memref<2x!tpu.dma_semaphore, #tpu.memory_space<semaphore_mem>> -> memref<1x!tpu.dma_semaphore, #tpu.memory_space<semaphore_mem>>
    %dma_wait3A_546 = tpu.memref_squeeze %dma_wait3A_545 : memref<1x!tpu.dma_semaphore, #tpu.memory_space<semaphore_mem>> -> memref<!tpu.dma_semaphore, #tpu.memory_space<semaphore_mem>>
    %dma_wait3A_547 = arith.constant 0 : i32
    %dma_wait3A_548 = tpu.memref_slice %arg4[%dma_wait3A_547] : memref<102400xf32, #tpu.memory_space<hbm>> -> memref<128xf32, #tpu.memory_space<hbm>>
    tpu.wait_dma2 semaphore(%dma_wait3A_546 : memref<!tpu.dma_semaphore, #tpu.memory_space<semaphore_mem>>) src(%dma_wait3A_548 : memref<128xf32, #tpu.memory_space<hbm>>) dst(%arg7 : memref<128xf32, #tpu.memory_space<vmem>>)
    %dma_wait3A_549 = arith.constant 0 : i32
    %dma_wait3A_550 = arith.constant 0 : i32
    %dma_wait3A_551 = tpu.memref_slice %arg4[%dma_wait3A_550] : memref<102400xf32, #tpu.memory_space<hbm>> -> memref<128xf32, #tpu.memory_space<hbm>>
    %dma_wait3A_552 = tpu.memref_slice %arg10[%dma_wait3A_549] : memref<2x!tpu.dma_semaphore, #tpu.memory_space<semaphore_mem>> -> memref<1x!tpu.dma_semaphore, #tpu.memory_space<semaphore_mem>>
    %dma_wait3A_553 = tpu.memref_squeeze %dma_wait3A_552 : memref<1x!tpu.dma_semaphore, #tpu.memory_space<semaphore_mem>> -> memref<!tpu.dma_semaphore, #tpu.memory_space<semaphore_mem>>
    %dma_wait3A_554 = arith.constant 0 : i32
    %dma_wait3A_555 = tpu.memref_slice %arg4[%dma_wait3A_554] : memref<102400xf32, #tpu.memory_space<hbm>> -> memref<128xf32, #tpu.memory_space<hbm>>
    tpu.wait_dma2 semaphore(%dma_wait3A_553 : memref<!tpu.dma_semaphore, #tpu.memory_space<semaphore_mem>>) src(%dma_wait3A_555 : memref<128xf32, #tpu.memory_space<hbm>>) dst(%arg7 : memref<128xf32, #tpu.memory_space<vmem>>)
    %dma_wait3A_556 = arith.constant 2 : i32
    %dma_wait3A_557 = arith.constant 2 : i32
    %dma_wait3A_558 = arith.constant 0 : i32
    %dma_wait3A_559 = arith.constant 0 : i32
    %dma_wait3A_560 = tpu.memref_slice %arg6[%dma_wait3A_556, %dma_wait3A_558, %dma_wait3A_559] : memref<4x16x128xi32, #tpu.memory_space<vmem>> -> memref<1x16x128xi32, #tpu.memory_space<vmem>>
    %dma_wait3A_561 = tpu.memref_squeeze %dma_wait3A_560 : memref<1x16x128xi32, #tpu.memory_space<vmem>> -> memref<16x128xi32, #tpu.memory_space<vmem>>
    %dma_wait3A_562 = arith.constant 0 : i32
    %dma_wait3A_563 = arith.constant 0 : i32
    %dma_wait3A_564 = tpu.memref_slice %arg2[%dma_wait3A_562, %dma_wait3A_563] : memref<51200x128xi32, #tpu.memory_space<hbm>> -> memref<16x128xi32, #tpu.memory_space<hbm>>
    %dma_wait3A_565 = tpu.memref_slice %arg9[%dma_wait3A_557] : memref<4x!tpu.dma_semaphore, #tpu.memory_space<semaphore_mem>> -> memref<1x!tpu.dma_semaphore, #tpu.memory_space<semaphore_mem>>
    %dma_wait3A_566 = tpu.memref_squeeze %dma_wait3A_565 : memref<1x!tpu.dma_semaphore, #tpu.memory_space<semaphore_mem>> -> memref<!tpu.dma_semaphore, #tpu.memory_space<semaphore_mem>>
    %dma_wait3A_567 = arith.constant 0 : i32
    %dma_wait3A_568 = arith.constant 0 : i32
    %dma_wait3A_569 = tpu.memref_slice %arg6[%dma_wait3A_556, %dma_wait3A_567, %dma_wait3A_568] : memref<4x16x128xi32, #tpu.memory_space<vmem>> -> memref<1x16x128xi32, #tpu.memory_space<vmem>>
    %dma_wait3A_570 = tpu.memref_squeeze %dma_wait3A_569 : memref<1x16x128xi32, #tpu.memory_space<vmem>> -> memref<16x128xi32, #tpu.memory_space<vmem>>
    %dma_wait3A_571 = arith.constant 0 : i32
    %dma_wait3A_572 = arith.constant 0 : i32
    %dma_wait3A_573 = tpu.memref_slice %arg2[%dma_wait3A_571, %dma_wait3A_572] : memref<51200x128xi32, #tpu.memory_space<hbm>> -> memref<16x128xi32, #tpu.memory_space<hbm>>
    tpu.wait_dma2 semaphore(%dma_wait3A_566 : memref<!tpu.dma_semaphore, #tpu.memory_space<semaphore_mem>>) src(%dma_wait3A_573 : memref<16x128xi32, #tpu.memory_space<hbm>>) dst(%dma_wait3A_570 : memref<16x128xi32, #tpu.memory_space<vmem>>)
    %dma_start3A_574 = arith.constant 2 : i32
    %dma_start3A_575 = arith.constant 0 : i32
    %dma_start3A_576 = arith.constant 0 : i32
    %dma_start3A_577 = arith.constant 0 : i32
    %dma_start3A_578 = tpu.memref_slice %arg6[%dma_start3A_574, %dma_start3A_575, %dma_start3A_577] : memref<4x16x128xi32, #tpu.memory_space<vmem>> -> memref<1x1x128xi32, #tpu.memory_space<vmem>>
    %dma_start3A_579 = tpu.memref_squeeze %dma_start3A_578 : memref<1x1x128xi32, #tpu.memory_space<vmem>> -> memref<128xi32, #tpu.memory_space<vmem>>
    %dma_start3A_580 = arith.constant 0 : i32
    %dma_start3A_581 = tpu.memref_slice %arg8[%dma_start3A_580] : memref<102400xf32, #tpu.memory_space<vmem_shared>> -> memref<102400xf32, #tpu.memory_space<vmem_shared>>
    %dma_start3A_582 = tpu.memref_slice %arg10[%dma_start3A_576] : memref<2x!tpu.dma_semaphore, #tpu.memory_space<semaphore_mem>> -> memref<1x!tpu.dma_semaphore, #tpu.memory_space<semaphore_mem>>
    %dma_start3A_583 = tpu.memref_squeeze %dma_start3A_582 : memref<1x!tpu.dma_semaphore, #tpu.memory_space<semaphore_mem>> -> memref<!tpu.dma_semaphore, #tpu.memory_space<semaphore_mem>>
    tpu.enqueue_indirect_dma source(%arg7 : memref<128xf32, #tpu.memory_space<vmem>>) target(%dma_start3A_581 : memref<102400xf32, #tpu.memory_space<vmem_shared>>) offsets(%dma_start3A_579 : memref<128xi32, #tpu.memory_space<vmem>>) semaphore(%dma_start3A_583 : memref<!tpu.dma_semaphore, #tpu.memory_space<semaphore_mem>>) {add = true}
    %dma_start3A_584 = arith.constant 2 : i32
    %dma_start3A_585 = arith.constant 1 : i32
    %dma_start3A_586 = arith.constant 0 : i32
    %dma_start3A_587 = arith.constant 0 : i32
    %dma_start3A_588 = tpu.memref_slice %arg6[%dma_start3A_584, %dma_start3A_585, %dma_start3A_587] : memref<4x16x128xi32, #tpu.memory_space<vmem>> -> memref<1x1x128xi32, #tpu.memory_space<vmem>>
    %dma_start3A_589 = tpu.memref_squeeze %dma_start3A_588 : memref<1x1x128xi32, #tpu.memory_space<vmem>> -> memref<128xi32, #tpu.memory_space<vmem>>
    %dma_start3A_590 = arith.constant 0 : i32
    %dma_start3A_591 = tpu.memref_slice %arg8[%dma_start3A_590] : memref<102400xf32, #tpu.memory_space<vmem_shared>> -> memref<102400xf32, #tpu.memory_space<vmem_shared>>
    %dma_start3A_592 = tpu.memref_slice %arg10[%dma_start3A_586] : memref<2x!tpu.dma_semaphore, #tpu.memory_space<semaphore_mem>> -> memref<1x!tpu.dma_semaphore, #tpu.memory_space<semaphore_mem>>
    %dma_start3A_593 = tpu.memref_squeeze %dma_start3A_592 : memref<1x!tpu.dma_semaphore, #tpu.memory_space<semaphore_mem>> -> memref<!tpu.dma_semaphore, #tpu.memory_space<semaphore_mem>>
    tpu.enqueue_indirect_dma source(%arg7 : memref<128xf32, #tpu.memory_space<vmem>>) target(%dma_start3A_591 : memref<102400xf32, #tpu.memory_space<vmem_shared>>) offsets(%dma_start3A_589 : memref<128xi32, #tpu.memory_space<vmem>>) semaphore(%dma_start3A_593 : memref<!tpu.dma_semaphore, #tpu.memory_space<semaphore_mem>>) {add = true}
    %dma_start3A_594 = arith.constant 2 : i32
    %dma_start3A_595 = arith.constant 2 : i32
    %dma_start3A_596 = arith.constant 0 : i32
    %dma_start3A_597 = arith.constant 0 : i32
    %dma_start3A_598 = tpu.memref_slice %arg6[%dma_start3A_594, %dma_start3A_595, %dma_start3A_597] : memref<4x16x128xi32, #tpu.memory_space<vmem>> -> memref<1x1x128xi32, #tpu.memory_space<vmem>>
    %dma_start3A_599 = tpu.memref_squeeze %dma_start3A_598 : memref<1x1x128xi32, #tpu.memory_space<vmem>> -> memref<128xi32, #tpu.memory_space<vmem>>
    %dma_start3A_600 = arith.constant 0 : i32
    %dma_start3A_601 = tpu.memref_slice %arg8[%dma_start3A_600] : memref<102400xf32, #tpu.memory_space<vmem_shared>> -> memref<102400xf32, #tpu.memory_space<vmem_shared>>
    %dma_start3A_602 = tpu.memref_slice %arg10[%dma_start3A_596] : memref<2x!tpu.dma_semaphore, #tpu.memory_space<semaphore_mem>> -> memref<1x!tpu.dma_semaphore, #tpu.memory_space<semaphore_mem>>
    %dma_start3A_603 = tpu.memref_squeeze %dma_start3A_602 : memref<1x!tpu.dma_semaphore, #tpu.memory_space<semaphore_mem>> -> memref<!tpu.dma_semaphore, #tpu.memory_space<semaphore_mem>>
    tpu.enqueue_indirect_dma source(%arg7 : memref<128xf32, #tpu.memory_space<vmem>>) target(%dma_start3A_601 : memref<102400xf32, #tpu.memory_space<vmem_shared>>) offsets(%dma_start3A_599 : memref<128xi32, #tpu.memory_space<vmem>>) semaphore(%dma_start3A_603 : memref<!tpu.dma_semaphore, #tpu.memory_space<semaphore_mem>>) {add = true}
    %dma_start3A_604 = arith.constant 2 : i32
    %dma_start3A_605 = arith.constant 3 : i32
    %dma_start3A_606 = arith.constant 0 : i32
    %dma_start3A_607 = arith.constant 0 : i32
    %dma_start3A_608 = tpu.memref_slice %arg6[%dma_start3A_604, %dma_start3A_605, %dma_start3A_607] : memref<4x16x128xi32, #tpu.memory_space<vmem>> -> memref<1x1x128xi32, #tpu.memory_space<vmem>>
    %dma_start3A_609 = tpu.memref_squeeze %dma_start3A_608 : memref<1x1x128xi32, #tpu.memory_space<vmem>> -> memref<128xi32, #tpu.memory_space<vmem>>
    %dma_start3A_610 = arith.constant 0 : i32
    %dma_start3A_611 = tpu.memref_slice %arg8[%dma_start3A_610] : memref<102400xf32, #tpu.memory_space<vmem_shared>> -> memref<102400xf32, #tpu.memory_space<vmem_shared>>
    %dma_start3A_612 = tpu.memref_slice %arg10[%dma_start3A_606] : memref<2x!tpu.dma_semaphore, #tpu.memory_space<semaphore_mem>> -> memref<1x!tpu.dma_semaphore, #tpu.memory_space<semaphore_mem>>
    %dma_start3A_613 = tpu.memref_squeeze %dma_start3A_612 : memref<1x!tpu.dma_semaphore, #tpu.memory_space<semaphore_mem>> -> memref<!tpu.dma_semaphore, #tpu.memory_space<semaphore_mem>>
    tpu.enqueue_indirect_dma source(%arg7 : memref<128xf32, #tpu.memory_space<vmem>>) target(%dma_start3A_611 : memref<102400xf32, #tpu.memory_space<vmem_shared>>) offsets(%dma_start3A_609 : memref<128xi32, #tpu.memory_space<vmem>>) semaphore(%dma_start3A_613 : memref<!tpu.dma_semaphore, #tpu.memory_space<semaphore_mem>>) {add = true}
    %dma_start3A_614 = arith.constant 2 : i32
    %dma_start3A_615 = arith.constant 4 : i32
    %dma_start3A_616 = arith.constant 0 : i32
    %dma_start3A_617 = arith.constant 0 : i32
    %dma_start3A_618 = tpu.memref_slice %arg6[%dma_start3A_614, %dma_start3A_615, %dma_start3A_617] : memref<4x16x128xi32, #tpu.memory_space<vmem>> -> memref<1x1x128xi32, #tpu.memory_space<vmem>>
    %dma_start3A_619 = tpu.memref_squeeze %dma_start3A_618 : memref<1x1x128xi32, #tpu.memory_space<vmem>> -> memref<128xi32, #tpu.memory_space<vmem>>
    %dma_start3A_620 = arith.constant 0 : i32
    %dma_start3A_621 = tpu.memref_slice %arg8[%dma_start3A_620] : memref<102400xf32, #tpu.memory_space<vmem_shared>> -> memref<102400xf32, #tpu.memory_space<vmem_shared>>
    %dma_start3A_622 = tpu.memref_slice %arg10[%dma_start3A_616] : memref<2x!tpu.dma_semaphore, #tpu.memory_space<semaphore_mem>> -> memref<1x!tpu.dma_semaphore, #tpu.memory_space<semaphore_mem>>
    %dma_start3A_623 = tpu.memref_squeeze %dma_start3A_622 : memref<1x!tpu.dma_semaphore, #tpu.memory_space<semaphore_mem>> -> memref<!tpu.dma_semaphore, #tpu.memory_space<semaphore_mem>>
    tpu.enqueue_indirect_dma source(%arg7 : memref<128xf32, #tpu.memory_space<vmem>>) target(%dma_start3A_621 : memref<102400xf32, #tpu.memory_space<vmem_shared>>) offsets(%dma_start3A_619 : memref<128xi32, #tpu.memory_space<vmem>>) semaphore(%dma_start3A_623 : memref<!tpu.dma_semaphore, #tpu.memory_space<semaphore_mem>>) {add = true}
    %dma_start3A_624 = arith.constant 2 : i32
    %dma_start3A_625 = arith.constant 5 : i32
    %dma_start3A_626 = arith.constant 0 : i32
    %dma_start3A_627 = arith.constant 0 : i32
    %dma_start3A_628 = tpu.memref_slice %arg6[%dma_start3A_624, %dma_start3A_625, %dma_start3A_627] : memref<4x16x128xi32, #tpu.memory_space<vmem>> -> memref<1x1x128xi32, #tpu.memory_space<vmem>>
    %dma_start3A_629 = tpu.memref_squeeze %dma_start3A_628 : memref<1x1x128xi32, #tpu.memory_space<vmem>> -> memref<128xi32, #tpu.memory_space<vmem>>
    %dma_start3A_630 = arith.constant 0 : i32
    %dma_start3A_631 = tpu.memref_slice %arg8[%dma_start3A_630] : memref<102400xf32, #tpu.memory_space<vmem_shared>> -> memref<102400xf32, #tpu.memory_space<vmem_shared>>
    %dma_start3A_632 = tpu.memref_slice %arg10[%dma_start3A_626] : memref<2x!tpu.dma_semaphore, #tpu.memory_space<semaphore_mem>> -> memref<1x!tpu.dma_semaphore, #tpu.memory_space<semaphore_mem>>
    %dma_start3A_633 = tpu.memref_squeeze %dma_start3A_632 : memref<1x!tpu.dma_semaphore, #tpu.memory_space<semaphore_mem>> -> memref<!tpu.dma_semaphore, #tpu.memory_space<semaphore_mem>>
    tpu.enqueue_indirect_dma source(%arg7 : memref<128xf32, #tpu.memory_space<vmem>>) target(%dma_start3A_631 : memref<102400xf32, #tpu.memory_space<vmem_shared>>) offsets(%dma_start3A_629 : memref<128xi32, #tpu.memory_space<vmem>>) semaphore(%dma_start3A_633 : memref<!tpu.dma_semaphore, #tpu.memory_space<semaphore_mem>>) {add = true}
    %dma_start3A_634 = arith.constant 2 : i32
    %dma_start3A_635 = arith.constant 6 : i32
    %dma_start3A_636 = arith.constant 0 : i32
    %dma_start3A_637 = arith.constant 0 : i32
    %dma_start3A_638 = tpu.memref_slice %arg6[%dma_start3A_634, %dma_start3A_635, %dma_start3A_637] : memref<4x16x128xi32, #tpu.memory_space<vmem>> -> memref<1x1x128xi32, #tpu.memory_space<vmem>>
    %dma_start3A_639 = tpu.memref_squeeze %dma_start3A_638 : memref<1x1x128xi32, #tpu.memory_space<vmem>> -> memref<128xi32, #tpu.memory_space<vmem>>
    %dma_start3A_640 = arith.constant 0 : i32
    %dma_start3A_641 = tpu.memref_slice %arg8[%dma_start3A_640] : memref<102400xf32, #tpu.memory_space<vmem_shared>> -> memref<102400xf32, #tpu.memory_space<vmem_shared>>
    %dma_start3A_642 = tpu.memref_slice %arg10[%dma_start3A_636] : memref<2x!tpu.dma_semaphore, #tpu.memory_space<semaphore_mem>> -> memref<1x!tpu.dma_semaphore, #tpu.memory_space<semaphore_mem>>
    %dma_start3A_643 = tpu.memref_squeeze %dma_start3A_642 : memref<1x!tpu.dma_semaphore, #tpu.memory_space<semaphore_mem>> -> memref<!tpu.dma_semaphore, #tpu.memory_space<semaphore_mem>>
    tpu.enqueue_indirect_dma source(%arg7 : memref<128xf32, #tpu.memory_space<vmem>>) target(%dma_start3A_641 : memref<102400xf32, #tpu.memory_space<vmem_shared>>) offsets(%dma_start3A_639 : memref<128xi32, #tpu.memory_space<vmem>>) semaphore(%dma_start3A_643 : memref<!tpu.dma_semaphore, #tpu.memory_space<semaphore_mem>>) {add = true}
    %dma_start3A_644 = arith.constant 2 : i32
    %dma_start3A_645 = arith.constant 7 : i32
    %dma_start3A_646 = arith.constant 0 : i32
    %dma_start3A_647 = arith.constant 0 : i32
    %dma_start3A_648 = tpu.memref_slice %arg6[%dma_start3A_644, %dma_start3A_645, %dma_start3A_647] : memref<4x16x128xi32, #tpu.memory_space<vmem>> -> memref<1x1x128xi32, #tpu.memory_space<vmem>>
    %dma_start3A_649 = tpu.memref_squeeze %dma_start3A_648 : memref<1x1x128xi32, #tpu.memory_space<vmem>> -> memref<128xi32, #tpu.memory_space<vmem>>
    %dma_start3A_650 = arith.constant 0 : i32
    %dma_start3A_651 = tpu.memref_slice %arg8[%dma_start3A_650] : memref<102400xf32, #tpu.memory_space<vmem_shared>> -> memref<102400xf32, #tpu.memory_space<vmem_shared>>
    %dma_start3A_652 = tpu.memref_slice %arg10[%dma_start3A_646] : memref<2x!tpu.dma_semaphore, #tpu.memory_space<semaphore_mem>> -> memref<1x!tpu.dma_semaphore, #tpu.memory_space<semaphore_mem>>
    %dma_start3A_653 = tpu.memref_squeeze %dma_start3A_652 : memref<1x!tpu.dma_semaphore, #tpu.memory_space<semaphore_mem>> -> memref<!tpu.dma_semaphore, #tpu.memory_space<semaphore_mem>>
    tpu.enqueue_indirect_dma source(%arg7 : memref<128xf32, #tpu.memory_space<vmem>>) target(%dma_start3A_651 : memref<102400xf32, #tpu.memory_space<vmem_shared>>) offsets(%dma_start3A_649 : memref<128xi32, #tpu.memory_space<vmem>>) semaphore(%dma_start3A_653 : memref<!tpu.dma_semaphore, #tpu.memory_space<semaphore_mem>>) {add = true}
    %dma_start3A_654 = arith.constant 2 : i32
    %dma_start3A_655 = arith.constant 8 : i32
    %dma_start3A_656 = arith.constant 0 : i32
    %dma_start3A_657 = arith.constant 0 : i32
    %dma_start3A_658 = tpu.memref_slice %arg6[%dma_start3A_654, %dma_start3A_655, %dma_start3A_657] : memref<4x16x128xi32, #tpu.memory_space<vmem>> -> memref<1x1x128xi32, #tpu.memory_space<vmem>>
    %dma_start3A_659 = tpu.memref_squeeze %dma_start3A_658 : memref<1x1x128xi32, #tpu.memory_space<vmem>> -> memref<128xi32, #tpu.memory_space<vmem>>
    %dma_start3A_660 = arith.constant 0 : i32
    %dma_start3A_661 = tpu.memref_slice %arg8[%dma_start3A_660] : memref<102400xf32, #tpu.memory_space<vmem_shared>> -> memref<102400xf32, #tpu.memory_space<vmem_shared>>
    %dma_start3A_662 = tpu.memref_slice %arg10[%dma_start3A_656] : memref<2x!tpu.dma_semaphore, #tpu.memory_space<semaphore_mem>> -> memref<1x!tpu.dma_semaphore, #tpu.memory_space<semaphore_mem>>
    %dma_start3A_663 = tpu.memref_squeeze %dma_start3A_662 : memref<1x!tpu.dma_semaphore, #tpu.memory_space<semaphore_mem>> -> memref<!tpu.dma_semaphore, #tpu.memory_space<semaphore_mem>>
    tpu.enqueue_indirect_dma source(%arg7 : memref<128xf32, #tpu.memory_space<vmem>>) target(%dma_start3A_661 : memref<102400xf32, #tpu.memory_space<vmem_shared>>) offsets(%dma_start3A_659 : memref<128xi32, #tpu.memory_space<vmem>>) semaphore(%dma_start3A_663 : memref<!tpu.dma_semaphore, #tpu.memory_space<semaphore_mem>>) {add = true}
    %dma_start3A_664 = arith.constant 2 : i32
    %dma_start3A_665 = arith.constant 9 : i32
    %dma_start3A_666 = arith.constant 0 : i32
    %dma_start3A_667 = arith.constant 0 : i32
    %dma_start3A_668 = tpu.memref_slice %arg6[%dma_start3A_664, %dma_start3A_665, %dma_start3A_667] : memref<4x16x128xi32, #tpu.memory_space<vmem>> -> memref<1x1x128xi32, #tpu.memory_space<vmem>>
    %dma_start3A_669 = tpu.memref_squeeze %dma_start3A_668 : memref<1x1x128xi32, #tpu.memory_space<vmem>> -> memref<128xi32, #tpu.memory_space<vmem>>
    %dma_start3A_670 = arith.constant 0 : i32
    %dma_start3A_671 = tpu.memref_slice %arg8[%dma_start3A_670] : memref<102400xf32, #tpu.memory_space<vmem_shared>> -> memref<102400xf32, #tpu.memory_space<vmem_shared>>
    %dma_start3A_672 = tpu.memref_slice %arg10[%dma_start3A_666] : memref<2x!tpu.dma_semaphore, #tpu.memory_space<semaphore_mem>> -> memref<1x!tpu.dma_semaphore, #tpu.memory_space<semaphore_mem>>
    %dma_start3A_673 = tpu.memref_squeeze %dma_start3A_672 : memref<1x!tpu.dma_semaphore, #tpu.memory_space<semaphore_mem>> -> memref<!tpu.dma_semaphore, #tpu.memory_space<semaphore_mem>>
    tpu.enqueue_indirect_dma source(%arg7 : memref<128xf32, #tpu.memory_space<vmem>>) target(%dma_start3A_671 : memref<102400xf32, #tpu.memory_space<vmem_shared>>) offsets(%dma_start3A_669 : memref<128xi32, #tpu.memory_space<vmem>>) semaphore(%dma_start3A_673 : memref<!tpu.dma_semaphore, #tpu.memory_space<semaphore_mem>>) {add = true}
    %dma_start3A_674 = arith.constant 2 : i32
    %dma_start3A_675 = arith.constant 10 : i32
    %dma_start3A_676 = arith.constant 0 : i32
    %dma_start3A_677 = arith.constant 0 : i32
    %dma_start3A_678 = tpu.memref_slice %arg6[%dma_start3A_674, %dma_start3A_675, %dma_start3A_677] : memref<4x16x128xi32, #tpu.memory_space<vmem>> -> memref<1x1x128xi32, #tpu.memory_space<vmem>>
    %dma_start3A_679 = tpu.memref_squeeze %dma_start3A_678 : memref<1x1x128xi32, #tpu.memory_space<vmem>> -> memref<128xi32, #tpu.memory_space<vmem>>
    %dma_start3A_680 = arith.constant 0 : i32
    %dma_start3A_681 = tpu.memref_slice %arg8[%dma_start3A_680] : memref<102400xf32, #tpu.memory_space<vmem_shared>> -> memref<102400xf32, #tpu.memory_space<vmem_shared>>
    %dma_start3A_682 = tpu.memref_slice %arg10[%dma_start3A_676] : memref<2x!tpu.dma_semaphore, #tpu.memory_space<semaphore_mem>> -> memref<1x!tpu.dma_semaphore, #tpu.memory_space<semaphore_mem>>
    %dma_start3A_683 = tpu.memref_squeeze %dma_start3A_682 : memref<1x!tpu.dma_semaphore, #tpu.memory_space<semaphore_mem>> -> memref<!tpu.dma_semaphore, #tpu.memory_space<semaphore_mem>>
    tpu.enqueue_indirect_dma source(%arg7 : memref<128xf32, #tpu.memory_space<vmem>>) target(%dma_start3A_681 : memref<102400xf32, #tpu.memory_space<vmem_shared>>) offsets(%dma_start3A_679 : memref<128xi32, #tpu.memory_space<vmem>>) semaphore(%dma_start3A_683 : memref<!tpu.dma_semaphore, #tpu.memory_space<semaphore_mem>>) {add = true}
    %dma_start3A_684 = arith.constant 2 : i32
    %dma_start3A_685 = arith.constant 11 : i32
    %dma_start3A_686 = arith.constant 0 : i32
    %dma_start3A_687 = arith.constant 0 : i32
    %dma_start3A_688 = tpu.memref_slice %arg6[%dma_start3A_684, %dma_start3A_685, %dma_start3A_687] : memref<4x16x128xi32, #tpu.memory_space<vmem>> -> memref<1x1x128xi32, #tpu.memory_space<vmem>>
    %dma_start3A_689 = tpu.memref_squeeze %dma_start3A_688 : memref<1x1x128xi32, #tpu.memory_space<vmem>> -> memref<128xi32, #tpu.memory_space<vmem>>
    %dma_start3A_690 = arith.constant 0 : i32
    %dma_start3A_691 = tpu.memref_slice %arg8[%dma_start3A_690] : memref<102400xf32, #tpu.memory_space<vmem_shared>> -> memref<102400xf32, #tpu.memory_space<vmem_shared>>
    %dma_start3A_692 = tpu.memref_slice %arg10[%dma_start3A_686] : memref<2x!tpu.dma_semaphore, #tpu.memory_space<semaphore_mem>> -> memref<1x!tpu.dma_semaphore, #tpu.memory_space<semaphore_mem>>
    %dma_start3A_693 = tpu.memref_squeeze %dma_start3A_692 : memref<1x!tpu.dma_semaphore, #tpu.memory_space<semaphore_mem>> -> memref<!tpu.dma_semaphore, #tpu.memory_space<semaphore_mem>>
    tpu.enqueue_indirect_dma source(%arg7 : memref<128xf32, #tpu.memory_space<vmem>>) target(%dma_start3A_691 : memref<102400xf32, #tpu.memory_space<vmem_shared>>) offsets(%dma_start3A_689 : memref<128xi32, #tpu.memory_space<vmem>>) semaphore(%dma_start3A_693 : memref<!tpu.dma_semaphore, #tpu.memory_space<semaphore_mem>>) {add = true}
    %dma_start3A_694 = arith.constant 2 : i32
    %dma_start3A_695 = arith.constant 12 : i32
    %dma_start3A_696 = arith.constant 0 : i32
    %dma_start3A_697 = arith.constant 0 : i32
    %dma_start3A_698 = tpu.memref_slice %arg6[%dma_start3A_694, %dma_start3A_695, %dma_start3A_697] : memref<4x16x128xi32, #tpu.memory_space<vmem>> -> memref<1x1x128xi32, #tpu.memory_space<vmem>>
    %dma_start3A_699 = tpu.memref_squeeze %dma_start3A_698 : memref<1x1x128xi32, #tpu.memory_space<vmem>> -> memref<128xi32, #tpu.memory_space<vmem>>
    %dma_start3A_700 = arith.constant 0 : i32
    %dma_start3A_701 = tpu.memref_slice %arg8[%dma_start3A_700] : memref<102400xf32, #tpu.memory_space<vmem_shared>> -> memref<102400xf32, #tpu.memory_space<vmem_shared>>
    %dma_start3A_702 = tpu.memref_slice %arg10[%dma_start3A_696] : memref<2x!tpu.dma_semaphore, #tpu.memory_space<semaphore_mem>> -> memref<1x!tpu.dma_semaphore, #tpu.memory_space<semaphore_mem>>
    %dma_start3A_703 = tpu.memref_squeeze %dma_start3A_702 : memref<1x!tpu.dma_semaphore, #tpu.memory_space<semaphore_mem>> -> memref<!tpu.dma_semaphore, #tpu.memory_space<semaphore_mem>>
    tpu.enqueue_indirect_dma source(%arg7 : memref<128xf32, #tpu.memory_space<vmem>>) target(%dma_start3A_701 : memref<102400xf32, #tpu.memory_space<vmem_shared>>) offsets(%dma_start3A_699 : memref<128xi32, #tpu.memory_space<vmem>>) semaphore(%dma_start3A_703 : memref<!tpu.dma_semaphore, #tpu.memory_space<semaphore_mem>>) {add = true}
    %dma_start3A_704 = arith.constant 2 : i32
    %dma_start3A_705 = arith.constant 13 : i32
    %dma_start3A_706 = arith.constant 0 : i32
    %dma_start3A_707 = arith.constant 0 : i32
    %dma_start3A_708 = tpu.memref_slice %arg6[%dma_start3A_704, %dma_start3A_705, %dma_start3A_707] : memref<4x16x128xi32, #tpu.memory_space<vmem>> -> memref<1x1x128xi32, #tpu.memory_space<vmem>>
    %dma_start3A_709 = tpu.memref_squeeze %dma_start3A_708 : memref<1x1x128xi32, #tpu.memory_space<vmem>> -> memref<128xi32, #tpu.memory_space<vmem>>
    %dma_start3A_710 = arith.constant 0 : i32
    %dma_start3A_711 = tpu.memref_slice %arg8[%dma_start3A_710] : memref<102400xf32, #tpu.memory_space<vmem_shared>> -> memref<102400xf32, #tpu.memory_space<vmem_shared>>
    %dma_start3A_712 = tpu.memref_slice %arg10[%dma_start3A_706] : memref<2x!tpu.dma_semaphore, #tpu.memory_space<semaphore_mem>> -> memref<1x!tpu.dma_semaphore, #tpu.memory_space<semaphore_mem>>
    %dma_start3A_713 = tpu.memref_squeeze %dma_start3A_712 : memref<1x!tpu.dma_semaphore, #tpu.memory_space<semaphore_mem>> -> memref<!tpu.dma_semaphore, #tpu.memory_space<semaphore_mem>>
    tpu.enqueue_indirect_dma source(%arg7 : memref<128xf32, #tpu.memory_space<vmem>>) target(%dma_start3A_711 : memref<102400xf32, #tpu.memory_space<vmem_shared>>) offsets(%dma_start3A_709 : memref<128xi32, #tpu.memory_space<vmem>>) semaphore(%dma_start3A_713 : memref<!tpu.dma_semaphore, #tpu.memory_space<semaphore_mem>>) {add = true}
    %dma_start3A_714 = arith.constant 2 : i32
    %dma_start3A_715 = arith.constant 14 : i32
    %dma_start3A_716 = arith.constant 0 : i32
    %dma_start3A_717 = arith.constant 0 : i32
    %dma_start3A_718 = tpu.memref_slice %arg6[%dma_start3A_714, %dma_start3A_715, %dma_start3A_717] : memref<4x16x128xi32, #tpu.memory_space<vmem>> -> memref<1x1x128xi32, #tpu.memory_space<vmem>>
    %dma_start3A_719 = tpu.memref_squeeze %dma_start3A_718 : memref<1x1x128xi32, #tpu.memory_space<vmem>> -> memref<128xi32, #tpu.memory_space<vmem>>
    %dma_start3A_720 = arith.constant 0 : i32
    %dma_start3A_721 = tpu.memref_slice %arg8[%dma_start3A_720] : memref<102400xf32, #tpu.memory_space<vmem_shared>> -> memref<102400xf32, #tpu.memory_space<vmem_shared>>
    %dma_start3A_722 = tpu.memref_slice %arg10[%dma_start3A_716] : memref<2x!tpu.dma_semaphore, #tpu.memory_space<semaphore_mem>> -> memref<1x!tpu.dma_semaphore, #tpu.memory_space<semaphore_mem>>
    %dma_start3A_723 = tpu.memref_squeeze %dma_start3A_722 : memref<1x!tpu.dma_semaphore, #tpu.memory_space<semaphore_mem>> -> memref<!tpu.dma_semaphore, #tpu.memory_space<semaphore_mem>>
    tpu.enqueue_indirect_dma source(%arg7 : memref<128xf32, #tpu.memory_space<vmem>>) target(%dma_start3A_721 : memref<102400xf32, #tpu.memory_space<vmem_shared>>) offsets(%dma_start3A_719 : memref<128xi32, #tpu.memory_space<vmem>>) semaphore(%dma_start3A_723 : memref<!tpu.dma_semaphore, #tpu.memory_space<semaphore_mem>>) {add = true}
    %dma_start3A_724 = arith.constant 2 : i32
    %dma_start3A_725 = arith.constant 15 : i32
    %dma_start3A_726 = arith.constant 0 : i32
    %dma_start3A_727 = arith.constant 0 : i32
    %dma_start3A_728 = tpu.memref_slice %arg6[%dma_start3A_724, %dma_start3A_725, %dma_start3A_727] : memref<4x16x128xi32, #tpu.memory_space<vmem>> -> memref<1x1x128xi32, #tpu.memory_space<vmem>>
    %dma_start3A_729 = tpu.memref_squeeze %dma_start3A_728 : memref<1x1x128xi32, #tpu.memory_space<vmem>> -> memref<128xi32, #tpu.memory_space<vmem>>
    %dma_start3A_730 = arith.constant 0 : i32
    %dma_start3A_731 = tpu.memref_slice %arg8[%dma_start3A_730] : memref<102400xf32, #tpu.memory_space<vmem_shared>> -> memref<102400xf32, #tpu.memory_space<vmem_shared>>
    %dma_start3A_732 = tpu.memref_slice %arg10[%dma_start3A_726] : memref<2x!tpu.dma_semaphore, #tpu.memory_space<semaphore_mem>> -> memref<1x!tpu.dma_semaphore, #tpu.memory_space<semaphore_mem>>
    %dma_start3A_733 = tpu.memref_squeeze %dma_start3A_732 : memref<1x!tpu.dma_semaphore, #tpu.memory_space<semaphore_mem>> -> memref<!tpu.dma_semaphore, #tpu.memory_space<semaphore_mem>>
    tpu.enqueue_indirect_dma source(%arg7 : memref<128xf32, #tpu.memory_space<vmem>>) target(%dma_start3A_731 : memref<102400xf32, #tpu.memory_space<vmem_shared>>) offsets(%dma_start3A_729 : memref<128xi32, #tpu.memory_space<vmem>>) semaphore(%dma_start3A_733 : memref<!tpu.dma_semaphore, #tpu.memory_space<semaphore_mem>>) {add = true}
    %dma_wait3A_734 = arith.constant 1 : i32
    %dma_wait3A_735 = arith.constant 0 : i32
    %dma_wait3A_736 = tpu.memref_slice %arg4[%dma_wait3A_735] : memref<102400xf32, #tpu.memory_space<hbm>> -> memref<128xf32, #tpu.memory_space<hbm>>
    %dma_wait3A_737 = tpu.memref_slice %arg10[%dma_wait3A_734] : memref<2x!tpu.dma_semaphore, #tpu.memory_space<semaphore_mem>> -> memref<1x!tpu.dma_semaphore, #tpu.memory_space<semaphore_mem>>
    %dma_wait3A_738 = tpu.memref_squeeze %dma_wait3A_737 : memref<1x!tpu.dma_semaphore, #tpu.memory_space<semaphore_mem>> -> memref<!tpu.dma_semaphore, #tpu.memory_space<semaphore_mem>>
    %dma_wait3A_739 = arith.constant 0 : i32
    %dma_wait3A_740 = tpu.memref_slice %arg4[%dma_wait3A_739] : memref<102400xf32, #tpu.memory_space<hbm>> -> memref<128xf32, #tpu.memory_space<hbm>>
    tpu.wait_dma2 semaphore(%dma_wait3A_738 : memref<!tpu.dma_semaphore, #tpu.memory_space<semaphore_mem>>) src(%dma_wait3A_740 : memref<128xf32, #tpu.memory_space<hbm>>) dst(%arg7 : memref<128xf32, #tpu.memory_space<vmem>>)
    %dma_wait3A_741 = arith.constant 1 : i32
    %dma_wait3A_742 = arith.constant 0 : i32
    %dma_wait3A_743 = tpu.memref_slice %arg4[%dma_wait3A_742] : memref<102400xf32, #tpu.memory_space<hbm>> -> memref<128xf32, #tpu.memory_space<hbm>>
    %dma_wait3A_744 = tpu.memref_slice %arg10[%dma_wait3A_741] : memref<2x!tpu.dma_semaphore, #tpu.memory_space<semaphore_mem>> -> memref<1x!tpu.dma_semaphore, #tpu.memory_space<semaphore_mem>>
    %dma_wait3A_745 = tpu.memref_squeeze %dma_wait3A_744 : memref<1x!tpu.dma_semaphore, #tpu.memory_space<semaphore_mem>> -> memref<!tpu.dma_semaphore, #tpu.memory_space<semaphore_mem>>
    %dma_wait3A_746 = arith.constant 0 : i32
    %dma_wait3A_747 = tpu.memref_slice %arg4[%dma_wait3A_746] : memref<102400xf32, #tpu.memory_space<hbm>> -> memref<128xf32, #tpu.memory_space<hbm>>
    tpu.wait_dma2 semaphore(%dma_wait3A_745 : memref<!tpu.dma_semaphore, #tpu.memory_space<semaphore_mem>>) src(%dma_wait3A_747 : memref<128xf32, #tpu.memory_space<hbm>>) dst(%arg7 : memref<128xf32, #tpu.memory_space<vmem>>)
    %dma_wait3A_748 = arith.constant 1 : i32
    %dma_wait3A_749 = arith.constant 0 : i32
    %dma_wait3A_750 = tpu.memref_slice %arg4[%dma_wait3A_749] : memref<102400xf32, #tpu.memory_space<hbm>> -> memref<128xf32, #tpu.memory_space<hbm>>
    %dma_wait3A_751 = tpu.memref_slice %arg10[%dma_wait3A_748] : memref<2x!tpu.dma_semaphore, #tpu.memory_space<semaphore_mem>> -> memref<1x!tpu.dma_semaphore, #tpu.memory_space<semaphore_mem>>
    %dma_wait3A_752 = tpu.memref_squeeze %dma_wait3A_751 : memref<1x!tpu.dma_semaphore, #tpu.memory_space<semaphore_mem>> -> memref<!tpu.dma_semaphore, #tpu.memory_space<semaphore_mem>>
    %dma_wait3A_753 = arith.constant 0 : i32
    %dma_wait3A_754 = tpu.memref_slice %arg4[%dma_wait3A_753] : memref<102400xf32, #tpu.memory_space<hbm>> -> memref<128xf32, #tpu.memory_space<hbm>>
    tpu.wait_dma2 semaphore(%dma_wait3A_752 : memref<!tpu.dma_semaphore, #tpu.memory_space<semaphore_mem>>) src(%dma_wait3A_754 : memref<128xf32, #tpu.memory_space<hbm>>) dst(%arg7 : memref<128xf32, #tpu.memory_space<vmem>>)
    %dma_wait3A_755 = arith.constant 1 : i32
    %dma_wait3A_756 = arith.constant 0 : i32
    %dma_wait3A_757 = tpu.memref_slice %arg4[%dma_wait3A_756] : memref<102400xf32, #tpu.memory_space<hbm>> -> memref<128xf32, #tpu.memory_space<hbm>>
    %dma_wait3A_758 = tpu.memref_slice %arg10[%dma_wait3A_755] : memref<2x!tpu.dma_semaphore, #tpu.memory_space<semaphore_mem>> -> memref<1x!tpu.dma_semaphore, #tpu.memory_space<semaphore_mem>>
    %dma_wait3A_759 = tpu.memref_squeeze %dma_wait3A_758 : memref<1x!tpu.dma_semaphore, #tpu.memory_space<semaphore_mem>> -> memref<!tpu.dma_semaphore, #tpu.memory_space<semaphore_mem>>
    %dma_wait3A_760 = arith.constant 0 : i32
    %dma_wait3A_761 = tpu.memref_slice %arg4[%dma_wait3A_760] : memref<102400xf32, #tpu.memory_space<hbm>> -> memref<128xf32, #tpu.memory_space<hbm>>
    tpu.wait_dma2 semaphore(%dma_wait3A_759 : memref<!tpu.dma_semaphore, #tpu.memory_space<semaphore_mem>>) src(%dma_wait3A_761 : memref<128xf32, #tpu.memory_space<hbm>>) dst(%arg7 : memref<128xf32, #tpu.memory_space<vmem>>)
    %dma_wait3A_762 = arith.constant 1 : i32
    %dma_wait3A_763 = arith.constant 0 : i32
    %dma_wait3A_764 = tpu.memref_slice %arg4[%dma_wait3A_763] : memref<102400xf32, #tpu.memory_space<hbm>> -> memref<128xf32, #tpu.memory_space<hbm>>
    %dma_wait3A_765 = tpu.memref_slice %arg10[%dma_wait3A_762] : memref<2x!tpu.dma_semaphore, #tpu.memory_space<semaphore_mem>> -> memref<1x!tpu.dma_semaphore, #tpu.memory_space<semaphore_mem>>
    %dma_wait3A_766 = tpu.memref_squeeze %dma_wait3A_765 : memref<1x!tpu.dma_semaphore, #tpu.memory_space<semaphore_mem>> -> memref<!tpu.dma_semaphore, #tpu.memory_space<semaphore_mem>>
    %dma_wait3A_767 = arith.constant 0 : i32
    %dma_wait3A_768 = tpu.memref_slice %arg4[%dma_wait3A_767] : memref<102400xf32, #tpu.memory_space<hbm>> -> memref<128xf32, #tpu.memory_space<hbm>>
    tpu.wait_dma2 semaphore(%dma_wait3A_766 : memref<!tpu.dma_semaphore, #tpu.memory_space<semaphore_mem>>) src(%dma_wait3A_768 : memref<128xf32, #tpu.memory_space<hbm>>) dst(%arg7 : memref<128xf32, #tpu.memory_space<vmem>>)
    %dma_wait3A_769 = arith.constant 1 : i32
    %dma_wait3A_770 = arith.constant 0 : i32
    %dma_wait3A_771 = tpu.memref_slice %arg4[%dma_wait3A_770] : memref<102400xf32, #tpu.memory_space<hbm>> -> memref<128xf32, #tpu.memory_space<hbm>>
    %dma_wait3A_772 = tpu.memref_slice %arg10[%dma_wait3A_769] : memref<2x!tpu.dma_semaphore, #tpu.memory_space<semaphore_mem>> -> memref<1x!tpu.dma_semaphore, #tpu.memory_space<semaphore_mem>>
    %dma_wait3A_773 = tpu.memref_squeeze %dma_wait3A_772 : memref<1x!tpu.dma_semaphore, #tpu.memory_space<semaphore_mem>> -> memref<!tpu.dma_semaphore, #tpu.memory_space<semaphore_mem>>
    %dma_wait3A_774 = arith.constant 0 : i32
    %dma_wait3A_775 = tpu.memref_slice %arg4[%dma_wait3A_774] : memref<102400xf32, #tpu.memory_space<hbm>> -> memref<128xf32, #tpu.memory_space<hbm>>
    tpu.wait_dma2 semaphore(%dma_wait3A_773 : memref<!tpu.dma_semaphore, #tpu.memory_space<semaphore_mem>>) src(%dma_wait3A_775 : memref<128xf32, #tpu.memory_space<hbm>>) dst(%arg7 : memref<128xf32, #tpu.memory_space<vmem>>)
    %dma_wait3A_776 = arith.constant 1 : i32
    %dma_wait3A_777 = arith.constant 0 : i32
    %dma_wait3A_778 = tpu.memref_slice %arg4[%dma_wait3A_777] : memref<102400xf32, #tpu.memory_space<hbm>> -> memref<128xf32, #tpu.memory_space<hbm>>
    %dma_wait3A_779 = tpu.memref_slice %arg10[%dma_wait3A_776] : memref<2x!tpu.dma_semaphore, #tpu.memory_space<semaphore_mem>> -> memref<1x!tpu.dma_semaphore, #tpu.memory_space<semaphore_mem>>
    %dma_wait3A_780 = tpu.memref_squeeze %dma_wait3A_779 : memref<1x!tpu.dma_semaphore, #tpu.memory_space<semaphore_mem>> -> memref<!tpu.dma_semaphore, #tpu.memory_space<semaphore_mem>>
    %dma_wait3A_781 = arith.constant 0 : i32
    %dma_wait3A_782 = tpu.memref_slice %arg4[%dma_wait3A_781] : memref<102400xf32, #tpu.memory_space<hbm>> -> memref<128xf32, #tpu.memory_space<hbm>>
    tpu.wait_dma2 semaphore(%dma_wait3A_780 : memref<!tpu.dma_semaphore, #tpu.memory_space<semaphore_mem>>) src(%dma_wait3A_782 : memref<128xf32, #tpu.memory_space<hbm>>) dst(%arg7 : memref<128xf32, #tpu.memory_space<vmem>>)
    %dma_wait3A_783 = arith.constant 1 : i32
    %dma_wait3A_784 = arith.constant 0 : i32
    %dma_wait3A_785 = tpu.memref_slice %arg4[%dma_wait3A_784] : memref<102400xf32, #tpu.memory_space<hbm>> -> memref<128xf32, #tpu.memory_space<hbm>>
    %dma_wait3A_786 = tpu.memref_slice %arg10[%dma_wait3A_783] : memref<2x!tpu.dma_semaphore, #tpu.memory_space<semaphore_mem>> -> memref<1x!tpu.dma_semaphore, #tpu.memory_space<semaphore_mem>>
    %dma_wait3A_787 = tpu.memref_squeeze %dma_wait3A_786 : memref<1x!tpu.dma_semaphore, #tpu.memory_space<semaphore_mem>> -> memref<!tpu.dma_semaphore, #tpu.memory_space<semaphore_mem>>
    %dma_wait3A_788 = arith.constant 0 : i32
    %dma_wait3A_789 = tpu.memref_slice %arg4[%dma_wait3A_788] : memref<102400xf32, #tpu.memory_space<hbm>> -> memref<128xf32, #tpu.memory_space<hbm>>
    tpu.wait_dma2 semaphore(%dma_wait3A_787 : memref<!tpu.dma_semaphore, #tpu.memory_space<semaphore_mem>>) src(%dma_wait3A_789 : memref<128xf32, #tpu.memory_space<hbm>>) dst(%arg7 : memref<128xf32, #tpu.memory_space<vmem>>)
    %dma_wait3A_790 = arith.constant 1 : i32
    %dma_wait3A_791 = arith.constant 0 : i32
    %dma_wait3A_792 = tpu.memref_slice %arg4[%dma_wait3A_791] : memref<102400xf32, #tpu.memory_space<hbm>> -> memref<128xf32, #tpu.memory_space<hbm>>
    %dma_wait3A_793 = tpu.memref_slice %arg10[%dma_wait3A_790] : memref<2x!tpu.dma_semaphore, #tpu.memory_space<semaphore_mem>> -> memref<1x!tpu.dma_semaphore, #tpu.memory_space<semaphore_mem>>
    %dma_wait3A_794 = tpu.memref_squeeze %dma_wait3A_793 : memref<1x!tpu.dma_semaphore, #tpu.memory_space<semaphore_mem>> -> memref<!tpu.dma_semaphore, #tpu.memory_space<semaphore_mem>>
    %dma_wait3A_795 = arith.constant 0 : i32
    %dma_wait3A_796 = tpu.memref_slice %arg4[%dma_wait3A_795] : memref<102400xf32, #tpu.memory_space<hbm>> -> memref<128xf32, #tpu.memory_space<hbm>>
    tpu.wait_dma2 semaphore(%dma_wait3A_794 : memref<!tpu.dma_semaphore, #tpu.memory_space<semaphore_mem>>) src(%dma_wait3A_796 : memref<128xf32, #tpu.memory_space<hbm>>) dst(%arg7 : memref<128xf32, #tpu.memory_space<vmem>>)
    %dma_wait3A_797 = arith.constant 1 : i32
    %dma_wait3A_798 = arith.constant 0 : i32
    %dma_wait3A_799 = tpu.memref_slice %arg4[%dma_wait3A_798] : memref<102400xf32, #tpu.memory_space<hbm>> -> memref<128xf32, #tpu.memory_space<hbm>>
    %dma_wait3A_800 = tpu.memref_slice %arg10[%dma_wait3A_797] : memref<2x!tpu.dma_semaphore, #tpu.memory_space<semaphore_mem>> -> memref<1x!tpu.dma_semaphore, #tpu.memory_space<semaphore_mem>>
    %dma_wait3A_801 = tpu.memref_squeeze %dma_wait3A_800 : memref<1x!tpu.dma_semaphore, #tpu.memory_space<semaphore_mem>> -> memref<!tpu.dma_semaphore, #tpu.memory_space<semaphore_mem>>
    %dma_wait3A_802 = arith.constant 0 : i32
    %dma_wait3A_803 = tpu.memref_slice %arg4[%dma_wait3A_802] : memref<102400xf32, #tpu.memory_space<hbm>> -> memref<128xf32, #tpu.memory_space<hbm>>
    tpu.wait_dma2 semaphore(%dma_wait3A_801 : memref<!tpu.dma_semaphore, #tpu.memory_space<semaphore_mem>>) src(%dma_wait3A_803 : memref<128xf32, #tpu.memory_space<hbm>>) dst(%arg7 : memref<128xf32, #tpu.memory_space<vmem>>)
    %dma_wait3A_804 = arith.constant 1 : i32
    %dma_wait3A_805 = arith.constant 0 : i32
    %dma_wait3A_806 = tpu.memref_slice %arg4[%dma_wait3A_805] : memref<102400xf32, #tpu.memory_space<hbm>> -> memref<128xf32, #tpu.memory_space<hbm>>
    %dma_wait3A_807 = tpu.memref_slice %arg10[%dma_wait3A_804] : memref<2x!tpu.dma_semaphore, #tpu.memory_space<semaphore_mem>> -> memref<1x!tpu.dma_semaphore, #tpu.memory_space<semaphore_mem>>
    %dma_wait3A_808 = tpu.memref_squeeze %dma_wait3A_807 : memref<1x!tpu.dma_semaphore, #tpu.memory_space<semaphore_mem>> -> memref<!tpu.dma_semaphore, #tpu.memory_space<semaphore_mem>>
    %dma_wait3A_809 = arith.constant 0 : i32
    %dma_wait3A_810 = tpu.memref_slice %arg4[%dma_wait3A_809] : memref<102400xf32, #tpu.memory_space<hbm>> -> memref<128xf32, #tpu.memory_space<hbm>>
    tpu.wait_dma2 semaphore(%dma_wait3A_808 : memref<!tpu.dma_semaphore, #tpu.memory_space<semaphore_mem>>) src(%dma_wait3A_810 : memref<128xf32, #tpu.memory_space<hbm>>) dst(%arg7 : memref<128xf32, #tpu.memory_space<vmem>>)
    %dma_wait3A_811 = arith.constant 1 : i32
    %dma_wait3A_812 = arith.constant 0 : i32
    %dma_wait3A_813 = tpu.memref_slice %arg4[%dma_wait3A_812] : memref<102400xf32, #tpu.memory_space<hbm>> -> memref<128xf32, #tpu.memory_space<hbm>>
    %dma_wait3A_814 = tpu.memref_slice %arg10[%dma_wait3A_811] : memref<2x!tpu.dma_semaphore, #tpu.memory_space<semaphore_mem>> -> memref<1x!tpu.dma_semaphore, #tpu.memory_space<semaphore_mem>>
    %dma_wait3A_815 = tpu.memref_squeeze %dma_wait3A_814 : memref<1x!tpu.dma_semaphore, #tpu.memory_space<semaphore_mem>> -> memref<!tpu.dma_semaphore, #tpu.memory_space<semaphore_mem>>
    %dma_wait3A_816 = arith.constant 0 : i32
    %dma_wait3A_817 = tpu.memref_slice %arg4[%dma_wait3A_816] : memref<102400xf32, #tpu.memory_space<hbm>> -> memref<128xf32, #tpu.memory_space<hbm>>
    tpu.wait_dma2 semaphore(%dma_wait3A_815 : memref<!tpu.dma_semaphore, #tpu.memory_space<semaphore_mem>>) src(%dma_wait3A_817 : memref<128xf32, #tpu.memory_space<hbm>>) dst(%arg7 : memref<128xf32, #tpu.memory_space<vmem>>)
    %dma_wait3A_818 = arith.constant 1 : i32
    %dma_wait3A_819 = arith.constant 0 : i32
    %dma_wait3A_820 = tpu.memref_slice %arg4[%dma_wait3A_819] : memref<102400xf32, #tpu.memory_space<hbm>> -> memref<128xf32, #tpu.memory_space<hbm>>
    %dma_wait3A_821 = tpu.memref_slice %arg10[%dma_wait3A_818] : memref<2x!tpu.dma_semaphore, #tpu.memory_space<semaphore_mem>> -> memref<1x!tpu.dma_semaphore, #tpu.memory_space<semaphore_mem>>
    %dma_wait3A_822 = tpu.memref_squeeze %dma_wait3A_821 : memref<1x!tpu.dma_semaphore, #tpu.memory_space<semaphore_mem>> -> memref<!tpu.dma_semaphore, #tpu.memory_space<semaphore_mem>>
    %dma_wait3A_823 = arith.constant 0 : i32
    %dma_wait3A_824 = tpu.memref_slice %arg4[%dma_wait3A_823] : memref<102400xf32, #tpu.memory_space<hbm>> -> memref<128xf32, #tpu.memory_space<hbm>>
    tpu.wait_dma2 semaphore(%dma_wait3A_822 : memref<!tpu.dma_semaphore, #tpu.memory_space<semaphore_mem>>) src(%dma_wait3A_824 : memref<128xf32, #tpu.memory_space<hbm>>) dst(%arg7 : memref<128xf32, #tpu.memory_space<vmem>>)
    %dma_wait3A_825 = arith.constant 1 : i32
    %dma_wait3A_826 = arith.constant 0 : i32
    %dma_wait3A_827 = tpu.memref_slice %arg4[%dma_wait3A_826] : memref<102400xf32, #tpu.memory_space<hbm>> -> memref<128xf32, #tpu.memory_space<hbm>>
    %dma_wait3A_828 = tpu.memref_slice %arg10[%dma_wait3A_825] : memref<2x!tpu.dma_semaphore, #tpu.memory_space<semaphore_mem>> -> memref<1x!tpu.dma_semaphore, #tpu.memory_space<semaphore_mem>>
    %dma_wait3A_829 = tpu.memref_squeeze %dma_wait3A_828 : memref<1x!tpu.dma_semaphore, #tpu.memory_space<semaphore_mem>> -> memref<!tpu.dma_semaphore, #tpu.memory_space<semaphore_mem>>
    %dma_wait3A_830 = arith.constant 0 : i32
    %dma_wait3A_831 = tpu.memref_slice %arg4[%dma_wait3A_830] : memref<102400xf32, #tpu.memory_space<hbm>> -> memref<128xf32, #tpu.memory_space<hbm>>
    tpu.wait_dma2 semaphore(%dma_wait3A_829 : memref<!tpu.dma_semaphore, #tpu.memory_space<semaphore_mem>>) src(%dma_wait3A_831 : memref<128xf32, #tpu.memory_space<hbm>>) dst(%arg7 : memref<128xf32, #tpu.memory_space<vmem>>)
    %dma_wait3A_832 = arith.constant 1 : i32
    %dma_wait3A_833 = arith.constant 0 : i32
    %dma_wait3A_834 = tpu.memref_slice %arg4[%dma_wait3A_833] : memref<102400xf32, #tpu.memory_space<hbm>> -> memref<128xf32, #tpu.memory_space<hbm>>
    %dma_wait3A_835 = tpu.memref_slice %arg10[%dma_wait3A_832] : memref<2x!tpu.dma_semaphore, #tpu.memory_space<semaphore_mem>> -> memref<1x!tpu.dma_semaphore, #tpu.memory_space<semaphore_mem>>
    %dma_wait3A_836 = tpu.memref_squeeze %dma_wait3A_835 : memref<1x!tpu.dma_semaphore, #tpu.memory_space<semaphore_mem>> -> memref<!tpu.dma_semaphore, #tpu.memory_space<semaphore_mem>>
    %dma_wait3A_837 = arith.constant 0 : i32
    %dma_wait3A_838 = tpu.memref_slice %arg4[%dma_wait3A_837] : memref<102400xf32, #tpu.memory_space<hbm>> -> memref<128xf32, #tpu.memory_space<hbm>>
    tpu.wait_dma2 semaphore(%dma_wait3A_836 : memref<!tpu.dma_semaphore, #tpu.memory_space<semaphore_mem>>) src(%dma_wait3A_838 : memref<128xf32, #tpu.memory_space<hbm>>) dst(%arg7 : memref<128xf32, #tpu.memory_space<vmem>>)
    %dma_wait3A_839 = arith.constant 1 : i32
    %dma_wait3A_840 = arith.constant 0 : i32
    %dma_wait3A_841 = tpu.memref_slice %arg4[%dma_wait3A_840] : memref<102400xf32, #tpu.memory_space<hbm>> -> memref<128xf32, #tpu.memory_space<hbm>>
    %dma_wait3A_842 = tpu.memref_slice %arg10[%dma_wait3A_839] : memref<2x!tpu.dma_semaphore, #tpu.memory_space<semaphore_mem>> -> memref<1x!tpu.dma_semaphore, #tpu.memory_space<semaphore_mem>>
    %dma_wait3A_843 = tpu.memref_squeeze %dma_wait3A_842 : memref<1x!tpu.dma_semaphore, #tpu.memory_space<semaphore_mem>> -> memref<!tpu.dma_semaphore, #tpu.memory_space<semaphore_mem>>
    %dma_wait3A_844 = arith.constant 0 : i32
    %dma_wait3A_845 = tpu.memref_slice %arg4[%dma_wait3A_844] : memref<102400xf32, #tpu.memory_space<hbm>> -> memref<128xf32, #tpu.memory_space<hbm>>
    tpu.wait_dma2 semaphore(%dma_wait3A_843 : memref<!tpu.dma_semaphore, #tpu.memory_space<semaphore_mem>>) src(%dma_wait3A_845 : memref<128xf32, #tpu.memory_space<hbm>>) dst(%arg7 : memref<128xf32, #tpu.memory_space<vmem>>)
    %dma_wait3A_846 = arith.constant 3 : i32
    %dma_wait3A_847 = arith.constant 3 : i32
    %dma_wait3A_848 = arith.constant 0 : i32
    %dma_wait3A_849 = arith.constant 0 : i32
    %dma_wait3A_850 = tpu.memref_slice %arg6[%dma_wait3A_846, %dma_wait3A_848, %dma_wait3A_849] : memref<4x16x128xi32, #tpu.memory_space<vmem>> -> memref<1x16x128xi32, #tpu.memory_space<vmem>>
    %dma_wait3A_851 = tpu.memref_squeeze %dma_wait3A_850 : memref<1x16x128xi32, #tpu.memory_space<vmem>> -> memref<16x128xi32, #tpu.memory_space<vmem>>
    %dma_wait3A_852 = arith.constant 0 : i32
    %dma_wait3A_853 = arith.constant 0 : i32
    %dma_wait3A_854 = tpu.memref_slice %arg2[%dma_wait3A_852, %dma_wait3A_853] : memref<51200x128xi32, #tpu.memory_space<hbm>> -> memref<16x128xi32, #tpu.memory_space<hbm>>
    %dma_wait3A_855 = tpu.memref_slice %arg9[%dma_wait3A_847] : memref<4x!tpu.dma_semaphore, #tpu.memory_space<semaphore_mem>> -> memref<1x!tpu.dma_semaphore, #tpu.memory_space<semaphore_mem>>
    %dma_wait3A_856 = tpu.memref_squeeze %dma_wait3A_855 : memref<1x!tpu.dma_semaphore, #tpu.memory_space<semaphore_mem>> -> memref<!tpu.dma_semaphore, #tpu.memory_space<semaphore_mem>>
    %dma_wait3A_857 = arith.constant 0 : i32
    %dma_wait3A_858 = arith.constant 0 : i32
    %dma_wait3A_859 = tpu.memref_slice %arg6[%dma_wait3A_846, %dma_wait3A_857, %dma_wait3A_858] : memref<4x16x128xi32, #tpu.memory_space<vmem>> -> memref<1x16x128xi32, #tpu.memory_space<vmem>>
    %dma_wait3A_860 = tpu.memref_squeeze %dma_wait3A_859 : memref<1x16x128xi32, #tpu.memory_space<vmem>> -> memref<16x128xi32, #tpu.memory_space<vmem>>
    %dma_wait3A_861 = arith.constant 0 : i32
    %dma_wait3A_862 = arith.constant 0 : i32
    %dma_wait3A_863 = tpu.memref_slice %arg2[%dma_wait3A_861, %dma_wait3A_862] : memref<51200x128xi32, #tpu.memory_space<hbm>> -> memref<16x128xi32, #tpu.memory_space<hbm>>
    tpu.wait_dma2 semaphore(%dma_wait3A_856 : memref<!tpu.dma_semaphore, #tpu.memory_space<semaphore_mem>>) src(%dma_wait3A_863 : memref<16x128xi32, #tpu.memory_space<hbm>>) dst(%dma_wait3A_860 : memref<16x128xi32, #tpu.memory_space<vmem>>)
    %dma_start3A_864 = arith.constant 3 : i32
    %dma_start3A_865 = arith.constant 0 : i32
    %dma_start3A_866 = arith.constant 1 : i32
    %dma_start3A_867 = arith.constant 0 : i32
    %dma_start3A_868 = tpu.memref_slice %arg6[%dma_start3A_864, %dma_start3A_865, %dma_start3A_867] : memref<4x16x128xi32, #tpu.memory_space<vmem>> -> memref<1x1x128xi32, #tpu.memory_space<vmem>>
    %dma_start3A_869 = tpu.memref_squeeze %dma_start3A_868 : memref<1x1x128xi32, #tpu.memory_space<vmem>> -> memref<128xi32, #tpu.memory_space<vmem>>
    %dma_start3A_870 = arith.constant 0 : i32
    %dma_start3A_871 = tpu.memref_slice %arg8[%dma_start3A_870] : memref<102400xf32, #tpu.memory_space<vmem_shared>> -> memref<102400xf32, #tpu.memory_space<vmem_shared>>
    %dma_start3A_872 = tpu.memref_slice %arg10[%dma_start3A_866] : memref<2x!tpu.dma_semaphore, #tpu.memory_space<semaphore_mem>> -> memref<1x!tpu.dma_semaphore, #tpu.memory_space<semaphore_mem>>
    %dma_start3A_873 = tpu.memref_squeeze %dma_start3A_872 : memref<1x!tpu.dma_semaphore, #tpu.memory_space<semaphore_mem>> -> memref<!tpu.dma_semaphore, #tpu.memory_space<semaphore_mem>>
    tpu.enqueue_indirect_dma source(%arg7 : memref<128xf32, #tpu.memory_space<vmem>>) target(%dma_start3A_871 : memref<102400xf32, #tpu.memory_space<vmem_shared>>) offsets(%dma_start3A_869 : memref<128xi32, #tpu.memory_space<vmem>>) semaphore(%dma_start3A_873 : memref<!tpu.dma_semaphore, #tpu.memory_space<semaphore_mem>>) {add = true}
    %dma_start3A_874 = arith.constant 3 : i32
    %dma_start3A_875 = arith.constant 1 : i32
    %dma_start3A_876 = arith.constant 1 : i32
    %dma_start3A_877 = arith.constant 0 : i32
    %dma_start3A_878 = tpu.memref_slice %arg6[%dma_start3A_874, %dma_start3A_875, %dma_start3A_877] : memref<4x16x128xi32, #tpu.memory_space<vmem>> -> memref<1x1x128xi32, #tpu.memory_space<vmem>>
    %dma_start3A_879 = tpu.memref_squeeze %dma_start3A_878 : memref<1x1x128xi32, #tpu.memory_space<vmem>> -> memref<128xi32, #tpu.memory_space<vmem>>
    %dma_start3A_880 = arith.constant 0 : i32
    %dma_start3A_881 = tpu.memref_slice %arg8[%dma_start3A_880] : memref<102400xf32, #tpu.memory_space<vmem_shared>> -> memref<102400xf32, #tpu.memory_space<vmem_shared>>
    %dma_start3A_882 = tpu.memref_slice %arg10[%dma_start3A_876] : memref<2x!tpu.dma_semaphore, #tpu.memory_space<semaphore_mem>> -> memref<1x!tpu.dma_semaphore, #tpu.memory_space<semaphore_mem>>
    %dma_start3A_883 = tpu.memref_squeeze %dma_start3A_882 : memref<1x!tpu.dma_semaphore, #tpu.memory_space<semaphore_mem>> -> memref<!tpu.dma_semaphore, #tpu.memory_space<semaphore_mem>>
    tpu.enqueue_indirect_dma source(%arg7 : memref<128xf32, #tpu.memory_space<vmem>>) target(%dma_start3A_881 : memref<102400xf32, #tpu.memory_space<vmem_shared>>) offsets(%dma_start3A_879 : memref<128xi32, #tpu.memory_space<vmem>>) semaphore(%dma_start3A_883 : memref<!tpu.dma_semaphore, #tpu.memory_space<semaphore_mem>>) {add = true}
    %dma_start3A_884 = arith.constant 3 : i32
    %dma_start3A_885 = arith.constant 2 : i32
    %dma_start3A_886 = arith.constant 1 : i32
    %dma_start3A_887 = arith.constant 0 : i32
    %dma_start3A_888 = tpu.memref_slice %arg6[%dma_start3A_884, %dma_start3A_885, %dma_start3A_887] : memref<4x16x128xi32, #tpu.memory_space<vmem>> -> memref<1x1x128xi32, #tpu.memory_space<vmem>>
    %dma_start3A_889 = tpu.memref_squeeze %dma_start3A_888 : memref<1x1x128xi32, #tpu.memory_space<vmem>> -> memref<128xi32, #tpu.memory_space<vmem>>
    %dma_start3A_890 = arith.constant 0 : i32
    %dma_start3A_891 = tpu.memref_slice %arg8[%dma_start3A_890] : memref<102400xf32, #tpu.memory_space<vmem_shared>> -> memref<102400xf32, #tpu.memory_space<vmem_shared>>
    %dma_start3A_892 = tpu.memref_slice %arg10[%dma_start3A_886] : memref<2x!tpu.dma_semaphore, #tpu.memory_space<semaphore_mem>> -> memref<1x!tpu.dma_semaphore, #tpu.memory_space<semaphore_mem>>
    %dma_start3A_893 = tpu.memref_squeeze %dma_start3A_892 : memref<1x!tpu.dma_semaphore, #tpu.memory_space<semaphore_mem>> -> memref<!tpu.dma_semaphore, #tpu.memory_space<semaphore_mem>>
    tpu.enqueue_indirect_dma source(%arg7 : memref<128xf32, #tpu.memory_space<vmem>>) target(%dma_start3A_891 : memref<102400xf32, #tpu.memory_space<vmem_shared>>) offsets(%dma_start3A_889 : memref<128xi32, #tpu.memory_space<vmem>>) semaphore(%dma_start3A_893 : memref<!tpu.dma_semaphore, #tpu.memory_space<semaphore_mem>>) {add = true}
    %dma_start3A_894 = arith.constant 3 : i32
    %dma_start3A_895 = arith.constant 3 : i32
    %dma_start3A_896 = arith.constant 1 : i32
    %dma_start3A_897 = arith.constant 0 : i32
    %dma_start3A_898 = tpu.memref_slice %arg6[%dma_start3A_894, %dma_start3A_895, %dma_start3A_897] : memref<4x16x128xi32, #tpu.memory_space<vmem>> -> memref<1x1x128xi32, #tpu.memory_space<vmem>>
    %dma_start3A_899 = tpu.memref_squeeze %dma_start3A_898 : memref<1x1x128xi32, #tpu.memory_space<vmem>> -> memref<128xi32, #tpu.memory_space<vmem>>
    %dma_start3A_900 = arith.constant 0 : i32
    %dma_start3A_901 = tpu.memref_slice %arg8[%dma_start3A_900] : memref<102400xf32, #tpu.memory_space<vmem_shared>> -> memref<102400xf32, #tpu.memory_space<vmem_shared>>
    %dma_start3A_902 = tpu.memref_slice %arg10[%dma_start3A_896] : memref<2x!tpu.dma_semaphore, #tpu.memory_space<semaphore_mem>> -> memref<1x!tpu.dma_semaphore, #tpu.memory_space<semaphore_mem>>
    %dma_start3A_903 = tpu.memref_squeeze %dma_start3A_902 : memref<1x!tpu.dma_semaphore, #tpu.memory_space<semaphore_mem>> -> memref<!tpu.dma_semaphore, #tpu.memory_space<semaphore_mem>>
    tpu.enqueue_indirect_dma source(%arg7 : memref<128xf32, #tpu.memory_space<vmem>>) target(%dma_start3A_901 : memref<102400xf32, #tpu.memory_space<vmem_shared>>) offsets(%dma_start3A_899 : memref<128xi32, #tpu.memory_space<vmem>>) semaphore(%dma_start3A_903 : memref<!tpu.dma_semaphore, #tpu.memory_space<semaphore_mem>>) {add = true}
    %dma_start3A_904 = arith.constant 3 : i32
    %dma_start3A_905 = arith.constant 4 : i32
    %dma_start3A_906 = arith.constant 1 : i32
    %dma_start3A_907 = arith.constant 0 : i32
    %dma_start3A_908 = tpu.memref_slice %arg6[%dma_start3A_904, %dma_start3A_905, %dma_start3A_907] : memref<4x16x128xi32, #tpu.memory_space<vmem>> -> memref<1x1x128xi32, #tpu.memory_space<vmem>>
    %dma_start3A_909 = tpu.memref_squeeze %dma_start3A_908 : memref<1x1x128xi32, #tpu.memory_space<vmem>> -> memref<128xi32, #tpu.memory_space<vmem>>
    %dma_start3A_910 = arith.constant 0 : i32
    %dma_start3A_911 = tpu.memref_slice %arg8[%dma_start3A_910] : memref<102400xf32, #tpu.memory_space<vmem_shared>> -> memref<102400xf32, #tpu.memory_space<vmem_shared>>
    %dma_start3A_912 = tpu.memref_slice %arg10[%dma_start3A_906] : memref<2x!tpu.dma_semaphore, #tpu.memory_space<semaphore_mem>> -> memref<1x!tpu.dma_semaphore, #tpu.memory_space<semaphore_mem>>
    %dma_start3A_913 = tpu.memref_squeeze %dma_start3A_912 : memref<1x!tpu.dma_semaphore, #tpu.memory_space<semaphore_mem>> -> memref<!tpu.dma_semaphore, #tpu.memory_space<semaphore_mem>>
    tpu.enqueue_indirect_dma source(%arg7 : memref<128xf32, #tpu.memory_space<vmem>>) target(%dma_start3A_911 : memref<102400xf32, #tpu.memory_space<vmem_shared>>) offsets(%dma_start3A_909 : memref<128xi32, #tpu.memory_space<vmem>>) semaphore(%dma_start3A_913 : memref<!tpu.dma_semaphore, #tpu.memory_space<semaphore_mem>>) {add = true}
    %dma_start3A_914 = arith.constant 3 : i32
    %dma_start3A_915 = arith.constant 5 : i32
    %dma_start3A_916 = arith.constant 1 : i32
    %dma_start3A_917 = arith.constant 0 : i32
    %dma_start3A_918 = tpu.memref_slice %arg6[%dma_start3A_914, %dma_start3A_915, %dma_start3A_917] : memref<4x16x128xi32, #tpu.memory_space<vmem>> -> memref<1x1x128xi32, #tpu.memory_space<vmem>>
    %dma_start3A_919 = tpu.memref_squeeze %dma_start3A_918 : memref<1x1x128xi32, #tpu.memory_space<vmem>> -> memref<128xi32, #tpu.memory_space<vmem>>
    %dma_start3A_920 = arith.constant 0 : i32
    %dma_start3A_921 = tpu.memref_slice %arg8[%dma_start3A_920] : memref<102400xf32, #tpu.memory_space<vmem_shared>> -> memref<102400xf32, #tpu.memory_space<vmem_shared>>
    %dma_start3A_922 = tpu.memref_slice %arg10[%dma_start3A_916] : memref<2x!tpu.dma_semaphore, #tpu.memory_space<semaphore_mem>> -> memref<1x!tpu.dma_semaphore, #tpu.memory_space<semaphore_mem>>
    %dma_start3A_923 = tpu.memref_squeeze %dma_start3A_922 : memref<1x!tpu.dma_semaphore, #tpu.memory_space<semaphore_mem>> -> memref<!tpu.dma_semaphore, #tpu.memory_space<semaphore_mem>>
    tpu.enqueue_indirect_dma source(%arg7 : memref<128xf32, #tpu.memory_space<vmem>>) target(%dma_start3A_921 : memref<102400xf32, #tpu.memory_space<vmem_shared>>) offsets(%dma_start3A_919 : memref<128xi32, #tpu.memory_space<vmem>>) semaphore(%dma_start3A_923 : memref<!tpu.dma_semaphore, #tpu.memory_space<semaphore_mem>>) {add = true}
    %dma_start3A_924 = arith.constant 3 : i32
    %dma_start3A_925 = arith.constant 6 : i32
    %dma_start3A_926 = arith.constant 1 : i32
    %dma_start3A_927 = arith.constant 0 : i32
    %dma_start3A_928 = tpu.memref_slice %arg6[%dma_start3A_924, %dma_start3A_925, %dma_start3A_927] : memref<4x16x128xi32, #tpu.memory_space<vmem>> -> memref<1x1x128xi32, #tpu.memory_space<vmem>>
    %dma_start3A_929 = tpu.memref_squeeze %dma_start3A_928 : memref<1x1x128xi32, #tpu.memory_space<vmem>> -> memref<128xi32, #tpu.memory_space<vmem>>
    %dma_start3A_930 = arith.constant 0 : i32
    %dma_start3A_931 = tpu.memref_slice %arg8[%dma_start3A_930] : memref<102400xf32, #tpu.memory_space<vmem_shared>> -> memref<102400xf32, #tpu.memory_space<vmem_shared>>
    %dma_start3A_932 = tpu.memref_slice %arg10[%dma_start3A_926] : memref<2x!tpu.dma_semaphore, #tpu.memory_space<semaphore_mem>> -> memref<1x!tpu.dma_semaphore, #tpu.memory_space<semaphore_mem>>
    %dma_start3A_933 = tpu.memref_squeeze %dma_start3A_932 : memref<1x!tpu.dma_semaphore, #tpu.memory_space<semaphore_mem>> -> memref<!tpu.dma_semaphore, #tpu.memory_space<semaphore_mem>>
    tpu.enqueue_indirect_dma source(%arg7 : memref<128xf32, #tpu.memory_space<vmem>>) target(%dma_start3A_931 : memref<102400xf32, #tpu.memory_space<vmem_shared>>) offsets(%dma_start3A_929 : memref<128xi32, #tpu.memory_space<vmem>>) semaphore(%dma_start3A_933 : memref<!tpu.dma_semaphore, #tpu.memory_space<semaphore_mem>>) {add = true}
    %dma_start3A_934 = arith.constant 3 : i32
    %dma_start3A_935 = arith.constant 7 : i32
    %dma_start3A_936 = arith.constant 1 : i32
    %dma_start3A_937 = arith.constant 0 : i32
    %dma_start3A_938 = tpu.memref_slice %arg6[%dma_start3A_934, %dma_start3A_935, %dma_start3A_937] : memref<4x16x128xi32, #tpu.memory_space<vmem>> -> memref<1x1x128xi32, #tpu.memory_space<vmem>>
    %dma_start3A_939 = tpu.memref_squeeze %dma_start3A_938 : memref<1x1x128xi32, #tpu.memory_space<vmem>> -> memref<128xi32, #tpu.memory_space<vmem>>
    %dma_start3A_940 = arith.constant 0 : i32
    %dma_start3A_941 = tpu.memref_slice %arg8[%dma_start3A_940] : memref<102400xf32, #tpu.memory_space<vmem_shared>> -> memref<102400xf32, #tpu.memory_space<vmem_shared>>
    %dma_start3A_942 = tpu.memref_slice %arg10[%dma_start3A_936] : memref<2x!tpu.dma_semaphore, #tpu.memory_space<semaphore_mem>> -> memref<1x!tpu.dma_semaphore, #tpu.memory_space<semaphore_mem>>
    %dma_start3A_943 = tpu.memref_squeeze %dma_start3A_942 : memref<1x!tpu.dma_semaphore, #tpu.memory_space<semaphore_mem>> -> memref<!tpu.dma_semaphore, #tpu.memory_space<semaphore_mem>>
    tpu.enqueue_indirect_dma source(%arg7 : memref<128xf32, #tpu.memory_space<vmem>>) target(%dma_start3A_941 : memref<102400xf32, #tpu.memory_space<vmem_shared>>) offsets(%dma_start3A_939 : memref<128xi32, #tpu.memory_space<vmem>>) semaphore(%dma_start3A_943 : memref<!tpu.dma_semaphore, #tpu.memory_space<semaphore_mem>>) {add = true}
    %dma_start3A_944 = arith.constant 3 : i32
    %dma_start3A_945 = arith.constant 8 : i32
    %dma_start3A_946 = arith.constant 1 : i32
    %dma_start3A_947 = arith.constant 0 : i32
    %dma_start3A_948 = tpu.memref_slice %arg6[%dma_start3A_944, %dma_start3A_945, %dma_start3A_947] : memref<4x16x128xi32, #tpu.memory_space<vmem>> -> memref<1x1x128xi32, #tpu.memory_space<vmem>>
    %dma_start3A_949 = tpu.memref_squeeze %dma_start3A_948 : memref<1x1x128xi32, #tpu.memory_space<vmem>> -> memref<128xi32, #tpu.memory_space<vmem>>
    %dma_start3A_950 = arith.constant 0 : i32
    %dma_start3A_951 = tpu.memref_slice %arg8[%dma_start3A_950] : memref<102400xf32, #tpu.memory_space<vmem_shared>> -> memref<102400xf32, #tpu.memory_space<vmem_shared>>
    %dma_start3A_952 = tpu.memref_slice %arg10[%dma_start3A_946] : memref<2x!tpu.dma_semaphore, #tpu.memory_space<semaphore_mem>> -> memref<1x!tpu.dma_semaphore, #tpu.memory_space<semaphore_mem>>
    %dma_start3A_953 = tpu.memref_squeeze %dma_start3A_952 : memref<1x!tpu.dma_semaphore, #tpu.memory_space<semaphore_mem>> -> memref<!tpu.dma_semaphore, #tpu.memory_space<semaphore_mem>>
    tpu.enqueue_indirect_dma source(%arg7 : memref<128xf32, #tpu.memory_space<vmem>>) target(%dma_start3A_951 : memref<102400xf32, #tpu.memory_space<vmem_shared>>) offsets(%dma_start3A_949 : memref<128xi32, #tpu.memory_space<vmem>>) semaphore(%dma_start3A_953 : memref<!tpu.dma_semaphore, #tpu.memory_space<semaphore_mem>>) {add = true}
    %dma_start3A_954 = arith.constant 3 : i32
    %dma_start3A_955 = arith.constant 9 : i32
    %dma_start3A_956 = arith.constant 1 : i32
    %dma_start3A_957 = arith.constant 0 : i32
    %dma_start3A_958 = tpu.memref_slice %arg6[%dma_start3A_954, %dma_start3A_955, %dma_start3A_957] : memref<4x16x128xi32, #tpu.memory_space<vmem>> -> memref<1x1x128xi32, #tpu.memory_space<vmem>>
    %dma_start3A_959 = tpu.memref_squeeze %dma_start3A_958 : memref<1x1x128xi32, #tpu.memory_space<vmem>> -> memref<128xi32, #tpu.memory_space<vmem>>
    %dma_start3A_960 = arith.constant 0 : i32
    %dma_start3A_961 = tpu.memref_slice %arg8[%dma_start3A_960] : memref<102400xf32, #tpu.memory_space<vmem_shared>> -> memref<102400xf32, #tpu.memory_space<vmem_shared>>
    %dma_start3A_962 = tpu.memref_slice %arg10[%dma_start3A_956] : memref<2x!tpu.dma_semaphore, #tpu.memory_space<semaphore_mem>> -> memref<1x!tpu.dma_semaphore, #tpu.memory_space<semaphore_mem>>
    %dma_start3A_963 = tpu.memref_squeeze %dma_start3A_962 : memref<1x!tpu.dma_semaphore, #tpu.memory_space<semaphore_mem>> -> memref<!tpu.dma_semaphore, #tpu.memory_space<semaphore_mem>>
    tpu.enqueue_indirect_dma source(%arg7 : memref<128xf32, #tpu.memory_space<vmem>>) target(%dma_start3A_961 : memref<102400xf32, #tpu.memory_space<vmem_shared>>) offsets(%dma_start3A_959 : memref<128xi32, #tpu.memory_space<vmem>>) semaphore(%dma_start3A_963 : memref<!tpu.dma_semaphore, #tpu.memory_space<semaphore_mem>>) {add = true}
    %dma_start3A_964 = arith.constant 3 : i32
    %dma_start3A_965 = arith.constant 10 : i32
    %dma_start3A_966 = arith.constant 1 : i32
    %dma_start3A_967 = arith.constant 0 : i32
    %dma_start3A_968 = tpu.memref_slice %arg6[%dma_start3A_964, %dma_start3A_965, %dma_start3A_967] : memref<4x16x128xi32, #tpu.memory_space<vmem>> -> memref<1x1x128xi32, #tpu.memory_space<vmem>>
    %dma_start3A_969 = tpu.memref_squeeze %dma_start3A_968 : memref<1x1x128xi32, #tpu.memory_space<vmem>> -> memref<128xi32, #tpu.memory_space<vmem>>
    %dma_start3A_970 = arith.constant 0 : i32
    %dma_start3A_971 = tpu.memref_slice %arg8[%dma_start3A_970] : memref<102400xf32, #tpu.memory_space<vmem_shared>> -> memref<102400xf32, #tpu.memory_space<vmem_shared>>
    %dma_start3A_972 = tpu.memref_slice %arg10[%dma_start3A_966] : memref<2x!tpu.dma_semaphore, #tpu.memory_space<semaphore_mem>> -> memref<1x!tpu.dma_semaphore, #tpu.memory_space<semaphore_mem>>
    %dma_start3A_973 = tpu.memref_squeeze %dma_start3A_972 : memref<1x!tpu.dma_semaphore, #tpu.memory_space<semaphore_mem>> -> memref<!tpu.dma_semaphore, #tpu.memory_space<semaphore_mem>>
    tpu.enqueue_indirect_dma source(%arg7 : memref<128xf32, #tpu.memory_space<vmem>>) target(%dma_start3A_971 : memref<102400xf32, #tpu.memory_space<vmem_shared>>) offsets(%dma_start3A_969 : memref<128xi32, #tpu.memory_space<vmem>>) semaphore(%dma_start3A_973 : memref<!tpu.dma_semaphore, #tpu.memory_space<semaphore_mem>>) {add = true}
    %dma_start3A_974 = arith.constant 3 : i32
    %dma_start3A_975 = arith.constant 11 : i32
    %dma_start3A_976 = arith.constant 1 : i32
    %dma_start3A_977 = arith.constant 0 : i32
    %dma_start3A_978 = tpu.memref_slice %arg6[%dma_start3A_974, %dma_start3A_975, %dma_start3A_977] : memref<4x16x128xi32, #tpu.memory_space<vmem>> -> memref<1x1x128xi32, #tpu.memory_space<vmem>>
    %dma_start3A_979 = tpu.memref_squeeze %dma_start3A_978 : memref<1x1x128xi32, #tpu.memory_space<vmem>> -> memref<128xi32, #tpu.memory_space<vmem>>
    %dma_start3A_980 = arith.constant 0 : i32
    %dma_start3A_981 = tpu.memref_slice %arg8[%dma_start3A_980] : memref<102400xf32, #tpu.memory_space<vmem_shared>> -> memref<102400xf32, #tpu.memory_space<vmem_shared>>
    %dma_start3A_982 = tpu.memref_slice %arg10[%dma_start3A_976] : memref<2x!tpu.dma_semaphore, #tpu.memory_space<semaphore_mem>> -> memref<1x!tpu.dma_semaphore, #tpu.memory_space<semaphore_mem>>
    %dma_start3A_983 = tpu.memref_squeeze %dma_start3A_982 : memref<1x!tpu.dma_semaphore, #tpu.memory_space<semaphore_mem>> -> memref<!tpu.dma_semaphore, #tpu.memory_space<semaphore_mem>>
    tpu.enqueue_indirect_dma source(%arg7 : memref<128xf32, #tpu.memory_space<vmem>>) target(%dma_start3A_981 : memref<102400xf32, #tpu.memory_space<vmem_shared>>) offsets(%dma_start3A_979 : memref<128xi32, #tpu.memory_space<vmem>>) semaphore(%dma_start3A_983 : memref<!tpu.dma_semaphore, #tpu.memory_space<semaphore_mem>>) {add = true}
    %dma_start3A_984 = arith.constant 3 : i32
    %dma_start3A_985 = arith.constant 12 : i32
    %dma_start3A_986 = arith.constant 1 : i32
    %dma_start3A_987 = arith.constant 0 : i32
    %dma_start3A_988 = tpu.memref_slice %arg6[%dma_start3A_984, %dma_start3A_985, %dma_start3A_987] : memref<4x16x128xi32, #tpu.memory_space<vmem>> -> memref<1x1x128xi32, #tpu.memory_space<vmem>>
    %dma_start3A_989 = tpu.memref_squeeze %dma_start3A_988 : memref<1x1x128xi32, #tpu.memory_space<vmem>> -> memref<128xi32, #tpu.memory_space<vmem>>
    %dma_start3A_990 = arith.constant 0 : i32
    %dma_start3A_991 = tpu.memref_slice %arg8[%dma_start3A_990] : memref<102400xf32, #tpu.memory_space<vmem_shared>> -> memref<102400xf32, #tpu.memory_space<vmem_shared>>
    %dma_start3A_992 = tpu.memref_slice %arg10[%dma_start3A_986] : memref<2x!tpu.dma_semaphore, #tpu.memory_space<semaphore_mem>> -> memref<1x!tpu.dma_semaphore, #tpu.memory_space<semaphore_mem>>
    %dma_start3A_993 = tpu.memref_squeeze %dma_start3A_992 : memref<1x!tpu.dma_semaphore, #tpu.memory_space<semaphore_mem>> -> memref<!tpu.dma_semaphore, #tpu.memory_space<semaphore_mem>>
    tpu.enqueue_indirect_dma source(%arg7 : memref<128xf32, #tpu.memory_space<vmem>>) target(%dma_start3A_991 : memref<102400xf32, #tpu.memory_space<vmem_shared>>) offsets(%dma_start3A_989 : memref<128xi32, #tpu.memory_space<vmem>>) semaphore(%dma_start3A_993 : memref<!tpu.dma_semaphore, #tpu.memory_space<semaphore_mem>>) {add = true}
    %dma_start3A_994 = arith.constant 3 : i32
    %dma_start3A_995 = arith.constant 13 : i32
    %dma_start3A_996 = arith.constant 1 : i32
    %dma_start3A_997 = arith.constant 0 : i32
    %dma_start3A_998 = tpu.memref_slice %arg6[%dma_start3A_994, %dma_start3A_995, %dma_start3A_997] : memref<4x16x128xi32, #tpu.memory_space<vmem>> -> memref<1x1x128xi32, #tpu.memory_space<vmem>>
    %dma_start3A_999 = tpu.memref_squeeze %dma_start3A_998 : memref<1x1x128xi32, #tpu.memory_space<vmem>> -> memref<128xi32, #tpu.memory_space<vmem>>
    %dma_start3A_1000 = arith.constant 0 : i32
    %dma_start3A_1001 = tpu.memref_slice %arg8[%dma_start3A_1000] : memref<102400xf32, #tpu.memory_space<vmem_shared>> -> memref<102400xf32, #tpu.memory_space<vmem_shared>>
    %dma_start3A_1002 = tpu.memref_slice %arg10[%dma_start3A_996] : memref<2x!tpu.dma_semaphore, #tpu.memory_space<semaphore_mem>> -> memref<1x!tpu.dma_semaphore, #tpu.memory_space<semaphore_mem>>
    %dma_start3A_1003 = tpu.memref_squeeze %dma_start3A_1002 : memref<1x!tpu.dma_semaphore, #tpu.memory_space<semaphore_mem>> -> memref<!tpu.dma_semaphore, #tpu.memory_space<semaphore_mem>>
    tpu.enqueue_indirect_dma source(%arg7 : memref<128xf32, #tpu.memory_space<vmem>>) target(%dma_start3A_1001 : memref<102400xf32, #tpu.memory_space<vmem_shared>>) offsets(%dma_start3A_999 : memref<128xi32, #tpu.memory_space<vmem>>) semaphore(%dma_start3A_1003 : memref<!tpu.dma_semaphore, #tpu.memory_space<semaphore_mem>>) {add = true}
    %dma_start3A_1004 = arith.constant 3 : i32
    %dma_start3A_1005 = arith.constant 14 : i32
    %dma_start3A_1006 = arith.constant 1 : i32
    %dma_start3A_1007 = arith.constant 0 : i32
    %dma_start3A_1008 = tpu.memref_slice %arg6[%dma_start3A_1004, %dma_start3A_1005, %dma_start3A_1007] : memref<4x16x128xi32, #tpu.memory_space<vmem>> -> memref<1x1x128xi32, #tpu.memory_space<vmem>>
    %dma_start3A_1009 = tpu.memref_squeeze %dma_start3A_1008 : memref<1x1x128xi32, #tpu.memory_space<vmem>> -> memref<128xi32, #tpu.memory_space<vmem>>
    %dma_start3A_1010 = arith.constant 0 : i32
    %dma_start3A_1011 = tpu.memref_slice %arg8[%dma_start3A_1010] : memref<102400xf32, #tpu.memory_space<vmem_shared>> -> memref<102400xf32, #tpu.memory_space<vmem_shared>>
    %dma_start3A_1012 = tpu.memref_slice %arg10[%dma_start3A_1006] : memref<2x!tpu.dma_semaphore, #tpu.memory_space<semaphore_mem>> -> memref<1x!tpu.dma_semaphore, #tpu.memory_space<semaphore_mem>>
    %dma_start3A_1013 = tpu.memref_squeeze %dma_start3A_1012 : memref<1x!tpu.dma_semaphore, #tpu.memory_space<semaphore_mem>> -> memref<!tpu.dma_semaphore, #tpu.memory_space<semaphore_mem>>
    tpu.enqueue_indirect_dma source(%arg7 : memref<128xf32, #tpu.memory_space<vmem>>) target(%dma_start3A_1011 : memref<102400xf32, #tpu.memory_space<vmem_shared>>) offsets(%dma_start3A_1009 : memref<128xi32, #tpu.memory_space<vmem>>) semaphore(%dma_start3A_1013 : memref<!tpu.dma_semaphore, #tpu.memory_space<semaphore_mem>>) {add = true}
    %dma_start3A_1014 = arith.constant 3 : i32
    %dma_start3A_1015 = arith.constant 15 : i32
    %dma_start3A_1016 = arith.constant 1 : i32
    %dma_start3A_1017 = arith.constant 0 : i32
    %dma_start3A_1018 = tpu.memref_slice %arg6[%dma_start3A_1014, %dma_start3A_1015, %dma_start3A_1017] : memref<4x16x128xi32, #tpu.memory_space<vmem>> -> memref<1x1x128xi32, #tpu.memory_space<vmem>>
    %dma_start3A_1019 = tpu.memref_squeeze %dma_start3A_1018 : memref<1x1x128xi32, #tpu.memory_space<vmem>> -> memref<128xi32, #tpu.memory_space<vmem>>
    %dma_start3A_1020 = arith.constant 0 : i32
    %dma_start3A_1021 = tpu.memref_slice %arg8[%dma_start3A_1020] : memref<102400xf32, #tpu.memory_space<vmem_shared>> -> memref<102400xf32, #tpu.memory_space<vmem_shared>>
    %dma_start3A_1022 = tpu.memref_slice %arg10[%dma_start3A_1016] : memref<2x!tpu.dma_semaphore, #tpu.memory_space<semaphore_mem>> -> memref<1x!tpu.dma_semaphore, #tpu.memory_space<semaphore_mem>>
    %dma_start3A_1023 = tpu.memref_squeeze %dma_start3A_1022 : memref<1x!tpu.dma_semaphore, #tpu.memory_space<semaphore_mem>> -> memref<!tpu.dma_semaphore, #tpu.memory_space<semaphore_mem>>
    tpu.enqueue_indirect_dma source(%arg7 : memref<128xf32, #tpu.memory_space<vmem>>) target(%dma_start3A_1021 : memref<102400xf32, #tpu.memory_space<vmem_shared>>) offsets(%dma_start3A_1019 : memref<128xi32, #tpu.memory_space<vmem>>) semaphore(%dma_start3A_1023 : memref<!tpu.dma_semaphore, #tpu.memory_space<semaphore_mem>>) {add = true}
    %dma_wait3A_1024 = arith.constant 0 : i32
    %dma_wait3A_1025 = arith.constant 0 : i32
    %dma_wait3A_1026 = tpu.memref_slice %arg4[%dma_wait3A_1025] : memref<102400xf32, #tpu.memory_space<hbm>> -> memref<128xf32, #tpu.memory_space<hbm>>
    %dma_wait3A_1027 = tpu.memref_slice %arg10[%dma_wait3A_1024] : memref<2x!tpu.dma_semaphore, #tpu.memory_space<semaphore_mem>> -> memref<1x!tpu.dma_semaphore, #tpu.memory_space<semaphore_mem>>
    %dma_wait3A_1028 = tpu.memref_squeeze %dma_wait3A_1027 : memref<1x!tpu.dma_semaphore, #tpu.memory_space<semaphore_mem>> -> memref<!tpu.dma_semaphore, #tpu.memory_space<semaphore_mem>>
    %dma_wait3A_1029 = arith.constant 0 : i32
    %dma_wait3A_1030 = tpu.memref_slice %arg4[%dma_wait3A_1029] : memref<102400xf32, #tpu.memory_space<hbm>> -> memref<128xf32, #tpu.memory_space<hbm>>
    tpu.wait_dma2 semaphore(%dma_wait3A_1028 : memref<!tpu.dma_semaphore, #tpu.memory_space<semaphore_mem>>) src(%dma_wait3A_1030 : memref<128xf32, #tpu.memory_space<hbm>>) dst(%arg7 : memref<128xf32, #tpu.memory_space<vmem>>)
    %dma_wait3A_1031 = arith.constant 0 : i32
    %dma_wait3A_1032 = arith.constant 0 : i32
    %dma_wait3A_1033 = tpu.memref_slice %arg4[%dma_wait3A_1032] : memref<102400xf32, #tpu.memory_space<hbm>> -> memref<128xf32, #tpu.memory_space<hbm>>
    %dma_wait3A_1034 = tpu.memref_slice %arg10[%dma_wait3A_1031] : memref<2x!tpu.dma_semaphore, #tpu.memory_space<semaphore_mem>> -> memref<1x!tpu.dma_semaphore, #tpu.memory_space<semaphore_mem>>
    %dma_wait3A_1035 = tpu.memref_squeeze %dma_wait3A_1034 : memref<1x!tpu.dma_semaphore, #tpu.memory_space<semaphore_mem>> -> memref<!tpu.dma_semaphore, #tpu.memory_space<semaphore_mem>>
    %dma_wait3A_1036 = arith.constant 0 : i32
    %dma_wait3A_1037 = tpu.memref_slice %arg4[%dma_wait3A_1036] : memref<102400xf32, #tpu.memory_space<hbm>> -> memref<128xf32, #tpu.memory_space<hbm>>
    tpu.wait_dma2 semaphore(%dma_wait3A_1035 : memref<!tpu.dma_semaphore, #tpu.memory_space<semaphore_mem>>) src(%dma_wait3A_1037 : memref<128xf32, #tpu.memory_space<hbm>>) dst(%arg7 : memref<128xf32, #tpu.memory_space<vmem>>)
    %dma_wait3A_1038 = arith.constant 0 : i32
    %dma_wait3A_1039 = arith.constant 0 : i32
    %dma_wait3A_1040 = tpu.memref_slice %arg4[%dma_wait3A_1039] : memref<102400xf32, #tpu.memory_space<hbm>> -> memref<128xf32, #tpu.memory_space<hbm>>
    %dma_wait3A_1041 = tpu.memref_slice %arg10[%dma_wait3A_1038] : memref<2x!tpu.dma_semaphore, #tpu.memory_space<semaphore_mem>> -> memref<1x!tpu.dma_semaphore, #tpu.memory_space<semaphore_mem>>
    %dma_wait3A_1042 = tpu.memref_squeeze %dma_wait3A_1041 : memref<1x!tpu.dma_semaphore, #tpu.memory_space<semaphore_mem>> -> memref<!tpu.dma_semaphore, #tpu.memory_space<semaphore_mem>>
    %dma_wait3A_1043 = arith.constant 0 : i32
    %dma_wait3A_1044 = tpu.memref_slice %arg4[%dma_wait3A_1043] : memref<102400xf32, #tpu.memory_space<hbm>> -> memref<128xf32, #tpu.memory_space<hbm>>
    tpu.wait_dma2 semaphore(%dma_wait3A_1042 : memref<!tpu.dma_semaphore, #tpu.memory_space<semaphore_mem>>) src(%dma_wait3A_1044 : memref<128xf32, #tpu.memory_space<hbm>>) dst(%arg7 : memref<128xf32, #tpu.memory_space<vmem>>)
    %dma_wait3A_1045 = arith.constant 0 : i32
    %dma_wait3A_1046 = arith.constant 0 : i32
    %dma_wait3A_1047 = tpu.memref_slice %arg4[%dma_wait3A_1046] : memref<102400xf32, #tpu.memory_space<hbm>> -> memref<128xf32, #tpu.memory_space<hbm>>
    %dma_wait3A_1048 = tpu.memref_slice %arg10[%dma_wait3A_1045] : memref<2x!tpu.dma_semaphore, #tpu.memory_space<semaphore_mem>> -> memref<1x!tpu.dma_semaphore, #tpu.memory_space<semaphore_mem>>
    %dma_wait3A_1049 = tpu.memref_squeeze %dma_wait3A_1048 : memref<1x!tpu.dma_semaphore, #tpu.memory_space<semaphore_mem>> -> memref<!tpu.dma_semaphore, #tpu.memory_space<semaphore_mem>>
    %dma_wait3A_1050 = arith.constant 0 : i32
    %dma_wait3A_1051 = tpu.memref_slice %arg4[%dma_wait3A_1050] : memref<102400xf32, #tpu.memory_space<hbm>> -> memref<128xf32, #tpu.memory_space<hbm>>
    tpu.wait_dma2 semaphore(%dma_wait3A_1049 : memref<!tpu.dma_semaphore, #tpu.memory_space<semaphore_mem>>) src(%dma_wait3A_1051 : memref<128xf32, #tpu.memory_space<hbm>>) dst(%arg7 : memref<128xf32, #tpu.memory_space<vmem>>)
    %dma_wait3A_1052 = arith.constant 0 : i32
    %dma_wait3A_1053 = arith.constant 0 : i32
    %dma_wait3A_1054 = tpu.memref_slice %arg4[%dma_wait3A_1053] : memref<102400xf32, #tpu.memory_space<hbm>> -> memref<128xf32, #tpu.memory_space<hbm>>
    %dma_wait3A_1055 = tpu.memref_slice %arg10[%dma_wait3A_1052] : memref<2x!tpu.dma_semaphore, #tpu.memory_space<semaphore_mem>> -> memref<1x!tpu.dma_semaphore, #tpu.memory_space<semaphore_mem>>
    %dma_wait3A_1056 = tpu.memref_squeeze %dma_wait3A_1055 : memref<1x!tpu.dma_semaphore, #tpu.memory_space<semaphore_mem>> -> memref<!tpu.dma_semaphore, #tpu.memory_space<semaphore_mem>>
    %dma_wait3A_1057 = arith.constant 0 : i32
    %dma_wait3A_1058 = tpu.memref_slice %arg4[%dma_wait3A_1057] : memref<102400xf32, #tpu.memory_space<hbm>> -> memref<128xf32, #tpu.memory_space<hbm>>
    tpu.wait_dma2 semaphore(%dma_wait3A_1056 : memref<!tpu.dma_semaphore, #tpu.memory_space<semaphore_mem>>) src(%dma_wait3A_1058 : memref<128xf32, #tpu.memory_space<hbm>>) dst(%arg7 : memref<128xf32, #tpu.memory_space<vmem>>)
    %dma_wait3A_1059 = arith.constant 0 : i32
    %dma_wait3A_1060 = arith.constant 0 : i32
    %dma_wait3A_1061 = tpu.memref_slice %arg4[%dma_wait3A_1060] : memref<102400xf32, #tpu.memory_space<hbm>> -> memref<128xf32, #tpu.memory_space<hbm>>
    %dma_wait3A_1062 = tpu.memref_slice %arg10[%dma_wait3A_1059] : memref<2x!tpu.dma_semaphore, #tpu.memory_space<semaphore_mem>> -> memref<1x!tpu.dma_semaphore, #tpu.memory_space<semaphore_mem>>
    %dma_wait3A_1063 = tpu.memref_squeeze %dma_wait3A_1062 : memref<1x!tpu.dma_semaphore, #tpu.memory_space<semaphore_mem>> -> memref<!tpu.dma_semaphore, #tpu.memory_space<semaphore_mem>>
    %dma_wait3A_1064 = arith.constant 0 : i32
    %dma_wait3A_1065 = tpu.memref_slice %arg4[%dma_wait3A_1064] : memref<102400xf32, #tpu.memory_space<hbm>> -> memref<128xf32, #tpu.memory_space<hbm>>
    tpu.wait_dma2 semaphore(%dma_wait3A_1063 : memref<!tpu.dma_semaphore, #tpu.memory_space<semaphore_mem>>) src(%dma_wait3A_1065 : memref<128xf32, #tpu.memory_space<hbm>>) dst(%arg7 : memref<128xf32, #tpu.memory_space<vmem>>)
    %dma_wait3A_1066 = arith.constant 0 : i32
    %dma_wait3A_1067 = arith.constant 0 : i32
    %dma_wait3A_1068 = tpu.memref_slice %arg4[%dma_wait3A_1067] : memref<102400xf32, #tpu.memory_space<hbm>> -> memref<128xf32, #tpu.memory_space<hbm>>
    %dma_wait3A_1069 = tpu.memref_slice %arg10[%dma_wait3A_1066] : memref<2x!tpu.dma_semaphore, #tpu.memory_space<semaphore_mem>> -> memref<1x!tpu.dma_semaphore, #tpu.memory_space<semaphore_mem>>
    %dma_wait3A_1070 = tpu.memref_squeeze %dma_wait3A_1069 : memref<1x!tpu.dma_semaphore, #tpu.memory_space<semaphore_mem>> -> memref<!tpu.dma_semaphore, #tpu.memory_space<semaphore_mem>>
    %dma_wait3A_1071 = arith.constant 0 : i32
    %dma_wait3A_1072 = tpu.memref_slice %arg4[%dma_wait3A_1071] : memref<102400xf32, #tpu.memory_space<hbm>> -> memref<128xf32, #tpu.memory_space<hbm>>
    tpu.wait_dma2 semaphore(%dma_wait3A_1070 : memref<!tpu.dma_semaphore, #tpu.memory_space<semaphore_mem>>) src(%dma_wait3A_1072 : memref<128xf32, #tpu.memory_space<hbm>>) dst(%arg7 : memref<128xf32, #tpu.memory_space<vmem>>)
    %dma_wait3A_1073 = arith.constant 0 : i32
    %dma_wait3A_1074 = arith.constant 0 : i32
    %dma_wait3A_1075 = tpu.memref_slice %arg4[%dma_wait3A_1074] : memref<102400xf32, #tpu.memory_space<hbm>> -> memref<128xf32, #tpu.memory_space<hbm>>
    %dma_wait3A_1076 = tpu.memref_slice %arg10[%dma_wait3A_1073] : memref<2x!tpu.dma_semaphore, #tpu.memory_space<semaphore_mem>> -> memref<1x!tpu.dma_semaphore, #tpu.memory_space<semaphore_mem>>
    %dma_wait3A_1077 = tpu.memref_squeeze %dma_wait3A_1076 : memref<1x!tpu.dma_semaphore, #tpu.memory_space<semaphore_mem>> -> memref<!tpu.dma_semaphore, #tpu.memory_space<semaphore_mem>>
    %dma_wait3A_1078 = arith.constant 0 : i32
    %dma_wait3A_1079 = tpu.memref_slice %arg4[%dma_wait3A_1078] : memref<102400xf32, #tpu.memory_space<hbm>> -> memref<128xf32, #tpu.memory_space<hbm>>
    tpu.wait_dma2 semaphore(%dma_wait3A_1077 : memref<!tpu.dma_semaphore, #tpu.memory_space<semaphore_mem>>) src(%dma_wait3A_1079 : memref<128xf32, #tpu.memory_space<hbm>>) dst(%arg7 : memref<128xf32, #tpu.memory_space<vmem>>)
    %dma_wait3A_1080 = arith.constant 0 : i32
    %dma_wait3A_1081 = arith.constant 0 : i32
    %dma_wait3A_1082 = tpu.memref_slice %arg4[%dma_wait3A_1081] : memref<102400xf32, #tpu.memory_space<hbm>> -> memref<128xf32, #tpu.memory_space<hbm>>
    %dma_wait3A_1083 = tpu.memref_slice %arg10[%dma_wait3A_1080] : memref<2x!tpu.dma_semaphore, #tpu.memory_space<semaphore_mem>> -> memref<1x!tpu.dma_semaphore, #tpu.memory_space<semaphore_mem>>
    %dma_wait3A_1084 = tpu.memref_squeeze %dma_wait3A_1083 : memref<1x!tpu.dma_semaphore, #tpu.memory_space<semaphore_mem>> -> memref<!tpu.dma_semaphore, #tpu.memory_space<semaphore_mem>>
    %dma_wait3A_1085 = arith.constant 0 : i32
    %dma_wait3A_1086 = tpu.memref_slice %arg4[%dma_wait3A_1085] : memref<102400xf32, #tpu.memory_space<hbm>> -> memref<128xf32, #tpu.memory_space<hbm>>
    tpu.wait_dma2 semaphore(%dma_wait3A_1084 : memref<!tpu.dma_semaphore, #tpu.memory_space<semaphore_mem>>) src(%dma_wait3A_1086 : memref<128xf32, #tpu.memory_space<hbm>>) dst(%arg7 : memref<128xf32, #tpu.memory_space<vmem>>)
    %dma_wait3A_1087 = arith.constant 0 : i32
    %dma_wait3A_1088 = arith.constant 0 : i32
    %dma_wait3A_1089 = tpu.memref_slice %arg4[%dma_wait3A_1088] : memref<102400xf32, #tpu.memory_space<hbm>> -> memref<128xf32, #tpu.memory_space<hbm>>
    %dma_wait3A_1090 = tpu.memref_slice %arg10[%dma_wait3A_1087] : memref<2x!tpu.dma_semaphore, #tpu.memory_space<semaphore_mem>> -> memref<1x!tpu.dma_semaphore, #tpu.memory_space<semaphore_mem>>
    %dma_wait3A_1091 = tpu.memref_squeeze %dma_wait3A_1090 : memref<1x!tpu.dma_semaphore, #tpu.memory_space<semaphore_mem>> -> memref<!tpu.dma_semaphore, #tpu.memory_space<semaphore_mem>>
    %dma_wait3A_1092 = arith.constant 0 : i32
    %dma_wait3A_1093 = tpu.memref_slice %arg4[%dma_wait3A_1092] : memref<102400xf32, #tpu.memory_space<hbm>> -> memref<128xf32, #tpu.memory_space<hbm>>
    tpu.wait_dma2 semaphore(%dma_wait3A_1091 : memref<!tpu.dma_semaphore, #tpu.memory_space<semaphore_mem>>) src(%dma_wait3A_1093 : memref<128xf32, #tpu.memory_space<hbm>>) dst(%arg7 : memref<128xf32, #tpu.memory_space<vmem>>)
    %dma_wait3A_1094 = arith.constant 0 : i32
    %dma_wait3A_1095 = arith.constant 0 : i32
    %dma_wait3A_1096 = tpu.memref_slice %arg4[%dma_wait3A_1095] : memref<102400xf32, #tpu.memory_space<hbm>> -> memref<128xf32, #tpu.memory_space<hbm>>
    %dma_wait3A_1097 = tpu.memref_slice %arg10[%dma_wait3A_1094] : memref<2x!tpu.dma_semaphore, #tpu.memory_space<semaphore_mem>> -> memref<1x!tpu.dma_semaphore, #tpu.memory_space<semaphore_mem>>
    %dma_wait3A_1098 = tpu.memref_squeeze %dma_wait3A_1097 : memref<1x!tpu.dma_semaphore, #tpu.memory_space<semaphore_mem>> -> memref<!tpu.dma_semaphore, #tpu.memory_space<semaphore_mem>>
    %dma_wait3A_1099 = arith.constant 0 : i32
    %dma_wait3A_1100 = tpu.memref_slice %arg4[%dma_wait3A_1099] : memref<102400xf32, #tpu.memory_space<hbm>> -> memref<128xf32, #tpu.memory_space<hbm>>
    tpu.wait_dma2 semaphore(%dma_wait3A_1098 : memref<!tpu.dma_semaphore, #tpu.memory_space<semaphore_mem>>) src(%dma_wait3A_1100 : memref<128xf32, #tpu.memory_space<hbm>>) dst(%arg7 : memref<128xf32, #tpu.memory_space<vmem>>)
    %dma_wait3A_1101 = arith.constant 0 : i32
    %dma_wait3A_1102 = arith.constant 0 : i32
    %dma_wait3A_1103 = tpu.memref_slice %arg4[%dma_wait3A_1102] : memref<102400xf32, #tpu.memory_space<hbm>> -> memref<128xf32, #tpu.memory_space<hbm>>
    %dma_wait3A_1104 = tpu.memref_slice %arg10[%dma_wait3A_1101] : memref<2x!tpu.dma_semaphore, #tpu.memory_space<semaphore_mem>> -> memref<1x!tpu.dma_semaphore, #tpu.memory_space<semaphore_mem>>
    %dma_wait3A_1105 = tpu.memref_squeeze %dma_wait3A_1104 : memref<1x!tpu.dma_semaphore, #tpu.memory_space<semaphore_mem>> -> memref<!tpu.dma_semaphore, #tpu.memory_space<semaphore_mem>>
    %dma_wait3A_1106 = arith.constant 0 : i32
    %dma_wait3A_1107 = tpu.memref_slice %arg4[%dma_wait3A_1106] : memref<102400xf32, #tpu.memory_space<hbm>> -> memref<128xf32, #tpu.memory_space<hbm>>
    tpu.wait_dma2 semaphore(%dma_wait3A_1105 : memref<!tpu.dma_semaphore, #tpu.memory_space<semaphore_mem>>) src(%dma_wait3A_1107 : memref<128xf32, #tpu.memory_space<hbm>>) dst(%arg7 : memref<128xf32, #tpu.memory_space<vmem>>)
    %dma_wait3A_1108 = arith.constant 0 : i32
    %dma_wait3A_1109 = arith.constant 0 : i32
    %dma_wait3A_1110 = tpu.memref_slice %arg4[%dma_wait3A_1109] : memref<102400xf32, #tpu.memory_space<hbm>> -> memref<128xf32, #tpu.memory_space<hbm>>
    %dma_wait3A_1111 = tpu.memref_slice %arg10[%dma_wait3A_1108] : memref<2x!tpu.dma_semaphore, #tpu.memory_space<semaphore_mem>> -> memref<1x!tpu.dma_semaphore, #tpu.memory_space<semaphore_mem>>
    %dma_wait3A_1112 = tpu.memref_squeeze %dma_wait3A_1111 : memref<1x!tpu.dma_semaphore, #tpu.memory_space<semaphore_mem>> -> memref<!tpu.dma_semaphore, #tpu.memory_space<semaphore_mem>>
    %dma_wait3A_1113 = arith.constant 0 : i32
    %dma_wait3A_1114 = tpu.memref_slice %arg4[%dma_wait3A_1113] : memref<102400xf32, #tpu.memory_space<hbm>> -> memref<128xf32, #tpu.memory_space<hbm>>
    tpu.wait_dma2 semaphore(%dma_wait3A_1112 : memref<!tpu.dma_semaphore, #tpu.memory_space<semaphore_mem>>) src(%dma_wait3A_1114 : memref<128xf32, #tpu.memory_space<hbm>>) dst(%arg7 : memref<128xf32, #tpu.memory_space<vmem>>)
    %dma_wait3A_1115 = arith.constant 0 : i32
    %dma_wait3A_1116 = arith.constant 0 : i32
    %dma_wait3A_1117 = tpu.memref_slice %arg4[%dma_wait3A_1116] : memref<102400xf32, #tpu.memory_space<hbm>> -> memref<128xf32, #tpu.memory_space<hbm>>
    %dma_wait3A_1118 = tpu.memref_slice %arg10[%dma_wait3A_1115] : memref<2x!tpu.dma_semaphore, #tpu.memory_space<semaphore_mem>> -> memref<1x!tpu.dma_semaphore, #tpu.memory_space<semaphore_mem>>
    %dma_wait3A_1119 = tpu.memref_squeeze %dma_wait3A_1118 : memref<1x!tpu.dma_semaphore, #tpu.memory_space<semaphore_mem>> -> memref<!tpu.dma_semaphore, #tpu.memory_space<semaphore_mem>>
    %dma_wait3A_1120 = arith.constant 0 : i32
    %dma_wait3A_1121 = tpu.memref_slice %arg4[%dma_wait3A_1120] : memref<102400xf32, #tpu.memory_space<hbm>> -> memref<128xf32, #tpu.memory_space<hbm>>
    tpu.wait_dma2 semaphore(%dma_wait3A_1119 : memref<!tpu.dma_semaphore, #tpu.memory_space<semaphore_mem>>) src(%dma_wait3A_1121 : memref<128xf32, #tpu.memory_space<hbm>>) dst(%arg7 : memref<128xf32, #tpu.memory_space<vmem>>)
    %dma_wait3A_1122 = arith.constant 0 : i32
    %dma_wait3A_1123 = arith.constant 0 : i32
    %dma_wait3A_1124 = tpu.memref_slice %arg4[%dma_wait3A_1123] : memref<102400xf32, #tpu.memory_space<hbm>> -> memref<128xf32, #tpu.memory_space<hbm>>
    %dma_wait3A_1125 = tpu.memref_slice %arg10[%dma_wait3A_1122] : memref<2x!tpu.dma_semaphore, #tpu.memory_space<semaphore_mem>> -> memref<1x!tpu.dma_semaphore, #tpu.memory_space<semaphore_mem>>
    %dma_wait3A_1126 = tpu.memref_squeeze %dma_wait3A_1125 : memref<1x!tpu.dma_semaphore, #tpu.memory_space<semaphore_mem>> -> memref<!tpu.dma_semaphore, #tpu.memory_space<semaphore_mem>>
    %dma_wait3A_1127 = arith.constant 0 : i32
    %dma_wait3A_1128 = tpu.memref_slice %arg4[%dma_wait3A_1127] : memref<102400xf32, #tpu.memory_space<hbm>> -> memref<128xf32, #tpu.memory_space<hbm>>
    tpu.wait_dma2 semaphore(%dma_wait3A_1126 : memref<!tpu.dma_semaphore, #tpu.memory_space<semaphore_mem>>) src(%dma_wait3A_1128 : memref<128xf32, #tpu.memory_space<hbm>>) dst(%arg7 : memref<128xf32, #tpu.memory_space<vmem>>)
    %dma_wait3A_1129 = arith.constant 0 : i32
    %dma_wait3A_1130 = arith.constant 0 : i32
    %dma_wait3A_1131 = tpu.memref_slice %arg4[%dma_wait3A_1130] : memref<102400xf32, #tpu.memory_space<hbm>> -> memref<128xf32, #tpu.memory_space<hbm>>
    %dma_wait3A_1132 = tpu.memref_slice %arg10[%dma_wait3A_1129] : memref<2x!tpu.dma_semaphore, #tpu.memory_space<semaphore_mem>> -> memref<1x!tpu.dma_semaphore, #tpu.memory_space<semaphore_mem>>
    %dma_wait3A_1133 = tpu.memref_squeeze %dma_wait3A_1132 : memref<1x!tpu.dma_semaphore, #tpu.memory_space<semaphore_mem>> -> memref<!tpu.dma_semaphore, #tpu.memory_space<semaphore_mem>>
    %dma_wait3A_1134 = arith.constant 0 : i32
    %dma_wait3A_1135 = tpu.memref_slice %arg4[%dma_wait3A_1134] : memref<102400xf32, #tpu.memory_space<hbm>> -> memref<128xf32, #tpu.memory_space<hbm>>
    tpu.wait_dma2 semaphore(%dma_wait3A_1133 : memref<!tpu.dma_semaphore, #tpu.memory_space<semaphore_mem>>) src(%dma_wait3A_1135 : memref<128xf32, #tpu.memory_space<hbm>>) dst(%arg7 : memref<128xf32, #tpu.memory_space<vmem>>)
    %dma_wait3A_1136 = arith.constant 1 : i32
    %dma_wait3A_1137 = arith.constant 0 : i32
    %dma_wait3A_1138 = tpu.memref_slice %arg4[%dma_wait3A_1137] : memref<102400xf32, #tpu.memory_space<hbm>> -> memref<128xf32, #tpu.memory_space<hbm>>
    %dma_wait3A_1139 = tpu.memref_slice %arg10[%dma_wait3A_1136] : memref<2x!tpu.dma_semaphore, #tpu.memory_space<semaphore_mem>> -> memref<1x!tpu.dma_semaphore, #tpu.memory_space<semaphore_mem>>
    %dma_wait3A_1140 = tpu.memref_squeeze %dma_wait3A_1139 : memref<1x!tpu.dma_semaphore, #tpu.memory_space<semaphore_mem>> -> memref<!tpu.dma_semaphore, #tpu.memory_space<semaphore_mem>>
    %dma_wait3A_1141 = arith.constant 0 : i32
    %dma_wait3A_1142 = tpu.memref_slice %arg4[%dma_wait3A_1141] : memref<102400xf32, #tpu.memory_space<hbm>> -> memref<128xf32, #tpu.memory_space<hbm>>
    tpu.wait_dma2 semaphore(%dma_wait3A_1140 : memref<!tpu.dma_semaphore, #tpu.memory_space<semaphore_mem>>) src(%dma_wait3A_1142 : memref<128xf32, #tpu.memory_space<hbm>>) dst(%arg7 : memref<128xf32, #tpu.memory_space<vmem>>)
    %dma_wait3A_1143 = arith.constant 1 : i32
    %dma_wait3A_1144 = arith.constant 0 : i32
    %dma_wait3A_1145 = tpu.memref_slice %arg4[%dma_wait3A_1144] : memref<102400xf32, #tpu.memory_space<hbm>> -> memref<128xf32, #tpu.memory_space<hbm>>
    %dma_wait3A_1146 = tpu.memref_slice %arg10[%dma_wait3A_1143] : memref<2x!tpu.dma_semaphore, #tpu.memory_space<semaphore_mem>> -> memref<1x!tpu.dma_semaphore, #tpu.memory_space<semaphore_mem>>
    %dma_wait3A_1147 = tpu.memref_squeeze %dma_wait3A_1146 : memref<1x!tpu.dma_semaphore, #tpu.memory_space<semaphore_mem>> -> memref<!tpu.dma_semaphore, #tpu.memory_space<semaphore_mem>>
    %dma_wait3A_1148 = arith.constant 0 : i32
    %dma_wait3A_1149 = tpu.memref_slice %arg4[%dma_wait3A_1148] : memref<102400xf32, #tpu.memory_space<hbm>> -> memref<128xf32, #tpu.memory_space<hbm>>
    tpu.wait_dma2 semaphore(%dma_wait3A_1147 : memref<!tpu.dma_semaphore, #tpu.memory_space<semaphore_mem>>) src(%dma_wait3A_1149 : memref<128xf32, #tpu.memory_space<hbm>>) dst(%arg7 : memref<128xf32, #tpu.memory_space<vmem>>)
    %dma_wait3A_1150 = arith.constant 1 : i32
    %dma_wait3A_1151 = arith.constant 0 : i32
    %dma_wait3A_1152 = tpu.memref_slice %arg4[%dma_wait3A_1151] : memref<102400xf32, #tpu.memory_space<hbm>> -> memref<128xf32, #tpu.memory_space<hbm>>
    %dma_wait3A_1153 = tpu.memref_slice %arg10[%dma_wait3A_1150] : memref<2x!tpu.dma_semaphore, #tpu.memory_space<semaphore_mem>> -> memref<1x!tpu.dma_semaphore, #tpu.memory_space<semaphore_mem>>
    %dma_wait3A_1154 = tpu.memref_squeeze %dma_wait3A_1153 : memref<1x!tpu.dma_semaphore, #tpu.memory_space<semaphore_mem>> -> memref<!tpu.dma_semaphore, #tpu.memory_space<semaphore_mem>>
    %dma_wait3A_1155 = arith.constant 0 : i32
    %dma_wait3A_1156 = tpu.memref_slice %arg4[%dma_wait3A_1155] : memref<102400xf32, #tpu.memory_space<hbm>> -> memref<128xf32, #tpu.memory_space<hbm>>
    tpu.wait_dma2 semaphore(%dma_wait3A_1154 : memref<!tpu.dma_semaphore, #tpu.memory_space<semaphore_mem>>) src(%dma_wait3A_1156 : memref<128xf32, #tpu.memory_space<hbm>>) dst(%arg7 : memref<128xf32, #tpu.memory_space<vmem>>)
    %dma_wait3A_1157 = arith.constant 1 : i32
    %dma_wait3A_1158 = arith.constant 0 : i32
    %dma_wait3A_1159 = tpu.memref_slice %arg4[%dma_wait3A_1158] : memref<102400xf32, #tpu.memory_space<hbm>> -> memref<128xf32, #tpu.memory_space<hbm>>
    %dma_wait3A_1160 = tpu.memref_slice %arg10[%dma_wait3A_1157] : memref<2x!tpu.dma_semaphore, #tpu.memory_space<semaphore_mem>> -> memref<1x!tpu.dma_semaphore, #tpu.memory_space<semaphore_mem>>
    %dma_wait3A_1161 = tpu.memref_squeeze %dma_wait3A_1160 : memref<1x!tpu.dma_semaphore, #tpu.memory_space<semaphore_mem>> -> memref<!tpu.dma_semaphore, #tpu.memory_space<semaphore_mem>>
    %dma_wait3A_1162 = arith.constant 0 : i32
    %dma_wait3A_1163 = tpu.memref_slice %arg4[%dma_wait3A_1162] : memref<102400xf32, #tpu.memory_space<hbm>> -> memref<128xf32, #tpu.memory_space<hbm>>
    tpu.wait_dma2 semaphore(%dma_wait3A_1161 : memref<!tpu.dma_semaphore, #tpu.memory_space<semaphore_mem>>) src(%dma_wait3A_1163 : memref<128xf32, #tpu.memory_space<hbm>>) dst(%arg7 : memref<128xf32, #tpu.memory_space<vmem>>)
    %dma_wait3A_1164 = arith.constant 1 : i32
    %dma_wait3A_1165 = arith.constant 0 : i32
    %dma_wait3A_1166 = tpu.memref_slice %arg4[%dma_wait3A_1165] : memref<102400xf32, #tpu.memory_space<hbm>> -> memref<128xf32, #tpu.memory_space<hbm>>
    %dma_wait3A_1167 = tpu.memref_slice %arg10[%dma_wait3A_1164] : memref<2x!tpu.dma_semaphore, #tpu.memory_space<semaphore_mem>> -> memref<1x!tpu.dma_semaphore, #tpu.memory_space<semaphore_mem>>
    %dma_wait3A_1168 = tpu.memref_squeeze %dma_wait3A_1167 : memref<1x!tpu.dma_semaphore, #tpu.memory_space<semaphore_mem>> -> memref<!tpu.dma_semaphore, #tpu.memory_space<semaphore_mem>>
    %dma_wait3A_1169 = arith.constant 0 : i32
    %dma_wait3A_1170 = tpu.memref_slice %arg4[%dma_wait3A_1169] : memref<102400xf32, #tpu.memory_space<hbm>> -> memref<128xf32, #tpu.memory_space<hbm>>
    tpu.wait_dma2 semaphore(%dma_wait3A_1168 : memref<!tpu.dma_semaphore, #tpu.memory_space<semaphore_mem>>) src(%dma_wait3A_1170 : memref<128xf32, #tpu.memory_space<hbm>>) dst(%arg7 : memref<128xf32, #tpu.memory_space<vmem>>)
    %dma_wait3A_1171 = arith.constant 1 : i32
    %dma_wait3A_1172 = arith.constant 0 : i32
    %dma_wait3A_1173 = tpu.memref_slice %arg4[%dma_wait3A_1172] : memref<102400xf32, #tpu.memory_space<hbm>> -> memref<128xf32, #tpu.memory_space<hbm>>
    %dma_wait3A_1174 = tpu.memref_slice %arg10[%dma_wait3A_1171] : memref<2x!tpu.dma_semaphore, #tpu.memory_space<semaphore_mem>> -> memref<1x!tpu.dma_semaphore, #tpu.memory_space<semaphore_mem>>
    %dma_wait3A_1175 = tpu.memref_squeeze %dma_wait3A_1174 : memref<1x!tpu.dma_semaphore, #tpu.memory_space<semaphore_mem>> -> memref<!tpu.dma_semaphore, #tpu.memory_space<semaphore_mem>>
    %dma_wait3A_1176 = arith.constant 0 : i32
    %dma_wait3A_1177 = tpu.memref_slice %arg4[%dma_wait3A_1176] : memref<102400xf32, #tpu.memory_space<hbm>> -> memref<128xf32, #tpu.memory_space<hbm>>
    tpu.wait_dma2 semaphore(%dma_wait3A_1175 : memref<!tpu.dma_semaphore, #tpu.memory_space<semaphore_mem>>) src(%dma_wait3A_1177 : memref<128xf32, #tpu.memory_space<hbm>>) dst(%arg7 : memref<128xf32, #tpu.memory_space<vmem>>)
    %dma_wait3A_1178 = arith.constant 1 : i32
    %dma_wait3A_1179 = arith.constant 0 : i32
    %dma_wait3A_1180 = tpu.memref_slice %arg4[%dma_wait3A_1179] : memref<102400xf32, #tpu.memory_space<hbm>> -> memref<128xf32, #tpu.memory_space<hbm>>
    %dma_wait3A_1181 = tpu.memref_slice %arg10[%dma_wait3A_1178] : memref<2x!tpu.dma_semaphore, #tpu.memory_space<semaphore_mem>> -> memref<1x!tpu.dma_semaphore, #tpu.memory_space<semaphore_mem>>
    %dma_wait3A_1182 = tpu.memref_squeeze %dma_wait3A_1181 : memref<1x!tpu.dma_semaphore, #tpu.memory_space<semaphore_mem>> -> memref<!tpu.dma_semaphore, #tpu.memory_space<semaphore_mem>>
    %dma_wait3A_1183 = arith.constant 0 : i32
    %dma_wait3A_1184 = tpu.memref_slice %arg4[%dma_wait3A_1183] : memref<102400xf32, #tpu.memory_space<hbm>> -> memref<128xf32, #tpu.memory_space<hbm>>
    tpu.wait_dma2 semaphore(%dma_wait3A_1182 : memref<!tpu.dma_semaphore, #tpu.memory_space<semaphore_mem>>) src(%dma_wait3A_1184 : memref<128xf32, #tpu.memory_space<hbm>>) dst(%arg7 : memref<128xf32, #tpu.memory_space<vmem>>)
    %dma_wait3A_1185 = arith.constant 1 : i32
    %dma_wait3A_1186 = arith.constant 0 : i32
    %dma_wait3A_1187 = tpu.memref_slice %arg4[%dma_wait3A_1186] : memref<102400xf32, #tpu.memory_space<hbm>> -> memref<128xf32, #tpu.memory_space<hbm>>
    %dma_wait3A_1188 = tpu.memref_slice %arg10[%dma_wait3A_1185] : memref<2x!tpu.dma_semaphore, #tpu.memory_space<semaphore_mem>> -> memref<1x!tpu.dma_semaphore, #tpu.memory_space<semaphore_mem>>
    %dma_wait3A_1189 = tpu.memref_squeeze %dma_wait3A_1188 : memref<1x!tpu.dma_semaphore, #tpu.memory_space<semaphore_mem>> -> memref<!tpu.dma_semaphore, #tpu.memory_space<semaphore_mem>>
    %dma_wait3A_1190 = arith.constant 0 : i32
    %dma_wait3A_1191 = tpu.memref_slice %arg4[%dma_wait3A_1190] : memref<102400xf32, #tpu.memory_space<hbm>> -> memref<128xf32, #tpu.memory_space<hbm>>
    tpu.wait_dma2 semaphore(%dma_wait3A_1189 : memref<!tpu.dma_semaphore, #tpu.memory_space<semaphore_mem>>) src(%dma_wait3A_1191 : memref<128xf32, #tpu.memory_space<hbm>>) dst(%arg7 : memref<128xf32, #tpu.memory_space<vmem>>)
    %dma_wait3A_1192 = arith.constant 1 : i32
    %dma_wait3A_1193 = arith.constant 0 : i32
    %dma_wait3A_1194 = tpu.memref_slice %arg4[%dma_wait3A_1193] : memref<102400xf32, #tpu.memory_space<hbm>> -> memref<128xf32, #tpu.memory_space<hbm>>
    %dma_wait3A_1195 = tpu.memref_slice %arg10[%dma_wait3A_1192] : memref<2x!tpu.dma_semaphore, #tpu.memory_space<semaphore_mem>> -> memref<1x!tpu.dma_semaphore, #tpu.memory_space<semaphore_mem>>
    %dma_wait3A_1196 = tpu.memref_squeeze %dma_wait3A_1195 : memref<1x!tpu.dma_semaphore, #tpu.memory_space<semaphore_mem>> -> memref<!tpu.dma_semaphore, #tpu.memory_space<semaphore_mem>>
    %dma_wait3A_1197 = arith.constant 0 : i32
    %dma_wait3A_1198 = tpu.memref_slice %arg4[%dma_wait3A_1197] : memref<102400xf32, #tpu.memory_space<hbm>> -> memref<128xf32, #tpu.memory_space<hbm>>
    tpu.wait_dma2 semaphore(%dma_wait3A_1196 : memref<!tpu.dma_semaphore, #tpu.memory_space<semaphore_mem>>) src(%dma_wait3A_1198 : memref<128xf32, #tpu.memory_space<hbm>>) dst(%arg7 : memref<128xf32, #tpu.memory_space<vmem>>)
    %dma_wait3A_1199 = arith.constant 1 : i32
    %dma_wait3A_1200 = arith.constant 0 : i32
    %dma_wait3A_1201 = tpu.memref_slice %arg4[%dma_wait3A_1200] : memref<102400xf32, #tpu.memory_space<hbm>> -> memref<128xf32, #tpu.memory_space<hbm>>
    %dma_wait3A_1202 = tpu.memref_slice %arg10[%dma_wait3A_1199] : memref<2x!tpu.dma_semaphore, #tpu.memory_space<semaphore_mem>> -> memref<1x!tpu.dma_semaphore, #tpu.memory_space<semaphore_mem>>
    %dma_wait3A_1203 = tpu.memref_squeeze %dma_wait3A_1202 : memref<1x!tpu.dma_semaphore, #tpu.memory_space<semaphore_mem>> -> memref<!tpu.dma_semaphore, #tpu.memory_space<semaphore_mem>>
    %dma_wait3A_1204 = arith.constant 0 : i32
    %dma_wait3A_1205 = tpu.memref_slice %arg4[%dma_wait3A_1204] : memref<102400xf32, #tpu.memory_space<hbm>> -> memref<128xf32, #tpu.memory_space<hbm>>
    tpu.wait_dma2 semaphore(%dma_wait3A_1203 : memref<!tpu.dma_semaphore, #tpu.memory_space<semaphore_mem>>) src(%dma_wait3A_1205 : memref<128xf32, #tpu.memory_space<hbm>>) dst(%arg7 : memref<128xf32, #tpu.memory_space<vmem>>)
    %dma_wait3A_1206 = arith.constant 1 : i32
    %dma_wait3A_1207 = arith.constant 0 : i32
    %dma_wait3A_1208 = tpu.memref_slice %arg4[%dma_wait3A_1207] : memref<102400xf32, #tpu.memory_space<hbm>> -> memref<128xf32, #tpu.memory_space<hbm>>
    %dma_wait3A_1209 = tpu.memref_slice %arg10[%dma_wait3A_1206] : memref<2x!tpu.dma_semaphore, #tpu.memory_space<semaphore_mem>> -> memref<1x!tpu.dma_semaphore, #tpu.memory_space<semaphore_mem>>
    %dma_wait3A_1210 = tpu.memref_squeeze %dma_wait3A_1209 : memref<1x!tpu.dma_semaphore, #tpu.memory_space<semaphore_mem>> -> memref<!tpu.dma_semaphore, #tpu.memory_space<semaphore_mem>>
    %dma_wait3A_1211 = arith.constant 0 : i32
    %dma_wait3A_1212 = tpu.memref_slice %arg4[%dma_wait3A_1211] : memref<102400xf32, #tpu.memory_space<hbm>> -> memref<128xf32, #tpu.memory_space<hbm>>
    tpu.wait_dma2 semaphore(%dma_wait3A_1210 : memref<!tpu.dma_semaphore, #tpu.memory_space<semaphore_mem>>) src(%dma_wait3A_1212 : memref<128xf32, #tpu.memory_space<hbm>>) dst(%arg7 : memref<128xf32, #tpu.memory_space<vmem>>)
    %dma_wait3A_1213 = arith.constant 1 : i32
    %dma_wait3A_1214 = arith.constant 0 : i32
    %dma_wait3A_1215 = tpu.memref_slice %arg4[%dma_wait3A_1214] : memref<102400xf32, #tpu.memory_space<hbm>> -> memref<128xf32, #tpu.memory_space<hbm>>
    %dma_wait3A_1216 = tpu.memref_slice %arg10[%dma_wait3A_1213] : memref<2x!tpu.dma_semaphore, #tpu.memory_space<semaphore_mem>> -> memref<1x!tpu.dma_semaphore, #tpu.memory_space<semaphore_mem>>
    %dma_wait3A_1217 = tpu.memref_squeeze %dma_wait3A_1216 : memref<1x!tpu.dma_semaphore, #tpu.memory_space<semaphore_mem>> -> memref<!tpu.dma_semaphore, #tpu.memory_space<semaphore_mem>>
    %dma_wait3A_1218 = arith.constant 0 : i32
    %dma_wait3A_1219 = tpu.memref_slice %arg4[%dma_wait3A_1218] : memref<102400xf32, #tpu.memory_space<hbm>> -> memref<128xf32, #tpu.memory_space<hbm>>
    tpu.wait_dma2 semaphore(%dma_wait3A_1217 : memref<!tpu.dma_semaphore, #tpu.memory_space<semaphore_mem>>) src(%dma_wait3A_1219 : memref<128xf32, #tpu.memory_space<hbm>>) dst(%arg7 : memref<128xf32, #tpu.memory_space<vmem>>)
    %dma_wait3A_1220 = arith.constant 1 : i32
    %dma_wait3A_1221 = arith.constant 0 : i32
    %dma_wait3A_1222 = tpu.memref_slice %arg4[%dma_wait3A_1221] : memref<102400xf32, #tpu.memory_space<hbm>> -> memref<128xf32, #tpu.memory_space<hbm>>
    %dma_wait3A_1223 = tpu.memref_slice %arg10[%dma_wait3A_1220] : memref<2x!tpu.dma_semaphore, #tpu.memory_space<semaphore_mem>> -> memref<1x!tpu.dma_semaphore, #tpu.memory_space<semaphore_mem>>
    %dma_wait3A_1224 = tpu.memref_squeeze %dma_wait3A_1223 : memref<1x!tpu.dma_semaphore, #tpu.memory_space<semaphore_mem>> -> memref<!tpu.dma_semaphore, #tpu.memory_space<semaphore_mem>>
    %dma_wait3A_1225 = arith.constant 0 : i32
    %dma_wait3A_1226 = tpu.memref_slice %arg4[%dma_wait3A_1225] : memref<102400xf32, #tpu.memory_space<hbm>> -> memref<128xf32, #tpu.memory_space<hbm>>
    tpu.wait_dma2 semaphore(%dma_wait3A_1224 : memref<!tpu.dma_semaphore, #tpu.memory_space<semaphore_mem>>) src(%dma_wait3A_1226 : memref<128xf32, #tpu.memory_space<hbm>>) dst(%arg7 : memref<128xf32, #tpu.memory_space<vmem>>)
    %dma_wait3A_1227 = arith.constant 1 : i32
    %dma_wait3A_1228 = arith.constant 0 : i32
    %dma_wait3A_1229 = tpu.memref_slice %arg4[%dma_wait3A_1228] : memref<102400xf32, #tpu.memory_space<hbm>> -> memref<128xf32, #tpu.memory_space<hbm>>
    %dma_wait3A_1230 = tpu.memref_slice %arg10[%dma_wait3A_1227] : memref<2x!tpu.dma_semaphore, #tpu.memory_space<semaphore_mem>> -> memref<1x!tpu.dma_semaphore, #tpu.memory_space<semaphore_mem>>
    %dma_wait3A_1231 = tpu.memref_squeeze %dma_wait3A_1230 : memref<1x!tpu.dma_semaphore, #tpu.memory_space<semaphore_mem>> -> memref<!tpu.dma_semaphore, #tpu.memory_space<semaphore_mem>>
    %dma_wait3A_1232 = arith.constant 0 : i32
    %dma_wait3A_1233 = tpu.memref_slice %arg4[%dma_wait3A_1232] : memref<102400xf32, #tpu.memory_space<hbm>> -> memref<128xf32, #tpu.memory_space<hbm>>
    tpu.wait_dma2 semaphore(%dma_wait3A_1231 : memref<!tpu.dma_semaphore, #tpu.memory_space<semaphore_mem>>) src(%dma_wait3A_1233 : memref<128xf32, #tpu.memory_space<hbm>>) dst(%arg7 : memref<128xf32, #tpu.memory_space<vmem>>)
    %dma_wait3A_1234 = arith.constant 1 : i32
    %dma_wait3A_1235 = arith.constant 0 : i32
    %dma_wait3A_1236 = tpu.memref_slice %arg4[%dma_wait3A_1235] : memref<102400xf32, #tpu.memory_space<hbm>> -> memref<128xf32, #tpu.memory_space<hbm>>
    %dma_wait3A_1237 = tpu.memref_slice %arg10[%dma_wait3A_1234] : memref<2x!tpu.dma_semaphore, #tpu.memory_space<semaphore_mem>> -> memref<1x!tpu.dma_semaphore, #tpu.memory_space<semaphore_mem>>
    %dma_wait3A_1238 = tpu.memref_squeeze %dma_wait3A_1237 : memref<1x!tpu.dma_semaphore, #tpu.memory_space<semaphore_mem>> -> memref<!tpu.dma_semaphore, #tpu.memory_space<semaphore_mem>>
    %dma_wait3A_1239 = arith.constant 0 : i32
    %dma_wait3A_1240 = tpu.memref_slice %arg4[%dma_wait3A_1239] : memref<102400xf32, #tpu.memory_space<hbm>> -> memref<128xf32, #tpu.memory_space<hbm>>
    tpu.wait_dma2 semaphore(%dma_wait3A_1238 : memref<!tpu.dma_semaphore, #tpu.memory_space<semaphore_mem>>) src(%dma_wait3A_1240 : memref<128xf32, #tpu.memory_space<hbm>>) dst(%arg7 : memref<128xf32, #tpu.memory_space<vmem>>)
    %dma_wait3A_1241 = arith.constant 1 : i32
    %dma_wait3A_1242 = arith.constant 0 : i32
    %dma_wait3A_1243 = tpu.memref_slice %arg4[%dma_wait3A_1242] : memref<102400xf32, #tpu.memory_space<hbm>> -> memref<128xf32, #tpu.memory_space<hbm>>
    %dma_wait3A_1244 = tpu.memref_slice %arg10[%dma_wait3A_1241] : memref<2x!tpu.dma_semaphore, #tpu.memory_space<semaphore_mem>> -> memref<1x!tpu.dma_semaphore, #tpu.memory_space<semaphore_mem>>
    %dma_wait3A_1245 = tpu.memref_squeeze %dma_wait3A_1244 : memref<1x!tpu.dma_semaphore, #tpu.memory_space<semaphore_mem>> -> memref<!tpu.dma_semaphore, #tpu.memory_space<semaphore_mem>>
    %dma_wait3A_1246 = arith.constant 0 : i32
    %dma_wait3A_1247 = tpu.memref_slice %arg4[%dma_wait3A_1246] : memref<102400xf32, #tpu.memory_space<hbm>> -> memref<128xf32, #tpu.memory_space<hbm>>
    tpu.wait_dma2 semaphore(%dma_wait3A_1245 : memref<!tpu.dma_semaphore, #tpu.memory_space<semaphore_mem>>) src(%dma_wait3A_1247 : memref<128xf32, #tpu.memory_space<hbm>>) dst(%arg7 : memref<128xf32, #tpu.memory_space<vmem>>)
    %barrier3A_1248 = arith.constant 0 : index
    tpu.barrier barrier_id(%barrier3A_1248)
    %mul3A_1249 = arith.constant 6400 : i32
    %mul3A_1250 = arith.muli %arg1, %mul3A_1249 : i32
    %mul3A_1251 = arith.constant 102400 : i32
    %mul3A_1252 = arith.muli %arg0, %mul3A_1251 : i32
    %mul3A_1253 = arith.constant 6400 : i32
    %mul3A_1254 = arith.muli %arg1, %mul3A_1253 : i32
    %add3A_1255 = arith.addi %mul3A_1252, %mul3A_1254 : i32
    "tpu.region"() ({
      %run_scoped3A = tpu.sem_alloc : memref<!tpu.dma_semaphore, #tpu.memory_space<semaphore_mem>>
      %dma_start3A_1256 = tpu.memref_slice %arg5[%add3A_1255] : memref<204800xf32, #tpu.memory_space<hbm>> -> memref<6400xf32, #tpu.memory_space<hbm>>
      %dma_start3A_1257 = tpu.memref_slice %arg8[%mul3A_1250] : memref<102400xf32, #tpu.memory_space<vmem_shared>> -> memref<6400xf32, #tpu.memory_space<vmem_shared>>
      tpu.enqueue_dma source(%dma_start3A_1257 : memref<6400xf32, #tpu.memory_space<vmem_shared>>) target(%dma_start3A_1256 : memref<6400xf32, #tpu.memory_space<hbm>>) target_semaphore(%run_scoped3A : memref<!tpu.dma_semaphore, #tpu.memory_space<semaphore_mem>>)
      %dma_wait3A_1258 = tpu.memref_slice %arg5[%add3A_1255] : memref<204800xf32, #tpu.memory_space<hbm>> -> memref<6400xf32, #tpu.memory_space<hbm>>
      %dma_wait3A_1259 = tpu.memref_slice %arg8[%mul3A_1250] : memref<102400xf32, #tpu.memory_space<vmem_shared>> -> memref<6400xf32, #tpu.memory_space<vmem_shared>>
      tpu.wait_dma2 semaphore(%run_scoped3A : memref<!tpu.dma_semaphore, #tpu.memory_space<semaphore_mem>>) src(%dma_wait3A_1259 : memref<6400xf32, #tpu.memory_space<vmem_shared>>) dst(%dma_wait3A_1258 : memref<6400xf32, #tpu.memory_space<hbm>>)
      tpu.yield
    }) : () -> ()
    return
  }
}

</mosaic_0001>

<sc_bundles>
// kernel: _deg_call.3.cloned.1.call-start
scs
__scs_entry_jumppad:
0x0: {  	(pc) =	sbr.rel $0x88, $3  }
0x1: {  	(tag) =	ssettag $0x0;
	lr =	simm.s32 $0x1  }
0x2: {  	[smem:$0x3F9E] =	sst lr;
	_ =	strace $0xD0000000  }
0x3: {  	_ = 	snop  }
0x4: {  	_ = 	snop  }
0x5: {  	_ = 	snop  }
0x6: {  	_ = 	snop  }
0x7: {  	_ = 	snop  }
__scs_overlays_trampoline_lowered:
0x8: {  	[smem:$0x3FAD] =	sst s0  }
0x9: {  	[smem:$0x3FAE] =	sst s1  }
0xa: {  	[smem:$0x3FAF] =	sst s2  }
0xb: {  	[smem:$0x3FB0] =	sst s3  }
0xc: {  	[smem:$0x3FB1] =	sst s4  }
0xd: {  	[smem:$0x3FB2] =	sst s5  }
0xe: {  	[smem:$0x3FB3] =	sst s6  }
0xf: {  	[smem:$0x3FB4] =	sst s7  }
0x10: {  	[smem:$0x3FB5] =	sst s8  }
0x11: {  	[smem:$0x3FB6] =	sst s9;
	s0 =	simm.s32 @!p0 $0x0  }
0x12: {  	s1 =	sld [smem:$0x3F9C];
	s0 =	simm.s32 @p0 $0x1  }
0x13: {  	[smem:$0x3FB7] =	sst s0;
	s0 =	simm.s32 @!p1 $0x0  }
0x14: {  	s2 =	sld [smem:$0x3F9B];
	s0 =	simm.s32 @p1 $0x1  }
0x15: {  	[smem:$0x3FB8] =	sst s0;
	s0 =	simm.s32 @!p2 $0x0  }
0x16: {  	s3 =	sld [smem:$0x3FDB];
	s0 =	simm.s32 @p2 $0x1  }
0x17: {  	s4 =	simm.s32 $0x1BF5;
	[smem:$0x3FBA] =	sst s0  }
0x18: {  	s0 =	sld [smem:$0x3F9D];
	_ =	swait.ge [sflag:s4], $0x0  }
0x19: {  	s7 =	sld [smem:$0x3F9E]  }
0x1a: {  	s8 =	sadd.s32 $0xFFFFE003, lr  }
0x1b: {  	s9 =	sadd.s32 $0xFFFFFEF7, lr;
	s5 =	simm.s32 $0xFFFFFFFF;
	p2 =	slt.u32 s8, $0xFFFFF086  }
0x1c: {  	p1 =	slt.u32 s9, $0xF7A;
	s5 =	simm.s32 @!p2 $0x0  }
0x1d: {  	s5 =	simm.s32 @p1 $0x1;
	p0 =	seq.s32 s7, s2  }
0x1e: {  	s7 =	smul.u32 @!p0 $0xF7A, s2;
	p2 =	seq.s32 @!p0 s5, $0x0  }
0x1f: {  	s9 =	smul.u32 $0xF7A, s1;
	s8 =	simm.s32 @!p0 $0x1BF5;
	p2 =	por !p2, p0  }
0x20: {  	[sflag:s8] =	ssyncset.s32 @!p0 $0xFFFFF086;
	s6 =	sadd.s32 @!p0 s3, s7;
	s7 =	simm.s32 @!p0 $0x108  }
0x21: {  	s3 =	sadd.s32 s3, s9;
	s6 =	sadd.s32 @!p0 $0x88, s6;
	s7 =	simm.s32 @p2 $0x1082  }
0x22: {  	[simem:s7], [sflag:s8] =	dma.local @!p0 [hbm:s6], $0xF7A  }
0x23: {  	s9 =	sor.u32 $0xD0000000, s2;
	s6 =	simm.s32 $0x108;
	_ =	swait.ge @!p0 [sflag:s8], $0x0  }
0x24: {  	s3 =	sadd.s32 $0x88, s3;
	s6 =	simm.s32 @!p1 $0x1082;
	[sflag:s4] =	ssyncset.s32 $0xFFFFF086  }
0x25: {  	[simem:s6], [sflag:s4] =	dma.local [hbm:s3], $0xF7A  }
0x26: {  	[smem:$0x3F9E] =	sst s1;
	(tag) =	ssettag s2;
	_ =	strace s9  }
0x27: {  	s1 =	sld [smem:$0x3FAE]  }
0x28: {  	s2 =	sld [smem:$0x3FAF]  }
0x29: {  	s4 =	sld [smem:$0x3FB1]  }
0x2a: {  	p0 =	seq.s32 s5, $0x0;
	s5 =	sld [smem:$0x3FB2]  }
0x2b: {  	s6 =	sld [smem:$0x3FB3]  }
0x2c: {  	s7 =	sld [smem:$0x3FB4]  }
0x2d: {  	s3 =	simm.s32 $0x108;
	s8 =	sld [smem:$0x3FB5]  }
0x2e: {  	s3 =	simm.s32 @!p0 $0x1082;
	s9 =	sld [smem:$0x3FB6]  }
0x2f: {  	lr =	sadd.s32 s0, s3;
	s0 =	sld [smem:$0x3FAD]  }
0x30: {  	s3 =	sld [smem:$0x3FB0]  }
0x31: {  	[smem:$0x3FB9] =	sst s10  }
0x32: {  	s10 =	sld [smem:$0x3FB7];
	_ =	sdelay $0x3  }
0x33: {  	p0 =	seq.s32 s10, $0x1;
	s10 =	sld [smem:$0x3FB9];
	_ =	sdelay $0x3  }
0x34: {  	[smem:$0x3FB9] =	sst s10  }
0x35: {  	s10 =	sld [smem:$0x3FB8];
	_ =	sdelay $0x3  }
0x36: {  	p1 =	seq.s32 s10, $0x1;
	s10 =	sld [smem:$0x3FB9];
	_ =	sdelay $0x3  }
0x37: {  	[smem:$0x3FB9] =	sst s10  }
0x38: {  	s10 =	sld [smem:$0x3FBA]  }
0x39: {  	_ = 	snop;
	(pc) =	sbr.ind lr, $3  }
0x3a: {  	_ = 	snop  }
0x3b: {  	_ = 	snop  }
0x3c: {  	p2 =	seq.s32 s10, $0x1;
	s10 =	sld [smem:$0x3FB9]  }
0x3d: {  	_ =	shalt  }
0x3e: {  	_ =	shalt  }
0x3f: {  	_ =	shalt  }
0x40: {  	_ =	shalt  }
0x41: {  	_ =	shalt  }
0x42: {  	_ =	shalt  }
0x43: {  	_ =	shalt  }
0x44: {  	_ =	shalt  }
0x45: {  	_ =	shalt  }
0x46: {  	_ =	shalt  }
0x47: {  	_ =	shalt  }
0x48: {  	_ =	shalt  }
0x49: {  	_ =	shalt  }
0x4a: {  	_ =	shalt  }
0x4b: {  	_ =	shalt  }
0x4c: {  	_ =	shalt  }
0x4d: {  	_ =	shalt  }
0x4e: {  	_ =	shalt  }
0x4f: {  	_ =	shalt  }
0x50: {  	_ =	shalt  }
0x51: {  	_ =	shalt  }
0x52: {  	_ =	shalt  }
0x53: {  	_ =	shalt  }
0x54: {  	_ =	shalt  }
0x55: {  	_ =	shalt  }
0x56: {  	_ =	shalt  }
0x57: {  	_ =	shalt  }
0x58: {  	_ =	shalt  }
0x59: {  	_ =	shalt  }
0x5a: {  	_ =	shalt  }
0x5b: {  	_ =	shalt  }
0x5c: {  	_ =	shalt  }
0x5d: {  	_ =	shalt  }
0x5e: {  	_ =	shalt  }
0x5f: {  	_ =	shalt  }
0x60: {  	_ =	shalt  }
0x61: {  	_ =	shalt  }
0x62: {  	_ =	shalt  }
0x63: {  	_ =	shalt  }
0x64: {  	_ =	shalt  }
0x65: {  	_ =	shalt  }
0x66: {  	_ =	shalt  }
0x67: {  	_ =	shalt  }
0x68: {  	_ =	shalt  }
0x69: {  	_ =	shalt  }
0x6a: {  	_ =	shalt  }
0x6b: {  	_ =	shalt  }
0x6c: {  	_ =	shalt  }
0x6d: {  	_ =	shalt  }
0x6e: {  	_ =	shalt  }
0x6f: {  	_ =	shalt  }
0x70: {  	_ =	shalt  }
0x71: {  	_ =	shalt  }
0x72: {  	_ =	shalt  }
0x73: {  	_ =	shalt  }
0x74: {  	_ =	shalt  }
0x75: {  	_ =	shalt  }
0x76: {  	_ =	shalt  }
0x77: {  	_ =	shalt  }
0x78: {  	_ =	shalt  }
0x79: {  	_ =	shalt  }
0x7a: {  	_ =	shalt  }
0x7b: {  	_ =	shalt  }
0x7c: {  	_ =	shalt  }
0x7d: {  	_ =	shalt  }
0x7e: {  	_ =	shalt  }
0x7f: {  	_ =	shalt  }
0x80: {  	_ =	shalt  }
0x81: {  	_ =	shalt  }
0x82: {  	_ =	shalt  }
0x83: {  	_ =	shalt  }
0x84: {  	_ =	shalt  }
0x85: {  	_ =	shalt  }
0x86: {  	_ =	shalt  }
0x87: {  	_ =	shalt  }
.Lfunc_end0:
.L_simem_size_0:
called_computation_lowered:
.L_overlay_start_0:
0x88: {  	s2 =	sld [smem:$0x3FD9]  }
0x89: {  	s3 =	sld [smem:$0x3FFE];
	_ =	sdelay $0x1  }
0x8a: {  	s1 =	srdreg.scid  }
0x8b: {  	s0 =	sand.u32 $0x1, s1  }
0x8c: {  	s17 =	sshll.u32 s0, $0xA;
	s2 =	sadd.s32 s3, s2  }
0x8d: {  	s2 =	sadd.s32 s2, s17  }
0x8e: {  	[smem:$0x3FC5] =	sst s2  }
0x8f: {  	_ = 	snop  }
0x90: {  	s2 =	sld [smem:$0x3FC9]  }
0x91: {  	s18 =	sld [smem:$0x3FC8]  }
0x92: {  	s4 =	sld [smem:$0x3FC7];
	(tm) =	ssettm $0x1  }
0x93: {  	s5 =	sld [smem:$0x3FFB];
	_ =	sdelay $0x3  }
0x94: {  	_ =	strace s5  }
0x95: {  	s5 =	sld [smem:$0x3FFC];
	_ =	sdelay $0x3  }
0x96: {  	_ =	strace s5  }
0x97: {  	s5 =	sld [smem:$0x3FFD];
	_ =	sdelay $0x3  }
0x98: {  	_ =	strace s5  }
0x99: {  	_ =	strace $0x8FFFFFFF  }
0x9a: {  	s19 =	sld [smem:$0x3FDB];
	_ =	sdelay $0x1  }
0x9b: {  	s6 =	simm.s32 $_scs_section_size  }
0x9c: {  	s7 =	simm.s32 $_size__tile_overlayer_lowered;
	s8 =	simm.s32 $_tile_overlayer_lowered  }
0x9d: {  	s22 =	simm.s32 $0x1BFF;
	s21 =	sshll.u32 s8, $0x1;
	s5 =	sadd.s32 s6, s19  }
0x9e: {  	s9 =	simm.s32 $0x0;
	s20 =	sshll.u32 s7, $0x1;
	s7 =	sadd.s32 s21, s5  }
0x9f: {  	[timem:s9], [sflag:s22] =	dma.local [hbm:s7], s20  }
0xa0: {  	_ =	swait.ge [sflag:s22], s20  }
0xa1: {  	s6 =	ssub.s32 $0x0, s20;
	[sflag:s22] =	ssyncset.done $0x0  }
0xa2: {  	[sflag:s22] =	ssyncadd.s32 s6;
	_ =	sdelay $0x1  }
0xa3: {  	s23 =	simm.s32 $0x1B8B  }
0xa4: {  	_ =	swait.ge [sflag:s23], $0x1  }
0xa5: {  	[sflag:s23] =	ssyncset.done $0x0  }
0xa6: {  	s25 =	simm.s32 $0x1B8E;
	s24 =	sld [smem:$0x3FFE];
	[sflag:s23] =	ssyncadd.s32 $0xFFFFFFFF  }
0xa7: {  	s26 =	simm.s32 $execute0_lowered;
	[smem:$0x3FD2] =	sst s25  }
0xa8: {  	s7 =	sshll.u32 s26, $0x1;
	_ =	strace $0x80000046;
	[dreg:$0x1] =	wrdreg $0xFFFFFFFF  }
0xa9: {  	s28 =	simm.s32 $_size_execute0_lowered;
	s5 =	sadd.s32 s5, s7;
	[dreg:$0x0] =	wrdreg $0x0  }
0xaa: {  	s7 =	sshll.u32 s28, $0x1;
	[dreg:$0x2] =	wrdreg s5  }
0xab: {  	[dreg:$0x3] =	wrdreg s7  }
0xac: {  	[dreg:$0x4] =	wrdreg $0xC0  }
0xad: {  	_ =	task [dreg:s9], $0x5FFFF  }
0xae: {  	[dreg:$0x1] =	wrdreg $0xFFFFFFFF  }
0xaf: {  	[dreg:$0x0] =	wrdreg $0x60  }
0xb0: {  	[dreg:$0x2] =	wrdreg s2  }
0xb1: {  	[dreg:$0x3] =	wrdreg s18  }
0xb2: {  	[dreg:$0x4] =	wrdreg s4  }
0xb3: {  	[dreg:$0x5] =	wrdreg s24  }
0xb4: {  	[dreg:$0x6] =	wrdreg $0x20800  }
0xb5: {  	[dreg:$0x7] =	wrdreg $0x9  }
0xb6: {  	_ =	task.clear_ibuf [dreg:s9], $0x8FFFF;
	_ =	strace $0x90000046  }
0xb7: {  	s29 =	simm.s32 $0x9;
	_ =	strace $0x80000048  }
0xb8: {  	_ =	swait.ge [sflag:s29], $0x1  }
0xb9: {  	[sflag:s29] =	ssyncadd.s32 $0xFFFFFFFF  }
0xba: {  	_ =	strace $0x90000048  }
0xbb: {  	_ =	sfence  }
0xbc: {  	s30 =	sld [smem:$0x0];
	_ =	sdelay $0x2  }
0xbd: {  	s31 =	sshll.u32 s1, $0xD;
	s1 =	sshrl.u32 s1, $0x2  }
0xbe: {  	s3 =	sand.u32 $0x4000, s31;
	s1 =	sadd.s32 s1, s30  }
0xbf: {  	s0 =	sor.u32 s3, s0;
	s1 =	sshll.u32 s1, $0x11  }
0xc0: {  	s0 =	sor.u32 s1, s0  }
0xc1: {  	s0 =	sadd.s32 $0x8F2B, s0  }
0xc2: {  	[sflag:s0] =	ssyncadd.remote.s32 $0x1  }
0xc3: {  	_ =	sfence.sel $0xFFFF  }
0xc4: {  	[dreg:$0x0] =	wrdreg $0xFFFFFFFF;
	(pc) =	sbr.abs _section_cstart, $3  }
0xc5: {  	[dreg:$0x1] =	wrdreg $0xFFFFFFFF  }
0xc6: {  	_ =	task.clear_ibuf [dreg:s9], $0x2FFFF;
	_ =	strace $0x9FFFFFFF  }
0xc7: {  	(tm) =	ssettm $0x7FFFFFFF  }
tec
execute0_lowered:
.L_overlay_start_1:
0x0: {  	(tag) =	ssettag $0x1  }
0x1: {  	s0 =	rddreg [dreg:$0x0]  }
0x2: {  	s1 =	rddreg [dreg:$0x2]  }
0x3: {  	s2 =	rddreg [dreg:$0x3];
	s4 =	srdreg.scid  }
0x4: {  	s10 =	stileid.u32;
	s3 =	rddreg [dreg:$0x4]  }
0x5: {  	s12 =	simm.s32 $0x2000;
	s16 =	simm.s32 $0x800;
	s17 =	simm.s32 $0x1000  }
0x6: {  	s18 =	simm.s32 $0x1;
	s19 =	simm.s32 $0x80;
	s28 =	simm.s32 $0x5  }
0x7: {  	s29 =	simm.s32 $0x3;
	s5 =	sand.u32 $0x1, s4;
	s6 =	smul.u32 $0x1900, s10  }
0x8: {  	s4 =	simm.s32 $0x0;
	s22 =	smul.u32 $0x6400, s10;
	s31 =	sshll.u32 s10, $0x6  }
0x9: {  	s7 =	smul.u32 $0x19000, s5;
	[smem:$0x7FF] =	sst s4;
	s8 =	sshll.u32 s5, $0x4  }
0xa: {  	s9 =	ssub.s32 $0x2, s5;
	s5 =	smul.u32 $0x64000, s5;
	_ =	strace $0x80000047  }
0xb: {  	s8 =	sor.u32 s10, s8;
	s21 =	sadd.s32 s6, s3;
	s7 =	sadd.s32 s6, s7  }
0xc: {  	s8 =	smul.u32 $0x6400, s8;
	s6 =	sshrl.u32 s6, $0x3;
	s21 =	sshrl.u32 s21, $0x3  }
0xd: {  	s20 =	sshrl.u32 s9, $0x1;
	s1 =	sadd.s32 s1, s6;
	[dreg:$0xf] =	wrdreg s21  }
0xe: {  	s7 =	sshrl.u32 s7, $0x3;
	s11 =	sadd.s32 s0, s8;
	[dreg:$0x8] =	wrdreg s1  }
0xf: {  	s6 =	simm.s32 $0x1800;
	s1 =	sor.u32 $0x1C07, s31;
	[dreg:$0x7] =	wrdreg s11  }
0x10: {  	s2 =	sadd.s32 s7, s2;
	s23 =	sadd.s32 $0x100, s11;
	[dreg:$0xe] =	wrdreg s1  }
0x11: {  	s7 =	ssub.s32 s9, s20;
	s24 =	sadd.s32 $0x200, s11;
	[dreg:$0x9] =	wrdreg s23  }
0x12: {  	s0 =	sadd.s32 s5, s0;
	s25 =	sadd.s32 $0x300, s11;
	[dreg:$0xa] =	wrdreg s24  }
0x13: {  	s20 =	simm.s32 $0x7;
	s26 =	sadd.s32 $0x400, s2;
	[dreg:$0xb] =	wrdreg s25  }
0x14: {  	s0 =	sadd.s32 s22, s0;
	s30 =	smax.u32 s7, $0x1;
	[dreg:$0xc] =	wrdreg s26  }
0x15: {  	s7 =	simm.s32 $0x2;
	s22 =	simm.s32 $0x6;
	[dreg:$0xd] =	wrdreg s30  }
0x16: {  	[dreg:$0x6] =	wrdreg s0;
	s23 =	simm.s32 $0x4;
	s0 =	simm.s32 $0x0  }
.LBB2_1:
0x17: {  	[dreg:$0x10] =	wrdreg s0  }
0x18: {  	s13 =	rddreg [dreg:$0x1]  }
0x19: {  	[tilespmem:s12], [sflag:$0x7] =	stream.linear.gather [hbm4b:s13+s4], $0x80, $0x38;
	[tilespmem:$0x3980] =	vst v63  }
0x1a: {  	_ =	swait.ge [sflag:s20], $0x80  }
0x1b: {  	[sflag:s20] =	ssyncset.done $0x0  }
0x1c: {  	s10 =	rddreg [dreg:$0x8];
	[sflag:s20] =	ssyncadd.s32 $0xFFFFFF80  }
0x1d: {  	[spmem:s21], [sflag:s1] =	dma.local [hbm:s10], $0x320  }
0x1e: {  	_ =	swait.ge [sflag:s20], $0x320  }
0x1f: {  	[sflag:s20] =	ssyncset.done $0x0  }
0x20: {  	[sflag:s20] =	ssyncadd.s32 $0xFFFFFCE0  }
0x21: {  	[bflag:$0x0] =	sbarrier.arrive $0xFFFF  }
0x22: {  	s11 =	rddreg [dreg:$0x7]  }
0x23: {  	[tilespmem:s4], [sflag:$0x1] =	stream.linear.gather [hbm4b:s11+s4], $0x800, $0x38;
	[tilespmem:$0x3980] =	vst v63  }
0x24: {  	s14 =	rddreg [dreg:$0x9]  }
0x25: {  	[tilespmem:s16], [sflag:$0x2] =	stream.linear.gather [hbm4b:s14+s4], $0x800, $0x38;
	[tilespmem:$0x3980] =	vst v63  }
0x26: {  	s15 =	rddreg [dreg:$0xa]  }
0x27: {  	[tilespmem:s17], [sflag:$0x3] =	stream.linear.gather [hbm4b:s15+s4], $0x800, $0x38;
	[tilespmem:$0x3980] =	vst v63  }
0x28: {  	_ =	swait.ge [sflag:s18], $0x800  }
0x29: {  	[sflag:s18] =	ssyncset.done $0x0  }
0x2a: {  	[sflag:s18] =	ssyncadd.s32 $0xFFFFF800  }
0x2b: {  	[spmem:s3] =	stream.indirect.scatter.add.f32 [tilespmem:s12], [sflag:$0x5], $0x1, s4, s19, $0xb8;
	[tilespmem:$0x3980] =	vst v63  }
0x2c: {  	_ = 	snop  }
0x2d: {  	[spmem:s3] =	stream.indirect.scatter.add.f32 [tilespmem:s12], [sflag:$0x5], $0x1, s19, s19, $0xb8;
	[tilespmem:$0x3980] =	vst v63  }
0x2e: {  	s21 =	simm.s32 $0x100  }
0x2f: {  	[spmem:s3] =	stream.indirect.scatter.add.f32 [tilespmem:s12], [sflag:$0x5], $0x1, s21, s19, $0xb8;
	[tilespmem:$0x3980] =	vst v63  }
0x30: {  	s11 =	simm.s32 $0x180  }
0x31: {  	[spmem:s3] =	stream.indirect.scatter.add.f32 [tilespmem:s12], [sflag:$0x5], $0x1, s11, s19, $0xb8;
	[tilespmem:$0x3980] =	vst v63  }
0x32: {  	s14 =	simm.s32 $0x200  }
0x33: {  	[spmem:s3] =	stream.indirect.scatter.add.f32 [tilespmem:s12], [sflag:$0x5], $0x1, s14, s19, $0xb8;
	[tilespmem:$0x3980] =	vst v63  }
0x34: {  	s15 =	simm.s32 $0x280  }
0x35: {  	[spmem:s3] =	stream.indirect.scatter.add.f32 [tilespmem:s12], [sflag:$0x5], $0x1, s15, s19, $0xb8;
	[tilespmem:$0x3980] =	vst v63  }
0x36: {  	s24 =	simm.s32 $0x300  }
0x37: {  	[spmem:s3] =	stream.indirect.scatter.add.f32 [tilespmem:s12], [sflag:$0x5], $0x1, s24, s19, $0xb8;
	[tilespmem:$0x3980] =	vst v63  }
0x38: {  	s25 =	simm.s32 $0x380  }
0x39: {  	[spmem:s3] =	stream.indirect.scatter.add.f32 [tilespmem:s12], [sflag:$0x5], $0x1, s25, s19, $0xb8;
	[tilespmem:$0x3980] =	vst v63  }
0x3a: {  	s26 =	simm.s32 $0x400  }
0x3b: {  	[spmem:s3] =	stream.indirect.scatter.add.f32 [tilespmem:s12], [sflag:$0x5], $0x1, s26, s19, $0xb8;
	[tilespmem:$0x3980] =	vst v63  }
0x3c: {  	s30 =	simm.s32 $0x480  }
0x3d: {  	[spmem:s3] =	stream.indirect.scatter.add.f32 [tilespmem:s12], [sflag:$0x5], $0x1, s30, s19, $0xb8;
	[tilespmem:$0x3980] =	vst v63  }
0x3e: {  	s20 =	simm.s32 $0x500  }
0x3f: {  	[spmem:s3] =	stream.indirect.scatter.add.f32 [tilespmem:s12], [sflag:$0x5], $0x1, s20, s19, $0xb8;
	[tilespmem:$0x3980] =	vst v63  }
0x40: {  	s1 =	simm.s32 $0x580  }
0x41: {  	[spmem:s3] =	stream.indirect.scatter.add.f32 [tilespmem:s12], [sflag:$0x5], $0x1, s1, s19, $0xb8;
	[tilespmem:$0x3980] =	vst v63  }
0x42: {  	s2 =	simm.s32 $0x600  }
0x43: {  	[spmem:s3] =	stream.indirect.scatter.add.f32 [tilespmem:s12], [sflag:$0x5], $0x1, s2, s19, $0xb8;
	[tilespmem:$0x3980] =	vst v63  }
0x44: {  	s5 =	simm.s32 $0x680  }
0x45: {  	[spmem:s3] =	stream.indirect.scatter.add.f32 [tilespmem:s12], [sflag:$0x5], $0x1, s5, s19, $0xb8;
	[tilespmem:$0x3980] =	vst v63  }
0x46: {  	s8 =	simm.s32 $0x700  }
0x47: {  	[spmem:s3] =	stream.indirect.scatter.add.f32 [tilespmem:s12], [sflag:$0x5], $0x1, s8, s19, $0xb8;
	[tilespmem:$0x3980] =	vst v63  }
0x48: {  	s9 =	simm.s32 $0x780  }
0x49: {  	[spmem:s3] =	stream.indirect.scatter.add.f32 [tilespmem:s12], [sflag:$0x5], $0x1, s9, s19, $0xb8;
	[tilespmem:$0x3980] =	vst v63  }
0x4a: {  	s10 =	rddreg [dreg:$0xb]  }
0x4b: {  	[tilespmem:s6], [sflag:$0x4] =	stream.linear.gather [hbm4b:s10+s4], $0x800, $0x38;
	[tilespmem:$0x3980] =	vst v63  }
0x4c: {  	_ =	swait.ge [sflag:s7], $0x800  }
0x4d: {  	[sflag:s7] =	ssyncset.done $0x0  }
0x4e: {  	[sflag:s7] =	ssyncadd.s32 $0xFFFFF800  }
0x4f: {  	[spmem:s3] =	stream.indirect.scatter.add.f32 [tilespmem:s12], [sflag:$0x6], $0x1, s16, s19, $0xb8;
	[tilespmem:$0x3980] =	vst v63  }
0x50: {  	s0 =	simm.s32 $0x880  }
0x51: {  	[spmem:s3] =	stream.indirect.scatter.add.f32 [tilespmem:s12], [sflag:$0x6], $0x1, s0, s19, $0xb8;
	[tilespmem:$0x3980] =	vst v63  }
0x52: {  	s1 =	simm.s32 $0x900  }
0x53: {  	[spmem:s3] =	stream.indirect.scatter.add.f32 [tilespmem:s12], [sflag:$0x6], $0x1, s1, s19, $0xb8;
	[tilespmem:$0x3980] =	vst v63  }
0x54: {  	s2 =	simm.s32 $0x980  }
0x55: {  	[spmem:s3] =	stream.indirect.scatter.add.f32 [tilespmem:s12], [sflag:$0x6], $0x1, s2, s19, $0xb8;
	[tilespmem:$0x3980] =	vst v63  }
0x56: {  	s8 =	simm.s32 $0xA00  }
0x57: {  	[spmem:s3] =	stream.indirect.scatter.add.f32 [tilespmem:s12], [sflag:$0x6], $0x1, s8, s19, $0xb8;
	[tilespmem:$0x3980] =	vst v63  }
0x58: {  	s9 =	simm.s32 $0xA80  }
0x59: {  	[spmem:s3] =	stream.indirect.scatter.add.f32 [tilespmem:s12], [sflag:$0x6], $0x1, s9, s19, $0xb8;
	[tilespmem:$0x3980] =	vst v63  }
0x5a: {  	s10 =	simm.s32 $0xB00  }
0x5b: {  	[spmem:s3] =	stream.indirect.scatter.add.f32 [tilespmem:s12], [sflag:$0x6], $0x1, s10, s19, $0xb8;
	[tilespmem:$0x3980] =	vst v63  }
0x5c: {  	s31 =	simm.s32 $0xB80  }
0x5d: {  	[spmem:s3] =	stream.indirect.scatter.add.f32 [tilespmem:s12], [sflag:$0x6], $0x1, s31, s19, $0xb8;
	[tilespmem:$0x3980] =	vst v63  }
0x5e: {  	s5 =	simm.s32 $0xC00  }
0x5f: {  	[spmem:s3] =	stream.indirect.scatter.add.f32 [tilespmem:s12], [sflag:$0x6], $0x1, s5, s19, $0xb8;
	[tilespmem:$0x3980] =	vst v63  }
0x60: {  	s13 =	simm.s32 $0xC80  }
0x61: {  	[spmem:s3] =	stream.indirect.scatter.add.f32 [tilespmem:s12], [sflag:$0x6], $0x1, s13, s19, $0xb8;
	[tilespmem:$0x3980] =	vst v63  }
0x62: {  	s20 =	simm.s32 $0xD00  }
0x63: {  	[spmem:s3] =	stream.indirect.scatter.add.f32 [tilespmem:s12], [sflag:$0x6], $0x1, s20, s19, $0xb8;
	[tilespmem:$0x3980] =	vst v63  }
0x64: {  	s13 =	simm.s32 $0xD80  }
0x65: {  	[spmem:s3] =	stream.indirect.scatter.add.f32 [tilespmem:s12], [sflag:$0x6], $0x1, s13, s19, $0xb8;
	[tilespmem:$0x3980] =	vst v63  }
0x66: {  	s20 =	simm.s32 $0xE00  }
0x67: {  	[spmem:s3] =	stream.indirect.scatter.add.f32 [tilespmem:s12], [sflag:$0x6], $0x1, s20, s19, $0xb8;
	[tilespmem:$0x3980] =	vst v63  }
0x68: {  	s13 =	simm.s32 $0xE80  }
0x69: {  	[spmem:s3] =	stream.indirect.scatter.add.f32 [tilespmem:s12], [sflag:$0x6], $0x1, s13, s19, $0xb8;
	[tilespmem:$0x3980] =	vst v63  }
0x6a: {  	s20 =	simm.s32 $0xF00  }
0x6b: {  	[spmem:s3] =	stream.indirect.scatter.add.f32 [tilespmem:s12], [sflag:$0x6], $0x1, s20, s19, $0xb8;
	[tilespmem:$0x3980] =	vst v63  }
0x6c: {  	s5 =	simm.s32 $0xF80  }
0x6d: {  	[spmem:s3] =	stream.indirect.scatter.add.f32 [tilespmem:s12], [sflag:$0x6], $0x1, s5, s19, $0xb8;
	[tilespmem:$0x3980] =	vst v63  }
0x6e: {  	_ =	swait.ge [sflag:s28], $0x80  }
0x6f: {  	[sflag:s28] =	ssyncset.done $0x0  }
0x70: {  	[sflag:s28] =	ssyncadd.s32 $0xFFFFFF80  }
0x71: {  	_ =	swait.ge [sflag:s28], $0x80  }
0x72: {  	[sflag:s28] =	ssyncset.done $0x0  }
0x73: {  	[sflag:s28] =	ssyncadd.s32 $0xFFFFFF80  }
0x74: {  	_ =	swait.ge [sflag:s28], $0x80  }
0x75: {  	[sflag:s28] =	ssyncset.done $0x0  }
0x76: {  	[sflag:s28] =	ssyncadd.s32 $0xFFFFFF80  }
0x77: {  	_ =	swait.ge [sflag:s28], $0x80  }
0x78: {  	[sflag:s28] =	ssyncset.done $0x0  }
0x79: {  	[sflag:s28] =	ssyncadd.s32 $0xFFFFFF80  }
0x7a: {  	_ =	swait.ge [sflag:s28], $0x80  }
0x7b: {  	[sflag:s28] =	ssyncset.done $0x0  }
0x7c: {  	[sflag:s28] =	ssyncadd.s32 $0xFFFFFF80  }
0x7d: {  	_ =	swait.ge [sflag:s28], $0x80  }
0x7e: {  	[sflag:s28] =	ssyncset.done $0x0  }
0x7f: {  	[sflag:s28] =	ssyncadd.s32 $0xFFFFFF80  }
0x80: {  	_ =	swait.ge [sflag:s28], $0x80  }
0x81: {  	[sflag:s28] =	ssyncset.done $0x0  }
0x82: {  	[sflag:s28] =	ssyncadd.s32 $0xFFFFFF80  }
0x83: {  	_ =	swait.ge [sflag:s28], $0x80  }
0x84: {  	[sflag:s28] =	ssyncset.done $0x0  }
0x85: {  	[sflag:s28] =	ssyncadd.s32 $0xFFFFFF80  }
0x86: {  	_ =	swait.ge [sflag:s28], $0x80  }
0x87: {  	[sflag:s28] =	ssyncset.done $0x0  }
0x88: {  	[sflag:s28] =	ssyncadd.s32 $0xFFFFFF80  }
0x89: {  	_ =	swait.ge [sflag:s28], $0x80  }
0x8a: {  	[sflag:s28] =	ssyncset.done $0x0  }
0x8b: {  	[sflag:s28] =	ssyncadd.s32 $0xFFFFFF80  }
0x8c: {  	_ =	swait.ge [sflag:s28], $0x80  }
0x8d: {  	[sflag:s28] =	ssyncset.done $0x0  }
0x8e: {  	[sflag:s28] =	ssyncadd.s32 $0xFFFFFF80  }
0x8f: {  	_ =	swait.ge [sflag:s28], $0x80  }
0x90: {  	[sflag:s28] =	ssyncset.done $0x0  }
0x91: {  	[sflag:s28] =	ssyncadd.s32 $0xFFFFFF80  }
0x92: {  	_ =	swait.ge [sflag:s28], $0x80  }
0x93: {  	[sflag:s28] =	ssyncset.done $0x0  }
0x94: {  	[sflag:s28] =	ssyncadd.s32 $0xFFFFFF80  }
0x95: {  	_ =	swait.ge [sflag:s28], $0x80  }
0x96: {  	[sflag:s28] =	ssyncset.done $0x0  }
0x97: {  	[sflag:s28] =	ssyncadd.s32 $0xFFFFFF80  }
0x98: {  	_ =	swait.ge [sflag:s28], $0x80  }
0x99: {  	[sflag:s28] =	ssyncset.done $0x0  }
0x9a: {  	[sflag:s28] =	ssyncadd.s32 $0xFFFFFF80  }
0x9b: {  	_ =	swait.ge [sflag:s28], $0x80  }
0x9c: {  	s20 =	rddreg [dreg:$0x6]  }
0x9d: {  	[sflag:s28] =	ssyncset.done $0x0;
	s13 =	sadd.s32 $0x0, s20  }
0x9e: {  	[sflag:s28] =	ssyncadd.s32 $0xFFFFFF80;
	s5 =	sadd.s32 $0x400, s13  }
0x9f: {  	[tilespmem:s4], [sflag:$0x1] =	stream.linear.gather [hbm4b:s5+s4], $0x800, $0x38;
	[tilespmem:$0x3980] =	vst v63  }
0xa0: {  	_ =	swait.ge [sflag:s29], $0x800  }
0xa1: {  	[sflag:s29] =	ssyncset.done $0x0  }
0xa2: {  	[sflag:s29] =	ssyncadd.s32 $0xFFFFF800  }
0xa3: {  	[spmem:s3] =	stream.indirect.scatter.add.f32 [tilespmem:s12], [sflag:$0x5], $0x1, s17, s19, $0xb8;
	[tilespmem:$0x3980] =	vst v63  }
0xa4: {  	s5 =	simm.s32 $0x1080  }
0xa5: {  	[spmem:s3] =	stream.indirect.scatter.add.f32 [tilespmem:s12], [sflag:$0x5], $0x1, s5, s19, $0xb8;
	[tilespmem:$0x3980] =	vst v63  }
0xa6: {  	s5 =	simm.s32 $0x1100  }
0xa7: {  	[spmem:s3] =	stream.indirect.scatter.add.f32 [tilespmem:s12], [sflag:$0x5], $0x1, s5, s19, $0xb8;
	[tilespmem:$0x3980] =	vst v63  }
0xa8: {  	s5 =	simm.s32 $0x1180  }
0xa9: {  	[spmem:s3] =	stream.indirect.scatter.add.f32 [tilespmem:s12], [sflag:$0x5], $0x1, s5, s19, $0xb8;
	[tilespmem:$0x3980] =	vst v63  }
0xaa: {  	s5 =	simm.s32 $0x1200  }
0xab: {  	[spmem:s3] =	stream.indirect.scatter.add.f32 [tilespmem:s12], [sflag:$0x5], $0x1, s5, s19, $0xb8;
	[tilespmem:$0x3980] =	vst v63  }
0xac: {  	s5 =	simm.s32 $0x1280  }
0xad: {  	[spmem:s3] =	stream.indirect.scatter.add.f32 [tilespmem:s12], [sflag:$0x5], $0x1, s5, s19, $0xb8;
	[tilespmem:$0x3980] =	vst v63  }
0xae: {  	s5 =	simm.s32 $0x1300  }
0xaf: {  	[spmem:s3] =	stream.indirect.scatter.add.f32 [tilespmem:s12], [sflag:$0x5], $0x1, s5, s19, $0xb8;
	[tilespmem:$0x3980] =	vst v63  }
0xb0: {  	s5 =	simm.s32 $0x1380  }
0xb1: {  	[spmem:s3] =	stream.indirect.scatter.add.f32 [tilespmem:s12], [sflag:$0x5], $0x1, s5, s19, $0xb8;
	[tilespmem:$0x3980] =	vst v63  }
0xb2: {  	s5 =	simm.s32 $0x1400  }
0xb3: {  	[spmem:s3] =	stream.indirect.scatter.add.f32 [tilespmem:s12], [sflag:$0x5], $0x1, s5, s19, $0xb8;
	[tilespmem:$0x3980] =	vst v63  }
0xb4: {  	s5 =	simm.s32 $0x1480  }
0xb5: {  	[spmem:s3] =	stream.indirect.scatter.add.f32 [tilespmem:s12], [sflag:$0x5], $0x1, s5, s19, $0xb8;
	[tilespmem:$0x3980] =	vst v63  }
0xb6: {  	s5 =	simm.s32 $0x1500  }
0xb7: {  	[spmem:s3] =	stream.indirect.scatter.add.f32 [tilespmem:s12], [sflag:$0x5], $0x1, s5, s19, $0xb8;
	[tilespmem:$0x3980] =	vst v63  }
0xb8: {  	s5 =	simm.s32 $0x1580  }
0xb9: {  	[spmem:s3] =	stream.indirect.scatter.add.f32 [tilespmem:s12], [sflag:$0x5], $0x1, s5, s19, $0xb8;
	[tilespmem:$0x3980] =	vst v63  }
0xba: {  	s5 =	simm.s32 $0x1600  }
0xbb: {  	[spmem:s3] =	stream.indirect.scatter.add.f32 [tilespmem:s12], [sflag:$0x5], $0x1, s5, s19, $0xb8;
	[tilespmem:$0x3980] =	vst v63  }
0xbc: {  	s5 =	simm.s32 $0x1680  }
0xbd: {  	[spmem:s3] =	stream.indirect.scatter.add.f32 [tilespmem:s12], [sflag:$0x5], $0x1, s5, s19, $0xb8;
	[tilespmem:$0x3980] =	vst v63  }
0xbe: {  	s5 =	simm.s32 $0x1700  }
0xbf: {  	[spmem:s3] =	stream.indirect.scatter.add.f32 [tilespmem:s12], [sflag:$0x5], $0x1, s5, s19, $0xb8;
	[tilespmem:$0x3980] =	vst v63  }
0xc0: {  	s5 =	simm.s32 $0x1780  }
0xc1: {  	[spmem:s3] =	stream.indirect.scatter.add.f32 [tilespmem:s12], [sflag:$0x5], $0x1, s5, s19, $0xb8;
	[tilespmem:$0x3980] =	vst v63  }
0xc2: {  	_ =	swait.ge [sflag:s22], $0x80  }
0xc3: {  	[sflag:s22] =	ssyncset.done $0x0  }
0xc4: {  	[sflag:s22] =	ssyncadd.s32 $0xFFFFFF80  }
0xc5: {  	_ =	swait.ge [sflag:s22], $0x80  }
0xc6: {  	[sflag:s22] =	ssyncset.done $0x0  }
0xc7: {  	[sflag:s22] =	ssyncadd.s32 $0xFFFFFF80  }
0xc8: {  	_ =	swait.ge [sflag:s22], $0x80  }
0xc9: {  	[sflag:s22] =	ssyncset.done $0x0  }
0xca: {  	[sflag:s22] =	ssyncadd.s32 $0xFFFFFF80  }
0xcb: {  	_ =	swait.ge [sflag:s22], $0x80  }
0xcc: {  	[sflag:s22] =	ssyncset.done $0x0  }
0xcd: {  	[sflag:s22] =	ssyncadd.s32 $0xFFFFFF80  }
0xce: {  	_ =	swait.ge [sflag:s22], $0x80  }
0xcf: {  	[sflag:s22] =	ssyncset.done $0x0  }
0xd0: {  	[sflag:s22] =	ssyncadd.s32 $0xFFFFFF80  }
0xd1: {  	_ =	swait.ge [sflag:s22], $0x80  }
0xd2: {  	[sflag:s22] =	ssyncset.done $0x0  }
0xd3: {  	[sflag:s22] =	ssyncadd.s32 $0xFFFFFF80  }
0xd4: {  	_ =	swait.ge [sflag:s22], $0x80  }
0xd5: {  	[sflag:s22] =	ssyncset.done $0x0  }
0xd6: {  	[sflag:s22] =	ssyncadd.s32 $0xFFFFFF80  }
0xd7: {  	_ =	swait.ge [sflag:s22], $0x80  }
0xd8: {  	[sflag:s22] =	ssyncset.done $0x0  }
0xd9: {  	[sflag:s22] =	ssyncadd.s32 $0xFFFFFF80  }
0xda: {  	_ =	swait.ge [sflag:s22], $0x80  }
0xdb: {  	[sflag:s22] =	ssyncset.done $0x0  }
0xdc: {  	[sflag:s22] =	ssyncadd.s32 $0xFFFFFF80  }
0xdd: {  	_ =	swait.ge [sflag:s22], $0x80  }
0xde: {  	[sflag:s22] =	ssyncset.done $0x0  }
0xdf: {  	[sflag:s22] =	ssyncadd.s32 $0xFFFFFF80  }
0xe0: {  	_ =	swait.ge [sflag:s22], $0x80  }
0xe1: {  	[sflag:s22] =	ssyncset.done $0x0  }
0xe2: {  	[sflag:s22] =	ssyncadd.s32 $0xFFFFFF80  }
0xe3: {  	_ =	swait.ge [sflag:s22], $0x80  }
0xe4: {  	[sflag:s22] =	ssyncset.done $0x0  }
0xe5: {  	[sflag:s22] =	ssyncadd.s32 $0xFFFFFF80  }
0xe6: {  	_ =	swait.ge [sflag:s22], $0x80  }
0xe7: {  	[sflag:s22] =	ssyncset.done $0x0  }
0xe8: {  	[sflag:s22] =	ssyncadd.s32 $0xFFFFFF80  }
0xe9: {  	_ =	swait.ge [sflag:s22], $0x80  }
0xea: {  	[sflag:s22] =	ssyncset.done $0x0  }
0xeb: {  	[sflag:s22] =	ssyncadd.s32 $0xFFFFFF80  }
0xec: {  	_ =	swait.ge [sflag:s22], $0x80  }
0xed: {  	[sflag:s22] =	ssyncset.done $0x0  }
0xee: {  	[sflag:s22] =	ssyncadd.s32 $0xFFFFFF80  }
0xef: {  	_ =	swait.ge [sflag:s22], $0x80  }
0xf0: {  	[sflag:s22] =	ssyncset.done $0x0  }
0xf1: {  	s5 =	sadd.s32 $0x500, s13;
	[sflag:s22] =	ssyncadd.s32 $0xFFFFFF80  }
0xf2: {  	[tilespmem:s16], [sflag:$0x2] =	stream.linear.gather [hbm4b:s5+s4], $0x800, $0x38;
	[tilespmem:$0x3980] =	vst v63  }
0xf3: {  	_ =	swait.ge [sflag:s23], $0x800  }
0xf4: {  	[sflag:s23] =	ssyncset.done $0x0  }
0xf5: {  	[sflag:s23] =	ssyncadd.s32 $0xFFFFF800  }
0xf6: {  	[spmem:s3] =	stream.indirect.scatter.add.f32 [tilespmem:s12], [sflag:$0x6], $0x1, s6, s19, $0xb8;
	[tilespmem:$0x3980] =	vst v63  }
0xf7: {  	s5 =	simm.s32 $0x1880  }
0xf8: {  	[spmem:s3] =	stream.indirect.scatter.add.f32 [tilespmem:s12], [sflag:$0x6], $0x1, s5, s19, $0xb8;
	[tilespmem:$0x3980] =	vst v63  }
0xf9: {  	s5 =	simm.s32 $0x1900  }
0xfa: {  	[spmem:s3] =	stream.indirect.scatter.add.f32 [tilespmem:s12], [sflag:$0x6], $0x1, s5, s19, $0xb8;
	[tilespmem:$0x3980] =	vst v63  }
0xfb: {  	s5 =	simm.s32 $0x1980  }
0xfc: {  	[spmem:s3] =	stream.indirect.scatter.add.f32 [tilespmem:s12], [sflag:$0x6], $0x1, s5, s19, $0xb8;
	[tilespmem:$0x3980] =	vst v63  }
0xfd: {  	s5 =	simm.s32 $0x1A00  }
0xfe: {  	[spmem:s3] =	stream.indirect.scatter.add.f32 [tilespmem:s12], [sflag:$0x6], $0x1, s5, s19, $0xb8;
	[tilespmem:$0x3980] =	vst v63  }
0xff: {  	s5 =	simm.s32 $0x1A80  }
0x100: {  	[spmem:s3] =	stream.indirect.scatter.add.f32 [tilespmem:s12], [sflag:$0x6], $0x1, s5, s19, $0xb8;
	[tilespmem:$0x3980] =	vst v63  }
0x101: {  	s5 =	simm.s32 $0x1B00  }
0x102: {  	[spmem:s3] =	stream.indirect.scatter.add.f32 [tilespmem:s12], [sflag:$0x6], $0x1, s5, s19, $0xb8;
	[tilespmem:$0x3980] =	vst v63  }
0x103: {  	s5 =	simm.s32 $0x1B80  }
0x104: {  	[spmem:s3] =	stream.indirect.scatter.add.f32 [tilespmem:s12], [sflag:$0x6], $0x1, s5, s19, $0xb8;
	[tilespmem:$0x3980] =	vst v63  }
0x105: {  	s5 =	simm.s32 $0x1C00  }
0x106: {  	[spmem:s3] =	stream.indirect.scatter.add.f32 [tilespmem:s12], [sflag:$0x6], $0x1, s5, s19, $0xb8;
	[tilespmem:$0x3980] =	vst v63  }
0x107: {  	s5 =	simm.s32 $0x1C80  }
0x108: {  	[spmem:s3] =	stream.indirect.scatter.add.f32 [tilespmem:s12], [sflag:$0x6], $0x1, s5, s19, $0xb8;
	[tilespmem:$0x3980] =	vst v63  }
0x109: {  	s5 =	simm.s32 $0x1D00  }
0x10a: {  	[spmem:s3] =	stream.indirect.scatter.add.f32 [tilespmem:s12], [sflag:$0x6], $0x1, s5, s19, $0xb8;
	[tilespmem:$0x3980] =	vst v63  }
0x10b: {  	s5 =	simm.s32 $0x1D80  }
0x10c: {  	[spmem:s3] =	stream.indirect.scatter.add.f32 [tilespmem:s12], [sflag:$0x6], $0x1, s5, s19, $0xb8;
	[tilespmem:$0x3980] =	vst v63  }
0x10d: {  	s5 =	simm.s32 $0x1E00  }
0x10e: {  	[spmem:s3] =	stream.indirect.scatter.add.f32 [tilespmem:s12], [sflag:$0x6], $0x1, s5, s19, $0xb8;
	[tilespmem:$0x3980] =	vst v63  }
0x10f: {  	s5 =	simm.s32 $0x1E80  }
0x110: {  	[spmem:s3] =	stream.indirect.scatter.add.f32 [tilespmem:s12], [sflag:$0x6], $0x1, s5, s19, $0xb8;
	[tilespmem:$0x3980] =	vst v63  }
0x111: {  	s5 =	simm.s32 $0x1F00  }
0x112: {  	[spmem:s3] =	stream.indirect.scatter.add.f32 [tilespmem:s12], [sflag:$0x6], $0x1, s5, s19, $0xb8;
	[tilespmem:$0x3980] =	vst v63  }
0x113: {  	s5 =	simm.s32 $0x1F80  }
0x114: {  	[spmem:s3] =	stream.indirect.scatter.add.f32 [tilespmem:s12], [sflag:$0x6], $0x1, s5, s19, $0xb8;
	[tilespmem:$0x3980] =	vst v63  }
0x115: {  	_ =	swait.ge [sflag:s28], $0x80  }
0x116: {  	[sflag:s28] =	ssyncset.done $0x0  }
0x117: {  	[sflag:s28] =	ssyncadd.s32 $0xFFFFFF80  }
0x118: {  	_ =	swait.ge [sflag:s28], $0x80  }
0x119: {  	[sflag:s28] =	ssyncset.done $0x0  }
0x11a: {  	[sflag:s28] =	ssyncadd.s32 $0xFFFFFF80  }
0x11b: {  	_ =	swait.ge [sflag:s28], $0x80  }
0x11c: {  	[sflag:s28] =	ssyncset.done $0x0  }
0x11d: {  	[sflag:s28] =	ssyncadd.s32 $0xFFFFFF80  }
0x11e: {  	_ =	swait.ge [sflag:s28], $0x80  }
0x11f: {  	[sflag:s28] =	ssyncset.done $0x0  }
0x120: {  	[sflag:s28] =	ssyncadd.s32 $0xFFFFFF80  }
0x121: {  	_ =	swait.ge [sflag:s28], $0x80  }
0x122: {  	[sflag:s28] =	ssyncset.done $0x0  }
0x123: {  	[sflag:s28] =	ssyncadd.s32 $0xFFFFFF80  }
0x124: {  	_ =	swait.ge [sflag:s28], $0x80  }
0x125: {  	[sflag:s28] =	ssyncset.done $0x0  }
0x126: {  	[sflag:s28] =	ssyncadd.s32 $0xFFFFFF80  }
0x127: {  	_ =	swait.ge [sflag:s28], $0x80  }
0x128: {  	[sflag:s28] =	ssyncset.done $0x0  }
0x129: {  	[sflag:s28] =	ssyncadd.s32 $0xFFFFFF80  }
0x12a: {  	_ =	swait.ge [sflag:s28], $0x80  }
0x12b: {  	[sflag:s28] =	ssyncset.done $0x0  }
0x12c: {  	[sflag:s28] =	ssyncadd.s32 $0xFFFFFF80  }
0x12d: {  	_ =	swait.ge [sflag:s28], $0x80  }
0x12e: {  	[sflag:s28] =	ssyncset.done $0x0  }
0x12f: {  	[sflag:s28] =	ssyncadd.s32 $0xFFFFFF80  }
0x130: {  	_ =	swait.ge [sflag:s28], $0x80  }
0x131: {  	[sflag:s28] =	ssyncset.done $0x0  }
0x132: {  	[sflag:s28] =	ssyncadd.s32 $0xFFFFFF80  }
0x133: {  	_ =	swait.ge [sflag:s28], $0x80  }
0x134: {  	[sflag:s28] =	ssyncset.done $0x0  }
0x135: {  	[sflag:s28] =	ssyncadd.s32 $0xFFFFFF80  }
0x136: {  	_ =	swait.ge [sflag:s28], $0x80  }
0x137: {  	[sflag:s28] =	ssyncset.done $0x0  }
0x138: {  	[sflag:s28] =	ssyncadd.s32 $0xFFFFFF80  }
0x139: {  	_ =	swait.ge [sflag:s28], $0x80  }
0x13a: {  	[sflag:s28] =	ssyncset.done $0x0  }
0x13b: {  	[sflag:s28] =	ssyncadd.s32 $0xFFFFFF80  }
0x13c: {  	_ =	swait.ge [sflag:s28], $0x80  }
0x13d: {  	[sflag:s28] =	ssyncset.done $0x0  }
0x13e: {  	[sflag:s28] =	ssyncadd.s32 $0xFFFFFF80  }
0x13f: {  	_ =	swait.ge [sflag:s28], $0x80  }
0x140: {  	[sflag:s28] =	ssyncset.done $0x0  }
0x141: {  	[sflag:s28] =	ssyncadd.s32 $0xFFFFFF80  }
0x142: {  	_ =	swait.ge [sflag:s28], $0x80  }
0x143: {  	[sflag:s28] =	ssyncset.done $0x0  }
0x144: {  	s5 =	sadd.s32 $0x600, s13;
	[sflag:s28] =	ssyncadd.s32 $0xFFFFFF80  }
0x145: {  	[tilespmem:s17], [sflag:$0x3] =	stream.linear.gather [hbm4b:s5+s4], $0x800, $0x38;
	[tilespmem:$0x3980] =	vst v63  }
0x146: {  	_ =	swait.ge [sflag:s18], $0x800  }
0x147: {  	[sflag:s18] =	ssyncset.done $0x0  }
0x148: {  	[sflag:s18] =	ssyncadd.s32 $0xFFFFF800  }
0x149: {  	[spmem:s3] =	stream.indirect.scatter.add.f32 [tilespmem:s12], [sflag:$0x5], $0x1, s4, s19, $0xb8;
	[tilespmem:$0x3980] =	vst v63  }
0x14a: {  	_ = 	snop  }
0x14b: {  	[spmem:s3] =	stream.indirect.scatter.add.f32 [tilespmem:s12], [sflag:$0x5], $0x1, s19, s19, $0xb8;
	[tilespmem:$0x3980] =	vst v63  }
0x14c: {  	_ = 	snop  }
0x14d: {  	[spmem:s3] =	stream.indirect.scatter.add.f32 [tilespmem:s12], [sflag:$0x5], $0x1, s21, s19, $0xb8;
	[tilespmem:$0x3980] =	vst v63  }
0x14e: {  	_ = 	snop  }
0x14f: {  	[spmem:s3] =	stream.indirect.scatter.add.f32 [tilespmem:s12], [sflag:$0x5], $0x1, s11, s19, $0xb8;
	[tilespmem:$0x3980] =	vst v63  }
0x150: {  	_ = 	snop  }
0x151: {  	[spmem:s3] =	stream.indirect.scatter.add.f32 [tilespmem:s12], [sflag:$0x5], $0x1, s14, s19, $0xb8;
	[tilespmem:$0x3980] =	vst v63  }
0x152: {  	_ = 	snop  }
0x153: {  	[spmem:s3] =	stream.indirect.scatter.add.f32 [tilespmem:s12], [sflag:$0x5], $0x1, s15, s19, $0xb8;
	[tilespmem:$0x3980] =	vst v63  }
0x154: {  	_ = 	snop  }
0x155: {  	[spmem:s3] =	stream.indirect.scatter.add.f32 [tilespmem:s12], [sflag:$0x5], $0x1, s24, s19, $0xb8;
	[tilespmem:$0x3980] =	vst v63  }
0x156: {  	_ = 	snop  }
0x157: {  	[spmem:s3] =	stream.indirect.scatter.add.f32 [tilespmem:s12], [sflag:$0x5], $0x1, s25, s19, $0xb8;
	[tilespmem:$0x3980] =	vst v63  }
0x158: {  	_ = 	snop  }
0x159: {  	[spmem:s3] =	stream.indirect.scatter.add.f32 [tilespmem:s12], [sflag:$0x5], $0x1, s26, s19, $0xb8;
	[tilespmem:$0x3980] =	vst v63  }
0x15a: {  	_ = 	snop  }
0x15b: {  	[spmem:s3] =	stream.indirect.scatter.add.f32 [tilespmem:s12], [sflag:$0x5], $0x1, s30, s19, $0xb8;
	[tilespmem:$0x3980] =	vst v63  }
0x15c: {  	s15 =	simm.s32 $0x500  }
0x15d: {  	[spmem:s3] =	stream.indirect.scatter.add.f32 [tilespmem:s12], [sflag:$0x5], $0x1, s15, s19, $0xb8;
	[tilespmem:$0x3980] =	vst v63  }
0x15e: {  	s20 =	simm.s32 $0x580  }
0x15f: {  	[spmem:s3] =	stream.indirect.scatter.add.f32 [tilespmem:s12], [sflag:$0x5], $0x1, s20, s19, $0xb8;
	[tilespmem:$0x3980] =	vst v63  }
0x160: {  	s21 =	simm.s32 $0x600  }
0x161: {  	[spmem:s3] =	stream.indirect.scatter.add.f32 [tilespmem:s12], [sflag:$0x5], $0x1, s21, s19, $0xb8;
	[tilespmem:$0x3980] =	vst v63  }
0x162: {  	s24 =	simm.s32 $0x680  }
0x163: {  	[spmem:s3] =	stream.indirect.scatter.add.f32 [tilespmem:s12], [sflag:$0x5], $0x1, s24, s19, $0xb8;
	[tilespmem:$0x3980] =	vst v63  }
0x164: {  	s25 =	simm.s32 $0x700  }
0x165: {  	[spmem:s3] =	stream.indirect.scatter.add.f32 [tilespmem:s12], [sflag:$0x5], $0x1, s25, s19, $0xb8;
	[tilespmem:$0x3980] =	vst v63  }
0x166: {  	s26 =	simm.s32 $0x780  }
0x167: {  	[spmem:s3] =	stream.indirect.scatter.add.f32 [tilespmem:s12], [sflag:$0x5], $0x1, s26, s19, $0xb8;
	[tilespmem:$0x3980] =	vst v63  }
0x168: {  	_ =	swait.ge [sflag:s22], $0x80  }
0x169: {  	[sflag:s22] =	ssyncset.done $0x0  }
0x16a: {  	[sflag:s22] =	ssyncadd.s32 $0xFFFFFF80  }
0x16b: {  	_ =	swait.ge [sflag:s22], $0x80  }
0x16c: {  	[sflag:s22] =	ssyncset.done $0x0  }
0x16d: {  	[sflag:s22] =	ssyncadd.s32 $0xFFFFFF80  }
0x16e: {  	_ =	swait.ge [sflag:s22], $0x80  }
0x16f: {  	[sflag:s22] =	ssyncset.done $0x0  }
0x170: {  	[sflag:s22] =	ssyncadd.s32 $0xFFFFFF80  }
0x171: {  	_ =	swait.ge [sflag:s22], $0x80  }
0x172: {  	[sflag:s22] =	ssyncset.done $0x0  }
0x173: {  	[sflag:s22] =	ssyncadd.s32 $0xFFFFFF80  }
0x174: {  	_ =	swait.ge [sflag:s22], $0x80  }
0x175: {  	[sflag:s22] =	ssyncset.done $0x0  }
0x176: {  	[sflag:s22] =	ssyncadd.s32 $0xFFFFFF80  }
0x177: {  	_ =	swait.ge [sflag:s22], $0x80  }
0x178: {  	[sflag:s22] =	ssyncset.done $0x0  }
0x179: {  	[sflag:s22] =	ssyncadd.s32 $0xFFFFFF80  }
0x17a: {  	_ =	swait.ge [sflag:s22], $0x80  }
0x17b: {  	[sflag:s22] =	ssyncset.done $0x0  }
0x17c: {  	[sflag:s22] =	ssyncadd.s32 $0xFFFFFF80  }
0x17d: {  	_ =	swait.ge [sflag:s22], $0x80  }
0x17e: {  	[sflag:s22] =	ssyncset.done $0x0  }
0x17f: {  	[sflag:s22] =	ssyncadd.s32 $0xFFFFFF80  }
0x180: {  	_ =	swait.ge [sflag:s22], $0x80  }
0x181: {  	[sflag:s22] =	ssyncset.done $0x0  }
0x182: {  	[sflag:s22] =	ssyncadd.s32 $0xFFFFFF80  }
0x183: {  	_ =	swait.ge [sflag:s22], $0x80  }
0x184: {  	[sflag:s22] =	ssyncset.done $0x0  }
0x185: {  	[sflag:s22] =	ssyncadd.s32 $0xFFFFFF80  }
0x186: {  	_ =	swait.ge [sflag:s22], $0x80  }
0x187: {  	[sflag:s22] =	ssyncset.done $0x0  }
0x188: {  	[sflag:s22] =	ssyncadd.s32 $0xFFFFFF80  }
0x189: {  	_ =	swait.ge [sflag:s22], $0x80  }
0x18a: {  	[sflag:s22] =	ssyncset.done $0x0  }
0x18b: {  	[sflag:s22] =	ssyncadd.s32 $0xFFFFFF80  }
0x18c: {  	_ =	swait.ge [sflag:s22], $0x80  }
0x18d: {  	[sflag:s22] =	ssyncset.done $0x0  }
0x18e: {  	[sflag:s22] =	ssyncadd.s32 $0xFFFFFF80  }
0x18f: {  	_ =	swait.ge [sflag:s22], $0x80  }
0x190: {  	[sflag:s22] =	ssyncset.done $0x0  }
0x191: {  	[sflag:s22] =	ssyncadd.s32 $0xFFFFFF80  }
0x192: {  	_ =	swait.ge [sflag:s22], $0x80  }
0x193: {  	[sflag:s22] =	ssyncset.done $0x0  }
0x194: {  	[sflag:s22] =	ssyncadd.s32 $0xFFFFFF80  }
0x195: {  	_ =	swait.ge [sflag:s22], $0x80  }
0x196: {  	[sflag:s22] =	ssyncset.done $0x0  }
0x197: {  	s13 =	sadd.s32 $0x700, s13;
	[sflag:s22] =	ssyncadd.s32 $0xFFFFFF80  }
0x198: {  	[tilespmem:s6], [sflag:$0x4] =	stream.linear.gather [hbm4b:s13+s4], $0x800, $0x38;
	[tilespmem:$0x3980] =	vst v63  }
0x199: {  	_ =	swait.ge [sflag:s7], $0x800  }
0x19a: {  	[sflag:s7] =	ssyncset.done $0x0  }
0x19b: {  	[sflag:s7] =	ssyncadd.s32 $0xFFFFF800  }
0x19c: {  	[spmem:s3] =	stream.indirect.scatter.add.f32 [tilespmem:s12], [sflag:$0x6], $0x1, s16, s19, $0xb8;
	[tilespmem:$0x3980] =	vst v63  }
0x19d: {  	_ = 	snop  }
0x19e: {  	[spmem:s3] =	stream.indirect.scatter.add.f32 [tilespmem:s12], [sflag:$0x6], $0x1, s0, s19, $0xb8;
	[tilespmem:$0x3980] =	vst v63  }
0x19f: {  	_ = 	snop  }
0x1a0: {  	[spmem:s3] =	stream.indirect.scatter.add.f32 [tilespmem:s12], [sflag:$0x6], $0x1, s1, s19, $0xb8;
	[tilespmem:$0x3980] =	vst v63  }
0x1a1: {  	_ = 	snop  }
0x1a2: {  	[spmem:s3] =	stream.indirect.scatter.add.f32 [tilespmem:s12], [sflag:$0x6], $0x1, s2, s19, $0xb8;
	[tilespmem:$0x3980] =	vst v63  }
0x1a3: {  	_ = 	snop  }
0x1a4: {  	[spmem:s3] =	stream.indirect.scatter.add.f32 [tilespmem:s12], [sflag:$0x6], $0x1, s8, s19, $0xb8;
	[tilespmem:$0x3980] =	vst v63  }
0x1a5: {  	_ = 	snop  }
0x1a6: {  	[spmem:s3] =	stream.indirect.scatter.add.f32 [tilespmem:s12], [sflag:$0x6], $0x1, s9, s19, $0xb8;
	[tilespmem:$0x3980] =	vst v63  }
0x1a7: {  	_ = 	snop  }
0x1a8: {  	[spmem:s3] =	stream.indirect.scatter.add.f32 [tilespmem:s12], [sflag:$0x6], $0x1, s10, s19, $0xb8;
	[tilespmem:$0x3980] =	vst v63  }
0x1a9: {  	s5 =	simm.s32 $0x880;
	s11 =	simm.s32 $0x780  }
0x1aa: {  	[spmem:s3] =	stream.indirect.scatter.add.f32 [tilespmem:s12], [sflag:$0x6], $0x1, s31, s19, $0xb8;
	[tilespmem:$0x3980] =	vst v63  }
0x1ab: {  	s14 =	simm.s32 $0x900;
	s30 =	simm.s32 $0xB80;
	s2 =	simm.s32 $0xC00  }
0x1ac: {  	[spmem:s3] =	stream.indirect.scatter.add.f32 [tilespmem:s12], [sflag:$0x6], $0x1, s2, s19, $0xb8;
	[tilespmem:$0x3980] =	vst v63  }
0x1ad: {  	s15 =	simm.s32 $0x980;
	s20 =	simm.s32 $0xE80;
	s8 =	simm.s32 $0xC80  }
0x1ae: {  	[spmem:s3] =	stream.indirect.scatter.add.f32 [tilespmem:s12], [sflag:$0x6], $0x1, s8, s19, $0xb8;
	[tilespmem:$0x3980] =	vst v63  }
0x1af: {  	s21 =	simm.s32 $0xF00;
	s24 =	simm.s32 $0xA00;
	s9 =	simm.s32 $0xD00  }
0x1b0: {  	[spmem:s3] =	stream.indirect.scatter.add.f32 [tilespmem:s12], [sflag:$0x6], $0x1, s9, s19, $0xb8;
	[tilespmem:$0x3980] =	vst v63  }
0x1b1: {  	s25 =	simm.s32 $0xA80;
	s26 =	simm.s32 $0xB00;
	s10 =	simm.s32 $0xD80  }
0x1b2: {  	[spmem:s3] =	stream.indirect.scatter.add.f32 [tilespmem:s12], [sflag:$0x6], $0x1, s10, s19, $0xb8;
	[tilespmem:$0x3980] =	vst v63  }
0x1b3: {  	s13 =	simm.s32 $0xE00;
	s0 =	simm.s32 $0xD00;
	s1 =	simm.s32 $0xD80  }
0x1b4: {  	[spmem:s3] =	stream.indirect.scatter.add.f32 [tilespmem:s12], [sflag:$0x6], $0x1, s13, s19, $0xb8;
	[tilespmem:$0x3980] =	vst v63  }
0x1b5: {  	s31 =	simm.s32 $0xC00;
	s2 =	simm.s32 $0xC80;
	s8 =	simm.s32 $0xE00  }
0x1b6: {  	[spmem:s3] =	stream.indirect.scatter.add.f32 [tilespmem:s12], [sflag:$0x6], $0x1, s20, s19, $0xb8;
	[tilespmem:$0x3980] =	vst v63  }
0x1b7: {  	s9 =	simm.s32 $0xE80;
	s10 =	simm.s32 $0xF00;
	s13 =	simm.s32 $0x400  }
0x1b8: {  	[spmem:s3] =	stream.indirect.scatter.add.f32 [tilespmem:s12], [sflag:$0x6], $0x1, s21, s19, $0xb8;
	[tilespmem:$0x3980] =	vst v63  }
.LBB2_2:
0x1b9: {  	s20 =	simm.s32 $0xF80  }
0x1ba: {  	[spmem:s3] =	stream.indirect.scatter.add.f32 [tilespmem:s12], [sflag:$0x6], $0x1, s20, s19, $0xb8;
	[tilespmem:$0x3980] =	vst v63  }
0x1bb: {  	_ =	swait.ge [sflag:s28], $0x80  }
0x1bc: {  	[sflag:s28] =	ssyncset.done $0x0  }
0x1bd: {  	[sflag:s28] =	ssyncadd.s32 $0xFFFFFF80  }
0x1be: {  	_ =	swait.ge [sflag:s28], $0x80  }
0x1bf: {  	[sflag:s28] =	ssyncset.done $0x0  }
0x1c0: {  	[sflag:s28] =	ssyncadd.s32 $0xFFFFFF80  }
0x1c1: {  	_ =	swait.ge [sflag:s28], $0x80  }
0x1c2: {  	[sflag:s28] =	ssyncset.done $0x0  }
0x1c3: {  	[sflag:s28] =	ssyncadd.s32 $0xFFFFFF80  }
0x1c4: {  	_ =	swait.ge [sflag:s28], $0x80  }
0x1c5: {  	[sflag:s28] =	ssyncset.done $0x0  }
0x1c6: {  	[sflag:s28] =	ssyncadd.s32 $0xFFFFFF80  }
0x1c7: {  	_ =	swait.ge [sflag:s28], $0x80  }
0x1c8: {  	[sflag:s28] =	ssyncset.done $0x0  }
0x1c9: {  	[sflag:s28] =	ssyncadd.s32 $0xFFFFFF80  }
0x1ca: {  	_ =	swait.ge [sflag:s28], $0x80  }
0x1cb: {  	[sflag:s28] =	ssyncset.done $0x0  }
0x1cc: {  	[sflag:s28] =	ssyncadd.s32 $0xFFFFFF80  }
0x1cd: {  	_ =	swait.ge [sflag:s28], $0x80  }
0x1ce: {  	[sflag:s28] =	ssyncset.done $0x0  }
0x1cf: {  	[sflag:s28] =	ssyncadd.s32 $0xFFFFFF80  }
0x1d0: {  	_ =	swait.ge [sflag:s28], $0x80  }
0x1d1: {  	[sflag:s28] =	ssyncset.done $0x0  }
0x1d2: {  	[sflag:s28] =	ssyncadd.s32 $0xFFFFFF80  }
0x1d3: {  	_ =	swait.ge [sflag:s28], $0x80  }
0x1d4: {  	[sflag:s28] =	ssyncset.done $0x0  }
0x1d5: {  	[sflag:s28] =	ssyncadd.s32 $0xFFFFFF80  }
0x1d6: {  	_ =	swait.ge [sflag:s28], $0x80  }
0x1d7: {  	[sflag:s28] =	ssyncset.done $0x0  }
0x1d8: {  	[sflag:s28] =	ssyncadd.s32 $0xFFFFFF80  }
0x1d9: {  	_ =	swait.ge [sflag:s28], $0x80  }
0x1da: {  	[sflag:s28] =	ssyncset.done $0x0  }
0x1db: {  	[sflag:s28] =	ssyncadd.s32 $0xFFFFFF80  }
0x1dc: {  	_ =	swait.ge [sflag:s28], $0x80  }
0x1dd: {  	[sflag:s28] =	ssyncset.done $0x0  }
0x1de: {  	[sflag:s28] =	ssyncadd.s32 $0xFFFFFF80  }
0x1df: {  	_ =	swait.ge [sflag:s28], $0x80  }
0x1e0: {  	[sflag:s28] =	ssyncset.done $0x0  }
0x1e1: {  	[sflag:s28] =	ssyncadd.s32 $0xFFFFFF80  }
0x1e2: {  	_ =	swait.ge [sflag:s28], $0x80  }
0x1e3: {  	[sflag:s28] =	ssyncset.done $0x0  }
0x1e4: {  	[sflag:s28] =	ssyncadd.s32 $0xFFFFFF80  }
0x1e5: {  	_ =	swait.ge [sflag:s28], $0x80  }
0x1e6: {  	[sflag:s28] =	ssyncset.done $0x0  }
0x1e7: {  	[sflag:s28] =	ssyncadd.s32 $0xFFFFFF80  }
0x1e8: {  	_ =	swait.ge [sflag:s28], $0x80  }
0x1e9: {  	s20 =	smov.u32 s13;
	s21 =	rddreg [dreg:$0x6]  }
0x1ea: {  	[sflag:s28] =	ssyncset.done $0x0;
	s20 =	sadd.s32 s20, s21  }
0x1eb: {  	[sflag:s28] =	ssyncadd.s32 $0xFFFFFF80;
	s21 =	sadd.s32 $0x400, s20  }
0x1ec: {  	[tilespmem:s4], [sflag:$0x1] =	stream.linear.gather [hbm4b:s21+s4], $0x800, $0x38;
	[tilespmem:$0x3980] =	vst v63  }
0x1ed: {  	_ =	swait.ge [sflag:s29], $0x800  }
0x1ee: {  	[sflag:s29] =	ssyncset.done $0x0  }
0x1ef: {  	[sflag:s29] =	ssyncadd.s32 $0xFFFFF800  }
0x1f0: {  	[spmem:s3] =	stream.indirect.scatter.add.f32 [tilespmem:s12], [sflag:$0x5], $0x1, s17, s19, $0xb8;
	[tilespmem:$0x3980] =	vst v63  }
0x1f1: {  	s21 =	simm.s32 $0x1080  }
0x1f2: {  	[spmem:s3] =	stream.indirect.scatter.add.f32 [tilespmem:s12], [sflag:$0x5], $0x1, s21, s19, $0xb8;
	[tilespmem:$0x3980] =	vst v63  }
0x1f3: {  	s21 =	simm.s32 $0x1100  }
0x1f4: {  	[spmem:s3] =	stream.indirect.scatter.add.f32 [tilespmem:s12], [sflag:$0x5], $0x1, s21, s19, $0xb8;
	[tilespmem:$0x3980] =	vst v63  }
0x1f5: {  	s21 =	simm.s32 $0x1180  }
0x1f6: {  	[spmem:s3] =	stream.indirect.scatter.add.f32 [tilespmem:s12], [sflag:$0x5], $0x1, s21, s19, $0xb8;
	[tilespmem:$0x3980] =	vst v63  }
0x1f7: {  	s21 =	simm.s32 $0x1200  }
0x1f8: {  	[spmem:s3] =	stream.indirect.scatter.add.f32 [tilespmem:s12], [sflag:$0x5], $0x1, s21, s19, $0xb8;
	[tilespmem:$0x3980] =	vst v63  }
0x1f9: {  	s21 =	simm.s32 $0x1280  }
0x1fa: {  	[spmem:s3] =	stream.indirect.scatter.add.f32 [tilespmem:s12], [sflag:$0x5], $0x1, s21, s19, $0xb8;
	[tilespmem:$0x3980] =	vst v63  }
0x1fb: {  	s21 =	simm.s32 $0x1300  }
0x1fc: {  	[spmem:s3] =	stream.indirect.scatter.add.f32 [tilespmem:s12], [sflag:$0x5], $0x1, s21, s19, $0xb8;
	[tilespmem:$0x3980] =	vst v63  }
0x1fd: {  	s21 =	simm.s32 $0x1380  }
0x1fe: {  	[spmem:s3] =	stream.indirect.scatter.add.f32 [tilespmem:s12], [sflag:$0x5], $0x1, s21, s19, $0xb8;
	[tilespmem:$0x3980] =	vst v63  }
0x1ff: {  	s21 =	simm.s32 $0x1400  }
0x200: {  	[spmem:s3] =	stream.indirect.scatter.add.f32 [tilespmem:s12], [sflag:$0x5], $0x1, s21, s19, $0xb8;
	[tilespmem:$0x3980] =	vst v63  }
0x201: {  	s21 =	simm.s32 $0x1480  }
0x202: {  	[spmem:s3] =	stream.indirect.scatter.add.f32 [tilespmem:s12], [sflag:$0x5], $0x1, s21, s19, $0xb8;
	[tilespmem:$0x3980] =	vst v63  }
0x203: {  	s21 =	simm.s32 $0x1500  }
0x204: {  	[spmem:s3] =	stream.indirect.scatter.add.f32 [tilespmem:s12], [sflag:$0x5], $0x1, s21, s19, $0xb8;
	[tilespmem:$0x3980] =	vst v63  }
0x205: {  	s21 =	simm.s32 $0x1580  }
0x206: {  	[spmem:s3] =	stream.indirect.scatter.add.f32 [tilespmem:s12], [sflag:$0x5], $0x1, s21, s19, $0xb8;
	[tilespmem:$0x3980] =	vst v63  }
0x207: {  	s21 =	simm.s32 $0x1600  }
0x208: {  	[spmem:s3] =	stream.indirect.scatter.add.f32 [tilespmem:s12], [sflag:$0x5], $0x1, s21, s19, $0xb8;
	[tilespmem:$0x3980] =	vst v63  }
0x209: {  	s21 =	simm.s32 $0x1680  }
0x20a: {  	[spmem:s3] =	stream.indirect.scatter.add.f32 [tilespmem:s12], [sflag:$0x5], $0x1, s21, s19, $0xb8;
	[tilespmem:$0x3980] =	vst v63  }
0x20b: {  	s21 =	simm.s32 $0x1700  }
0x20c: {  	[spmem:s3] =	stream.indirect.scatter.add.f32 [tilespmem:s12], [sflag:$0x5], $0x1, s21, s19, $0xb8;
	[tilespmem:$0x3980] =	vst v63  }
0x20d: {  	s21 =	simm.s32 $0x1780  }
0x20e: {  	[spmem:s3] =	stream.indirect.scatter.add.f32 [tilespmem:s12], [sflag:$0x5], $0x1, s21, s19, $0xb8;
	[tilespmem:$0x3980] =	vst v63  }
0x20f: {  	_ =	swait.ge [sflag:s22], $0x80  }
0x210: {  	[sflag:s22] =	ssyncset.done $0x0  }
0x211: {  	[sflag:s22] =	ssyncadd.s32 $0xFFFFFF80  }
0x212: {  	_ =	swait.ge [sflag:s22], $0x80  }
0x213: {  	[sflag:s22] =	ssyncset.done $0x0  }
0x214: {  	[sflag:s22] =	ssyncadd.s32 $0xFFFFFF80  }
0x215: {  	_ =	swait.ge [sflag:s22], $0x80  }
0x216: {  	[sflag:s22] =	ssyncset.done $0x0  }
0x217: {  	[sflag:s22] =	ssyncadd.s32 $0xFFFFFF80  }
0x218: {  	_ =	swait.ge [sflag:s22], $0x80  }
0x219: {  	[sflag:s22] =	ssyncset.done $0x0  }
0x21a: {  	[sflag:s22] =	ssyncadd.s32 $0xFFFFFF80  }
0x21b: {  	_ =	swait.ge [sflag:s22], $0x80  }
0x21c: {  	[sflag:s22] =	ssyncset.done $0x0  }
0x21d: {  	[sflag:s22] =	ssyncadd.s32 $0xFFFFFF80  }
0x21e: {  	_ =	swait.ge [sflag:s22], $0x80  }
0x21f: {  	[sflag:s22] =	ssyncset.done $0x0  }
0x220: {  	[sflag:s22] =	ssyncadd.s32 $0xFFFFFF80  }
0x221: {  	_ =	swait.ge [sflag:s22], $0x80  }
0x222: {  	[sflag:s22] =	ssyncset.done $0x0  }
0x223: {  	[sflag:s22] =	ssyncadd.s32 $0xFFFFFF80  }
0x224: {  	_ =	swait.ge [sflag:s22], $0x80  }
0x225: {  	[sflag:s22] =	ssyncset.done $0x0  }
0x226: {  	[sflag:s22] =	ssyncadd.s32 $0xFFFFFF80  }
0x227: {  	_ =	swait.ge [sflag:s22], $0x80  }
0x228: {  	[sflag:s22] =	ssyncset.done $0x0  }
0x229: {  	[sflag:s22] =	ssyncadd.s32 $0xFFFFFF80  }
0x22a: {  	_ =	swait.ge [sflag:s22], $0x80  }
0x22b: {  	[sflag:s22] =	ssyncset.done $0x0  }
0x22c: {  	[sflag:s22] =	ssyncadd.s32 $0xFFFFFF80  }
0x22d: {  	_ =	swait.ge [sflag:s22], $0x80  }
0x22e: {  	[sflag:s22] =	ssyncset.done $0x0  }
0x22f: {  	[sflag:s22] =	ssyncadd.s32 $0xFFFFFF80  }
0x230: {  	_ =	swait.ge [sflag:s22], $0x80  }
0x231: {  	[sflag:s22] =	ssyncset.done $0x0  }
0x232: {  	[sflag:s22] =	ssyncadd.s32 $0xFFFFFF80  }
0x233: {  	_ =	swait.ge [sflag:s22], $0x80  }
0x234: {  	[sflag:s22] =	ssyncset.done $0x0  }
0x235: {  	[sflag:s22] =	ssyncadd.s32 $0xFFFFFF80  }
0x236: {  	_ =	swait.ge [sflag:s22], $0x80  }
0x237: {  	[sflag:s22] =	ssyncset.done $0x0  }
0x238: {  	[sflag:s22] =	ssyncadd.s32 $0xFFFFFF80  }
0x239: {  	_ =	swait.ge [sflag:s22], $0x80  }
0x23a: {  	[sflag:s22] =	ssyncset.done $0x0  }
0x23b: {  	[sflag:s22] =	ssyncadd.s32 $0xFFFFFF80  }
0x23c: {  	_ =	swait.ge [sflag:s22], $0x80  }
0x23d: {  	[sflag:s22] =	ssyncset.done $0x0  }
0x23e: {  	s21 =	sadd.s32 $0x500, s20;
	[sflag:s22] =	ssyncadd.s32 $0xFFFFFF80  }
0x23f: {  	[tilespmem:s16], [sflag:$0x2] =	stream.linear.gather [hbm4b:s21+s4], $0x800, $0x38;
	[tilespmem:$0x3980] =	vst v63  }
0x240: {  	_ =	swait.ge [sflag:s23], $0x800  }
0x241: {  	[sflag:s23] =	ssyncset.done $0x0  }
0x242: {  	[sflag:s23] =	ssyncadd.s32 $0xFFFFF800  }
0x243: {  	[spmem:s3] =	stream.indirect.scatter.add.f32 [tilespmem:s12], [sflag:$0x6], $0x1, s6, s19, $0xb8;
	[tilespmem:$0x3980] =	vst v63  }
0x244: {  	s21 =	simm.s32 $0x1880  }
0x245: {  	[spmem:s3] =	stream.indirect.scatter.add.f32 [tilespmem:s12], [sflag:$0x6], $0x1, s21, s19, $0xb8;
	[tilespmem:$0x3980] =	vst v63  }
0x246: {  	s21 =	simm.s32 $0x1900  }
0x247: {  	[spmem:s3] =	stream.indirect.scatter.add.f32 [tilespmem:s12], [sflag:$0x6], $0x1, s21, s19, $0xb8;
	[tilespmem:$0x3980] =	vst v63  }
0x248: {  	s21 =	simm.s32 $0x1980  }
0x249: {  	[spmem:s3] =	stream.indirect.scatter.add.f32 [tilespmem:s12], [sflag:$0x6], $0x1, s21, s19, $0xb8;
	[tilespmem:$0x3980] =	vst v63  }
0x24a: {  	s21 =	simm.s32 $0x1A00  }
0x24b: {  	[spmem:s3] =	stream.indirect.scatter.add.f32 [tilespmem:s12], [sflag:$0x6], $0x1, s21, s19, $0xb8;
	[tilespmem:$0x3980] =	vst v63  }
0x24c: {  	s21 =	simm.s32 $0x1A80  }
0x24d: {  	[spmem:s3] =	stream.indirect.scatter.add.f32 [tilespmem:s12], [sflag:$0x6], $0x1, s21, s19, $0xb8;
	[tilespmem:$0x3980] =	vst v63  }
0x24e: {  	s21 =	simm.s32 $0x1B00  }
0x24f: {  	[spmem:s3] =	stream.indirect.scatter.add.f32 [tilespmem:s12], [sflag:$0x6], $0x1, s21, s19, $0xb8;
	[tilespmem:$0x3980] =	vst v63  }
0x250: {  	s21 =	simm.s32 $0x1B80  }
0x251: {  	[spmem:s3] =	stream.indirect.scatter.add.f32 [tilespmem:s12], [sflag:$0x6], $0x1, s21, s19, $0xb8;
	[tilespmem:$0x3980] =	vst v63  }
0x252: {  	s21 =	simm.s32 $0x1C00  }
0x253: {  	[spmem:s3] =	stream.indirect.scatter.add.f32 [tilespmem:s12], [sflag:$0x6], $0x1, s21, s19, $0xb8;
	[tilespmem:$0x3980] =	vst v63  }
0x254: {  	s21 =	simm.s32 $0x1C80  }
0x255: {  	[spmem:s3] =	stream.indirect.scatter.add.f32 [tilespmem:s12], [sflag:$0x6], $0x1, s21, s19, $0xb8;
	[tilespmem:$0x3980] =	vst v63  }
0x256: {  	s21 =	simm.s32 $0x1D00  }
0x257: {  	[spmem:s3] =	stream.indirect.scatter.add.f32 [tilespmem:s12], [sflag:$0x6], $0x1, s21, s19, $0xb8;
	[tilespmem:$0x3980] =	vst v63  }
0x258: {  	s21 =	simm.s32 $0x1D80  }
0x259: {  	[spmem:s3] =	stream.indirect.scatter.add.f32 [tilespmem:s12], [sflag:$0x6], $0x1, s21, s19, $0xb8;
	[tilespmem:$0x3980] =	vst v63  }
0x25a: {  	s21 =	simm.s32 $0x1E00  }
0x25b: {  	[spmem:s3] =	stream.indirect.scatter.add.f32 [tilespmem:s12], [sflag:$0x6], $0x1, s21, s19, $0xb8;
	[tilespmem:$0x3980] =	vst v63  }
0x25c: {  	s21 =	simm.s32 $0x1E80  }
0x25d: {  	[spmem:s3] =	stream.indirect.scatter.add.f32 [tilespmem:s12], [sflag:$0x6], $0x1, s21, s19, $0xb8;
	[tilespmem:$0x3980] =	vst v63  }
0x25e: {  	s21 =	simm.s32 $0x1F00  }
0x25f: {  	[spmem:s3] =	stream.indirect.scatter.add.f32 [tilespmem:s12], [sflag:$0x6], $0x1, s21, s19, $0xb8;
	[tilespmem:$0x3980] =	vst v63  }
0x260: {  	s21 =	simm.s32 $0x1F80  }
0x261: {  	[spmem:s3] =	stream.indirect.scatter.add.f32 [tilespmem:s12], [sflag:$0x6], $0x1, s21, s19, $0xb8;
	[tilespmem:$0x3980] =	vst v63  }
0x262: {  	_ =	swait.ge [sflag:s28], $0x80  }
0x263: {  	[sflag:s28] =	ssyncset.done $0x0  }
0x264: {  	[sflag:s28] =	ssyncadd.s32 $0xFFFFFF80  }
0x265: {  	_ =	swait.ge [sflag:s28], $0x80  }
0x266: {  	[sflag:s28] =	ssyncset.done $0x0  }
0x267: {  	[sflag:s28] =	ssyncadd.s32 $0xFFFFFF80  }
0x268: {  	_ =	swait.ge [sflag:s28], $0x80  }
0x269: {  	[sflag:s28] =	ssyncset.done $0x0  }
0x26a: {  	[sflag:s28] =	ssyncadd.s32 $0xFFFFFF80  }
0x26b: {  	_ =	swait.ge [sflag:s28], $0x80  }
0x26c: {  	[sflag:s28] =	ssyncset.done $0x0  }
0x26d: {  	[sflag:s28] =	ssyncadd.s32 $0xFFFFFF80  }
0x26e: {  	_ =	swait.ge [sflag:s28], $0x80  }
0x26f: {  	[sflag:s28] =	ssyncset.done $0x0  }
0x270: {  	[sflag:s28] =	ssyncadd.s32 $0xFFFFFF80  }
0x271: {  	_ =	swait.ge [sflag:s28], $0x80  }
0x272: {  	[sflag:s28] =	ssyncset.done $0x0  }
0x273: {  	[sflag:s28] =	ssyncadd.s32 $0xFFFFFF80  }
0x274: {  	_ =	swait.ge [sflag:s28], $0x80  }
0x275: {  	[sflag:s28] =	ssyncset.done $0x0  }
0x276: {  	[sflag:s28] =	ssyncadd.s32 $0xFFFFFF80  }
0x277: {  	_ =	swait.ge [sflag:s28], $0x80  }
0x278: {  	[sflag:s28] =	ssyncset.done $0x0  }
0x279: {  	[sflag:s28] =	ssyncadd.s32 $0xFFFFFF80  }
0x27a: {  	_ =	swait.ge [sflag:s28], $0x80  }
0x27b: {  	[sflag:s28] =	ssyncset.done $0x0  }
0x27c: {  	[sflag:s28] =	ssyncadd.s32 $0xFFFFFF80  }
0x27d: {  	_ =	swait.ge [sflag:s28], $0x80  }
0x27e: {  	[sflag:s28] =	ssyncset.done $0x0  }
0x27f: {  	[sflag:s28] =	ssyncadd.s32 $0xFFFFFF80  }
0x280: {  	_ =	swait.ge [sflag:s28], $0x80  }
0x281: {  	[sflag:s28] =	ssyncset.done $0x0  }
0x282: {  	[sflag:s28] =	ssyncadd.s32 $0xFFFFFF80  }
0x283: {  	_ =	swait.ge [sflag:s28], $0x80  }
0x284: {  	[sflag:s28] =	ssyncset.done $0x0  }
0x285: {  	[sflag:s28] =	ssyncadd.s32 $0xFFFFFF80  }
0x286: {  	_ =	swait.ge [sflag:s28], $0x80  }
0x287: {  	[sflag:s28] =	ssyncset.done $0x0  }
0x288: {  	[sflag:s28] =	ssyncadd.s32 $0xFFFFFF80  }
0x289: {  	_ =	swait.ge [sflag:s28], $0x80  }
0x28a: {  	[sflag:s28] =	ssyncset.done $0x0  }
0x28b: {  	[sflag:s28] =	ssyncadd.s32 $0xFFFFFF80  }
0x28c: {  	_ =	swait.ge [sflag:s28], $0x80  }
0x28d: {  	[sflag:s28] =	ssyncset.done $0x0  }
0x28e: {  	[sflag:s28] =	ssyncadd.s32 $0xFFFFFF80  }
0x28f: {  	_ =	swait.ge [sflag:s28], $0x80  }
0x290: {  	[sflag:s28] =	ssyncset.done $0x0  }
0x291: {  	s21 =	sadd.s32 $0x600, s20;
	[sflag:s28] =	ssyncadd.s32 $0xFFFFFF80  }
0x292: {  	[tilespmem:s17], [sflag:$0x3] =	stream.linear.gather [hbm4b:s21+s4], $0x800, $0x38;
	[tilespmem:$0x3980] =	vst v63  }
0x293: {  	_ =	swait.ge [sflag:s18], $0x800  }
0x294: {  	[sflag:s18] =	ssyncset.done $0x0  }
0x295: {  	[sflag:s18] =	ssyncadd.s32 $0xFFFFF800  }
0x296: {  	[spmem:s3] =	stream.indirect.scatter.add.f32 [tilespmem:s12], [sflag:$0x5], $0x1, s4, s19, $0xb8;
	[tilespmem:$0x3980] =	vst v63  }
0x297: {  	_ = 	snop  }
0x298: {  	[spmem:s3] =	stream.indirect.scatter.add.f32 [tilespmem:s12], [sflag:$0x5], $0x1, s19, s19, $0xb8;
	[tilespmem:$0x3980] =	vst v63  }
0x299: {  	s21 =	simm.s32 $0x100  }
0x29a: {  	[spmem:s3] =	stream.indirect.scatter.add.f32 [tilespmem:s12], [sflag:$0x5], $0x1, s21, s19, $0xb8;
	[tilespmem:$0x3980] =	vst v63  }
0x29b: {  	s21 =	simm.s32 $0x180  }
0x29c: {  	[spmem:s3] =	stream.indirect.scatter.add.f32 [tilespmem:s12], [sflag:$0x5], $0x1, s21, s19, $0xb8;
	[tilespmem:$0x3980] =	vst v63  }
0x29d: {  	s21 =	simm.s32 $0x200  }
0x29e: {  	[spmem:s3] =	stream.indirect.scatter.add.f32 [tilespmem:s12], [sflag:$0x5], $0x1, s21, s19, $0xb8;
	[tilespmem:$0x3980] =	vst v63  }
0x29f: {  	s21 =	simm.s32 $0x280  }
0x2a0: {  	[spmem:s3] =	stream.indirect.scatter.add.f32 [tilespmem:s12], [sflag:$0x5], $0x1, s21, s19, $0xb8;
	[tilespmem:$0x3980] =	vst v63  }
0x2a1: {  	s21 =	simm.s32 $0x300  }
0x2a2: {  	[spmem:s3] =	stream.indirect.scatter.add.f32 [tilespmem:s12], [sflag:$0x5], $0x1, s21, s19, $0xb8;
	[tilespmem:$0x3980] =	vst v63  }
0x2a3: {  	s21 =	simm.s32 $0x380  }
0x2a4: {  	[spmem:s3] =	stream.indirect.scatter.add.f32 [tilespmem:s12], [sflag:$0x5], $0x1, s21, s19, $0xb8;
	[tilespmem:$0x3980] =	vst v63  }
0x2a5: {  	s21 =	simm.s32 $0x400  }
0x2a6: {  	[spmem:s3] =	stream.indirect.scatter.add.f32 [tilespmem:s12], [sflag:$0x5], $0x1, s21, s19, $0xb8;
	[tilespmem:$0x3980] =	vst v63  }
0x2a7: {  	s21 =	simm.s32 $0x480  }
0x2a8: {  	[spmem:s3] =	stream.indirect.scatter.add.f32 [tilespmem:s12], [sflag:$0x5], $0x1, s21, s19, $0xb8;
	[tilespmem:$0x3980] =	vst v63  }
0x2a9: {  	s21 =	simm.s32 $0x500  }
0x2aa: {  	[spmem:s3] =	stream.indirect.scatter.add.f32 [tilespmem:s12], [sflag:$0x5], $0x1, s21, s19, $0xb8;
	[tilespmem:$0x3980] =	vst v63  }
0x2ab: {  	s21 =	simm.s32 $0x580  }
0x2ac: {  	[spmem:s3] =	stream.indirect.scatter.add.f32 [tilespmem:s12], [sflag:$0x5], $0x1, s21, s19, $0xb8;
	[tilespmem:$0x3980] =	vst v63  }
0x2ad: {  	s21 =	simm.s32 $0x600  }
0x2ae: {  	[spmem:s3] =	stream.indirect.scatter.add.f32 [tilespmem:s12], [sflag:$0x5], $0x1, s21, s19, $0xb8;
	[tilespmem:$0x3980] =	vst v63  }
0x2af: {  	s21 =	simm.s32 $0x680  }
0x2b0: {  	[spmem:s3] =	stream.indirect.scatter.add.f32 [tilespmem:s12], [sflag:$0x5], $0x1, s21, s19, $0xb8;
	[tilespmem:$0x3980] =	vst v63  }
0x2b1: {  	s21 =	simm.s32 $0x700  }
0x2b2: {  	[spmem:s3] =	stream.indirect.scatter.add.f32 [tilespmem:s12], [sflag:$0x5], $0x1, s21, s19, $0xb8;
	[tilespmem:$0x3980] =	vst v63  }
0x2b3: {  	_ = 	snop  }
0x2b4: {  	[spmem:s3] =	stream.indirect.scatter.add.f32 [tilespmem:s12], [sflag:$0x5], $0x1, s11, s19, $0xb8;
	[tilespmem:$0x3980] =	vst v63  }
0x2b5: {  	_ =	swait.ge [sflag:s22], $0x80  }
0x2b6: {  	[sflag:s22] =	ssyncset.done $0x0  }
0x2b7: {  	[sflag:s22] =	ssyncadd.s32 $0xFFFFFF80  }
0x2b8: {  	_ =	swait.ge [sflag:s22], $0x80  }
0x2b9: {  	[sflag:s22] =	ssyncset.done $0x0  }
0x2ba: {  	[sflag:s22] =	ssyncadd.s32 $0xFFFFFF80  }
0x2bb: {  	_ =	swait.ge [sflag:s22], $0x80  }
0x2bc: {  	[sflag:s22] =	ssyncset.done $0x0  }
0x2bd: {  	[sflag:s22] =	ssyncadd.s32 $0xFFFFFF80  }
0x2be: {  	_ =	swait.ge [sflag:s22], $0x80  }
0x2bf: {  	[sflag:s22] =	ssyncset.done $0x0  }
0x2c0: {  	[sflag:s22] =	ssyncadd.s32 $0xFFFFFF80  }
0x2c1: {  	_ =	swait.ge [sflag:s22], $0x80  }
0x2c2: {  	[sflag:s22] =	ssyncset.done $0x0  }
0x2c3: {  	[sflag:s22] =	ssyncadd.s32 $0xFFFFFF80  }
0x2c4: {  	_ =	swait.ge [sflag:s22], $0x80  }
0x2c5: {  	[sflag:s22] =	ssyncset.done $0x0  }
0x2c6: {  	[sflag:s22] =	ssyncadd.s32 $0xFFFFFF80  }
0x2c7: {  	_ =	swait.ge [sflag:s22], $0x80  }
0x2c8: {  	[sflag:s22] =	ssyncset.done $0x0  }
0x2c9: {  	[sflag:s22] =	ssyncadd.s32 $0xFFFFFF80  }
0x2ca: {  	_ =	swait.ge [sflag:s22], $0x80  }
0x2cb: {  	[sflag:s22] =	ssyncset.done $0x0  }
0x2cc: {  	[sflag:s22] =	ssyncadd.s32 $0xFFFFFF80  }
0x2cd: {  	_ =	swait.ge [sflag:s22], $0x80  }
0x2ce: {  	[sflag:s22] =	ssyncset.done $0x0  }
0x2cf: {  	[sflag:s22] =	ssyncadd.s32 $0xFFFFFF80  }
0x2d0: {  	_ =	swait.ge [sflag:s22], $0x80  }
0x2d1: {  	[sflag:s22] =	ssyncset.done $0x0  }
0x2d2: {  	[sflag:s22] =	ssyncadd.s32 $0xFFFFFF80  }
0x2d3: {  	_ =	swait.ge [sflag:s22], $0x80  }
0x2d4: {  	[sflag:s22] =	ssyncset.done $0x0  }
0x2d5: {  	[sflag:s22] =	ssyncadd.s32 $0xFFFFFF80  }
0x2d6: {  	_ =	swait.ge [sflag:s22], $0x80  }
0x2d7: {  	[sflag:s22] =	ssyncset.done $0x0  }
0x2d8: {  	[sflag:s22] =	ssyncadd.s32 $0xFFFFFF80  }
0x2d9: {  	_ =	swait.ge [sflag:s22], $0x80  }
0x2da: {  	[sflag:s22] =	ssyncset.done $0x0  }
0x2db: {  	[sflag:s22] =	ssyncadd.s32 $0xFFFFFF80  }
0x2dc: {  	_ =	swait.ge [sflag:s22], $0x80  }
0x2dd: {  	[sflag:s22] =	ssyncset.done $0x0  }
0x2de: {  	[sflag:s22] =	ssyncadd.s32 $0xFFFFFF80  }
0x2df: {  	_ =	swait.ge [sflag:s22], $0x80  }
0x2e0: {  	[sflag:s22] =	ssyncset.done $0x0  }
0x2e1: {  	[sflag:s22] =	ssyncadd.s32 $0xFFFFFF80  }
0x2e2: {  	_ =	swait.ge [sflag:s22], $0x80  }
0x2e3: {  	[sflag:s22] =	ssyncset.done $0x0  }
0x2e4: {  	s20 =	sadd.s32 $0x700, s20;
	[sflag:s22] =	ssyncadd.s32 $0xFFFFFF80  }
0x2e5: {  	[tilespmem:s6], [sflag:$0x4] =	stream.linear.gather [hbm4b:s20+s4], $0x800, $0x38;
	[tilespmem:$0x3980] =	vst v63  }
0x2e6: {  	_ =	swait.ge [sflag:s7], $0x800  }
0x2e7: {  	[sflag:s7] =	ssyncset.done $0x0  }
0x2e8: {  	[sflag:s7] =	ssyncadd.s32 $0xFFFFF800  }
0x2e9: {  	[spmem:s3] =	stream.indirect.scatter.add.f32 [tilespmem:s12], [sflag:$0x6], $0x1, s16, s19, $0xb8;
	[tilespmem:$0x3980] =	vst v63  }
0x2ea: {  	_ = 	snop  }
0x2eb: {  	[spmem:s3] =	stream.indirect.scatter.add.f32 [tilespmem:s12], [sflag:$0x6], $0x1, s5, s19, $0xb8;
	[tilespmem:$0x3980] =	vst v63  }
0x2ec: {  	_ = 	snop  }
0x2ed: {  	[spmem:s3] =	stream.indirect.scatter.add.f32 [tilespmem:s12], [sflag:$0x6], $0x1, s14, s19, $0xb8;
	[tilespmem:$0x3980] =	vst v63  }
0x2ee: {  	_ = 	snop  }
0x2ef: {  	[spmem:s3] =	stream.indirect.scatter.add.f32 [tilespmem:s12], [sflag:$0x6], $0x1, s15, s19, $0xb8;
	[tilespmem:$0x3980] =	vst v63  }
0x2f0: {  	_ = 	snop  }
0x2f1: {  	[spmem:s3] =	stream.indirect.scatter.add.f32 [tilespmem:s12], [sflag:$0x6], $0x1, s24, s19, $0xb8;
	[tilespmem:$0x3980] =	vst v63  }
0x2f2: {  	_ = 	snop  }
0x2f3: {  	[spmem:s3] =	stream.indirect.scatter.add.f32 [tilespmem:s12], [sflag:$0x6], $0x1, s25, s19, $0xb8;
	[tilespmem:$0x3980] =	vst v63  }
0x2f4: {  	_ = 	snop  }
0x2f5: {  	[spmem:s3] =	stream.indirect.scatter.add.f32 [tilespmem:s12], [sflag:$0x6], $0x1, s26, s19, $0xb8;
	[tilespmem:$0x3980] =	vst v63  }
0x2f6: {  	_ = 	snop  }
0x2f7: {  	[spmem:s3] =	stream.indirect.scatter.add.f32 [tilespmem:s12], [sflag:$0x6], $0x1, s30, s19, $0xb8;
	[tilespmem:$0x3980] =	vst v63  }
0x2f8: {  	_ = 	snop  }
0x2f9: {  	[spmem:s3] =	stream.indirect.scatter.add.f32 [tilespmem:s12], [sflag:$0x6], $0x1, s31, s19, $0xb8;
	[tilespmem:$0x3980] =	vst v63  }
0x2fa: {  	_ = 	snop  }
0x2fb: {  	[spmem:s3] =	stream.indirect.scatter.add.f32 [tilespmem:s12], [sflag:$0x6], $0x1, s2, s19, $0xb8;
	[tilespmem:$0x3980] =	vst v63  }
0x2fc: {  	_ = 	snop  }
0x2fd: {  	[spmem:s3] =	stream.indirect.scatter.add.f32 [tilespmem:s12], [sflag:$0x6], $0x1, s0, s19, $0xb8;
	[tilespmem:$0x3980] =	vst v63  }
0x2fe: {  	_ = 	snop  }
0x2ff: {  	[spmem:s3] =	stream.indirect.scatter.add.f32 [tilespmem:s12], [sflag:$0x6], $0x1, s1, s19, $0xb8;
	[tilespmem:$0x3980] =	vst v63  }
0x300: {  	p0 =	sne.s32 s13, $0x5C00  }
0x301: {  	[spmem:s3] =	stream.indirect.scatter.add.f32 [tilespmem:s12], [sflag:$0x6], $0x1, s8, s19, $0xb8;
	[tilespmem:$0x3980] =	vst v63  }
.Ltmp0:
0x302: {  	_ = 	snop;
	(pc) =	sbr.rel @p0 .LBB2_2-.Ltmp0, $4  }
0x303: {  	_ = 	snop  }
0x304: {  	[spmem:s3] =	stream.indirect.scatter.add.f32 [tilespmem:s12], [sflag:$0x6], $0x1, s9, s19, $0xb8;
	[tilespmem:$0x3980] =	vst v63  }
0x305: {  	s13 =	sadd.s32 $0x400, s13  }
0x306: {  	[spmem:s3] =	stream.indirect.scatter.add.f32 [tilespmem:s12], [sflag:$0x6], $0x1, s10, s19, $0xb8;
	[tilespmem:$0x3980] =	vst v63  }
0x307: {  	s0 =	simm.s32 $0xF80  }
0x308: {  	[spmem:s3] =	stream.indirect.scatter.add.f32 [tilespmem:s12], [sflag:$0x6], $0x1, s0, s19, $0xb8;
	[tilespmem:$0x3980] =	vst v63  }
0x309: {  	_ =	swait.ge [sflag:s28], $0x80  }
0x30a: {  	[sflag:s28] =	ssyncset.done $0x0  }
0x30b: {  	[sflag:s28] =	ssyncadd.s32 $0xFFFFFF80  }
0x30c: {  	_ =	swait.ge [sflag:s28], $0x80  }
0x30d: {  	[sflag:s28] =	ssyncset.done $0x0  }
0x30e: {  	[sflag:s28] =	ssyncadd.s32 $0xFFFFFF80  }
0x30f: {  	_ =	swait.ge [sflag:s28], $0x80  }
0x310: {  	[sflag:s28] =	ssyncset.done $0x0  }
0x311: {  	[sflag:s28] =	ssyncadd.s32 $0xFFFFFF80  }
0x312: {  	_ =	swait.ge [sflag:s28], $0x80  }
0x313: {  	[sflag:s28] =	ssyncset.done $0x0  }
0x314: {  	[sflag:s28] =	ssyncadd.s32 $0xFFFFFF80  }
0x315: {  	_ =	swait.ge [sflag:s28], $0x80  }
0x316: {  	[sflag:s28] =	ssyncset.done $0x0  }
0x317: {  	[sflag:s28] =	ssyncadd.s32 $0xFFFFFF80  }
0x318: {  	_ =	swait.ge [sflag:s28], $0x80  }
0x319: {  	[sflag:s28] =	ssyncset.done $0x0  }
0x31a: {  	[sflag:s28] =	ssyncadd.s32 $0xFFFFFF80  }
0x31b: {  	_ =	swait.ge [sflag:s28], $0x80  }
0x31c: {  	[sflag:s28] =	ssyncset.done $0x0  }
0x31d: {  	[sflag:s28] =	ssyncadd.s32 $0xFFFFFF80  }
0x31e: {  	_ =	swait.ge [sflag:s28], $0x80  }
0x31f: {  	[sflag:s28] =	ssyncset.done $0x0  }
0x320: {  	[sflag:s28] =	ssyncadd.s32 $0xFFFFFF80  }
0x321: {  	_ =	swait.ge [sflag:s28], $0x80  }
0x322: {  	[sflag:s28] =	ssyncset.done $0x0  }
0x323: {  	[sflag:s28] =	ssyncadd.s32 $0xFFFFFF80  }
0x324: {  	_ =	swait.ge [sflag:s28], $0x80  }
0x325: {  	[sflag:s28] =	ssyncset.done $0x0  }
0x326: {  	[sflag:s28] =	ssyncadd.s32 $0xFFFFFF80  }
0x327: {  	_ =	swait.ge [sflag:s28], $0x80  }
0x328: {  	[sflag:s28] =	ssyncset.done $0x0  }
0x329: {  	[sflag:s28] =	ssyncadd.s32 $0xFFFFFF80  }
0x32a: {  	_ =	swait.ge [sflag:s28], $0x80  }
0x32b: {  	[sflag:s28] =	ssyncset.done $0x0  }
0x32c: {  	[sflag:s28] =	ssyncadd.s32 $0xFFFFFF80  }
0x32d: {  	_ =	swait.ge [sflag:s28], $0x80  }
0x32e: {  	[sflag:s28] =	ssyncset.done $0x0  }
0x32f: {  	[sflag:s28] =	ssyncadd.s32 $0xFFFFFF80  }
0x330: {  	_ =	swait.ge [sflag:s28], $0x80  }
0x331: {  	[sflag:s28] =	ssyncset.done $0x0  }
0x332: {  	[sflag:s28] =	ssyncadd.s32 $0xFFFFFF80  }
0x333: {  	_ =	swait.ge [sflag:s28], $0x80  }
0x334: {  	[sflag:s28] =	ssyncset.done $0x0  }
0x335: {  	[sflag:s28] =	ssyncadd.s32 $0xFFFFFF80  }
0x336: {  	_ =	swait.ge [sflag:s28], $0x80  }
0x337: {  	[sflag:s28] =	ssyncset.done $0x0  }
0x338: {  	[sflag:s28] =	ssyncadd.s32 $0xFFFFFF80  }
0x339: {  	_ =	swait.ge [sflag:s29], $0x800  }
0x33a: {  	[sflag:s29] =	ssyncset.done $0x0  }
0x33b: {  	[sflag:s29] =	ssyncadd.s32 $0xFFFFF800  }
0x33c: {  	[spmem:s3] =	stream.indirect.scatter.add.f32 [tilespmem:s12], [sflag:$0x5], $0x1, s17, s19, $0xb8;
	[tilespmem:$0x3980] =	vst v63  }
0x33d: {  	s5 =	simm.s32 $0x1080  }
0x33e: {  	[spmem:s3] =	stream.indirect.scatter.add.f32 [tilespmem:s12], [sflag:$0x5], $0x1, s5, s19, $0xb8;
	[tilespmem:$0x3980] =	vst v63  }
0x33f: {  	s8 =	simm.s32 $0x1100  }
0x340: {  	[spmem:s3] =	stream.indirect.scatter.add.f32 [tilespmem:s12], [sflag:$0x5], $0x1, s8, s19, $0xb8;
	[tilespmem:$0x3980] =	vst v63  }
0x341: {  	s9 =	simm.s32 $0x1180  }
0x342: {  	[spmem:s3] =	stream.indirect.scatter.add.f32 [tilespmem:s12], [sflag:$0x5], $0x1, s9, s19, $0xb8;
	[tilespmem:$0x3980] =	vst v63  }
0x343: {  	s10 =	simm.s32 $0x1200  }
0x344: {  	[spmem:s3] =	stream.indirect.scatter.add.f32 [tilespmem:s12], [sflag:$0x5], $0x1, s10, s19, $0xb8;
	[tilespmem:$0x3980] =	vst v63  }
0x345: {  	s11 =	simm.s32 $0x1280  }
0x346: {  	[spmem:s3] =	stream.indirect.scatter.add.f32 [tilespmem:s12], [sflag:$0x5], $0x1, s11, s19, $0xb8;
	[tilespmem:$0x3980] =	vst v63  }
0x347: {  	s13 =	simm.s32 $0x1300  }
0x348: {  	[spmem:s3] =	stream.indirect.scatter.add.f32 [tilespmem:s12], [sflag:$0x5], $0x1, s13, s19, $0xb8;
	[tilespmem:$0x3980] =	vst v63  }
0x349: {  	s14 =	simm.s32 $0x1380  }
0x34a: {  	[spmem:s3] =	stream.indirect.scatter.add.f32 [tilespmem:s12], [sflag:$0x5], $0x1, s14, s19, $0xb8;
	[tilespmem:$0x3980] =	vst v63  }
0x34b: {  	s15 =	simm.s32 $0x1400  }
0x34c: {  	[spmem:s3] =	stream.indirect.scatter.add.f32 [tilespmem:s12], [sflag:$0x5], $0x1, s15, s19, $0xb8;
	[tilespmem:$0x3980] =	vst v63  }
0x34d: {  	s20 =	simm.s32 $0x1480  }
0x34e: {  	[spmem:s3] =	stream.indirect.scatter.add.f32 [tilespmem:s12], [sflag:$0x5], $0x1, s20, s19, $0xb8;
	[tilespmem:$0x3980] =	vst v63  }
0x34f: {  	s21 =	simm.s32 $0x1500  }
0x350: {  	[spmem:s3] =	stream.indirect.scatter.add.f32 [tilespmem:s12], [sflag:$0x5], $0x1, s21, s19, $0xb8;
	[tilespmem:$0x3980] =	vst v63  }
0x351: {  	s24 =	simm.s32 $0x1580  }
0x352: {  	[spmem:s3] =	stream.indirect.scatter.add.f32 [tilespmem:s12], [sflag:$0x5], $0x1, s24, s19, $0xb8;
	[tilespmem:$0x3980] =	vst v63  }
0x353: {  	s25 =	simm.s32 $0x1600  }
0x354: {  	[spmem:s3] =	stream.indirect.scatter.add.f32 [tilespmem:s12], [sflag:$0x5], $0x1, s25, s19, $0xb8;
	[tilespmem:$0x3980] =	vst v63  }
0x355: {  	s26 =	simm.s32 $0x1680  }
0x356: {  	[spmem:s3] =	stream.indirect.scatter.add.f32 [tilespmem:s12], [sflag:$0x5], $0x1, s26, s19, $0xb8;
	[tilespmem:$0x3980] =	vst v63  }
0x357: {  	s30 =	simm.s32 $0x1700  }
0x358: {  	[spmem:s3] =	stream.indirect.scatter.add.f32 [tilespmem:s12], [sflag:$0x5], $0x1, s30, s19, $0xb8;
	[tilespmem:$0x3980] =	vst v63  }
0x359: {  	s31 =	simm.s32 $0x1780  }
0x35a: {  	[spmem:s3] =	stream.indirect.scatter.add.f32 [tilespmem:s12], [sflag:$0x5], $0x1, s31, s19, $0xb8;
	[tilespmem:$0x3980] =	vst v63  }
0x35b: {  	_ =	swait.ge [sflag:s22], $0x80  }
0x35c: {  	[sflag:s22] =	ssyncset.done $0x0  }
0x35d: {  	[sflag:s22] =	ssyncadd.s32 $0xFFFFFF80  }
0x35e: {  	_ =	swait.ge [sflag:s22], $0x80  }
0x35f: {  	[sflag:s22] =	ssyncset.done $0x0  }
0x360: {  	[sflag:s22] =	ssyncadd.s32 $0xFFFFFF80  }
0x361: {  	_ =	swait.ge [sflag:s22], $0x80  }
0x362: {  	[sflag:s22] =	ssyncset.done $0x0  }
0x363: {  	[sflag:s22] =	ssyncadd.s32 $0xFFFFFF80  }
0x364: {  	_ =	swait.ge [sflag:s22], $0x80  }
0x365: {  	[sflag:s22] =	ssyncset.done $0x0  }
0x366: {  	[sflag:s22] =	ssyncadd.s32 $0xFFFFFF80  }
0x367: {  	_ =	swait.ge [sflag:s22], $0x80  }
0x368: {  	[sflag:s22] =	ssyncset.done $0x0  }
0x369: {  	[sflag:s22] =	ssyncadd.s32 $0xFFFFFF80  }
0x36a: {  	_ =	swait.ge [sflag:s22], $0x80  }
0x36b: {  	[sflag:s22] =	ssyncset.done $0x0  }
0x36c: {  	[sflag:s22] =	ssyncadd.s32 $0xFFFFFF80  }
0x36d: {  	_ =	swait.ge [sflag:s22], $0x80  }
0x36e: {  	[sflag:s22] =	ssyncset.done $0x0  }
0x36f: {  	[sflag:s22] =	ssyncadd.s32 $0xFFFFFF80  }
0x370: {  	_ =	swait.ge [sflag:s22], $0x80  }
0x371: {  	[sflag:s22] =	ssyncset.done $0x0  }
0x372: {  	[sflag:s22] =	ssyncadd.s32 $0xFFFFFF80  }
0x373: {  	_ =	swait.ge [sflag:s22], $0x80  }
0x374: {  	[sflag:s22] =	ssyncset.done $0x0  }
0x375: {  	[sflag:s22] =	ssyncadd.s32 $0xFFFFFF80  }
0x376: {  	_ =	swait.ge [sflag:s22], $0x80  }
0x377: {  	[sflag:s22] =	ssyncset.done $0x0  }
0x378: {  	[sflag:s22] =	ssyncadd.s32 $0xFFFFFF80  }
0x379: {  	_ =	swait.ge [sflag:s22], $0x80  }
0x37a: {  	[sflag:s22] =	ssyncset.done $0x0  }
0x37b: {  	[sflag:s22] =	ssyncadd.s32 $0xFFFFFF80  }
0x37c: {  	_ =	swait.ge [sflag:s22], $0x80  }
0x37d: {  	[sflag:s22] =	ssyncset.done $0x0  }
0x37e: {  	[sflag:s22] =	ssyncadd.s32 $0xFFFFFF80  }
0x37f: {  	_ =	swait.ge [sflag:s22], $0x80  }
0x380: {  	[sflag:s22] =	ssyncset.done $0x0  }
0x381: {  	[sflag:s22] =	ssyncadd.s32 $0xFFFFFF80  }
0x382: {  	_ =	swait.ge [sflag:s22], $0x80  }
0x383: {  	[sflag:s22] =	ssyncset.done $0x0  }
0x384: {  	[sflag:s22] =	ssyncadd.s32 $0xFFFFFF80  }
0x385: {  	_ =	swait.ge [sflag:s22], $0x80  }
0x386: {  	[sflag:s22] =	ssyncset.done $0x0  }
0x387: {  	[sflag:s22] =	ssyncadd.s32 $0xFFFFFF80  }
0x388: {  	_ =	swait.ge [sflag:s22], $0x80  }
0x389: {  	[sflag:s22] =	ssyncset.done $0x0  }
0x38a: {  	[sflag:s22] =	ssyncadd.s32 $0xFFFFFF80  }
0x38b: {  	_ =	swait.ge [sflag:s23], $0x800  }
0x38c: {  	[sflag:s23] =	ssyncset.done $0x0  }
0x38d: {  	[sflag:s23] =	ssyncadd.s32 $0xFFFFF800  }
0x38e: {  	[spmem:s3] =	stream.indirect.scatter.add.f32 [tilespmem:s12], [sflag:$0x6], $0x1, s6, s19, $0xb8;
	[tilespmem:$0x3980] =	vst v63  }
0x38f: {  	s1 =	simm.s32 $0x1880  }
0x390: {  	[spmem:s3] =	stream.indirect.scatter.add.f32 [tilespmem:s12], [sflag:$0x6], $0x1, s1, s19, $0xb8;
	[tilespmem:$0x3980] =	vst v63  }
0x391: {  	s2 =	simm.s32 $0x1900  }
0x392: {  	[spmem:s3] =	stream.indirect.scatter.add.f32 [tilespmem:s12], [sflag:$0x6], $0x1, s2, s19, $0xb8;
	[tilespmem:$0x3980] =	vst v63  }
0x393: {  	s5 =	simm.s32 $0x1980  }
0x394: {  	[spmem:s3] =	stream.indirect.scatter.add.f32 [tilespmem:s12], [sflag:$0x6], $0x1, s5, s19, $0xb8;
	[tilespmem:$0x3980] =	vst v63  }
0x395: {  	s8 =	simm.s32 $0x1A00  }
0x396: {  	[spmem:s3] =	stream.indirect.scatter.add.f32 [tilespmem:s12], [sflag:$0x6], $0x1, s8, s19, $0xb8;
	[tilespmem:$0x3980] =	vst v63  }
0x397: {  	s9 =	simm.s32 $0x1A80  }
0x398: {  	[spmem:s3] =	stream.indirect.scatter.add.f32 [tilespmem:s12], [sflag:$0x6], $0x1, s9, s19, $0xb8;
	[tilespmem:$0x3980] =	vst v63  }
0x399: {  	s10 =	simm.s32 $0x1B00  }
0x39a: {  	[spmem:s3] =	stream.indirect.scatter.add.f32 [tilespmem:s12], [sflag:$0x6], $0x1, s10, s19, $0xb8;
	[tilespmem:$0x3980] =	vst v63  }
0x39b: {  	s11 =	simm.s32 $0x1B80  }
0x39c: {  	[spmem:s3] =	stream.indirect.scatter.add.f32 [tilespmem:s12], [sflag:$0x6], $0x1, s11, s19, $0xb8;
	[tilespmem:$0x3980] =	vst v63  }
0x39d: {  	s13 =	simm.s32 $0x1C00  }
0x39e: {  	[spmem:s3] =	stream.indirect.scatter.add.f32 [tilespmem:s12], [sflag:$0x6], $0x1, s13, s19, $0xb8;
	[tilespmem:$0x3980] =	vst v63  }
0x39f: {  	s14 =	simm.s32 $0x1C80  }
0x3a0: {  	[spmem:s3] =	stream.indirect.scatter.add.f32 [tilespmem:s12], [sflag:$0x6], $0x1, s14, s19, $0xb8;
	[tilespmem:$0x3980] =	vst v63  }
0x3a1: {  	s15 =	simm.s32 $0x1D00  }
0x3a2: {  	[spmem:s3] =	stream.indirect.scatter.add.f32 [tilespmem:s12], [sflag:$0x6], $0x1, s15, s19, $0xb8;
	[tilespmem:$0x3980] =	vst v63  }
0x3a3: {  	s20 =	simm.s32 $0x1D80  }
0x3a4: {  	[spmem:s3] =	stream.indirect.scatter.add.f32 [tilespmem:s12], [sflag:$0x6], $0x1, s20, s19, $0xb8;
	[tilespmem:$0x3980] =	vst v63  }
0x3a5: {  	s21 =	simm.s32 $0x1E00  }
0x3a6: {  	[spmem:s3] =	stream.indirect.scatter.add.f32 [tilespmem:s12], [sflag:$0x6], $0x1, s21, s19, $0xb8;
	[tilespmem:$0x3980] =	vst v63  }
0x3a7: {  	s24 =	simm.s32 $0x1E80  }
0x3a8: {  	[spmem:s3] =	stream.indirect.scatter.add.f32 [tilespmem:s12], [sflag:$0x6], $0x1, s24, s19, $0xb8;
	[tilespmem:$0x3980] =	vst v63  }
0x3a9: {  	s25 =	simm.s32 $0x1F00  }
0x3aa: {  	[spmem:s3] =	stream.indirect.scatter.add.f32 [tilespmem:s12], [sflag:$0x6], $0x1, s25, s19, $0xb8;
	[tilespmem:$0x3980] =	vst v63  }
0x3ab: {  	s26 =	simm.s32 $0x1F80  }
0x3ac: {  	[spmem:s3] =	stream.indirect.scatter.add.f32 [tilespmem:s12], [sflag:$0x6], $0x1, s26, s19, $0xb8;
	[tilespmem:$0x3980] =	vst v63  }
0x3ad: {  	_ =	swait.ge [sflag:s28], $0x80  }
0x3ae: {  	[sflag:s28] =	ssyncset.done $0x0  }
0x3af: {  	[sflag:s28] =	ssyncadd.s32 $0xFFFFFF80  }
0x3b0: {  	_ =	swait.ge [sflag:s28], $0x80  }
0x3b1: {  	[sflag:s28] =	ssyncset.done $0x0  }
0x3b2: {  	[sflag:s28] =	ssyncadd.s32 $0xFFFFFF80  }
0x3b3: {  	_ =	swait.ge [sflag:s28], $0x80  }
0x3b4: {  	[sflag:s28] =	ssyncset.done $0x0  }
0x3b5: {  	[sflag:s28] =	ssyncadd.s32 $0xFFFFFF80  }
0x3b6: {  	_ =	swait.ge [sflag:s28], $0x80  }
0x3b7: {  	[sflag:s28] =	ssyncset.done $0x0  }
0x3b8: {  	[sflag:s28] =	ssyncadd.s32 $0xFFFFFF80  }
0x3b9: {  	_ =	swait.ge [sflag:s28], $0x80  }
0x3ba: {  	[sflag:s28] =	ssyncset.done $0x0  }
0x3bb: {  	[sflag:s28] =	ssyncadd.s32 $0xFFFFFF80  }
0x3bc: {  	_ =	swait.ge [sflag:s28], $0x80  }
0x3bd: {  	[sflag:s28] =	ssyncset.done $0x0  }
0x3be: {  	[sflag:s28] =	ssyncadd.s32 $0xFFFFFF80  }
0x3bf: {  	_ =	swait.ge [sflag:s28], $0x80  }
0x3c0: {  	[sflag:s28] =	ssyncset.done $0x0  }
0x3c1: {  	[sflag:s28] =	ssyncadd.s32 $0xFFFFFF80  }
0x3c2: {  	_ =	swait.ge [sflag:s28], $0x80  }
0x3c3: {  	[sflag:s28] =	ssyncset.done $0x0  }
0x3c4: {  	[sflag:s28] =	ssyncadd.s32 $0xFFFFFF80  }
0x3c5: {  	_ =	swait.ge [sflag:s28], $0x80  }
0x3c6: {  	[sflag:s28] =	ssyncset.done $0x0  }
0x3c7: {  	[sflag:s28] =	ssyncadd.s32 $0xFFFFFF80  }
0x3c8: {  	_ =	swait.ge [sflag:s28], $0x80  }
0x3c9: {  	[sflag:s28] =	ssyncset.done $0x0  }
0x3ca: {  	[sflag:s28] =	ssyncadd.s32 $0xFFFFFF80  }
0x3cb: {  	_ =	swait.ge [sflag:s28], $0x80  }
0x3cc: {  	[sflag:s28] =	ssyncset.done $0x0  }
0x3cd: {  	[sflag:s28] =	ssyncadd.s32 $0xFFFFFF80  }
0x3ce: {  	_ =	swait.ge [sflag:s28], $0x80  }
0x3cf: {  	[sflag:s28] =	ssyncset.done $0x0  }
0x3d0: {  	[sflag:s28] =	ssyncadd.s32 $0xFFFFFF80  }
0x3d1: {  	_ =	swait.ge [sflag:s28], $0x80  }
0x3d2: {  	[sflag:s28] =	ssyncset.done $0x0  }
0x3d3: {  	[sflag:s28] =	ssyncadd.s32 $0xFFFFFF80  }
0x3d4: {  	_ =	swait.ge [sflag:s28], $0x80  }
0x3d5: {  	[sflag:s28] =	ssyncset.done $0x0  }
0x3d6: {  	[sflag:s28] =	ssyncadd.s32 $0xFFFFFF80  }
0x3d7: {  	_ =	swait.ge [sflag:s28], $0x80  }
0x3d8: {  	[sflag:s28] =	ssyncset.done $0x0  }
0x3d9: {  	[sflag:s28] =	ssyncadd.s32 $0xFFFFFF80  }
0x3da: {  	_ =	swait.ge [sflag:s28], $0x80  }
0x3db: {  	[sflag:s28] =	ssyncset.done $0x0  }
0x3dc: {  	[sflag:s28] =	ssyncadd.s32 $0xFFFFFF80  }
0x3dd: {  	_ =	swait.ge [sflag:s22], $0x80  }
0x3de: {  	[sflag:s22] =	ssyncset.done $0x0  }
0x3df: {  	[sflag:s22] =	ssyncadd.s32 $0xFFFFFF80  }
0x3e0: {  	_ =	swait.ge [sflag:s22], $0x80  }
0x3e1: {  	[sflag:s22] =	ssyncset.done $0x0  }
0x3e2: {  	[sflag:s22] =	ssyncadd.s32 $0xFFFFFF80  }
0x3e3: {  	_ =	swait.ge [sflag:s22], $0x80  }
0x3e4: {  	[sflag:s22] =	ssyncset.done $0x0  }
0x3e5: {  	[sflag:s22] =	ssyncadd.s32 $0xFFFFFF80  }
0x3e6: {  	_ =	swait.ge [sflag:s22], $0x80  }
0x3e7: {  	[sflag:s22] =	ssyncset.done $0x0  }
0x3e8: {  	[sflag:s22] =	ssyncadd.s32 $0xFFFFFF80  }
0x3e9: {  	_ =	swait.ge [sflag:s22], $0x80  }
0x3ea: {  	[sflag:s22] =	ssyncset.done $0x0  }
0x3eb: {  	[sflag:s22] =	ssyncadd.s32 $0xFFFFFF80  }
0x3ec: {  	_ =	swait.ge [sflag:s22], $0x80  }
0x3ed: {  	[sflag:s22] =	ssyncset.done $0x0  }
0x3ee: {  	[sflag:s22] =	ssyncadd.s32 $0xFFFFFF80  }
0x3ef: {  	_ =	swait.ge [sflag:s22], $0x80  }
0x3f0: {  	[sflag:s22] =	ssyncset.done $0x0  }
0x3f1: {  	[sflag:s22] =	ssyncadd.s32 $0xFFFFFF80  }
0x3f2: {  	_ =	swait.ge [sflag:s22], $0x80  }
0x3f3: {  	[sflag:s22] =	ssyncset.done $0x0  }
0x3f4: {  	[sflag:s22] =	ssyncadd.s32 $0xFFFFFF80  }
0x3f5: {  	_ =	swait.ge [sflag:s22], $0x80  }
0x3f6: {  	[sflag:s22] =	ssyncset.done $0x0  }
0x3f7: {  	[sflag:s22] =	ssyncadd.s32 $0xFFFFFF80  }
0x3f8: {  	_ =	swait.ge [sflag:s22], $0x80  }
0x3f9: {  	[sflag:s22] =	ssyncset.done $0x0  }
0x3fa: {  	[sflag:s22] =	ssyncadd.s32 $0xFFFFFF80  }
0x3fb: {  	_ =	swait.ge [sflag:s22], $0x80  }
0x3fc: {  	[sflag:s22] =	ssyncset.done $0x0  }
0x3fd: {  	[sflag:s22] =	ssyncadd.s32 $0xFFFFFF80  }
0x3fe: {  	_ =	swait.ge [sflag:s22], $0x80  }
0x3ff: {  	[sflag:s22] =	ssyncset.done $0x0  }
0x400: {  	[sflag:s22] =	ssyncadd.s32 $0xFFFFFF80  }
0x401: {  	_ =	swait.ge [sflag:s22], $0x80  }
0x402: {  	[sflag:s22] =	ssyncset.done $0x0  }
0x403: {  	[sflag:s22] =	ssyncadd.s32 $0xFFFFFF80  }
0x404: {  	_ =	swait.ge [sflag:s22], $0x80  }
0x405: {  	[sflag:s22] =	ssyncset.done $0x0  }
0x406: {  	[sflag:s22] =	ssyncadd.s32 $0xFFFFFF80  }
0x407: {  	_ =	swait.ge [sflag:s22], $0x80  }
0x408: {  	[sflag:s22] =	ssyncset.done $0x0  }
0x409: {  	[sflag:s22] =	ssyncadd.s32 $0xFFFFFF80  }
0x40a: {  	_ =	swait.ge [sflag:s22], $0x80  }
0x40b: {  	[sflag:s22] =	ssyncset.done $0x0  }
0x40c: {  	[sflag:s22] =	ssyncadd.s32 $0xFFFFFF80  }
0x40d: {  	[bflag:$0x0] =	sbarrier.arrive $0xFFFF  }
0x40e: {  	s13 =	rddreg [dreg:$0xc]  }
0x40f: {  	s1 =	rddreg [dreg:$0xe]  }
0x410: {  	s20 =	simm.s32 $0x7;
	s21 =	rddreg [dreg:$0xf]  }
0x411: {  	[hbm:s13], [sflag:s1] =	dma.local [spmem:s21], $0x320  }
0x412: {  	_ =	swait.ge [sflag:s20], $0x320  }
0x413: {  	s30 =	rddreg [dreg:$0x10]  }
0x414: {  	s31 =	rddreg [dreg:$0xd];
	s0 =	sadd.s32 $0x1, s30  }
0x415: {  	p0 =	sne.s32 s0, s31  }
.Ltmp1:
0x416: {  	_ = 	snop;
	(pc) =	sbr.rel @p0 .LBB2_1-.Ltmp1, $3  }
0x417: {  	_ =	sdelay $0x1  }
0x418: {  	[sflag:s20] =	ssyncset.done $0x0  }
0x419: {  	[sflag:s20] =	ssyncadd.s32 $0xFFFFFCE0  }
0x41a: {  	_ =	sfence.sel $0x180000  }
0x41b: {  	[bflag:$0x0] =	sbarrier.arrive $0xFFFF  }
0x41c: {  	_ =	strace $0x90000047  }
0x41d: {  	s0 =	stileid.u32;
	[bflag:$0x2] =	sbarrier.arrive $0xFFFF  }
0x41e: {  	p0 =	sne.s32 s0, $0x0;
	s0 =	rddreg [dreg:$0x5]  }
0x41f: {  	s0 =	sadd.s32 @!p0 $0x100000, s0  }
0x420: {  	[sflag:s0] =	ssyncadd.tile.s32 @!p0 $0x1;
	_ =	shalt  }
.Lfunc_end2:
_tile_overlayer_lowered:
.L_overlay_start_2:
0x421: {  	(tag) =	ssettag $0x2  }
0x422: {  	s0 =	rddreg [dreg:$0x0];
	s2 =	stileid.u32  }
0x423: {  	s1 =	rddreg [dreg:$0x1];
	p0 =	sne.s32 s2, $0x0  }
0x424: {  	s3 =	rddreg [dreg:$0x2];
	[bflag:$0x3] =	sbarrier.arrive $0xFFFF;
	s2 =	simm.s32 @!p0 $0x1C07  }
0x425: {  	[timem:s3], [sflag:s2] =	dma.local @!p0 [hbm:s0], s1  }
0x426: {  	s0 =	simm.s32 @!p0 $0x7  }
0x427: {  	_ =	swait.ge @!p0 [sflag:s0], s1  }
0x428: {  	s1 =	ssub.s32 @!p0 $0x0, s1;
	[sflag:s0] =	ssyncset.done @!p0 $0x0  }
0x429: {  	[sflag:s0] =	ssyncadd.s32 @!p0 s1  }
0x42a: {  	[bflag:$0x3] =	sbarrier.arrive $0xFFFF  }
0x42b: {  	_ =	shalt  }

</sc_bundles>
